<compile_context>
chip_gen: v7x
topology: tpu7x:2x2x1
jax: 0.10.2.dev20260603
libtpu: 0.0.44.dev20260713+nightly
codegen_flags: <defaults>
</compile_context>

<pallas_src>
import functools

import jax
import jax.numpy as jnp
from jax import lax
from jax.experimental import pallas as pl
from jax.experimental.pallas import tpu as pltpu
from jax.experimental.pallas import tpu_sc as plsc

SIGMA = 2.0
EPS = 1e-5
NEG_SLOPE = 0.01
GROUPS = 32



def _make_sc_gather(n_rows, n_edges, c_feat, feat_dtype):
    info = plsc.get_sparse_core_info()
    nc, ns = info.num_cores, info.num_subcores
    nw = nc * ns
    assert n_edges % nw == 0
    per_w = n_edges // nw
    ch = 128
    n_full = per_w // ch
    rem = per_w - n_full * ch
    assert rem % 8 == 0 and n_full % 3 == 0 and n_full >= 6
    n_grp = n_full // 3
    mesh = plsc.VectorSubcoreMesh(core_axis_name="c", subcore_axis_name="s")

    nb = 3
    scratch = (
        [pltpu.VMEM((ch,), jnp.int32)] * nb
        + [pltpu.VMEM((ch, c_feat), feat_dtype)] * nb
        + [pltpu.VMEM((ch,), jnp.float32)] * (3 * nb)
        + [
            pltpu.VMEM((n_rows,), jnp.float32),
            pltpu.VMEM((n_rows,), jnp.float32),
            pltpu.VMEM((n_rows,), jnp.float32),
        ]
        + [pltpu.SemaphoreType.DMA] * (3 * nb)
    )

    @functools.partial(
        pl.kernel,
        mesh=mesh,
        compiler_params=pltpu.CompilerParams(needs_layout_passes=False),
        out_type=[
            jax.ShapeDtypeStruct((n_edges, c_feat), feat_dtype),
            jax.ShapeDtypeStruct((n_edges,), jnp.float32),
            jax.ShapeDtypeStruct((n_edges,), jnp.float32),
            jax.ShapeDtypeStruct((n_edges,), jnp.float32),
        ],
        scratch_types=scratch,
    )
    def gather(feats_hbm, xs_hbm, ys_hbm, zs_hbm, idx_hbm,
               gf_hbm, gx_hbm, gy_hbm, gz_hbm, *bufs):
        idx_v = bufs[0:nb]
        rows_v = bufs[nb:2 * nb]
        xb_v = bufs[2 * nb:3 * nb]
        yb_v = bufs[3 * nb:4 * nb]
        zb_v = bufs[4 * nb:5 * nb]
        xt_v, yt_v, zt_v = bufs[5 * nb:5 * nb + 3]
        sem_i = bufs[5 * nb + 3:5 * nb + 3 + nb]
        sem_g = bufs[5 * nb + 3 + nb:5 * nb + 3 + 2 * nb]
        sem_o = bufs[5 * nb + 3 + 2 * nb:5 * nb + 3 + 3 * nb]

        wid = lax.axis_index("s") * nc + lax.axis_index("c")
        base0 = wid * per_w
        pltpu.sync_copy(xs_hbm, xt_v)
        pltpu.sync_copy(ys_hbm, yt_v)
        pltpu.sync_copy(zs_hbm, zt_v)

        def idx_cp(c, b):
            return pltpu.make_async_copy(
                idx_hbm.at[pl.ds(base0 + c * ch, ch)], idx_v[b], sem_i[b])

        def gather_cp(b):
            return pltpu.make_async_copy(
                feats_hbm.at[idx_v[b]], rows_v[b], sem_g[b])

        def out_cps(c, b):
            sl = pl.ds(base0 + c * ch, ch)
            return (
                pltpu.make_async_copy(rows_v[b], gf_hbm.at[sl], sem_o[b]),
                pltpu.make_async_copy(xb_v[b], gx_hbm.at[sl], sem_o[b]),
                pltpu.make_async_copy(yb_v[b], gy_hbm.at[sl], sem_o[b]),
                pltpu.make_async_copy(zb_v[b], gz_hbm.at[sl], sem_o[b]),
            )

        def xyz_comp(b):
            def xyz_body(j, carry):
                row16 = idx_v[b][pl.ds(j * 16, 16)]
                xb_v[b][pl.ds(j * 16, 16)] = plsc.load_gather(xt_v, [row16])
                yb_v[b][pl.ds(j * 16, 16)] = plsc.load_gather(yt_v, [row16])
                zb_v[b][pl.ds(j * 16, 16)] = plsc.load_gather(zt_v, [row16])
                return carry
            lax.fori_loop(0, ch // 16, xyz_body, 0)

        idx_cp(0, 0).start()
        idx_cp(0, 0).wait()
        gather_cp(0).start()
        xyz_comp(0)
        idx_cp(1, 1).start()
        idx_cp(1, 1).wait()
        gather_cp(1).start()
        xyz_comp(1)
        idx_cp(2, 2).start()
        gather_cp(0).wait()
        for cp in out_cps(0, 0):
            cp.start()
        idx_cp(2, 2).wait()
        gather_cp(2).start()
        xyz_comp(2)
        idx_cp(3, 0).start()
        gather_cp(1).wait()
        for cp in out_cps(1, 1):
            cp.start()

        def steady(j, carry):
            for b in range(3):
                c = 3 * j + b
                for cp in out_cps(c - 3, b):
                    cp.wait()
                idx_cp(c, b).wait()
                gather_cp(b).start()
                xyz_comp(b)
                bn1 = (b + 1) % 3
                if b < 2:
                    idx_cp(c + 1, bn1).start()
                else:
                    @pl.when(j < n_grp - 1)
                    def _():
                        idx_cp(c + 1, bn1).start()
                bp = (b + 2) % 3
                gather_cp(bp).wait()
                for cp in out_cps(c - 1, bp):
                    cp.start()
            return carry

        lax.fori_loop(1, n_grp, steady, 0)

        last = n_full - 1
        gather_cp(2).wait()
        for cp in out_cps(last, 2):
            cp.start()
        for b, c in ((0, last - 2), (1, last - 1), (2, last)):
            for cp in out_cps(c, b):
                cp.wait()

        if rem:
            base = base0 + n_full * ch
            sl = pl.ds(base, rem)
            pltpu.sync_copy(idx_hbm.at[sl], idx_v[0].at[pl.ds(0, rem)])
            pltpu.async_copy(
                feats_hbm.at[idx_v[0].at[pl.ds(0, rem)]],
                rows_v[0].at[pl.ds(0, rem)], sem_g[0]).wait()

            def rem_body(j, carry):
                row16 = idx_v[0][pl.ds(j * 16, 16)]
                xb_v[0][pl.ds(j * 16, 16)] = plsc.load_gather(xt_v, [row16])
                yb_v[0][pl.ds(j * 16, 16)] = plsc.load_gather(yt_v, [row16])
                zb_v[0][pl.ds(j * 16, 16)] = plsc.load_gather(zt_v, [row16])
                return carry
            lax.fori_loop(0, (rem + 15) // 16, rem_body, 0)
            pltpu.sync_copy(rows_v[0].at[pl.ds(0, rem)], gf_hbm.at[sl])
            pltpu.sync_copy(xb_v[0].at[pl.ds(0, rem)], gx_hbm.at[sl])
            pltpu.sync_copy(yb_v[0].at[pl.ds(0, rem)], gy_hbm.at[sl])
            pltpu.sync_copy(zb_v[0].at[pl.ds(0, rem)], gz_hbm.at[sl])

    return gather



def _tc_main_body(gf_ref, gx_ref, gy_ref, gz_ref, qx_ref, qy_ref, qz_ref,
                  kp_ref, w_ref, out_ref, sums_ref, gall_ref,
                  *, bq, k, c_in, c_out, p):
    i = pl.program_id(0)
    ng = (bq * k) // 256

    kxb = jnp.broadcast_to(kp_ref[:, 0:1], (16, 256))
    kyb = jnp.broadcast_to(kp_ref[:, 1:2], (16, 256))
    kzb = jnp.broadcast_to(kp_ref[:, 2:3], (16, 256))
    sub = lax.broadcasted_iota(jnp.int32, (128, 256), 0)
    lan = lax.broadcasted_iota(jnp.int32, (128, 256), 1)
    mask = ((sub % 8) == (lan // 32)).astype(jnp.float32)

    for g in range(ng):
        ex = gx_ref[0, g:g + 1, :] - qx_ref[0, g:g + 1, :]
        ey = gy_ref[0, g:g + 1, :] - qy_ref[0, g:g + 1, :]
        ez = gz_ref[0, g:g + 1, :] - qz_ref[0, g:g + 1, :]
        tx = jnp.broadcast_to(ex, (16, 256)) - kxb
        ty = jnp.broadcast_to(ey, (16, 256)) - kyb
        tz = jnp.broadcast_to(ez, (16, 256)) - kzb
        sq = tx * tx + ty * ty + tz * tz
        dist = sq * lax.rsqrt(sq + 1e-12)
        infl = jnp.maximum(1.0 - dist * (1.0 / SIGMA), 0.0)
        rep = jnp.broadcast_to(
            infl.reshape(16, 1, 256), (16, 8, 256)).reshape(128, 256)
        bdt = rep * mask
        g2 = jnp.dot(bdt, gf_ref[g * 256:(g + 1) * 256, :],
                     preferred_element_type=jnp.float32)
        for pp in range(p):
            gall_ref[pp * bq + g * 8:pp * bq + g * 8 + 8, :] = (
                g2[pp * 8:(pp + 1) * 8, :])

    acc = jnp.zeros((bq, c_out), jnp.float32)
    for pp in range(p):
        acc = acc + jnp.dot(gall_ref[pp * bq:(pp + 1) * bq, :], w_ref[pp],
                            preferred_element_type=jnp.float32)
    out_ref[...] = acc

    @pl.when(i == 0)
    def _():
        sums_ref[...] = jnp.zeros_like(sums_ref)

    sums_ref[0:1, :] += jnp.sum(acc, axis=0, keepdims=True)
    sums_ref[1:2, :] += jnp.sum(acc * acc, axis=0, keepdims=True)



def _tc_norm_body(x_ref, *refs, n, c_out):
    sums_refs = refs[:-3]
    gamma_ref, beta_ref, y_ref = refs[-3:]
    cpg = c_out // GROUPS
    r = lax.broadcasted_iota(jnp.int32, (c_out, c_out), 0) // cpg
    c = lax.broadcasted_iota(jnp.int32, (c_out, c_out), 1) // cpg
    gmat = (r == c).astype(jnp.float32)
    csum = sum(s[0:1, :] for s in sums_refs)
    csq = sum(s[1:2, :] for s in sums_refs)
    denom = 1.0 / (n * cpg)
    mean = jnp.dot(csum, gmat, preferred_element_type=jnp.float32) * denom
    e2 = jnp.dot(csq, gmat, preferred_element_type=jnp.float32) * denom
    var = e2 - mean * mean
    a = gamma_ref[...] * lax.rsqrt(var + EPS)
    b = beta_ref[...] - mean * a
    y = x_ref[...] * a + b
    y_ref[...] = jnp.where(y >= 0, y, NEG_SLOPE * y)



def kernel(q_points, s_points, s_feats, neighbor_indices, kernel_points,
           weights, gamma, beta):
    n, c_in = s_feats.shape
    nq, k = neighbor_indices.shape
    p, _, c_out = weights.shape
    n_edges = nq * k

    idx_flat = neighbor_indices.reshape(n_edges)
    kp_t = jnp.full((16, 8), 1e4, jnp.float32).at[0:p, 0:3].set(kernel_points)
    bq = 200
    n_slices = 1
    nq_s = nq // n_slices
    ne_s = n_edges // n_slices
    n_blocks = nq_s // bq
    ng = (bq * k) // 256
    e3 = (n_blocks, ng, 256)

    gather = _make_sc_gather(n, ne_s, c_in, jnp.float32)
    sx, sy, sz = s_points[:, 0], s_points[:, 1], s_points[:, 2]

    outs, sums_l = [], []
    for s in range(n_slices):
        idx_s = idx_flat[s * ne_s:(s + 1) * ne_s]
        if s >= 2:
            idx_s, _ = lax.optimization_barrier((idx_s, outs[s - 2]))
        gf, gxf, gyf, gzf = gather(s_feats, sx, sy, sz, idx_s)
        gx = gxf.reshape(e3)
        gy = gyf.reshape(e3)
        gz = gzf.reshape(e3)
        qsl = q_points[s * nq_s:(s + 1) * nq_s]
        qx = jnp.repeat(qsl[:, 0], k).reshape(e3)
        qy = jnp.repeat(qsl[:, 1], k).reshape(e3)
        qz = jnp.repeat(qsl[:, 2], k).reshape(e3)

        out_s, sums_s = pl.pallas_call(
            functools.partial(_tc_main_body, bq=bq, k=k, c_in=c_in,
                              c_out=c_out, p=p),
            grid=(n_blocks,),
            in_specs=[
                pl.BlockSpec((bq * k, c_in), lambda i: (i, 0)),
                pl.BlockSpec((1, ng, 256), lambda i: (i, 0, 0)),
                pl.BlockSpec((1, ng, 256), lambda i: (i, 0, 0)),
                pl.BlockSpec((1, ng, 256), lambda i: (i, 0, 0)),
                pl.BlockSpec((1, ng, 256), lambda i: (i, 0, 0)),
                pl.BlockSpec((1, ng, 256), lambda i: (i, 0, 0)),
                pl.BlockSpec((1, ng, 256), lambda i: (i, 0, 0)),
                pl.BlockSpec((16, 8), lambda i: (0, 0)),
                pl.BlockSpec((p, c_in, c_out), lambda i: (0, 0, 0)),
            ],
            out_specs=[
                pl.BlockSpec((bq, c_out), lambda i: (i, 0)),
                pl.BlockSpec((8, c_out), lambda i: (0, 0)),
            ],
            out_shape=[
                jax.ShapeDtypeStruct((nq_s, c_out), jnp.float32),
                jax.ShapeDtypeStruct((8, c_out), jnp.float32),
            ],
            scratch_shapes=[pltpu.VMEM((p * bq, c_in), jnp.float32)],
        )(gf, gx, gy, gz, qx, qy, qz, kp_t, weights)
        outs.append(out_s)
        sums_l.append(sums_s)

    out = outs[0] if n_slices == 1 else jnp.concatenate(outs, axis=0)

    bn = 2000
    y = pl.pallas_call(
        functools.partial(_tc_norm_body, n=nq, c_out=c_out),
        grid=(nq // bn,),
        in_specs=[
            pl.BlockSpec((bn, c_out), lambda i: (i, 0)),
        ] + [
            pl.BlockSpec((8, c_out), lambda i: (0, 0))
            for _ in range(n_slices)
        ] + [
            pl.BlockSpec((1, c_out), lambda i: (0, 0)),
            pl.BlockSpec((1, c_out), lambda i: (0, 0)),
        ],
        out_specs=pl.BlockSpec((bn, c_out), lambda i: (i, 0)),
        out_shape=jax.ShapeDtypeStruct((nq, c_out), jnp.float32),
    )(out, *sums_l, gamma.reshape(1, c_out), beta.reshape(1, c_out))

    return y

# --- scband reference (transcript-rebuilt; emitter-appended) ---
"""Pipeline reference for scband-kpconv-block-6837587935395 (READ-ONLY COPY).

The authoritative reference and input builder live on the scoring server;
editing this copy changes nothing except your own understanding.
"""

import jax, jax.numpy as jnp
import numpy as np

N = 10000      # num query/support points
K = 32         # neighbors per query
C_IN = 128
C_OUT = 128
P = 15         # kernel points
RADIUS = 2.5
SIGMA = 2.0
GROUPS = 32    # GroupNorm groups over C_OUT
EPS = 1e-5
NEG_SLOPE = 0.01


def setup_inputs(seed: int = 0) -> dict:
    key = jax.random.key(seed)
    ks = jax.random.split(key, 8)
    q_points = jax.random.uniform(ks[0], (N, 3), dtype=jnp.float32) * 10.0
    s_points = jax.random.uniform(ks[1], (N, 3), dtype=jnp.float32) * 10.0
    s_feats = jax.random.normal(ks[2], (N, C_IN), dtype=jnp.float32)
    neighbor_indices = jax.random.randint(ks[3], (N, K), 0, N, dtype=jnp.int32)
    # learned params
    kernel_points = (jax.random.uniform(ks[4], (P, 3), dtype=jnp.float32) * 2.0 - 1.0) * RADIUS
    weights = jax.random.normal(ks[5], (P, C_IN, C_OUT), dtype=jnp.float32) * (1.0 / np.sqrt(P * C_IN))
    gamma = jnp.ones((C_OUT,), dtype=jnp.float32)
    beta = jnp.zeros((C_OUT,), dtype=jnp.float32)
    return {
        'q_points': q_points,
        's_points': s_points,
        's_feats': s_feats,
        'neighbor_indices': neighbor_indices,
        'kernel_points': kernel_points,
        'weights': weights,
        'gamma': gamma,
        'beta': beta,
    }


def reference(q_points, s_points, s_feats, neighbor_indices, kernel_points, weights, gamma, beta):
    # --- KPConv ---
    neighbors = jnp.take(s_points, neighbor_indices, axis=0)            # [N, K, 3]
    rel = neighbors - q_points[:, None, :]                              # [N, K, 3]
    diff = rel[:, :, None, :] - kernel_points[None, None, :, :]         # [N, K, P, 3]
    sq_d = jnp.sum(diff * diff, axis=-1)                                # [N, K, P]
    influence = jnp.maximum(1.0 - jnp.sqrt(sq_d) / SIGMA, 0.0)          # linear correlation
    nbr_feats = jnp.take(s_feats, neighbor_indices, axis=0)             # [N, K, C_IN]
    weighted = jnp.einsum('nkp,nkc->npc', influence, nbr_feats)         # [N, P, C_IN]
    out = jnp.einsum('npc,pcd->nd', weighted, weights)                  # [N, C_OUT]
    # --- GroupNorm in pack mode: stats over (all points, channels-in-group) ---
    x = out.reshape(N, GROUPS, C_OUT // GROUPS)
    mean = jnp.mean(x, axis=(0, 2), keepdims=True)
    var = jnp.var(x, axis=(0, 2), keepdims=True)
    x = (x - mean) / jnp.sqrt(var + EPS)
    x = x.reshape(N, C_OUT) * gamma[None, :] + beta[None, :]
    # --- LeakyReLU ---
    x = jnp.where(x >= 0, x, NEG_SLOPE * x)
    return x

if __name__ == "__main__":
    import jax
    _d = setup_inputs()
    print(jax.jit(kernel)(*tuple(_d.values())))

</pallas_src>

<mosaic_0001>
#map = affine_map<(d0, d1) -> (0, 0)>
#map1 = affine_map<(d0, d1) -> (0)>
module attributes {stable_mosaic.version = 14 : i64} {
  func.func @gather(%arg0: i32, %arg1: i32, %arg2: memref<10000x128xf32, #tpu.memory_space<hbm>>, %arg3: memref<10000xf32, #tpu.memory_space<hbm>>, %arg4: memref<10000xf32, #tpu.memory_space<hbm>>, %arg5: memref<10000xf32, #tpu.memory_space<hbm>>, %arg6: memref<320000xi32, #tpu.memory_space<hbm>>, %arg7: memref<320000x128xf32, #tpu.memory_space<hbm>>, %arg8: memref<320000xf32, #tpu.memory_space<hbm>>, %arg9: memref<320000xf32, #tpu.memory_space<hbm>>, %arg10: memref<320000xf32, #tpu.memory_space<hbm>>, %arg11: memref<128xi32, #tpu.memory_space<vmem>>, %arg12: memref<128xi32, #tpu.memory_space<vmem>>, %arg13: memref<128xi32, #tpu.memory_space<vmem>>, %arg14: memref<128x128xf32, #tpu.memory_space<vmem>>, %arg15: memref<128x128xf32, #tpu.memory_space<vmem>>, %arg16: memref<128x128xf32, #tpu.memory_space<vmem>>, %arg17: memref<128xf32, #tpu.memory_space<vmem>>, %arg18: memref<128xf32, #tpu.memory_space<vmem>>, %arg19: memref<128xf32, #tpu.memory_space<vmem>>, %arg20: memref<128xf32, #tpu.memory_space<vmem>>, %arg21: memref<128xf32, #tpu.memory_space<vmem>>, %arg22: memref<128xf32, #tpu.memory_space<vmem>>, %arg23: memref<128xf32, #tpu.memory_space<vmem>>, %arg24: memref<128xf32, #tpu.memory_space<vmem>>, %arg25: memref<128xf32, #tpu.memory_space<vmem>>, %arg26: memref<10000xf32, #tpu.memory_space<vmem>>, %arg27: memref<10000xf32, #tpu.memory_space<vmem>>, %arg28: memref<10000xf32, #tpu.memory_space<vmem>>, %arg29: memref<!tpu.dma_semaphore, #tpu.memory_space<semaphore_mem>>, %arg30: memref<!tpu.dma_semaphore, #tpu.memory_space<semaphore_mem>>, %arg31: memref<!tpu.dma_semaphore, #tpu.memory_space<semaphore_mem>>, %arg32: memref<!tpu.dma_semaphore, #tpu.memory_space<semaphore_mem>>, %arg33: memref<!tpu.dma_semaphore, #tpu.memory_space<semaphore_mem>>, %arg34: memref<!tpu.dma_semaphore, #tpu.memory_space<semaphore_mem>>, %arg35: memref<!tpu.dma_semaphore, #tpu.memory_space<semaphore_mem>>, %arg36: memref<!tpu.dma_semaphore, #tpu.memory_space<semaphore_mem>>, %arg37: memref<!tpu.dma_semaphore, #tpu.memory_space<semaphore_mem>>) attributes {dimension_semantics = [#tpu.dimension_semantics<core_parallel>, #tpu.dimension_semantics<subcore_parallel>], iteration_bounds = array<i64: 2, 16>, scalar_prefetch = 0 : i64, scratch_operands = 27 : i64, tpu.core_type = #tpu.core_type<sc_vector_subcore>, window_params = [{transform_indices = #map}, {transform_indices = #map1}, {transform_indices = #map1}, {transform_indices = #map1}, {transform_indices = #map1}, {transform_indices = #map}, {transform_indices = #map1}, {transform_indices = #map1}, {transform_indices = #map1}]} {
    %mul3A = arith.constant 2 : i32
    %mul3A_0 = arith.muli %arg1, %mul3A : i32
    %add3A = arith.addi %mul3A_0, %arg0 : i32
    %mul3A_1 = arith.constant 10000 : i32
    %mul3A_2 = arith.muli %add3A, %mul3A_1 : i32
    "tpu.region"() ({
      %run_scoped3A = tpu.sem_alloc : memref<!tpu.dma_semaphore, #tpu.memory_space<semaphore_mem>>
      tpu.enqueue_dma source(%arg3 : memref<10000xf32, #tpu.memory_space<hbm>>) target(%arg26 : memref<10000xf32, #tpu.memory_space<vmem>>) target_semaphore(%run_scoped3A : memref<!tpu.dma_semaphore, #tpu.memory_space<semaphore_mem>>)
      tpu.wait_dma2 semaphore(%run_scoped3A : memref<!tpu.dma_semaphore, #tpu.memory_space<semaphore_mem>>) src(%arg3 : memref<10000xf32, #tpu.memory_space<hbm>>) dst(%arg26 : memref<10000xf32, #tpu.memory_space<vmem>>)
      tpu.yield
    }) : () -> ()
    "tpu.region"() ({
      %run_scoped3A = tpu.sem_alloc : memref<!tpu.dma_semaphore, #tpu.memory_space<semaphore_mem>>
      tpu.enqueue_dma source(%arg4 : memref<10000xf32, #tpu.memory_space<hbm>>) target(%arg27 : memref<10000xf32, #tpu.memory_space<vmem>>) target_semaphore(%run_scoped3A : memref<!tpu.dma_semaphore, #tpu.memory_space<semaphore_mem>>)
      tpu.wait_dma2 semaphore(%run_scoped3A : memref<!tpu.dma_semaphore, #tpu.memory_space<semaphore_mem>>) src(%arg4 : memref<10000xf32, #tpu.memory_space<hbm>>) dst(%arg27 : memref<10000xf32, #tpu.memory_space<vmem>>)
      tpu.yield
    }) : () -> ()
    "tpu.region"() ({
      %run_scoped3A = tpu.sem_alloc : memref<!tpu.dma_semaphore, #tpu.memory_space<semaphore_mem>>
      tpu.enqueue_dma source(%arg5 : memref<10000xf32, #tpu.memory_space<hbm>>) target(%arg28 : memref<10000xf32, #tpu.memory_space<vmem>>) target_semaphore(%run_scoped3A : memref<!tpu.dma_semaphore, #tpu.memory_space<semaphore_mem>>)
      tpu.wait_dma2 semaphore(%run_scoped3A : memref<!tpu.dma_semaphore, #tpu.memory_space<semaphore_mem>>) src(%arg5 : memref<10000xf32, #tpu.memory_space<hbm>>) dst(%arg28 : memref<10000xf32, #tpu.memory_space<vmem>>)
      tpu.yield
    }) : () -> ()
    %add3A_3 = arith.constant 0 : i32
    %add3A_4 = arith.addi %mul3A_2, %add3A_3 : i32
    %dma_start3A = tpu.memref_slice %arg6[%add3A_4] : memref<320000xi32, #tpu.memory_space<hbm>> -> memref<128xi32, #tpu.memory_space<hbm>>
    %dma_start3A_5 = tpu.memref_slice %arg6[%add3A_4] : memref<320000xi32, #tpu.memory_space<hbm>> -> memref<128xi32, #tpu.memory_space<hbm>>
    tpu.enqueue_dma source(%dma_start3A_5 : memref<128xi32, #tpu.memory_space<hbm>>) target(%arg11 : memref<128xi32, #tpu.memory_space<vmem>>) target_semaphore(%arg29 : memref<!tpu.dma_semaphore, #tpu.memory_space<semaphore_mem>>)
    %add3A_6 = arith.constant 0 : i32
    %add3A_7 = arith.addi %mul3A_2, %add3A_6 : i32
    %dma_wait3A = tpu.memref_slice %arg6[%add3A_7] : memref<320000xi32, #tpu.memory_space<hbm>> -> memref<128xi32, #tpu.memory_space<hbm>>
    %dma_wait3A_8 = tpu.memref_slice %arg6[%add3A_7] : memref<320000xi32, #tpu.memory_space<hbm>> -> memref<128xi32, #tpu.memory_space<hbm>>
    tpu.wait_dma2 semaphore(%arg29 : memref<!tpu.dma_semaphore, #tpu.memory_space<semaphore_mem>>) src(%dma_wait3A_8 : memref<128xi32, #tpu.memory_space<hbm>>) dst(%arg11 : memref<128xi32, #tpu.memory_space<vmem>>)
    %dma_start3A_9 = arith.constant 0 : i32
    %dma_start3A_10 = arith.constant 0 : i32
    %dma_start3A_11 = tpu.memref_slice %arg2[%dma_start3A_9, %dma_start3A_10] : memref<10000x128xf32, #tpu.memory_space<hbm>> -> memref<10000x128xf32, #tpu.memory_space<hbm>>
    tpu.enqueue_indirect_dma source(%dma_start3A_11 : memref<10000x128xf32, #tpu.memory_space<hbm>>) target(%arg14 : memref<128x128xf32, #tpu.memory_space<vmem>>) offsets(%arg11 : memref<128xi32, #tpu.memory_space<vmem>>) semaphore(%arg32 : memref<!tpu.dma_semaphore, #tpu.memory_space<semaphore_mem>>)
    %scan3A = arith.constant 0 : i32
    %scan3A_12 = arith.constant 0 : i32
    %scan3A_13 = arith.constant 8 : i32
    %scan3A_14 = arith.addi %scan3A_12, %scan3A_13 : i32
    %scan3A_15 = arith.constant 1 : i32
    scf.for %scan3A_179 = %scan3A_12 to %scan3A_14 step %scan3A_15  : i32 {
      %mul3A_180 = arith.constant 16 : i32
      %mul3A_181 = arith.muli %scan3A_179, %mul3A_180 : i32
      %get3A_182 = arith.index_cast %mul3A_181 : i32 to index
      %get3A_183 = tpu.vector_load %arg11[%get3A_182] {strides = array<i32>} : memref<128xi32, #tpu.memory_space<vmem>>, vector<16xi32>,
      %gather3A_184 = tpu.vector_load_idx %arg26[%get3A_183] : memref<10000xf32, #tpu.memory_space<vmem>>[vector<16xi32>], vector<16xf32>,
      %mul3A_185 = arith.constant 16 : i32
      %mul3A_186 = arith.muli %scan3A_179, %mul3A_185 : i32
      %swap3A_187 = arith.index_cast %mul3A_186 : i32 to index
      %swap3A_188 = tpu.vector_load %arg17[%swap3A_187] {strides = array<i32>} : memref<128xf32, #tpu.memory_space<vmem>>, vector<16xf32>,
      tpu.vector_store %arg17[%swap3A_187], %gather3A_184 {strides = array<i32>} : memref<128xf32, #tpu.memory_space<vmem>>, vector<16xf32>,
      %gather3A_189 = tpu.vector_load_idx %arg27[%get3A_183] : memref<10000xf32, #tpu.memory_space<vmem>>[vector<16xi32>], vector<16xf32>,
      %mul3A_190 = arith.constant 16 : i32
      %mul3A_191 = arith.muli %scan3A_179, %mul3A_190 : i32
      %swap3A_192 = arith.index_cast %mul3A_191 : i32 to index
      %swap3A_193 = tpu.vector_load %arg20[%swap3A_192] {strides = array<i32>} : memref<128xf32, #tpu.memory_space<vmem>>, vector<16xf32>,
      tpu.vector_store %arg20[%swap3A_192], %gather3A_189 {strides = array<i32>} : memref<128xf32, #tpu.memory_space<vmem>>, vector<16xf32>,
      %gather3A_194 = tpu.vector_load_idx %arg28[%get3A_183] : memref<10000xf32, #tpu.memory_space<vmem>>[vector<16xi32>], vector<16xf32>,
      %mul3A_195 = arith.constant 16 : i32
      %mul3A_196 = arith.muli %scan3A_179, %mul3A_195 : i32
      %swap3A_197 = arith.index_cast %mul3A_196 : i32 to index
      %swap3A_198 = tpu.vector_load %arg23[%swap3A_197] {strides = array<i32>} : memref<128xf32, #tpu.memory_space<vmem>>, vector<16xf32>,
      tpu.vector_store %arg23[%swap3A_197], %gather3A_194 {strides = array<i32>} : memref<128xf32, #tpu.memory_space<vmem>>, vector<16xf32>,
    }
    %scan3A_16 = arith.constant 8 : i32
    %add3A_17 = arith.constant 128 : i32
    %add3A_18 = arith.addi %mul3A_2, %add3A_17 : i32
    %dma_start3A_19 = tpu.memref_slice %arg6[%add3A_18] : memref<320000xi32, #tpu.memory_space<hbm>> -> memref<128xi32, #tpu.memory_space<hbm>>
    %dma_start3A_20 = tpu.memref_slice %arg6[%add3A_18] : memref<320000xi32, #tpu.memory_space<hbm>> -> memref<128xi32, #tpu.memory_space<hbm>>
    tpu.enqueue_dma source(%dma_start3A_20 : memref<128xi32, #tpu.memory_space<hbm>>) target(%arg12 : memref<128xi32, #tpu.memory_space<vmem>>) target_semaphore(%arg30 : memref<!tpu.dma_semaphore, #tpu.memory_space<semaphore_mem>>)
    %add3A_21 = arith.constant 128 : i32
    %add3A_22 = arith.addi %mul3A_2, %add3A_21 : i32
    %dma_wait3A_23 = tpu.memref_slice %arg6[%add3A_22] : memref<320000xi32, #tpu.memory_space<hbm>> -> memref<128xi32, #tpu.memory_space<hbm>>
    %dma_wait3A_24 = tpu.memref_slice %arg6[%add3A_22] : memref<320000xi32, #tpu.memory_space<hbm>> -> memref<128xi32, #tpu.memory_space<hbm>>
    tpu.wait_dma2 semaphore(%arg30 : memref<!tpu.dma_semaphore, #tpu.memory_space<semaphore_mem>>) src(%dma_wait3A_24 : memref<128xi32, #tpu.memory_space<hbm>>) dst(%arg12 : memref<128xi32, #tpu.memory_space<vmem>>)
    %dma_start3A_25 = arith.constant 0 : i32
    %dma_start3A_26 = arith.constant 0 : i32
    %dma_start3A_27 = tpu.memref_slice %arg2[%dma_start3A_25, %dma_start3A_26] : memref<10000x128xf32, #tpu.memory_space<hbm>> -> memref<10000x128xf32, #tpu.memory_space<hbm>>
    tpu.enqueue_indirect_dma source(%dma_start3A_27 : memref<10000x128xf32, #tpu.memory_space<hbm>>) target(%arg15 : memref<128x128xf32, #tpu.memory_space<vmem>>) offsets(%arg12 : memref<128xi32, #tpu.memory_space<vmem>>) semaphore(%arg33 : memref<!tpu.dma_semaphore, #tpu.memory_space<semaphore_mem>>)
    %scan3A_28 = arith.constant 0 : i32
    %scan3A_29 = arith.constant 0 : i32
    %scan3A_30 = arith.constant 8 : i32
    %scan3A_31 = arith.addi %scan3A_29, %scan3A_30 : i32
    %scan3A_32 = arith.constant 1 : i32
    scf.for %scan3A_179 = %scan3A_29 to %scan3A_31 step %scan3A_32  : i32 {
      %mul3A_180 = arith.constant 16 : i32
      %mul3A_181 = arith.muli %scan3A_179, %mul3A_180 : i32
      %get3A_182 = arith.index_cast %mul3A_181 : i32 to index
      %get3A_183 = tpu.vector_load %arg12[%get3A_182] {strides = array<i32>} : memref<128xi32, #tpu.memory_space<vmem>>, vector<16xi32>,
      %gather3A_184 = tpu.vector_load_idx %arg26[%get3A_183] : memref<10000xf32, #tpu.memory_space<vmem>>[vector<16xi32>], vector<16xf32>,
      %mul3A_185 = arith.constant 16 : i32
      %mul3A_186 = arith.muli %scan3A_179, %mul3A_185 : i32
      %swap3A_187 = arith.index_cast %mul3A_186 : i32 to index
      %swap3A_188 = tpu.vector_load %arg18[%swap3A_187] {strides = array<i32>} : memref<128xf32, #tpu.memory_space<vmem>>, vector<16xf32>,
      tpu.vector_store %arg18[%swap3A_187], %gather3A_184 {strides = array<i32>} : memref<128xf32, #tpu.memory_space<vmem>>, vector<16xf32>,
      %gather3A_189 = tpu.vector_load_idx %arg27[%get3A_183] : memref<10000xf32, #tpu.memory_space<vmem>>[vector<16xi32>], vector<16xf32>,
      %mul3A_190 = arith.constant 16 : i32
      %mul3A_191 = arith.muli %scan3A_179, %mul3A_190 : i32
      %swap3A_192 = arith.index_cast %mul3A_191 : i32 to index
      %swap3A_193 = tpu.vector_load %arg21[%swap3A_192] {strides = array<i32>} : memref<128xf32, #tpu.memory_space<vmem>>, vector<16xf32>,
      tpu.vector_store %arg21[%swap3A_192], %gather3A_189 {strides = array<i32>} : memref<128xf32, #tpu.memory_space<vmem>>, vector<16xf32>,
      %gather3A_194 = tpu.vector_load_idx %arg28[%get3A_183] : memref<10000xf32, #tpu.memory_space<vmem>>[vector<16xi32>], vector<16xf32>,
      %mul3A_195 = arith.constant 16 : i32
      %mul3A_196 = arith.muli %scan3A_179, %mul3A_195 : i32
      %swap3A_197 = arith.index_cast %mul3A_196 : i32 to index
      %swap3A_198 = tpu.vector_load %arg24[%swap3A_197] {strides = array<i32>} : memref<128xf32, #tpu.memory_space<vmem>>, vector<16xf32>,
      tpu.vector_store %arg24[%swap3A_197], %gather3A_194 {strides = array<i32>} : memref<128xf32, #tpu.memory_space<vmem>>, vector<16xf32>,
    }
    %scan3A_33 = arith.constant 8 : i32
    %add3A_34 = arith.constant 256 : i32
    %add3A_35 = arith.addi %mul3A_2, %add3A_34 : i32
    %dma_start3A_36 = tpu.memref_slice %arg6[%add3A_35] : memref<320000xi32, #tpu.memory_space<hbm>> -> memref<128xi32, #tpu.memory_space<hbm>>
    %dma_start3A_37 = tpu.memref_slice %arg6[%add3A_35] : memref<320000xi32, #tpu.memory_space<hbm>> -> memref<128xi32, #tpu.memory_space<hbm>>
    tpu.enqueue_dma source(%dma_start3A_37 : memref<128xi32, #tpu.memory_space<hbm>>) target(%arg13 : memref<128xi32, #tpu.memory_space<vmem>>) target_semaphore(%arg31 : memref<!tpu.dma_semaphore, #tpu.memory_space<semaphore_mem>>)
    %dma_wait3A_38 = arith.constant 0 : i32
    %dma_wait3A_39 = arith.constant 0 : i32
    %dma_wait3A_40 = tpu.memref_slice %arg2[%dma_wait3A_38, %dma_wait3A_39] : memref<10000x128xf32, #tpu.memory_space<hbm>> -> memref<10000x128xf32, #tpu.memory_space<hbm>>
    tpu.wait_indirect_dma semaphore(%arg32 : memref<!tpu.dma_semaphore, #tpu.memory_space<semaphore_mem>>) src(%dma_wait3A_40 : memref<10000x128xf32, #tpu.memory_space<hbm>>) dst(%arg14 : memref<128x128xf32, #tpu.memory_space<vmem>>)
    %add3A_41 = arith.constant 0 : i32
    %add3A_42 = arith.addi %mul3A_2, %add3A_41 : i32
    %dma_start3A_43 = arith.constant 0 : i32
    %dma_start3A_44 = tpu.memref_slice %arg7[%add3A_42, %dma_start3A_43] : memref<320000x128xf32, #tpu.memory_space<hbm>> -> memref<128x128xf32, #tpu.memory_space<hbm>>
    %dma_start3A_45 = arith.constant 0 : i32
    %dma_start3A_46 = tpu.memref_slice %arg7[%add3A_42, %dma_start3A_45] : memref<320000x128xf32, #tpu.memory_space<hbm>> -> memref<128x128xf32, #tpu.memory_space<hbm>>
    tpu.enqueue_dma source(%arg14 : memref<128x128xf32, #tpu.memory_space<vmem>>) target(%dma_start3A_46 : memref<128x128xf32, #tpu.memory_space<hbm>>) target_semaphore(%arg35 : memref<!tpu.dma_semaphore, #tpu.memory_space<semaphore_mem>>)
    %dma_start3A_47 = tpu.memref_slice %arg8[%add3A_42] : memref<320000xf32, #tpu.memory_space<hbm>> -> memref<128xf32, #tpu.memory_space<hbm>>
    %dma_start3A_48 = tpu.memref_slice %arg8[%add3A_42] : memref<320000xf32, #tpu.memory_space<hbm>> -> memref<128xf32, #tpu.memory_space<hbm>>
    tpu.enqueue_dma source(%arg17 : memref<128xf32, #tpu.memory_space<vmem>>) target(%dma_start3A_48 : memref<128xf32, #tpu.memory_space<hbm>>) target_semaphore(%arg35 : memref<!tpu.dma_semaphore, #tpu.memory_space<semaphore_mem>>)
    %dma_start3A_49 = tpu.memref_slice %arg9[%add3A_42] : memref<320000xf32, #tpu.memory_space<hbm>> -> memref<128xf32, #tpu.memory_space<hbm>>
    %dma_start3A_50 = tpu.memref_slice %arg9[%add3A_42] : memref<320000xf32, #tpu.memory_space<hbm>> -> memref<128xf32, #tpu.memory_space<hbm>>
    tpu.enqueue_dma source(%arg20 : memref<128xf32, #tpu.memory_space<vmem>>) target(%dma_start3A_50 : memref<128xf32, #tpu.memory_space<hbm>>) target_semaphore(%arg35 : memref<!tpu.dma_semaphore, #tpu.memory_space<semaphore_mem>>)
    %dma_start3A_51 = tpu.memref_slice %arg10[%add3A_42] : memref<320000xf32, #tpu.memory_space<hbm>> -> memref<128xf32, #tpu.memory_space<hbm>>
    %dma_start3A_52 = tpu.memref_slice %arg10[%add3A_42] : memref<320000xf32, #tpu.memory_space<hbm>> -> memref<128xf32, #tpu.memory_space<hbm>>
    tpu.enqueue_dma source(%arg23 : memref<128xf32, #tpu.memory_space<vmem>>) target(%dma_start3A_52 : memref<128xf32, #tpu.memory_space<hbm>>) target_semaphore(%arg35 : memref<!tpu.dma_semaphore, #tpu.memory_space<semaphore_mem>>)
    %add3A_53 = arith.constant 256 : i32
    %add3A_54 = arith.addi %mul3A_2, %add3A_53 : i32
    %dma_wait3A_55 = tpu.memref_slice %arg6[%add3A_54] : memref<320000xi32, #tpu.memory_space<hbm>> -> memref<128xi32, #tpu.memory_space<hbm>>
    %dma_wait3A_56 = tpu.memref_slice %arg6[%add3A_54] : memref<320000xi32, #tpu.memory_space<hbm>> -> memref<128xi32, #tpu.memory_space<hbm>>
    tpu.wait_dma2 semaphore(%arg31 : memref<!tpu.dma_semaphore, #tpu.memory_space<semaphore_mem>>) src(%dma_wait3A_56 : memref<128xi32, #tpu.memory_space<hbm>>) dst(%arg13 : memref<128xi32, #tpu.memory_space<vmem>>)
    %dma_start3A_57 = arith.constant 0 : i32
    %dma_start3A_58 = arith.constant 0 : i32
    %dma_start3A_59 = tpu.memref_slice %arg2[%dma_start3A_57, %dma_start3A_58] : memref<10000x128xf32, #tpu.memory_space<hbm>> -> memref<10000x128xf32, #tpu.memory_space<hbm>>
    tpu.enqueue_indirect_dma source(%dma_start3A_59 : memref<10000x128xf32, #tpu.memory_space<hbm>>) target(%arg16 : memref<128x128xf32, #tpu.memory_space<vmem>>) offsets(%arg13 : memref<128xi32, #tpu.memory_space<vmem>>) semaphore(%arg34 : memref<!tpu.dma_semaphore, #tpu.memory_space<semaphore_mem>>)
    %scan3A_60 = arith.constant 0 : i32
    %scan3A_61 = arith.constant 0 : i32
    %scan3A_62 = arith.constant 8 : i32
    %scan3A_63 = arith.addi %scan3A_61, %scan3A_62 : i32
    %scan3A_64 = arith.constant 1 : i32
    scf.for %scan3A_179 = %scan3A_61 to %scan3A_63 step %scan3A_64  : i32 {
      %mul3A_180 = arith.constant 16 : i32
      %mul3A_181 = arith.muli %scan3A_179, %mul3A_180 : i32
      %get3A_182 = arith.index_cast %mul3A_181 : i32 to index
      %get3A_183 = tpu.vector_load %arg13[%get3A_182] {strides = array<i32>} : memref<128xi32, #tpu.memory_space<vmem>>, vector<16xi32>,
      %gather3A_184 = tpu.vector_load_idx %arg26[%get3A_183] : memref<10000xf32, #tpu.memory_space<vmem>>[vector<16xi32>], vector<16xf32>,
      %mul3A_185 = arith.constant 16 : i32
      %mul3A_186 = arith.muli %scan3A_179, %mul3A_185 : i32
      %swap3A_187 = arith.index_cast %mul3A_186 : i32 to index
      %swap3A_188 = tpu.vector_load %arg19[%swap3A_187] {strides = array<i32>} : memref<128xf32, #tpu.memory_space<vmem>>, vector<16xf32>,
      tpu.vector_store %arg19[%swap3A_187], %gather3A_184 {strides = array<i32>} : memref<128xf32, #tpu.memory_space<vmem>>, vector<16xf32>,
      %gather3A_189 = tpu.vector_load_idx %arg27[%get3A_183] : memref<10000xf32, #tpu.memory_space<vmem>>[vector<16xi32>], vector<16xf32>,
      %mul3A_190 = arith.constant 16 : i32
      %mul3A_191 = arith.muli %scan3A_179, %mul3A_190 : i32
      %swap3A_192 = arith.index_cast %mul3A_191 : i32 to index
      %swap3A_193 = tpu.vector_load %arg22[%swap3A_192] {strides = array<i32>} : memref<128xf32, #tpu.memory_space<vmem>>, vector<16xf32>,
      tpu.vector_store %arg22[%swap3A_192], %gather3A_189 {strides = array<i32>} : memref<128xf32, #tpu.memory_space<vmem>>, vector<16xf32>,
      %gather3A_194 = tpu.vector_load_idx %arg28[%get3A_183] : memref<10000xf32, #tpu.memory_space<vmem>>[vector<16xi32>], vector<16xf32>,
      %mul3A_195 = arith.constant 16 : i32
      %mul3A_196 = arith.muli %scan3A_179, %mul3A_195 : i32
      %swap3A_197 = arith.index_cast %mul3A_196 : i32 to index
      %swap3A_198 = tpu.vector_load %arg25[%swap3A_197] {strides = array<i32>} : memref<128xf32, #tpu.memory_space<vmem>>, vector<16xf32>,
      tpu.vector_store %arg25[%swap3A_197], %gather3A_194 {strides = array<i32>} : memref<128xf32, #tpu.memory_space<vmem>>, vector<16xf32>,
    }
    %scan3A_65 = arith.constant 8 : i32
    %add3A_66 = arith.constant 384 : i32
    %add3A_67 = arith.addi %mul3A_2, %add3A_66 : i32
    %dma_start3A_68 = tpu.memref_slice %arg6[%add3A_67] : memref<320000xi32, #tpu.memory_space<hbm>> -> memref<128xi32, #tpu.memory_space<hbm>>
    %dma_start3A_69 = tpu.memref_slice %arg6[%add3A_67] : memref<320000xi32, #tpu.memory_space<hbm>> -> memref<128xi32, #tpu.memory_space<hbm>>
    tpu.enqueue_dma source(%dma_start3A_69 : memref<128xi32, #tpu.memory_space<hbm>>) target(%arg11 : memref<128xi32, #tpu.memory_space<vmem>>) target_semaphore(%arg29 : memref<!tpu.dma_semaphore, #tpu.memory_space<semaphore_mem>>)
    %dma_wait3A_70 = arith.constant 0 : i32
    %dma_wait3A_71 = arith.constant 0 : i32
    %dma_wait3A_72 = tpu.memref_slice %arg2[%dma_wait3A_70, %dma_wait3A_71] : memref<10000x128xf32, #tpu.memory_space<hbm>> -> memref<10000x128xf32, #tpu.memory_space<hbm>>
    tpu.wait_indirect_dma semaphore(%arg33 : memref<!tpu.dma_semaphore, #tpu.memory_space<semaphore_mem>>) src(%dma_wait3A_72 : memref<10000x128xf32, #tpu.memory_space<hbm>>) dst(%arg15 : memref<128x128xf32, #tpu.memory_space<vmem>>)
    %add3A_73 = arith.constant 128 : i32
    %add3A_74 = arith.addi %mul3A_2, %add3A_73 : i32
    %dma_start3A_75 = arith.constant 0 : i32
    %dma_start3A_76 = tpu.memref_slice %arg7[%add3A_74, %dma_start3A_75] : memref<320000x128xf32, #tpu.memory_space<hbm>> -> memref<128x128xf32, #tpu.memory_space<hbm>>
    %dma_start3A_77 = arith.constant 0 : i32
    %dma_start3A_78 = tpu.memref_slice %arg7[%add3A_74, %dma_start3A_77] : memref<320000x128xf32, #tpu.memory_space<hbm>> -> memref<128x128xf32, #tpu.memory_space<hbm>>
    tpu.enqueue_dma source(%arg15 : memref<128x128xf32, #tpu.memory_space<vmem>>) target(%dma_start3A_78 : memref<128x128xf32, #tpu.memory_space<hbm>>) target_semaphore(%arg36 : memref<!tpu.dma_semaphore, #tpu.memory_space<semaphore_mem>>)
    %dma_start3A_79 = tpu.memref_slice %arg8[%add3A_74] : memref<320000xf32, #tpu.memory_space<hbm>> -> memref<128xf32, #tpu.memory_space<hbm>>
    %dma_start3A_80 = tpu.memref_slice %arg8[%add3A_74] : memref<320000xf32, #tpu.memory_space<hbm>> -> memref<128xf32, #tpu.memory_space<hbm>>
    tpu.enqueue_dma source(%arg18 : memref<128xf32, #tpu.memory_space<vmem>>) target(%dma_start3A_80 : memref<128xf32, #tpu.memory_space<hbm>>) target_semaphore(%arg36 : memref<!tpu.dma_semaphore, #tpu.memory_space<semaphore_mem>>)
    %dma_start3A_81 = tpu.memref_slice %arg9[%add3A_74] : memref<320000xf32, #tpu.memory_space<hbm>> -> memref<128xf32, #tpu.memory_space<hbm>>
    %dma_start3A_82 = tpu.memref_slice %arg9[%add3A_74] : memref<320000xf32, #tpu.memory_space<hbm>> -> memref<128xf32, #tpu.memory_space<hbm>>
    tpu.enqueue_dma source(%arg21 : memref<128xf32, #tpu.memory_space<vmem>>) target(%dma_start3A_82 : memref<128xf32, #tpu.memory_space<hbm>>) target_semaphore(%arg36 : memref<!tpu.dma_semaphore, #tpu.memory_space<semaphore_mem>>)
    %dma_start3A_83 = tpu.memref_slice %arg10[%add3A_74] : memref<320000xf32, #tpu.memory_space<hbm>> -> memref<128xf32, #tpu.memory_space<hbm>>
    %dma_start3A_84 = tpu.memref_slice %arg10[%add3A_74] : memref<320000xf32, #tpu.memory_space<hbm>> -> memref<128xf32, #tpu.memory_space<hbm>>
    tpu.enqueue_dma source(%arg24 : memref<128xf32, #tpu.memory_space<vmem>>) target(%dma_start3A_84 : memref<128xf32, #tpu.memory_space<hbm>>) target_semaphore(%arg36 : memref<!tpu.dma_semaphore, #tpu.memory_space<semaphore_mem>>)
    %scan3A_85 = arith.constant 0 : i32
    %scan3A_86 = arith.constant 1 : i32
    %scan3A_87 = arith.constant 25 : i32
    %scan3A_88 = arith.addi %scan3A_86, %scan3A_87 : i32
    %scan3A_89 = arith.constant 1 : i32
    scf.for %scan3A_179 = %scan3A_86 to %scan3A_88 step %scan3A_89  : i32 {
      %mul3A_180 = arith.constant 3 : i32
      %mul3A_181 = arith.muli %mul3A_180, %scan3A_179 : i32
      %add3A_182 = arith.constant 0 : i32
      %add3A_183 = arith.addi %mul3A_181, %add3A_182 : i32
      %sub3A = arith.constant 3 : i32
      %sub3A_184 = arith.subi %add3A_183, %sub3A : i32
      %mul3A_185 = arith.constant 128 : i32
      %mul3A_186 = arith.muli %sub3A_184, %mul3A_185 : i32
      %add3A_187 = arith.addi %mul3A_2, %mul3A_186 : i32
      %dma_wait3A_188 = arith.constant 0 : i32
      %dma_wait3A_189 = tpu.memref_slice %arg7[%add3A_187, %dma_wait3A_188] : memref<320000x128xf32, #tpu.memory_space<hbm>> -> memref<128x128xf32, #tpu.memory_space<hbm>>
      %dma_wait3A_190 = arith.constant 0 : i32
      %dma_wait3A_191 = tpu.memref_slice %arg7[%add3A_187, %dma_wait3A_190] : memref<320000x128xf32, #tpu.memory_space<hbm>> -> memref<128x128xf32, #tpu.memory_space<hbm>>
      tpu.wait_dma2 semaphore(%arg35 : memref<!tpu.dma_semaphore, #tpu.memory_space<semaphore_mem>>) src(%arg14 : memref<128x128xf32, #tpu.memory_space<vmem>>) dst(%dma_wait3A_191 : memref<128x128xf32, #tpu.memory_space<hbm>>)
      %dma_wait3A_192 = tpu.memref_slice %arg8[%add3A_187] : memref<320000xf32, #tpu.memory_space<hbm>> -> memref<128xf32, #tpu.memory_space<hbm>>
      %dma_wait3A_193 = tpu.memref_slice %arg8[%add3A_187] : memref<320000xf32, #tpu.memory_space<hbm>> -> memref<128xf32, #tpu.memory_space<hbm>>
      tpu.wait_dma2 semaphore(%arg35 : memref<!tpu.dma_semaphore, #tpu.memory_space<semaphore_mem>>) src(%arg17 : memref<128xf32, #tpu.memory_space<vmem>>) dst(%dma_wait3A_193 : memref<128xf32, #tpu.memory_space<hbm>>)
      %dma_wait3A_194 = tpu.memref_slice %arg9[%add3A_187] : memref<320000xf32, #tpu.memory_space<hbm>> -> memref<128xf32, #tpu.memory_space<hbm>>
      %dma_wait3A_195 = tpu.memref_slice %arg9[%add3A_187] : memref<320000xf32, #tpu.memory_space<hbm>> -> memref<128xf32, #tpu.memory_space<hbm>>
      tpu.wait_dma2 semaphore(%arg35 : memref<!tpu.dma_semaphore, #tpu.memory_space<semaphore_mem>>) src(%arg20 : memref<128xf32, #tpu.memory_space<vmem>>) dst(%dma_wait3A_195 : memref<128xf32, #tpu.memory_space<hbm>>)
      %dma_wait3A_196 = tpu.memref_slice %arg10[%add3A_187] : memref<320000xf32, #tpu.memory_space<hbm>> -> memref<128xf32, #tpu.memory_space<hbm>>
      %dma_wait3A_197 = tpu.memref_slice %arg10[%add3A_187] : memref<320000xf32, #tpu.memory_space<hbm>> -> memref<128xf32, #tpu.memory_space<hbm>>
      tpu.wait_dma2 semaphore(%arg35 : memref<!tpu.dma_semaphore, #tpu.memory_space<semaphore_mem>>) src(%arg23 : memref<128xf32, #tpu.memory_space<vmem>>) dst(%dma_wait3A_197 : memref<128xf32, #tpu.memory_space<hbm>>)
      %mul3A_198 = arith.constant 128 : i32
      %mul3A_199 = arith.muli %add3A_183, %mul3A_198 : i32
      %add3A_200 = arith.addi %mul3A_2, %mul3A_199 : i32
      %dma_wait3A_201 = tpu.memref_slice %arg6[%add3A_200] : memref<320000xi32, #tpu.memory_space<hbm>> -> memref<128xi32, #tpu.memory_space<hbm>>
      %dma_wait3A_202 = tpu.memref_slice %arg6[%add3A_200] : memref<320000xi32, #tpu.memory_space<hbm>> -> memref<128xi32, #tpu.memory_space<hbm>>
      tpu.wait_dma2 semaphore(%arg29 : memref<!tpu.dma_semaphore, #tpu.memory_space<semaphore_mem>>) src(%dma_wait3A_202 : memref<128xi32, #tpu.memory_space<hbm>>) dst(%arg11 : memref<128xi32, #tpu.memory_space<vmem>>)
      %dma_start3A_203 = arith.constant 0 : i32
      %dma_start3A_204 = arith.constant 0 : i32
      %dma_start3A_205 = tpu.memref_slice %arg2[%dma_start3A_203, %dma_start3A_204] : memref<10000x128xf32, #tpu.memory_space<hbm>> -> memref<10000x128xf32, #tpu.memory_space<hbm>>
      tpu.enqueue_indirect_dma source(%dma_start3A_205 : memref<10000x128xf32, #tpu.memory_space<hbm>>) target(%arg14 : memref<128x128xf32, #tpu.memory_space<vmem>>) offsets(%arg11 : memref<128xi32, #tpu.memory_space<vmem>>) semaphore(%arg32 : memref<!tpu.dma_semaphore, #tpu.memory_space<semaphore_mem>>)
      %scan3A_206 = arith.constant 0 : i32
      %scan3A_207 = arith.constant 0 : i32
      %scan3A_208 = arith.constant 8 : i32
      %scan3A_209 = arith.addi %scan3A_207, %scan3A_208 : i32
      %scan3A_210 = arith.constant 1 : i32
      scf.for %scan3A_348 = %scan3A_207 to %scan3A_209 step %scan3A_210  : i32 {
        %mul3A_349 = arith.constant 16 : i32
        %mul3A_350 = arith.muli %scan3A_348, %mul3A_349 : i32
        %get3A_351 = arith.index_cast %mul3A_350 : i32 to index
        %get3A_352 = tpu.vector_load %arg11[%get3A_351] {strides = array<i32>} : memref<128xi32, #tpu.memory_space<vmem>>, vector<16xi32>,
        %gather3A_353 = tpu.vector_load_idx %arg26[%get3A_352] : memref<10000xf32, #tpu.memory_space<vmem>>[vector<16xi32>], vector<16xf32>,
        %mul3A_354 = arith.constant 16 : i32
        %mul3A_355 = arith.muli %scan3A_348, %mul3A_354 : i32
        %swap3A_356 = arith.index_cast %mul3A_355 : i32 to index
        %swap3A_357 = tpu.vector_load %arg17[%swap3A_356] {strides = array<i32>} : memref<128xf32, #tpu.memory_space<vmem>>, vector<16xf32>,
        tpu.vector_store %arg17[%swap3A_356], %gather3A_353 {strides = array<i32>} : memref<128xf32, #tpu.memory_space<vmem>>, vector<16xf32>,
        %gather3A_358 = tpu.vector_load_idx %arg27[%get3A_352] : memref<10000xf32, #tpu.memory_space<vmem>>[vector<16xi32>], vector<16xf32>,
        %mul3A_359 = arith.constant 16 : i32
        %mul3A_360 = arith.muli %scan3A_348, %mul3A_359 : i32
        %swap3A_361 = arith.index_cast %mul3A_360 : i32 to index
        %swap3A_362 = tpu.vector_load %arg20[%swap3A_361] {strides = array<i32>} : memref<128xf32, #tpu.memory_space<vmem>>, vector<16xf32>,
        tpu.vector_store %arg20[%swap3A_361], %gather3A_358 {strides = array<i32>} : memref<128xf32, #tpu.memory_space<vmem>>, vector<16xf32>,
        %gather3A_363 = tpu.vector_load_idx %arg28[%get3A_352] : memref<10000xf32, #tpu.memory_space<vmem>>[vector<16xi32>], vector<16xf32>,
        %mul3A_364 = arith.constant 16 : i32
        %mul3A_365 = arith.muli %scan3A_348, %mul3A_364 : i32
        %swap3A_366 = arith.index_cast %mul3A_365 : i32 to index
        %swap3A_367 = tpu.vector_load %arg23[%swap3A_366] {strides = array<i32>} : memref<128xf32, #tpu.memory_space<vmem>>, vector<16xf32>,
        tpu.vector_store %arg23[%swap3A_366], %gather3A_363 {strides = array<i32>} : memref<128xf32, #tpu.memory_space<vmem>>, vector<16xf32>,
      }
      %scan3A_211 = arith.constant 8 : i32
      %add3A_212 = arith.constant 1 : i32
      %add3A_213 = arith.addi %add3A_183, %add3A_212 : i32
      %mul3A_214 = arith.constant 128 : i32
      %mul3A_215 = arith.muli %add3A_213, %mul3A_214 : i32
      %add3A_216 = arith.addi %mul3A_2, %mul3A_215 : i32
      %dma_start3A_217 = tpu.memref_slice %arg6[%add3A_216] : memref<320000xi32, #tpu.memory_space<hbm>> -> memref<128xi32, #tpu.memory_space<hbm>>
      %dma_start3A_218 = tpu.memref_slice %arg6[%add3A_216] : memref<320000xi32, #tpu.memory_space<hbm>> -> memref<128xi32, #tpu.memory_space<hbm>>
      tpu.enqueue_dma source(%dma_start3A_218 : memref<128xi32, #tpu.memory_space<hbm>>) target(%arg12 : memref<128xi32, #tpu.memory_space<vmem>>) target_semaphore(%arg30 : memref<!tpu.dma_semaphore, #tpu.memory_space<semaphore_mem>>)
      %dma_wait3A_219 = arith.constant 0 : i32
      %dma_wait3A_220 = arith.constant 0 : i32
      %dma_wait3A_221 = tpu.memref_slice %arg2[%dma_wait3A_219, %dma_wait3A_220] : memref<10000x128xf32, #tpu.memory_space<hbm>> -> memref<10000x128xf32, #tpu.memory_space<hbm>>
      tpu.wait_indirect_dma semaphore(%arg34 : memref<!tpu.dma_semaphore, #tpu.memory_space<semaphore_mem>>) src(%dma_wait3A_221 : memref<10000x128xf32, #tpu.memory_space<hbm>>) dst(%arg16 : memref<128x128xf32, #tpu.memory_space<vmem>>)
      %sub3A_222 = arith.constant 1 : i32
      %sub3A_223 = arith.subi %add3A_183, %sub3A_222 : i32
      %mul3A_224 = arith.constant 128 : i32
      %mul3A_225 = arith.muli %sub3A_223, %mul3A_224 : i32
      %add3A_226 = arith.addi %mul3A_2, %mul3A_225 : i32
      %dma_start3A_227 = arith.constant 0 : i32
      %dma_start3A_228 = tpu.memref_slice %arg7[%add3A_226, %dma_start3A_227] : memref<320000x128xf32, #tpu.memory_space<hbm>> -> memref<128x128xf32, #tpu.memory_space<hbm>>
      %dma_start3A_229 = arith.constant 0 : i32
      %dma_start3A_230 = tpu.memref_slice %arg7[%add3A_226, %dma_start3A_229] : memref<320000x128xf32, #tpu.memory_space<hbm>> -> memref<128x128xf32, #tpu.memory_space<hbm>>
      tpu.enqueue_dma source(%arg16 : memref<128x128xf32, #tpu.memory_space<vmem>>) target(%dma_start3A_230 : memref<128x128xf32, #tpu.memory_space<hbm>>) target_semaphore(%arg37 : memref<!tpu.dma_semaphore, #tpu.memory_space<semaphore_mem>>)
      %dma_start3A_231 = tpu.memref_slice %arg8[%add3A_226] : memref<320000xf32, #tpu.memory_space<hbm>> -> memref<128xf32, #tpu.memory_space<hbm>>
      %dma_start3A_232 = tpu.memref_slice %arg8[%add3A_226] : memref<320000xf32, #tpu.memory_space<hbm>> -> memref<128xf32, #tpu.memory_space<hbm>>
      tpu.enqueue_dma source(%arg19 : memref<128xf32, #tpu.memory_space<vmem>>) target(%dma_start3A_232 : memref<128xf32, #tpu.memory_space<hbm>>) target_semaphore(%arg37 : memref<!tpu.dma_semaphore, #tpu.memory_space<semaphore_mem>>)
      %dma_start3A_233 = tpu.memref_slice %arg9[%add3A_226] : memref<320000xf32, #tpu.memory_space<hbm>> -> memref<128xf32, #tpu.memory_space<hbm>>
      %dma_start3A_234 = tpu.memref_slice %arg9[%add3A_226] : memref<320000xf32, #tpu.memory_space<hbm>> -> memref<128xf32, #tpu.memory_space<hbm>>
      tpu.enqueue_dma source(%arg22 : memref<128xf32, #tpu.memory_space<vmem>>) target(%dma_start3A_234 : memref<128xf32, #tpu.memory_space<hbm>>) target_semaphore(%arg37 : memref<!tpu.dma_semaphore, #tpu.memory_space<semaphore_mem>>)
      %dma_start3A_235 = tpu.memref_slice %arg10[%add3A_226] : memref<320000xf32, #tpu.memory_space<hbm>> -> memref<128xf32, #tpu.memory_space<hbm>>
      %dma_start3A_236 = tpu.memref_slice %arg10[%add3A_226] : memref<320000xf32, #tpu.memory_space<hbm>> -> memref<128xf32, #tpu.memory_space<hbm>>
      tpu.enqueue_dma source(%arg25 : memref<128xf32, #tpu.memory_space<vmem>>) target(%dma_start3A_236 : memref<128xf32, #tpu.memory_space<hbm>>) target_semaphore(%arg37 : memref<!tpu.dma_semaphore, #tpu.memory_space<semaphore_mem>>)
      %mul3A_237 = arith.constant 3 : i32
      %mul3A_238 = arith.muli %mul3A_237, %scan3A_179 : i32
      %add3A_239 = arith.constant 1 : i32
      %add3A_240 = arith.addi %mul3A_238, %add3A_239 : i32
      %sub3A_241 = arith.constant 3 : i32
      %sub3A_242 = arith.subi %add3A_240, %sub3A_241 : i32
      %mul3A_243 = arith.constant 128 : i32
      %mul3A_244 = arith.muli %sub3A_242, %mul3A_243 : i32
      %add3A_245 = arith.addi %mul3A_2, %mul3A_244 : i32
      %dma_wait3A_246 = arith.constant 0 : i32
      %dma_wait3A_247 = tpu.memref_slice %arg7[%add3A_245, %dma_wait3A_246] : memref<320000x128xf32, #tpu.memory_space<hbm>> -> memref<128x128xf32, #tpu.memory_space<hbm>>
      %dma_wait3A_248 = arith.constant 0 : i32
      %dma_wait3A_249 = tpu.memref_slice %arg7[%add3A_245, %dma_wait3A_248] : memref<320000x128xf32, #tpu.memory_space<hbm>> -> memref<128x128xf32, #tpu.memory_space<hbm>>
      tpu.wait_dma2 semaphore(%arg36 : memref<!tpu.dma_semaphore, #tpu.memory_space<semaphore_mem>>) src(%arg15 : memref<128x128xf32, #tpu.memory_space<vmem>>) dst(%dma_wait3A_249 : memref<128x128xf32, #tpu.memory_space<hbm>>)
      %dma_wait3A_250 = tpu.memref_slice %arg8[%add3A_245] : memref<320000xf32, #tpu.memory_space<hbm>> -> memref<128xf32, #tpu.memory_space<hbm>>
      %dma_wait3A_251 = tpu.memref_slice %arg8[%add3A_245] : memref<320000xf32, #tpu.memory_space<hbm>> -> memref<128xf32, #tpu.memory_space<hbm>>
      tpu.wait_dma2 semaphore(%arg36 : memref<!tpu.dma_semaphore, #tpu.memory_space<semaphore_mem>>) src(%arg18 : memref<128xf32, #tpu.memory_space<vmem>>) dst(%dma_wait3A_251 : memref<128xf32, #tpu.memory_space<hbm>>)
      %dma_wait3A_252 = tpu.memref_slice %arg9[%add3A_245] : memref<320000xf32, #tpu.memory_space<hbm>> -> memref<128xf32, #tpu.memory_space<hbm>>
      %dma_wait3A_253 = tpu.memref_slice %arg9[%add3A_245] : memref<320000xf32, #tpu.memory_space<hbm>> -> memref<128xf32, #tpu.memory_space<hbm>>
      tpu.wait_dma2 semaphore(%arg36 : memref<!tpu.dma_semaphore, #tpu.memory_space<semaphore_mem>>) src(%arg21 : memref<128xf32, #tpu.memory_space<vmem>>) dst(%dma_wait3A_253 : memref<128xf32, #tpu.memory_space<hbm>>)
      %dma_wait3A_254 = tpu.memref_slice %arg10[%add3A_245] : memref<320000xf32, #tpu.memory_space<hbm>> -> memref<128xf32, #tpu.memory_space<hbm>>
      %dma_wait3A_255 = tpu.memref_slice %arg10[%add3A_245] : memref<320000xf32, #tpu.memory_space<hbm>> -> memref<128xf32, #tpu.memory_space<hbm>>
      tpu.wait_dma2 semaphore(%arg36 : memref<!tpu.dma_semaphore, #tpu.memory_space<semaphore_mem>>) src(%arg24 : memref<128xf32, #tpu.memory_space<vmem>>) dst(%dma_wait3A_255 : memref<128xf32, #tpu.memory_space<hbm>>)
      %mul3A_256 = arith.constant 128 : i32
      %mul3A_257 = arith.muli %add3A_240, %mul3A_256 : i32
      %add3A_258 = arith.addi %mul3A_2, %mul3A_257 : i32
      %dma_wait3A_259 = tpu.memref_slice %arg6[%add3A_258] : memref<320000xi32, #tpu.memory_space<hbm>> -> memref<128xi32, #tpu.memory_space<hbm>>
      %dma_wait3A_260 = tpu.memref_slice %arg6[%add3A_258] : memref<320000xi32, #tpu.memory_space<hbm>> -> memref<128xi32, #tpu.memory_space<hbm>>
      tpu.wait_dma2 semaphore(%arg30 : memref<!tpu.dma_semaphore, #tpu.memory_space<semaphore_mem>>) src(%dma_wait3A_260 : memref<128xi32, #tpu.memory_space<hbm>>) dst(%arg12 : memref<128xi32, #tpu.memory_space<vmem>>)
      %dma_start3A_261 = arith.constant 0 : i32
      %dma_start3A_262 = arith.constant 0 : i32
      %dma_start3A_263 = tpu.memref_slice %arg2[%dma_start3A_261, %dma_start3A_262] : memref<10000x128xf32, #tpu.memory_space<hbm>> -> memref<10000x128xf32, #tpu.memory_space<hbm>>
      tpu.enqueue_indirect_dma source(%dma_start3A_263 : memref<10000x128xf32, #tpu.memory_space<hbm>>) target(%arg15 : memref<128x128xf32, #tpu.memory_space<vmem>>) offsets(%arg12 : memref<128xi32, #tpu.memory_space<vmem>>) semaphore(%arg33 : memref<!tpu.dma_semaphore, #tpu.memory_space<semaphore_mem>>)
      %scan3A_264 = arith.constant 0 : i32
      %scan3A_265 = arith.constant 0 : i32
      %scan3A_266 = arith.constant 8 : i32
      %scan3A_267 = arith.addi %scan3A_265, %scan3A_266 : i32
      %scan3A_268 = arith.constant 1 : i32
      scf.for %scan3A_348 = %scan3A_265 to %scan3A_267 step %scan3A_268  : i32 {
        %mul3A_349 = arith.constant 16 : i32
        %mul3A_350 = arith.muli %scan3A_348, %mul3A_349 : i32
        %get3A_351 = arith.index_cast %mul3A_350 : i32 to index
        %get3A_352 = tpu.vector_load %arg12[%get3A_351] {strides = array<i32>} : memref<128xi32, #tpu.memory_space<vmem>>, vector<16xi32>,
        %gather3A_353 = tpu.vector_load_idx %arg26[%get3A_352] : memref<10000xf32, #tpu.memory_space<vmem>>[vector<16xi32>], vector<16xf32>,
        %mul3A_354 = arith.constant 16 : i32
        %mul3A_355 = arith.muli %scan3A_348, %mul3A_354 : i32
        %swap3A_356 = arith.index_cast %mul3A_355 : i32 to index
        %swap3A_357 = tpu.vector_load %arg18[%swap3A_356] {strides = array<i32>} : memref<128xf32, #tpu.memory_space<vmem>>, vector<16xf32>,
        tpu.vector_store %arg18[%swap3A_356], %gather3A_353 {strides = array<i32>} : memref<128xf32, #tpu.memory_space<vmem>>, vector<16xf32>,
        %gather3A_358 = tpu.vector_load_idx %arg27[%get3A_352] : memref<10000xf32, #tpu.memory_space<vmem>>[vector<16xi32>], vector<16xf32>,
        %mul3A_359 = arith.constant 16 : i32
        %mul3A_360 = arith.muli %scan3A_348, %mul3A_359 : i32
        %swap3A_361 = arith.index_cast %mul3A_360 : i32 to index
        %swap3A_362 = tpu.vector_load %arg21[%swap3A_361] {strides = array<i32>} : memref<128xf32, #tpu.memory_space<vmem>>, vector<16xf32>,
        tpu.vector_store %arg21[%swap3A_361], %gather3A_358 {strides = array<i32>} : memref<128xf32, #tpu.memory_space<vmem>>, vector<16xf32>,
        %gather3A_363 = tpu.vector_load_idx %arg28[%get3A_352] : memref<10000xf32, #tpu.memory_space<vmem>>[vector<16xi32>], vector<16xf32>,
        %mul3A_364 = arith.constant 16 : i32
        %mul3A_365 = arith.muli %scan3A_348, %mul3A_364 : i32
        %swap3A_366 = arith.index_cast %mul3A_365 : i32 to index
        %swap3A_367 = tpu.vector_load %arg24[%swap3A_366] {strides = array<i32>} : memref<128xf32, #tpu.memory_space<vmem>>, vector<16xf32>,
        tpu.vector_store %arg24[%swap3A_366], %gather3A_363 {strides = array<i32>} : memref<128xf32, #tpu.memory_space<vmem>>, vector<16xf32>,
      }
      %scan3A_269 = arith.constant 8 : i32
      %add3A_270 = arith.constant 1 : i32
      %add3A_271 = arith.addi %add3A_240, %add3A_270 : i32
      %mul3A_272 = arith.constant 128 : i32
      %mul3A_273 = arith.muli %add3A_271, %mul3A_272 : i32
      %add3A_274 = arith.addi %mul3A_2, %mul3A_273 : i32
      %dma_start3A_275 = tpu.memref_slice %arg6[%add3A_274] : memref<320000xi32, #tpu.memory_space<hbm>> -> memref<128xi32, #tpu.memory_space<hbm>>
      %dma_start3A_276 = tpu.memref_slice %arg6[%add3A_274] : memref<320000xi32, #tpu.memory_space<hbm>> -> memref<128xi32, #tpu.memory_space<hbm>>
      tpu.enqueue_dma source(%dma_start3A_276 : memref<128xi32, #tpu.memory_space<hbm>>) target(%arg13 : memref<128xi32, #tpu.memory_space<vmem>>) target_semaphore(%arg31 : memref<!tpu.dma_semaphore, #tpu.memory_space<semaphore_mem>>)
      %dma_wait3A_277 = arith.constant 0 : i32
      %dma_wait3A_278 = arith.constant 0 : i32
      %dma_wait3A_279 = tpu.memref_slice %arg2[%dma_wait3A_277, %dma_wait3A_278] : memref<10000x128xf32, #tpu.memory_space<hbm>> -> memref<10000x128xf32, #tpu.memory_space<hbm>>
      tpu.wait_indirect_dma semaphore(%arg32 : memref<!tpu.dma_semaphore, #tpu.memory_space<semaphore_mem>>) src(%dma_wait3A_279 : memref<10000x128xf32, #tpu.memory_space<hbm>>) dst(%arg14 : memref<128x128xf32, #tpu.memory_space<vmem>>)
      %sub3A_280 = arith.constant 1 : i32
      %sub3A_281 = arith.subi %add3A_240, %sub3A_280 : i32
      %mul3A_282 = arith.constant 128 : i32
      %mul3A_283 = arith.muli %sub3A_281, %mul3A_282 : i32
      %add3A_284 = arith.addi %mul3A_2, %mul3A_283 : i32
      %dma_start3A_285 = arith.constant 0 : i32
      %dma_start3A_286 = tpu.memref_slice %arg7[%add3A_284, %dma_start3A_285] : memref<320000x128xf32, #tpu.memory_space<hbm>> -> memref<128x128xf32, #tpu.memory_space<hbm>>
      %dma_start3A_287 = arith.constant 0 : i32
      %dma_start3A_288 = tpu.memref_slice %arg7[%add3A_284, %dma_start3A_287] : memref<320000x128xf32, #tpu.memory_space<hbm>> -> memref<128x128xf32, #tpu.memory_space<hbm>>
      tpu.enqueue_dma source(%arg14 : memref<128x128xf32, #tpu.memory_space<vmem>>) target(%dma_start3A_288 : memref<128x128xf32, #tpu.memory_space<hbm>>) target_semaphore(%arg35 : memref<!tpu.dma_semaphore, #tpu.memory_space<semaphore_mem>>)
      %dma_start3A_289 = tpu.memref_slice %arg8[%add3A_284] : memref<320000xf32, #tpu.memory_space<hbm>> -> memref<128xf32, #tpu.memory_space<hbm>>
      %dma_start3A_290 = tpu.memref_slice %arg8[%add3A_284] : memref<320000xf32, #tpu.memory_space<hbm>> -> memref<128xf32, #tpu.memory_space<hbm>>
      tpu.enqueue_dma source(%arg17 : memref<128xf32, #tpu.memory_space<vmem>>) target(%dma_start3A_290 : memref<128xf32, #tpu.memory_space<hbm>>) target_semaphore(%arg35 : memref<!tpu.dma_semaphore, #tpu.memory_space<semaphore_mem>>)
      %dma_start3A_291 = tpu.memref_slice %arg9[%add3A_284] : memref<320000xf32, #tpu.memory_space<hbm>> -> memref<128xf32, #tpu.memory_space<hbm>>
      %dma_start3A_292 = tpu.memref_slice %arg9[%add3A_284] : memref<320000xf32, #tpu.memory_space<hbm>> -> memref<128xf32, #tpu.memory_space<hbm>>
      tpu.enqueue_dma source(%arg20 : memref<128xf32, #tpu.memory_space<vmem>>) target(%dma_start3A_292 : memref<128xf32, #tpu.memory_space<hbm>>) target_semaphore(%arg35 : memref<!tpu.dma_semaphore, #tpu.memory_space<semaphore_mem>>)
      %dma_start3A_293 = tpu.memref_slice %arg10[%add3A_284] : memref<320000xf32, #tpu.memory_space<hbm>> -> memref<128xf32, #tpu.memory_space<hbm>>
      %dma_start3A_294 = tpu.memref_slice %arg10[%add3A_284] : memref<320000xf32, #tpu.memory_space<hbm>> -> memref<128xf32, #tpu.memory_space<hbm>>
      tpu.enqueue_dma source(%arg23 : memref<128xf32, #tpu.memory_space<vmem>>) target(%dma_start3A_294 : memref<128xf32, #tpu.memory_space<hbm>>) target_semaphore(%arg35 : memref<!tpu.dma_semaphore, #tpu.memory_space<semaphore_mem>>)
      %mul3A_295 = arith.constant 3 : i32
      %mul3A_296 = arith.muli %mul3A_295, %scan3A_179 : i32
      %add3A_297 = arith.constant 2 : i32
      %add3A_298 = arith.addi %mul3A_296, %add3A_297 : i32
      %sub3A_299 = arith.constant 3 : i32
      %sub3A_300 = arith.subi %add3A_298, %sub3A_299 : i32
      %mul3A_301 = arith.constant 128 : i32
      %mul3A_302 = arith.muli %sub3A_300, %mul3A_301 : i32
      %add3A_303 = arith.addi %mul3A_2, %mul3A_302 : i32
      %dma_wait3A_304 = arith.constant 0 : i32
      %dma_wait3A_305 = tpu.memref_slice %arg7[%add3A_303, %dma_wait3A_304] : memref<320000x128xf32, #tpu.memory_space<hbm>> -> memref<128x128xf32, #tpu.memory_space<hbm>>
      %dma_wait3A_306 = arith.constant 0 : i32
      %dma_wait3A_307 = tpu.memref_slice %arg7[%add3A_303, %dma_wait3A_306] : memref<320000x128xf32, #tpu.memory_space<hbm>> -> memref<128x128xf32, #tpu.memory_space<hbm>>
      tpu.wait_dma2 semaphore(%arg37 : memref<!tpu.dma_semaphore, #tpu.memory_space<semaphore_mem>>) src(%arg16 : memref<128x128xf32, #tpu.memory_space<vmem>>) dst(%dma_wait3A_307 : memref<128x128xf32, #tpu.memory_space<hbm>>)
      %dma_wait3A_308 = tpu.memref_slice %arg8[%add3A_303] : memref<320000xf32, #tpu.memory_space<hbm>> -> memref<128xf32, #tpu.memory_space<hbm>>
      %dma_wait3A_309 = tpu.memref_slice %arg8[%add3A_303] : memref<320000xf32, #tpu.memory_space<hbm>> -> memref<128xf32, #tpu.memory_space<hbm>>
      tpu.wait_dma2 semaphore(%arg37 : memref<!tpu.dma_semaphore, #tpu.memory_space<semaphore_mem>>) src(%arg19 : memref<128xf32, #tpu.memory_space<vmem>>) dst(%dma_wait3A_309 : memref<128xf32, #tpu.memory_space<hbm>>)
      %dma_wait3A_310 = tpu.memref_slice %arg9[%add3A_303] : memref<320000xf32, #tpu.memory_space<hbm>> -> memref<128xf32, #tpu.memory_space<hbm>>
      %dma_wait3A_311 = tpu.memref_slice %arg9[%add3A_303] : memref<320000xf32, #tpu.memory_space<hbm>> -> memref<128xf32, #tpu.memory_space<hbm>>
      tpu.wait_dma2 semaphore(%arg37 : memref<!tpu.dma_semaphore, #tpu.memory_space<semaphore_mem>>) src(%arg22 : memref<128xf32, #tpu.memory_space<vmem>>) dst(%dma_wait3A_311 : memref<128xf32, #tpu.memory_space<hbm>>)
      %dma_wait3A_312 = tpu.memref_slice %arg10[%add3A_303] : memref<320000xf32, #tpu.memory_space<hbm>> -> memref<128xf32, #tpu.memory_space<hbm>>
      %dma_wait3A_313 = tpu.memref_slice %arg10[%add3A_303] : memref<320000xf32, #tpu.memory_space<hbm>> -> memref<128xf32, #tpu.memory_space<hbm>>
      tpu.wait_dma2 semaphore(%arg37 : memref<!tpu.dma_semaphore, #tpu.memory_space<semaphore_mem>>) src(%arg25 : memref<128xf32, #tpu.memory_space<vmem>>) dst(%dma_wait3A_313 : memref<128xf32, #tpu.memory_space<hbm>>)
      %mul3A_314 = arith.constant 128 : i32
      %mul3A_315 = arith.muli %add3A_298, %mul3A_314 : i32
      %add3A_316 = arith.addi %mul3A_2, %mul3A_315 : i32
      %dma_wait3A_317 = tpu.memref_slice %arg6[%add3A_316] : memref<320000xi32, #tpu.memory_space<hbm>> -> memref<128xi32, #tpu.memory_space<hbm>>
      %dma_wait3A_318 = tpu.memref_slice %arg6[%add3A_316] : memref<320000xi32, #tpu.memory_space<hbm>> -> memref<128xi32, #tpu.memory_space<hbm>>
      tpu.wait_dma2 semaphore(%arg31 : memref<!tpu.dma_semaphore, #tpu.memory_space<semaphore_mem>>) src(%dma_wait3A_318 : memref<128xi32, #tpu.memory_space<hbm>>) dst(%arg13 : memref<128xi32, #tpu.memory_space<vmem>>)
      %dma_start3A_319 = arith.constant 0 : i32
      %dma_start3A_320 = arith.constant 0 : i32
      %dma_start3A_321 = tpu.memref_slice %arg2[%dma_start3A_319, %dma_start3A_320] : memref<10000x128xf32, #tpu.memory_space<hbm>> -> memref<10000x128xf32, #tpu.memory_space<hbm>>
      tpu.enqueue_indirect_dma source(%dma_start3A_321 : memref<10000x128xf32, #tpu.memory_space<hbm>>) target(%arg16 : memref<128x128xf32, #tpu.memory_space<vmem>>) offsets(%arg13 : memref<128xi32, #tpu.memory_space<vmem>>) semaphore(%arg34 : memref<!tpu.dma_semaphore, #tpu.memory_space<semaphore_mem>>)
      %scan3A_322 = arith.constant 0 : i32
      %scan3A_323 = arith.constant 0 : i32
      %scan3A_324 = arith.constant 8 : i32
      %scan3A_325 = arith.addi %scan3A_323, %scan3A_324 : i32
      %scan3A_326 = arith.constant 1 : i32
      scf.for %scan3A_348 = %scan3A_323 to %scan3A_325 step %scan3A_326  : i32 {
        %mul3A_349 = arith.constant 16 : i32
        %mul3A_350 = arith.muli %scan3A_348, %mul3A_349 : i32
        %get3A_351 = arith.index_cast %mul3A_350 : i32 to index
        %get3A_352 = tpu.vector_load %arg13[%get3A_351] {strides = array<i32>} : memref<128xi32, #tpu.memory_space<vmem>>, vector<16xi32>,
        %gather3A_353 = tpu.vector_load_idx %arg26[%get3A_352] : memref<10000xf32, #tpu.memory_space<vmem>>[vector<16xi32>], vector<16xf32>,
        %mul3A_354 = arith.constant 16 : i32
        %mul3A_355 = arith.muli %scan3A_348, %mul3A_354 : i32
        %swap3A_356 = arith.index_cast %mul3A_355 : i32 to index
        %swap3A_357 = tpu.vector_load %arg19[%swap3A_356] {strides = array<i32>} : memref<128xf32, #tpu.memory_space<vmem>>, vector<16xf32>,
        tpu.vector_store %arg19[%swap3A_356], %gather3A_353 {strides = array<i32>} : memref<128xf32, #tpu.memory_space<vmem>>, vector<16xf32>,
        %gather3A_358 = tpu.vector_load_idx %arg27[%get3A_352] : memref<10000xf32, #tpu.memory_space<vmem>>[vector<16xi32>], vector<16xf32>,
        %mul3A_359 = arith.constant 16 : i32
        %mul3A_360 = arith.muli %scan3A_348, %mul3A_359 : i32
        %swap3A_361 = arith.index_cast %mul3A_360 : i32 to index
        %swap3A_362 = tpu.vector_load %arg22[%swap3A_361] {strides = array<i32>} : memref<128xf32, #tpu.memory_space<vmem>>, vector<16xf32>,
        tpu.vector_store %arg22[%swap3A_361], %gather3A_358 {strides = array<i32>} : memref<128xf32, #tpu.memory_space<vmem>>, vector<16xf32>,
        %gather3A_363 = tpu.vector_load_idx %arg28[%get3A_352] : memref<10000xf32, #tpu.memory_space<vmem>>[vector<16xi32>], vector<16xf32>,
        %mul3A_364 = arith.constant 16 : i32
        %mul3A_365 = arith.muli %scan3A_348, %mul3A_364 : i32
        %swap3A_366 = arith.index_cast %mul3A_365 : i32 to index
        %swap3A_367 = tpu.vector_load %arg25[%swap3A_366] {strides = array<i32>} : memref<128xf32, #tpu.memory_space<vmem>>, vector<16xf32>,
        tpu.vector_store %arg25[%swap3A_366], %gather3A_363 {strides = array<i32>} : memref<128xf32, #tpu.memory_space<vmem>>, vector<16xf32>,
      }
      %scan3A_327 = arith.constant 8 : i32
      %lt3A = arith.constant 25 : i32
      %lt3A_328 = arith.cmpi slt, %scan3A_179, %lt3A : i32
      %convert_element_type3A = arith.extui %lt3A_328 : i1 to i32
      %cond3A = arith.constant 0 : i32
      %cond3A_329 = arith.cmpi ne, %convert_element_type3A, %cond3A : i32
      scf.if %cond3A_329 {
        %add3A_348 = arith.constant 1 : i32
        %add3A_349 = arith.addi %add3A_298, %add3A_348 : i32
        %mul3A_350 = arith.constant 128 : i32
        %mul3A_351 = arith.muli %add3A_349, %mul3A_350 : i32
        %add3A_352 = arith.addi %mul3A_2, %mul3A_351 : i32
        %dma_start3A_353 = tpu.memref_slice %arg6[%add3A_352] : memref<320000xi32, #tpu.memory_space<hbm>> -> memref<128xi32, #tpu.memory_space<hbm>>
        %dma_start3A_354 = tpu.memref_slice %arg6[%add3A_352] : memref<320000xi32, #tpu.memory_space<hbm>> -> memref<128xi32, #tpu.memory_space<hbm>>
        tpu.enqueue_dma source(%dma_start3A_354 : memref<128xi32, #tpu.memory_space<hbm>>) target(%arg11 : memref<128xi32, #tpu.memory_space<vmem>>) target_semaphore(%arg29 : memref<!tpu.dma_semaphore, #tpu.memory_space<semaphore_mem>>)
      } else {
      }
      %dma_wait3A_330 = arith.constant 0 : i32
      %dma_wait3A_331 = arith.constant 0 : i32
      %dma_wait3A_332 = tpu.memref_slice %arg2[%dma_wait3A_330, %dma_wait3A_331] : memref<10000x128xf32, #tpu.memory_space<hbm>> -> memref<10000x128xf32, #tpu.memory_space<hbm>>
      tpu.wait_indirect_dma semaphore(%arg33 : memref<!tpu.dma_semaphore, #tpu.memory_space<semaphore_mem>>) src(%dma_wait3A_332 : memref<10000x128xf32, #tpu.memory_space<hbm>>) dst(%arg15 : memref<128x128xf32, #tpu.memory_space<vmem>>)
      %sub3A_333 = arith.constant 1 : i32
      %sub3A_334 = arith.subi %add3A_298, %sub3A_333 : i32
      %mul3A_335 = arith.constant 128 : i32
      %mul3A_336 = arith.muli %sub3A_334, %mul3A_335 : i32
      %add3A_337 = arith.addi %mul3A_2, %mul3A_336 : i32
      %dma_start3A_338 = arith.constant 0 : i32
      %dma_start3A_339 = tpu.memref_slice %arg7[%add3A_337, %dma_start3A_338] : memref<320000x128xf32, #tpu.memory_space<hbm>> -> memref<128x128xf32, #tpu.memory_space<hbm>>
      %dma_start3A_340 = arith.constant 0 : i32
      %dma_start3A_341 = tpu.memref_slice %arg7[%add3A_337, %dma_start3A_340] : memref<320000x128xf32, #tpu.memory_space<hbm>> -> memref<128x128xf32, #tpu.memory_space<hbm>>
      tpu.enqueue_dma source(%arg15 : memref<128x128xf32, #tpu.memory_space<vmem>>) target(%dma_start3A_341 : memref<128x128xf32, #tpu.memory_space<hbm>>) target_semaphore(%arg36 : memref<!tpu.dma_semaphore, #tpu.memory_space<semaphore_mem>>)
      %dma_start3A_342 = tpu.memref_slice %arg8[%add3A_337] : memref<320000xf32, #tpu.memory_space<hbm>> -> memref<128xf32, #tpu.memory_space<hbm>>
      %dma_start3A_343 = tpu.memref_slice %arg8[%add3A_337] : memref<320000xf32, #tpu.memory_space<hbm>> -> memref<128xf32, #tpu.memory_space<hbm>>
      tpu.enqueue_dma source(%arg18 : memref<128xf32, #tpu.memory_space<vmem>>) target(%dma_start3A_343 : memref<128xf32, #tpu.memory_space<hbm>>) target_semaphore(%arg36 : memref<!tpu.dma_semaphore, #tpu.memory_space<semaphore_mem>>)
      %dma_start3A_344 = tpu.memref_slice %arg9[%add3A_337] : memref<320000xf32, #tpu.memory_space<hbm>> -> memref<128xf32, #tpu.memory_space<hbm>>
      %dma_start3A_345 = tpu.memref_slice %arg9[%add3A_337] : memref<320000xf32, #tpu.memory_space<hbm>> -> memref<128xf32, #tpu.memory_space<hbm>>
      tpu.enqueue_dma source(%arg21 : memref<128xf32, #tpu.memory_space<vmem>>) target(%dma_start3A_345 : memref<128xf32, #tpu.memory_space<hbm>>) target_semaphore(%arg36 : memref<!tpu.dma_semaphore, #tpu.memory_space<semaphore_mem>>)
      %dma_start3A_346 = tpu.memref_slice %arg10[%add3A_337] : memref<320000xf32, #tpu.memory_space<hbm>> -> memref<128xf32, #tpu.memory_space<hbm>>
      %dma_start3A_347 = tpu.memref_slice %arg10[%add3A_337] : memref<320000xf32, #tpu.memory_space<hbm>> -> memref<128xf32, #tpu.memory_space<hbm>>
      tpu.enqueue_dma source(%arg24 : memref<128xf32, #tpu.memory_space<vmem>>) target(%dma_start3A_347 : memref<128xf32, #tpu.memory_space<hbm>>) target_semaphore(%arg36 : memref<!tpu.dma_semaphore, #tpu.memory_space<semaphore_mem>>)
    }
    %scan3A_90 = arith.constant 25 : i32
    %dma_wait3A_91 = arith.constant 0 : i32
    %dma_wait3A_92 = arith.constant 0 : i32
    %dma_wait3A_93 = tpu.memref_slice %arg2[%dma_wait3A_91, %dma_wait3A_92] : memref<10000x128xf32, #tpu.memory_space<hbm>> -> memref<10000x128xf32, #tpu.memory_space<hbm>>
    tpu.wait_indirect_dma semaphore(%arg34 : memref<!tpu.dma_semaphore, #tpu.memory_space<semaphore_mem>>) src(%dma_wait3A_93 : memref<10000x128xf32, #tpu.memory_space<hbm>>) dst(%arg16 : memref<128x128xf32, #tpu.memory_space<vmem>>)
    %add3A_94 = arith.constant 9856 : i32
    %add3A_95 = arith.addi %mul3A_2, %add3A_94 : i32
    %dma_start3A_96 = arith.constant 0 : i32
    %dma_start3A_97 = tpu.memref_slice %arg7[%add3A_95, %dma_start3A_96] : memref<320000x128xf32, #tpu.memory_space<hbm>> -> memref<128x128xf32, #tpu.memory_space<hbm>>
    %dma_start3A_98 = arith.constant 0 : i32
    %dma_start3A_99 = tpu.memref_slice %arg7[%add3A_95, %dma_start3A_98] : memref<320000x128xf32, #tpu.memory_space<hbm>> -> memref<128x128xf32, #tpu.memory_space<hbm>>
    tpu.enqueue_dma source(%arg16 : memref<128x128xf32, #tpu.memory_space<vmem>>) target(%dma_start3A_99 : memref<128x128xf32, #tpu.memory_space<hbm>>) target_semaphore(%arg37 : memref<!tpu.dma_semaphore, #tpu.memory_space<semaphore_mem>>)
    %dma_start3A_100 = tpu.memref_slice %arg8[%add3A_95] : memref<320000xf32, #tpu.memory_space<hbm>> -> memref<128xf32, #tpu.memory_space<hbm>>
    %dma_start3A_101 = tpu.memref_slice %arg8[%add3A_95] : memref<320000xf32, #tpu.memory_space<hbm>> -> memref<128xf32, #tpu.memory_space<hbm>>
    tpu.enqueue_dma source(%arg19 : memref<128xf32, #tpu.memory_space<vmem>>) target(%dma_start3A_101 : memref<128xf32, #tpu.memory_space<hbm>>) target_semaphore(%arg37 : memref<!tpu.dma_semaphore, #tpu.memory_space<semaphore_mem>>)
    %dma_start3A_102 = tpu.memref_slice %arg9[%add3A_95] : memref<320000xf32, #tpu.memory_space<hbm>> -> memref<128xf32, #tpu.memory_space<hbm>>
    %dma_start3A_103 = tpu.memref_slice %arg9[%add3A_95] : memref<320000xf32, #tpu.memory_space<hbm>> -> memref<128xf32, #tpu.memory_space<hbm>>
    tpu.enqueue_dma source(%arg22 : memref<128xf32, #tpu.memory_space<vmem>>) target(%dma_start3A_103 : memref<128xf32, #tpu.memory_space<hbm>>) target_semaphore(%arg37 : memref<!tpu.dma_semaphore, #tpu.memory_space<semaphore_mem>>)
    %dma_start3A_104 = tpu.memref_slice %arg10[%add3A_95] : memref<320000xf32, #tpu.memory_space<hbm>> -> memref<128xf32, #tpu.memory_space<hbm>>
    %dma_start3A_105 = tpu.memref_slice %arg10[%add3A_95] : memref<320000xf32, #tpu.memory_space<hbm>> -> memref<128xf32, #tpu.memory_space<hbm>>
    tpu.enqueue_dma source(%arg25 : memref<128xf32, #tpu.memory_space<vmem>>) target(%dma_start3A_105 : memref<128xf32, #tpu.memory_space<hbm>>) target_semaphore(%arg37 : memref<!tpu.dma_semaphore, #tpu.memory_space<semaphore_mem>>)
    %add3A_106 = arith.constant 9600 : i32
    %add3A_107 = arith.addi %mul3A_2, %add3A_106 : i32
    %dma_wait3A_108 = arith.constant 0 : i32
    %dma_wait3A_109 = tpu.memref_slice %arg7[%add3A_107, %dma_wait3A_108] : memref<320000x128xf32, #tpu.memory_space<hbm>> -> memref<128x128xf32, #tpu.memory_space<hbm>>
    %dma_wait3A_110 = arith.constant 0 : i32
    %dma_wait3A_111 = tpu.memref_slice %arg7[%add3A_107, %dma_wait3A_110] : memref<320000x128xf32, #tpu.memory_space<hbm>> -> memref<128x128xf32, #tpu.memory_space<hbm>>
    tpu.wait_dma2 semaphore(%arg35 : memref<!tpu.dma_semaphore, #tpu.memory_space<semaphore_mem>>) src(%arg14 : memref<128x128xf32, #tpu.memory_space<vmem>>) dst(%dma_wait3A_111 : memref<128x128xf32, #tpu.memory_space<hbm>>)
    %dma_wait3A_112 = tpu.memref_slice %arg8[%add3A_107] : memref<320000xf32, #tpu.memory_space<hbm>> -> memref<128xf32, #tpu.memory_space<hbm>>
    %dma_wait3A_113 = tpu.memref_slice %arg8[%add3A_107] : memref<320000xf32, #tpu.memory_space<hbm>> -> memref<128xf32, #tpu.memory_space<hbm>>
    tpu.wait_dma2 semaphore(%arg35 : memref<!tpu.dma_semaphore, #tpu.memory_space<semaphore_mem>>) src(%arg17 : memref<128xf32, #tpu.memory_space<vmem>>) dst(%dma_wait3A_113 : memref<128xf32, #tpu.memory_space<hbm>>)
    %dma_wait3A_114 = tpu.memref_slice %arg9[%add3A_107] : memref<320000xf32, #tpu.memory_space<hbm>> -> memref<128xf32, #tpu.memory_space<hbm>>
    %dma_wait3A_115 = tpu.memref_slice %arg9[%add3A_107] : memref<320000xf32, #tpu.memory_space<hbm>> -> memref<128xf32, #tpu.memory_space<hbm>>
    tpu.wait_dma2 semaphore(%arg35 : memref<!tpu.dma_semaphore, #tpu.memory_space<semaphore_mem>>) src(%arg20 : memref<128xf32, #tpu.memory_space<vmem>>) dst(%dma_wait3A_115 : memref<128xf32, #tpu.memory_space<hbm>>)
    %dma_wait3A_116 = tpu.memref_slice %arg10[%add3A_107] : memref<320000xf32, #tpu.memory_space<hbm>> -> memref<128xf32, #tpu.memory_space<hbm>>
    %dma_wait3A_117 = tpu.memref_slice %arg10[%add3A_107] : memref<320000xf32, #tpu.memory_space<hbm>> -> memref<128xf32, #tpu.memory_space<hbm>>
    tpu.wait_dma2 semaphore(%arg35 : memref<!tpu.dma_semaphore, #tpu.memory_space<semaphore_mem>>) src(%arg23 : memref<128xf32, #tpu.memory_space<vmem>>) dst(%dma_wait3A_117 : memref<128xf32, #tpu.memory_space<hbm>>)
    %add3A_118 = arith.constant 9728 : i32
    %add3A_119 = arith.addi %mul3A_2, %add3A_118 : i32
    %dma_wait3A_120 = arith.constant 0 : i32
    %dma_wait3A_121 = tpu.memref_slice %arg7[%add3A_119, %dma_wait3A_120] : memref<320000x128xf32, #tpu.memory_space<hbm>> -> memref<128x128xf32, #tpu.memory_space<hbm>>
    %dma_wait3A_122 = arith.constant 0 : i32
    %dma_wait3A_123 = tpu.memref_slice %arg7[%add3A_119, %dma_wait3A_122] : memref<320000x128xf32, #tpu.memory_space<hbm>> -> memref<128x128xf32, #tpu.memory_space<hbm>>
    tpu.wait_dma2 semaphore(%arg36 : memref<!tpu.dma_semaphore, #tpu.memory_space<semaphore_mem>>) src(%arg15 : memref<128x128xf32, #tpu.memory_space<vmem>>) dst(%dma_wait3A_123 : memref<128x128xf32, #tpu.memory_space<hbm>>)
    %dma_wait3A_124 = tpu.memref_slice %arg8[%add3A_119] : memref<320000xf32, #tpu.memory_space<hbm>> -> memref<128xf32, #tpu.memory_space<hbm>>
    %dma_wait3A_125 = tpu.memref_slice %arg8[%add3A_119] : memref<320000xf32, #tpu.memory_space<hbm>> -> memref<128xf32, #tpu.memory_space<hbm>>
    tpu.wait_dma2 semaphore(%arg36 : memref<!tpu.dma_semaphore, #tpu.memory_space<semaphore_mem>>) src(%arg18 : memref<128xf32, #tpu.memory_space<vmem>>) dst(%dma_wait3A_125 : memref<128xf32, #tpu.memory_space<hbm>>)
    %dma_wait3A_126 = tpu.memref_slice %arg9[%add3A_119] : memref<320000xf32, #tpu.memory_space<hbm>> -> memref<128xf32, #tpu.memory_space<hbm>>
    %dma_wait3A_127 = tpu.memref_slice %arg9[%add3A_119] : memref<320000xf32, #tpu.memory_space<hbm>> -> memref<128xf32, #tpu.memory_space<hbm>>
    tpu.wait_dma2 semaphore(%arg36 : memref<!tpu.dma_semaphore, #tpu.memory_space<semaphore_mem>>) src(%arg21 : memref<128xf32, #tpu.memory_space<vmem>>) dst(%dma_wait3A_127 : memref<128xf32, #tpu.memory_space<hbm>>)
    %dma_wait3A_128 = tpu.memref_slice %arg10[%add3A_119] : memref<320000xf32, #tpu.memory_space<hbm>> -> memref<128xf32, #tpu.memory_space<hbm>>
    %dma_wait3A_129 = tpu.memref_slice %arg10[%add3A_119] : memref<320000xf32, #tpu.memory_space<hbm>> -> memref<128xf32, #tpu.memory_space<hbm>>
    tpu.wait_dma2 semaphore(%arg36 : memref<!tpu.dma_semaphore, #tpu.memory_space<semaphore_mem>>) src(%arg24 : memref<128xf32, #tpu.memory_space<vmem>>) dst(%dma_wait3A_129 : memref<128xf32, #tpu.memory_space<hbm>>)
    %add3A_130 = arith.constant 9856 : i32
    %add3A_131 = arith.addi %mul3A_2, %add3A_130 : i32
    %dma_wait3A_132 = arith.constant 0 : i32
    %dma_wait3A_133 = tpu.memref_slice %arg7[%add3A_131, %dma_wait3A_132] : memref<320000x128xf32, #tpu.memory_space<hbm>> -> memref<128x128xf32, #tpu.memory_space<hbm>>
    %dma_wait3A_134 = arith.constant 0 : i32
    %dma_wait3A_135 = tpu.memref_slice %arg7[%add3A_131, %dma_wait3A_134] : memref<320000x128xf32, #tpu.memory_space<hbm>> -> memref<128x128xf32, #tpu.memory_space<hbm>>
    tpu.wait_dma2 semaphore(%arg37 : memref<!tpu.dma_semaphore, #tpu.memory_space<semaphore_mem>>) src(%arg16 : memref<128x128xf32, #tpu.memory_space<vmem>>) dst(%dma_wait3A_135 : memref<128x128xf32, #tpu.memory_space<hbm>>)
    %dma_wait3A_136 = tpu.memref_slice %arg8[%add3A_131] : memref<320000xf32, #tpu.memory_space<hbm>> -> memref<128xf32, #tpu.memory_space<hbm>>
    %dma_wait3A_137 = tpu.memref_slice %arg8[%add3A_131] : memref<320000xf32, #tpu.memory_space<hbm>> -> memref<128xf32, #tpu.memory_space<hbm>>
    tpu.wait_dma2 semaphore(%arg37 : memref<!tpu.dma_semaphore, #tpu.memory_space<semaphore_mem>>) src(%arg19 : memref<128xf32, #tpu.memory_space<vmem>>) dst(%dma_wait3A_137 : memref<128xf32, #tpu.memory_space<hbm>>)
    %dma_wait3A_138 = tpu.memref_slice %arg9[%add3A_131] : memref<320000xf32, #tpu.memory_space<hbm>> -> memref<128xf32, #tpu.memory_space<hbm>>
    %dma_wait3A_139 = tpu.memref_slice %arg9[%add3A_131] : memref<320000xf32, #tpu.memory_space<hbm>> -> memref<128xf32, #tpu.memory_space<hbm>>
    tpu.wait_dma2 semaphore(%arg37 : memref<!tpu.dma_semaphore, #tpu.memory_space<semaphore_mem>>) src(%arg22 : memref<128xf32, #tpu.memory_space<vmem>>) dst(%dma_wait3A_139 : memref<128xf32, #tpu.memory_space<hbm>>)
    %dma_wait3A_140 = tpu.memref_slice %arg10[%add3A_131] : memref<320000xf32, #tpu.memory_space<hbm>> -> memref<128xf32, #tpu.memory_space<hbm>>
    %dma_wait3A_141 = tpu.memref_slice %arg10[%add3A_131] : memref<320000xf32, #tpu.memory_space<hbm>> -> memref<128xf32, #tpu.memory_space<hbm>>
    tpu.wait_dma2 semaphore(%arg37 : memref<!tpu.dma_semaphore, #tpu.memory_space<semaphore_mem>>) src(%arg25 : memref<128xf32, #tpu.memory_space<vmem>>) dst(%dma_wait3A_141 : memref<128xf32, #tpu.memory_space<hbm>>)
    %add3A_142 = arith.constant 9984 : i32
    %add3A_143 = arith.addi %mul3A_2, %add3A_142 : i32
    "tpu.region"() ({
      %run_scoped3A = tpu.sem_alloc : memref<!tpu.dma_semaphore, #tpu.memory_space<semaphore_mem>>
      %dma_start3A_179 = arith.constant 0 : i32
      %dma_start3A_180 = tpu.memref_slice %arg11[%dma_start3A_179] : memref<128xi32, #tpu.memory_space<vmem>> -> memref<16xi32, #tpu.memory_space<vmem>>
      %dma_start3A_181 = tpu.memref_slice %arg6[%add3A_143] : memref<320000xi32, #tpu.memory_space<hbm>> -> memref<16xi32, #tpu.memory_space<hbm>>
      %dma_start3A_182 = arith.constant 0 : i32
      %dma_start3A_183 = tpu.memref_slice %arg11[%dma_start3A_182] : memref<128xi32, #tpu.memory_space<vmem>> -> memref<16xi32, #tpu.memory_space<vmem>>
      %dma_start3A_184 = tpu.memref_slice %arg6[%add3A_143] : memref<320000xi32, #tpu.memory_space<hbm>> -> memref<16xi32, #tpu.memory_space<hbm>>
      tpu.enqueue_dma source(%dma_start3A_184 : memref<16xi32, #tpu.memory_space<hbm>>) target(%dma_start3A_183 : memref<16xi32, #tpu.memory_space<vmem>>) target_semaphore(%run_scoped3A : memref<!tpu.dma_semaphore, #tpu.memory_space<semaphore_mem>>)
      %dma_wait3A_185 = arith.constant 0 : i32
      %dma_wait3A_186 = tpu.memref_slice %arg11[%dma_wait3A_185] : memref<128xi32, #tpu.memory_space<vmem>> -> memref<16xi32, #tpu.memory_space<vmem>>
      %dma_wait3A_187 = tpu.memref_slice %arg6[%add3A_143] : memref<320000xi32, #tpu.memory_space<hbm>> -> memref<16xi32, #tpu.memory_space<hbm>>
      %dma_wait3A_188 = arith.constant 0 : i32
      %dma_wait3A_189 = tpu.memref_slice %arg11[%dma_wait3A_188] : memref<128xi32, #tpu.memory_space<vmem>> -> memref<16xi32, #tpu.memory_space<vmem>>
      %dma_wait3A_190 = tpu.memref_slice %arg6[%add3A_143] : memref<320000xi32, #tpu.memory_space<hbm>> -> memref<16xi32, #tpu.memory_space<hbm>>
      tpu.wait_dma2 semaphore(%run_scoped3A : memref<!tpu.dma_semaphore, #tpu.memory_space<semaphore_mem>>) src(%dma_wait3A_190 : memref<16xi32, #tpu.memory_space<hbm>>) dst(%dma_wait3A_189 : memref<16xi32, #tpu.memory_space<vmem>>)
      tpu.yield
    }) : () -> ()
    %dma_start3A_144 = arith.constant 0 : i32
    %dma_start3A_145 = arith.constant 0 : i32
    %dma_start3A_146 = tpu.memref_slice %arg14[%dma_start3A_144, %dma_start3A_145] : memref<128x128xf32, #tpu.memory_space<vmem>> -> memref<16x128xf32, #tpu.memory_space<vmem>>
    %dma_start3A_147 = arith.constant 0 : i32
    %dma_start3A_148 = tpu.memref_slice %arg11[%dma_start3A_147] : memref<128xi32, #tpu.memory_space<vmem>> -> memref<16xi32, #tpu.memory_space<vmem>>
    %dma_start3A_149 = arith.constant 0 : i32
    %dma_start3A_150 = arith.constant 0 : i32
    %dma_start3A_151 = tpu.memref_slice %arg2[%dma_start3A_149, %dma_start3A_150] : memref<10000x128xf32, #tpu.memory_space<hbm>> -> memref<10000x128xf32, #tpu.memory_space<hbm>>
    tpu.enqueue_indirect_dma source(%dma_start3A_151 : memref<10000x128xf32, #tpu.memory_space<hbm>>) target(%dma_start3A_146 : memref<16x128xf32, #tpu.memory_space<vmem>>) offsets(%dma_start3A_148 : memref<16xi32, #tpu.memory_space<vmem>>) semaphore(%arg32 : memref<!tpu.dma_semaphore, #tpu.memory_space<semaphore_mem>>)
    %dma_wait3A_152 = arith.constant 0 : i32
    %dma_wait3A_153 = arith.constant 0 : i32
    %dma_wait3A_154 = tpu.memref_slice %arg14[%dma_wait3A_152, %dma_wait3A_153] : memref<128x128xf32, #tpu.memory_space<vmem>> -> memref<16x128xf32, #tpu.memory_space<vmem>>
    %dma_wait3A_155 = arith.constant 0 : i32
    %dma_wait3A_156 = tpu.memref_slice %arg11[%dma_wait3A_155] : memref<128xi32, #tpu.memory_space<vmem>> -> memref<16xi32, #tpu.memory_space<vmem>>
    %dma_wait3A_157 = arith.constant 0 : i32
    %dma_wait3A_158 = arith.constant 0 : i32
    %dma_wait3A_159 = tpu.memref_slice %arg2[%dma_wait3A_157, %dma_wait3A_158] : memref<10000x128xf32, #tpu.memory_space<hbm>> -> memref<10000x128xf32, #tpu.memory_space<hbm>>
    tpu.wait_indirect_dma semaphore(%arg32 : memref<!tpu.dma_semaphore, #tpu.memory_space<semaphore_mem>>) src(%dma_wait3A_159 : memref<10000x128xf32, #tpu.memory_space<hbm>>) dst(%dma_wait3A_154 : memref<16x128xf32, #tpu.memory_space<vmem>>)
    %scan3A_160 = arith.constant 0 : i32
    %scan3A_161 = arith.constant 0 : i32
    %mul3A_162 = arith.constant 16 : i32
    %mul3A_163 = arith.muli %scan3A_161, %mul3A_162 : i32
    %get3A = arith.index_cast %mul3A_163 : i32 to index
    %get3A_164 = tpu.vector_load %arg11[%get3A] {strides = array<i32>} : memref<128xi32, #tpu.memory_space<vmem>>, vector<16xi32>,
    %gather3A = tpu.vector_load_idx %arg26[%get3A_164] : memref<10000xf32, #tpu.memory_space<vmem>>[vector<16xi32>], vector<16xf32>,
    %mul3A_165 = arith.constant 16 : i32
    %mul3A_166 = arith.muli %scan3A_161, %mul3A_165 : i32
    %swap3A = arith.index_cast %mul3A_166 : i32 to index
    %swap3A_167 = tpu.vector_load %arg17[%swap3A] {strides = array<i32>} : memref<128xf32, #tpu.memory_space<vmem>>, vector<16xf32>,
    tpu.vector_store %arg17[%swap3A], %gather3A {strides = array<i32>} : memref<128xf32, #tpu.memory_space<vmem>>, vector<16xf32>,
    %gather3A_168 = tpu.vector_load_idx %arg27[%get3A_164] : memref<10000xf32, #tpu.memory_space<vmem>>[vector<16xi32>], vector<16xf32>,
    %mul3A_169 = arith.constant 16 : i32
    %mul3A_170 = arith.muli %scan3A_161, %mul3A_169 : i32
    %swap3A_171 = arith.index_cast %mul3A_170 : i32 to index
    %swap3A_172 = tpu.vector_load %arg20[%swap3A_171] {strides = array<i32>} : memref<128xf32, #tpu.memory_space<vmem>>, vector<16xf32>,
    tpu.vector_store %arg20[%swap3A_171], %gather3A_168 {strides = array<i32>} : memref<128xf32, #tpu.memory_space<vmem>>, vector<16xf32>,
    %gather3A_173 = tpu.vector_load_idx %arg28[%get3A_164] : memref<10000xf32, #tpu.memory_space<vmem>>[vector<16xi32>], vector<16xf32>,
    %mul3A_174 = arith.constant 16 : i32
    %mul3A_175 = arith.muli %scan3A_161, %mul3A_174 : i32
    %swap3A_176 = arith.index_cast %mul3A_175 : i32 to index
    %swap3A_177 = tpu.vector_load %arg23[%swap3A_176] {strides = array<i32>} : memref<128xf32, #tpu.memory_space<vmem>>, vector<16xf32>,
    tpu.vector_store %arg23[%swap3A_176], %gather3A_173 {strides = array<i32>} : memref<128xf32, #tpu.memory_space<vmem>>, vector<16xf32>,
    %scan3A_178 = arith.constant 1 : i32
    "tpu.region"() ({
      %run_scoped3A = tpu.sem_alloc : memref<!tpu.dma_semaphore, #tpu.memory_space<semaphore_mem>>
      %dma_start3A_179 = arith.constant 0 : i32
      %dma_start3A_180 = arith.constant 0 : i32
      %dma_start3A_181 = tpu.memref_slice %arg14[%dma_start3A_179, %dma_start3A_180] : memref<128x128xf32, #tpu.memory_space<vmem>> -> memref<16x128xf32, #tpu.memory_space<vmem>>
      %dma_start3A_182 = arith.constant 0 : i32
      %dma_start3A_183 = tpu.memref_slice %arg7[%add3A_143, %dma_start3A_182] : memref<320000x128xf32, #tpu.memory_space<hbm>> -> memref<16x128xf32, #tpu.memory_space<hbm>>
      %dma_start3A_184 = arith.constant 0 : i32
      %dma_start3A_185 = tpu.memref_slice %arg7[%add3A_143, %dma_start3A_184] : memref<320000x128xf32, #tpu.memory_space<hbm>> -> memref<16x128xf32, #tpu.memory_space<hbm>>
      %dma_start3A_186 = arith.constant 0 : i32
      %dma_start3A_187 = arith.constant 0 : i32
      %dma_start3A_188 = tpu.memref_slice %arg14[%dma_start3A_186, %dma_start3A_187] : memref<128x128xf32, #tpu.memory_space<vmem>> -> memref<16x128xf32, #tpu.memory_space<vmem>>
      tpu.enqueue_dma source(%dma_start3A_188 : memref<16x128xf32, #tpu.memory_space<vmem>>) target(%dma_start3A_185 : memref<16x128xf32, #tpu.memory_space<hbm>>) target_semaphore(%run_scoped3A : memref<!tpu.dma_semaphore, #tpu.memory_space<semaphore_mem>>)
      %dma_wait3A_189 = arith.constant 0 : i32
      %dma_wait3A_190 = arith.constant 0 : i32
      %dma_wait3A_191 = tpu.memref_slice %arg14[%dma_wait3A_189, %dma_wait3A_190] : memref<128x128xf32, #tpu.memory_space<vmem>> -> memref<16x128xf32, #tpu.memory_space<vmem>>
      %dma_wait3A_192 = arith.constant 0 : i32
      %dma_wait3A_193 = tpu.memref_slice %arg7[%add3A_143, %dma_wait3A_192] : memref<320000x128xf32, #tpu.memory_space<hbm>> -> memref<16x128xf32, #tpu.memory_space<hbm>>
      %dma_wait3A_194 = arith.constant 0 : i32
      %dma_wait3A_195 = tpu.memref_slice %arg7[%add3A_143, %dma_wait3A_194] : memref<320000x128xf32, #tpu.memory_space<hbm>> -> memref<16x128xf32, #tpu.memory_space<hbm>>
      %dma_wait3A_196 = arith.constant 0 : i32
      %dma_wait3A_197 = arith.constant 0 : i32
      %dma_wait3A_198 = tpu.memref_slice %arg14[%dma_wait3A_196, %dma_wait3A_197] : memref<128x128xf32, #tpu.memory_space<vmem>> -> memref<16x128xf32, #tpu.memory_space<vmem>>
      tpu.wait_dma2 semaphore(%run_scoped3A : memref<!tpu.dma_semaphore, #tpu.memory_space<semaphore_mem>>) src(%dma_wait3A_198 : memref<16x128xf32, #tpu.memory_space<vmem>>) dst(%dma_wait3A_195 : memref<16x128xf32, #tpu.memory_space<hbm>>)
      tpu.yield
    }) : () -> ()
    "tpu.region"() ({
      %run_scoped3A = tpu.sem_alloc : memref<!tpu.dma_semaphore, #tpu.memory_space<semaphore_mem>>
      %dma_start3A_179 = arith.constant 0 : i32
      %dma_start3A_180 = tpu.memref_slice %arg17[%dma_start3A_179] : memref<128xf32, #tpu.memory_space<vmem>> -> memref<16xf32, #tpu.memory_space<vmem>>
      %dma_start3A_181 = tpu.memref_slice %arg8[%add3A_143] : memref<320000xf32, #tpu.memory_space<hbm>> -> memref<16xf32, #tpu.memory_space<hbm>>
      %dma_start3A_182 = tpu.memref_slice %arg8[%add3A_143] : memref<320000xf32, #tpu.memory_space<hbm>> -> memref<16xf32, #tpu.memory_space<hbm>>
      %dma_start3A_183 = arith.constant 0 : i32
      %dma_start3A_184 = tpu.memref_slice %arg17[%dma_start3A_183] : memref<128xf32, #tpu.memory_space<vmem>> -> memref<16xf32, #tpu.memory_space<vmem>>
      tpu.enqueue_dma source(%dma_start3A_184 : memref<16xf32, #tpu.memory_space<vmem>>) target(%dma_start3A_182 : memref<16xf32, #tpu.memory_space<hbm>>) target_semaphore(%run_scoped3A : memref<!tpu.dma_semaphore, #tpu.memory_space<semaphore_mem>>)
      %dma_wait3A_185 = arith.constant 0 : i32
      %dma_wait3A_186 = tpu.memref_slice %arg17[%dma_wait3A_185] : memref<128xf32, #tpu.memory_space<vmem>> -> memref<16xf32, #tpu.memory_space<vmem>>
      %dma_wait3A_187 = tpu.memref_slice %arg8[%add3A_143] : memref<320000xf32, #tpu.memory_space<hbm>> -> memref<16xf32, #tpu.memory_space<hbm>>
      %dma_wait3A_188 = tpu.memref_slice %arg8[%add3A_143] : memref<320000xf32, #tpu.memory_space<hbm>> -> memref<16xf32, #tpu.memory_space<hbm>>
      %dma_wait3A_189 = arith.constant 0 : i32
      %dma_wait3A_190 = tpu.memref_slice %arg17[%dma_wait3A_189] : memref<128xf32, #tpu.memory_space<vmem>> -> memref<16xf32, #tpu.memory_space<vmem>>
      tpu.wait_dma2 semaphore(%run_scoped3A : memref<!tpu.dma_semaphore, #tpu.memory_space<semaphore_mem>>) src(%dma_wait3A_190 : memref<16xf32, #tpu.memory_space<vmem>>) dst(%dma_wait3A_188 : memref<16xf32, #tpu.memory_space<hbm>>)
      tpu.yield
    }) : () -> ()
    "tpu.region"() ({
      %run_scoped3A = tpu.sem_alloc : memref<!tpu.dma_semaphore, #tpu.memory_space<semaphore_mem>>
      %dma_start3A_179 = arith.constant 0 : i32
      %dma_start3A_180 = tpu.memref_slice %arg20[%dma_start3A_179] : memref<128xf32, #tpu.memory_space<vmem>> -> memref<16xf32, #tpu.memory_space<vmem>>
      %dma_start3A_181 = tpu.memref_slice %arg9[%add3A_143] : memref<320000xf32, #tpu.memory_space<hbm>> -> memref<16xf32, #tpu.memory_space<hbm>>
      %dma_start3A_182 = tpu.memref_slice %arg9[%add3A_143] : memref<320000xf32, #tpu.memory_space<hbm>> -> memref<16xf32, #tpu.memory_space<hbm>>
      %dma_start3A_183 = arith.constant 0 : i32
      %dma_start3A_184 = tpu.memref_slice %arg20[%dma_start3A_183] : memref<128xf32, #tpu.memory_space<vmem>> -> memref<16xf32, #tpu.memory_space<vmem>>
      tpu.enqueue_dma source(%dma_start3A_184 : memref<16xf32, #tpu.memory_space<vmem>>) target(%dma_start3A_182 : memref<16xf32, #tpu.memory_space<hbm>>) target_semaphore(%run_scoped3A : memref<!tpu.dma_semaphore, #tpu.memory_space<semaphore_mem>>)
      %dma_wait3A_185 = arith.constant 0 : i32
      %dma_wait3A_186 = tpu.memref_slice %arg20[%dma_wait3A_185] : memref<128xf32, #tpu.memory_space<vmem>> -> memref<16xf32, #tpu.memory_space<vmem>>
      %dma_wait3A_187 = tpu.memref_slice %arg9[%add3A_143] : memref<320000xf32, #tpu.memory_space<hbm>> -> memref<16xf32, #tpu.memory_space<hbm>>
      %dma_wait3A_188 = tpu.memref_slice %arg9[%add3A_143] : memref<320000xf32, #tpu.memory_space<hbm>> -> memref<16xf32, #tpu.memory_space<hbm>>
      %dma_wait3A_189 = arith.constant 0 : i32
      %dma_wait3A_190 = tpu.memref_slice %arg20[%dma_wait3A_189] : memref<128xf32, #tpu.memory_space<vmem>> -> memref<16xf32, #tpu.memory_space<vmem>>
      tpu.wait_dma2 semaphore(%run_scoped3A : memref<!tpu.dma_semaphore, #tpu.memory_space<semaphore_mem>>) src(%dma_wait3A_190 : memref<16xf32, #tpu.memory_space<vmem>>) dst(%dma_wait3A_188 : memref<16xf32, #tpu.memory_space<hbm>>)
      tpu.yield
    }) : () -> ()
    "tpu.region"() ({
      %run_scoped3A = tpu.sem_alloc : memref<!tpu.dma_semaphore, #tpu.memory_space<semaphore_mem>>
      %dma_start3A_179 = arith.constant 0 : i32
      %dma_start3A_180 = tpu.memref_slice %arg23[%dma_start3A_179] : memref<128xf32, #tpu.memory_space<vmem>> -> memref<16xf32, #tpu.memory_space<vmem>>
      %dma_start3A_181 = tpu.memref_slice %arg10[%add3A_143] : memref<320000xf32, #tpu.memory_space<hbm>> -> memref<16xf32, #tpu.memory_space<hbm>>
      %dma_start3A_182 = tpu.memref_slice %arg10[%add3A_143] : memref<320000xf32, #tpu.memory_space<hbm>> -> memref<16xf32, #tpu.memory_space<hbm>>
      %dma_start3A_183 = arith.constant 0 : i32
      %dma_start3A_184 = tpu.memref_slice %arg23[%dma_start3A_183] : memref<128xf32, #tpu.memory_space<vmem>> -> memref<16xf32, #tpu.memory_space<vmem>>
      tpu.enqueue_dma source(%dma_start3A_184 : memref<16xf32, #tpu.memory_space<vmem>>) target(%dma_start3A_182 : memref<16xf32, #tpu.memory_space<hbm>>) target_semaphore(%run_scoped3A : memref<!tpu.dma_semaphore, #tpu.memory_space<semaphore_mem>>)
      %dma_wait3A_185 = arith.constant 0 : i32
      %dma_wait3A_186 = tpu.memref_slice %arg23[%dma_wait3A_185] : memref<128xf32, #tpu.memory_space<vmem>> -> memref<16xf32, #tpu.memory_space<vmem>>
      %dma_wait3A_187 = tpu.memref_slice %arg10[%add3A_143] : memref<320000xf32, #tpu.memory_space<hbm>> -> memref<16xf32, #tpu.memory_space<hbm>>
      %dma_wait3A_188 = tpu.memref_slice %arg10[%add3A_143] : memref<320000xf32, #tpu.memory_space<hbm>> -> memref<16xf32, #tpu.memory_space<hbm>>
      %dma_wait3A_189 = arith.constant 0 : i32
      %dma_wait3A_190 = tpu.memref_slice %arg23[%dma_wait3A_189] : memref<128xf32, #tpu.memory_space<vmem>> -> memref<16xf32, #tpu.memory_space<vmem>>
      tpu.wait_dma2 semaphore(%run_scoped3A : memref<!tpu.dma_semaphore, #tpu.memory_space<semaphore_mem>>) src(%dma_wait3A_190 : memref<16xf32, #tpu.memory_space<vmem>>) dst(%dma_wait3A_188 : memref<16xf32, #tpu.memory_space<hbm>>)
      tpu.yield
    }) : () -> ()
    return
  }
}

module attributes {stable_mosaic.version = 14 : i64} {
  func.func @_tc_main_body(%arg0: i32, %arg1: memref<6400x128xf32, #tpu.memory_space<vmem>>, %arg2: memref<1x25x256xf32, #tpu.memory_space<vmem>>, %arg3: memref<1x25x256xf32, #tpu.memory_space<vmem>>, %arg4: memref<1x25x256xf32, #tpu.memory_space<vmem>>, %arg5: memref<1x25x256xf32, #tpu.memory_space<vmem>>, %arg6: memref<1x25x256xf32, #tpu.memory_space<vmem>>, %arg7: memref<1x25x256xf32, #tpu.memory_space<vmem>>, %arg8: memref<16x8xf32, #tpu.memory_space<vmem>>, %arg9: memref<15x128x128xf32, #tpu.memory_space<vmem>>, %arg10: memref<200x128xf32, #tpu.memory_space<vmem>>, %arg11: memref<8x128xf32, #tpu.memory_space<vmem>>, %arg12: memref<3000x128xf32, #tpu.memory_space<vmem>>) attributes {dimension_semantics = [#tpu.dimension_semantics<arbitrary>], iteration_bounds = array<i64: 50>, scalar_prefetch = 0 : i64, scratch_operands = 1 : i64, tpu.core_type = #tpu.core_type<tc>, window_params = [{transform_indices = @transform_0, window_bounds = array<i64: 6400, 128>}, {transform_indices = @transform_1, window_bounds = array<i64: 1, 25, 256>}, {transform_indices = @transform_2, window_bounds = array<i64: 1, 25, 256>}, {transform_indices = @transform_3, window_bounds = array<i64: 1, 25, 256>}, {transform_indices = @transform_4, window_bounds = array<i64: 1, 25, 256>}, {transform_indices = @transform_5, window_bounds = array<i64: 1, 25, 256>}, {transform_indices = @transform_6, window_bounds = array<i64: 1, 25, 256>}, {pipeline_mode = #tpu.pipeline_mode<synchronous>, transform_indices = @transform_7, window_bounds = array<i64: 16, 8>}, {pipeline_mode = #tpu.pipeline_mode<synchronous>, transform_indices = @transform_8, window_bounds = array<i64: 15, 128, 128>}, {transform_indices = @transform_9, window_bounds = array<i64: 200, 128>}, {pipeline_mode = #tpu.pipeline_mode<synchronous>, transform_indices = @transform_10, window_bounds = array<i64: 8, 128>}]} {
    %get3A = arith.constant 0 : index
    %get3A_0 = arith.constant 0 : index
    %get3A_1 = vector.load %arg8[%get3A, %get3A_0] : memref<16x8xf32, #tpu.memory_space<vmem>>, vector<16x1xf32>
    %broadcast_in_dim3A = vector.shape_cast %get3A_1 : vector<16x1xf32> to vector<16x1xf32>
    %broadcast_in_dim3A_2 = vector.broadcast %broadcast_in_dim3A : vector<16x1xf32> to vector<16x256xf32>
    %get3A_3 = arith.constant 0 : index
    %get3A_4 = arith.constant 1 : index
    %get3A_5 = vector.load %arg8[%get3A_3, %get3A_4] : memref<16x8xf32, #tpu.memory_space<vmem>>, vector<16x1xf32>
    %broadcast_in_dim3A_6 = vector.shape_cast %get3A_5 : vector<16x1xf32> to vector<16x1xf32>
    %broadcast_in_dim3A_7 = vector.broadcast %broadcast_in_dim3A_6 : vector<16x1xf32> to vector<16x256xf32>
    %get3A_8 = arith.constant 0 : index
    %get3A_9 = arith.constant 2 : index
    %get3A_10 = vector.load %arg8[%get3A_8, %get3A_9] : memref<16x8xf32, #tpu.memory_space<vmem>>, vector<16x1xf32>
    %broadcast_in_dim3A_11 = vector.shape_cast %get3A_10 : vector<16x1xf32> to vector<16x1xf32>
    %broadcast_in_dim3A_12 = vector.broadcast %broadcast_in_dim3A_11 : vector<16x1xf32> to vector<16x256xf32>
    %iota3A = tpu.iota {dimensions = array<i32: 0>} : vector<128x256xi32>
    %iota3A_13 = tpu.iota {dimensions = array<i32: 1>} : vector<128x256xi32>
    %jit3A = arith.constant 8 : i32
    %eq3A = arith.constant 0 : i32
    %eq3A_14 = arith.cmpi eq, %jit3A, %eq3A : i32
    %jit3A_15 = arith.constant 1 : i32
    %select_n3A = arith.select %eq3A_14, %jit3A_15, %jit3A : i32
    %rem3A = vector.broadcast %select_n3A : i32 to vector<128x256xi32>
    %rem3A_16 = arith.remsi %iota3A, %rem3A : vector<128x256xi32>
    %ne3A = arith.constant 0 : i32
    %ne3A_17 = vector.broadcast %ne3A : i32 to vector<128x256xi32>
    %ne3A_18 = arith.cmpi ne, %rem3A_16, %ne3A_17 : vector<128x256xi32>
    %lt3A = arith.constant 0 : i32
    %lt3A_19 = vector.broadcast %lt3A : i32 to vector<128x256xi32>
    %lt3A_20 = arith.cmpi slt, %rem3A_16, %lt3A_19 : vector<128x256xi32>
    %lt3A_21 = arith.constant 0 : i32
    %lt3A_22 = arith.cmpi slt, %select_n3A, %lt3A_21 : i32
    %ne3A_23 = vector.broadcast %lt3A_22 : i1 to vector<128x256xi1>
    %ne3A_24 = vector.broadcast %ne3A_23 : vector<128x256xi1> to vector<128x256xi1>
    %ne3A_25 = arith.xori %lt3A_20, %ne3A_24 : vector<128x256xi1>
    %and3A = arith.andi %ne3A_25, %ne3A_18 : vector<128x256xi1>
    %add3A = vector.broadcast %select_n3A : i32 to vector<128x256xi32>
    %add3A_26 = arith.addi %rem3A_16, %add3A : vector<128x256xi32>
    %select_n3A_27 = arith.select %and3A, %add3A_26, %rem3A_16 : vector<128x256xi1>, vector<128x256xi32>
    %jit3A_28 = arith.constant 32 : i32
    %div3A = vector.broadcast %jit3A_28 : i32 to vector<128x256xi32>
    %div3A_29 = arith.divsi %iota3A_13, %div3A : vector<128x256xi32>
    %sign3A = arith.constant 0 : i32
    %sign3A_30 = vector.broadcast %sign3A : i32 to vector<128x256xi32>
    %sign3A_31 = arith.cmpi sgt, %iota3A_13, %sign3A_30 : vector<128x256xi32>
    %sign3A_32 = arith.extui %sign3A_31 : vector<128x256xi1> to vector<128x256xi32>
    %sign3A_33 = arith.constant 0 : i32
    %sign3A_34 = vector.broadcast %sign3A_33 : i32 to vector<128x256xi32>
    %sign3A_35 = arith.cmpi slt, %iota3A_13, %sign3A_34 : vector<128x256xi32>
    %sign3A_36 = arith.extui %sign3A_35 : vector<128x256xi1> to vector<128x256xi32>
    %sign3A_37 = arith.subi %sign3A_32, %sign3A_36 : vector<128x256xi32>
    %sign3A_38 = arith.constant 0 : i32
    %sign3A_39 = arith.cmpi sgt, %jit3A_28, %sign3A_38 : i32
    %sign3A_40 = arith.extui %sign3A_39 : i1 to i32
    %sign3A_41 = arith.constant 0 : i32
    %sign3A_42 = arith.cmpi slt, %jit3A_28, %sign3A_41 : i32
    %sign3A_43 = arith.extui %sign3A_42 : i1 to i32
    %sign3A_44 = arith.subi %sign3A_40, %sign3A_43 : i32
    %ne3A_45 = vector.broadcast %sign3A_44 : i32 to vector<128x256xi32>
    %ne3A_46 = arith.cmpi ne, %sign3A_37, %ne3A_45 : vector<128x256xi32>
    %rem3A_47 = vector.broadcast %jit3A_28 : i32 to vector<128x256xi32>
    %rem3A_48 = arith.remsi %iota3A_13, %rem3A_47 : vector<128x256xi32>
    %ne3A_49 = arith.constant 0 : i32
    %ne3A_50 = vector.broadcast %ne3A_49 : i32 to vector<128x256xi32>
    %ne3A_51 = arith.cmpi ne, %rem3A_48, %ne3A_50 : vector<128x256xi32>
    %and3A_52 = arith.andi %ne3A_46, %ne3A_51 : vector<128x256xi1>
    %sub3A = arith.constant 1 : i32
    %sub3A_53 = vector.broadcast %sub3A : i32 to vector<128x256xi32>
    %sub3A_54 = arith.subi %div3A_29, %sub3A_53 : vector<128x256xi32>
    %select_n3A_55 = arith.select %and3A_52, %sub3A_54, %div3A_29 : vector<128x256xi1>, vector<128x256xi32>
    %eq3A_56 = arith.cmpi eq, %select_n3A_27, %select_n3A_55 : vector<128x256xi32>
    %convert_element_type3A = arith.extui %eq3A_56 : vector<128x256xi1> to vector<128x256xi32>
    %convert_element_type3A_57 = arith.sitofp %convert_element_type3A : vector<128x256xi32> to vector<128x256xf32>
    %get3A_58 = arith.constant 0 : index
    %get3A_59 = arith.constant 0 : index
    %get3A_60 = arith.constant 0 : index
    %get3A_61 = vector.load %arg2[%get3A_58, %get3A_59, %get3A_60] : memref<1x25x256xf32, #tpu.memory_space<vmem>>, vector<1x1x256xf32>
    %get3A_62 = vector.shape_cast %get3A_61 : vector<1x1x256xf32> to vector<1x256xf32>
    %get3A_63 = arith.constant 0 : index
    %get3A_64 = arith.constant 0 : index
    %get3A_65 = arith.constant 0 : index
    %get3A_66 = vector.load %arg5[%get3A_63, %get3A_64, %get3A_65] : memref<1x25x256xf32, #tpu.memory_space<vmem>>, vector<1x1x256xf32>
    %get3A_67 = vector.shape_cast %get3A_66 : vector<1x1x256xf32> to vector<1x256xf32>
    %sub3A_68 = arith.subf %get3A_62, %get3A_67 : vector<1x256xf32>
    %get3A_69 = arith.constant 0 : index
    %get3A_70 = arith.constant 0 : index
    %get3A_71 = arith.constant 0 : index
    %get3A_72 = vector.load %arg3[%get3A_69, %get3A_70, %get3A_71] : memref<1x25x256xf32, #tpu.memory_space<vmem>>, vector<1x1x256xf32>
    %get3A_73 = vector.shape_cast %get3A_72 : vector<1x1x256xf32> to vector<1x256xf32>
    %get3A_74 = arith.constant 0 : index
    %get3A_75 = arith.constant 0 : index
    %get3A_76 = arith.constant 0 : index
    %get3A_77 = vector.load %arg6[%get3A_74, %get3A_75, %get3A_76] : memref<1x25x256xf32, #tpu.memory_space<vmem>>, vector<1x1x256xf32>
    %get3A_78 = vector.shape_cast %get3A_77 : vector<1x1x256xf32> to vector<1x256xf32>
    %sub3A_79 = arith.subf %get3A_73, %get3A_78 : vector<1x256xf32>
    %get3A_80 = arith.constant 0 : index
    %get3A_81 = arith.constant 0 : index
    %get3A_82 = arith.constant 0 : index
    %get3A_83 = vector.load %arg4[%get3A_80, %get3A_81, %get3A_82] : memref<1x25x256xf32, #tpu.memory_space<vmem>>, vector<1x1x256xf32>
    %get3A_84 = vector.shape_cast %get3A_83 : vector<1x1x256xf32> to vector<1x256xf32>
    %get3A_85 = arith.constant 0 : index
    %get3A_86 = arith.constant 0 : index
    %get3A_87 = arith.constant 0 : index
    %get3A_88 = vector.load %arg7[%get3A_85, %get3A_86, %get3A_87] : memref<1x25x256xf32, #tpu.memory_space<vmem>>, vector<1x1x256xf32>
    %get3A_89 = vector.shape_cast %get3A_88 : vector<1x1x256xf32> to vector<1x256xf32>
    %sub3A_90 = arith.subf %get3A_84, %get3A_89 : vector<1x256xf32>
    %broadcast_in_dim3A_91 = vector.shape_cast %sub3A_68 : vector<1x256xf32> to vector<1x256xf32>
    %broadcast_in_dim3A_92 = vector.broadcast %broadcast_in_dim3A_91 : vector<1x256xf32> to vector<16x256xf32>
    %sub3A_93 = arith.subf %broadcast_in_dim3A_92, %broadcast_in_dim3A_2 : vector<16x256xf32>
    %broadcast_in_dim3A_94 = vector.shape_cast %sub3A_79 : vector<1x256xf32> to vector<1x256xf32>
    %broadcast_in_dim3A_95 = vector.broadcast %broadcast_in_dim3A_94 : vector<1x256xf32> to vector<16x256xf32>
    %sub3A_96 = arith.subf %broadcast_in_dim3A_95, %broadcast_in_dim3A_7 : vector<16x256xf32>
    %broadcast_in_dim3A_97 = vector.shape_cast %sub3A_90 : vector<1x256xf32> to vector<1x256xf32>
    %broadcast_in_dim3A_98 = vector.broadcast %broadcast_in_dim3A_97 : vector<1x256xf32> to vector<16x256xf32>
    %sub3A_99 = arith.subf %broadcast_in_dim3A_98, %broadcast_in_dim3A_12 : vector<16x256xf32>
    %mul3A = arith.mulf %sub3A_93, %sub3A_93 : vector<16x256xf32>
    %mul3A_100 = arith.mulf %sub3A_96, %sub3A_96 : vector<16x256xf32>
    %add3A_101 = arith.addf %mul3A, %mul3A_100 : vector<16x256xf32>
    %mul3A_102 = arith.mulf %sub3A_99, %sub3A_99 : vector<16x256xf32>
    %add3A_103 = arith.addf %add3A_101, %mul3A_102 : vector<16x256xf32>
    %add3A_104 = arith.constant 9.99999996E-13 : f32
    %add3A_105 = vector.broadcast %add3A_104 : f32 to vector<16x256xf32>
    %add3A_106 = arith.addf %add3A_103, %add3A_105 : vector<16x256xf32>
    %rsqrt3A = math.rsqrt %add3A_106 : vector<16x256xf32>
    %mul3A_107 = arith.mulf %add3A_103, %rsqrt3A : vector<16x256xf32>
    %mul3A_108 = arith.constant 5.000000e-01 : f32
    %mul3A_109 = vector.broadcast %mul3A_108 : f32 to vector<16x256xf32>
    %mul3A_110 = arith.mulf %mul3A_107, %mul3A_109 : vector<16x256xf32>
    %sub3A_111 = arith.constant 1.000000e+00 : f32
    %sub3A_112 = vector.broadcast %sub3A_111 : f32 to vector<16x256xf32>
    %sub3A_113 = arith.subf %sub3A_112, %mul3A_110 : vector<16x256xf32>
    %max3A = arith.constant 0.000000e+00 : f32
    %max3A_114 = vector.broadcast %max3A : f32 to vector<16x256xf32>
    %max3A_115 = arith.maximumf %sub3A_113, %max3A_114 : vector<16x256xf32>
    %reshape3A = vector.shape_cast %max3A_115 : vector<16x256xf32> to vector<16x1x256xf32>
    %broadcast_in_dim3A_116 = vector.shape_cast %reshape3A : vector<16x1x256xf32> to vector<16x1x256xf32>
    %broadcast_in_dim3A_117 = vector.broadcast %broadcast_in_dim3A_116 : vector<16x1x256xf32> to vector<16x8x256xf32>
    %reshape3A_118 = vector.shape_cast %broadcast_in_dim3A_117 : vector<16x8x256xf32> to vector<128x256xf32>
    %mul3A_119 = arith.mulf %reshape3A_118, %convert_element_type3A_57 : vector<128x256xf32>
    %get3A_120 = arith.constant 0 : index
    %get3A_121 = arith.constant 0 : index
    %get3A_122 = vector.load %arg1[%get3A_120, %get3A_121] : memref<6400x128xf32, #tpu.memory_space<vmem>>, vector<256x128xf32>
    %dot_general3A = arith.constant dense<0.000000e+00> : vector<128x128xf32>
    %dot_general3A_123 = tpu.matmul %mul3A_119, %get3A_122, %dot_general3A {dimension_numbers = #tpu.dot_dimension_numbers<[1], [0], [0], [1], [0, 0, 1, 1], [], []>, transpose_lhs_hint = false} : vector<128x256xf32>, vector<256x128xf32>, vector<128x128xf32> -> vector<128x128xf32>
    %slice3A = vector.extract_strided_slice %dot_general3A_123 {offsets = [0, 0], sizes = [8, 128], strides = [1, 1]} : vector<128x128xf32> to vector<8x128xf32>
    %swap3A = arith.constant 0 : index
    %swap3A_124 = arith.constant 0 : index
    %swap3A_125 = vector.load %arg12[%swap3A, %swap3A_124] : memref<3000x128xf32, #tpu.memory_space<vmem>>, vector<8x128xf32>
    tpu.vector_store %arg12[%swap3A, %swap3A_124], %slice3A {strides = array<i32>} : memref<3000x128xf32, #tpu.memory_space<vmem>>, vector<8x128xf32>,
    %slice3A_126 = vector.extract_strided_slice %dot_general3A_123 {offsets = [8, 0], sizes = [8, 128], strides = [1, 1]} : vector<128x128xf32> to vector<8x128xf32>
    %swap3A_127 = arith.constant 200 : index
    %swap3A_128 = arith.constant 0 : index
    %swap3A_129 = vector.load %arg12[%swap3A_127, %swap3A_128] : memref<3000x128xf32, #tpu.memory_space<vmem>>, vector<8x128xf32>
    tpu.vector_store %arg12[%swap3A_127, %swap3A_128], %slice3A_126 {strides = array<i32>} : memref<3000x128xf32, #tpu.memory_space<vmem>>, vector<8x128xf32>,
    %slice3A_130 = vector.extract_strided_slice %dot_general3A_123 {offsets = [16, 0], sizes = [8, 128], strides = [1, 1]} : vector<128x128xf32> to vector<8x128xf32>
    %swap3A_131 = arith.constant 400 : index
    %swap3A_132 = arith.constant 0 : index
    %swap3A_133 = vector.load %arg12[%swap3A_131, %swap3A_132] : memref<3000x128xf32, #tpu.memory_space<vmem>>, vector<8x128xf32>
    tpu.vector_store %arg12[%swap3A_131, %swap3A_132], %slice3A_130 {strides = array<i32>} : memref<3000x128xf32, #tpu.memory_space<vmem>>, vector<8x128xf32>,
    %slice3A_134 = vector.extract_strided_slice %dot_general3A_123 {offsets = [24, 0], sizes = [8, 128], strides = [1, 1]} : vector<128x128xf32> to vector<8x128xf32>
    %swap3A_135 = arith.constant 600 : index
    %swap3A_136 = arith.constant 0 : index
    %swap3A_137 = vector.load %arg12[%swap3A_135, %swap3A_136] : memref<3000x128xf32, #tpu.memory_space<vmem>>, vector<8x128xf32>
    tpu.vector_store %arg12[%swap3A_135, %swap3A_136], %slice3A_134 {strides = array<i32>} : memref<3000x128xf32, #tpu.memory_space<vmem>>, vector<8x128xf32>,
    %slice3A_138 = vector.extract_strided_slice %dot_general3A_123 {offsets = [32, 0], sizes = [8, 128], strides = [1, 1]} : vector<128x128xf32> to vector<8x128xf32>
    %swap3A_139 = arith.constant 800 : index
    %swap3A_140 = arith.constant 0 : index
    %swap3A_141 = vector.load %arg12[%swap3A_139, %swap3A_140] : memref<3000x128xf32, #tpu.memory_space<vmem>>, vector<8x128xf32>
    tpu.vector_store %arg12[%swap3A_139, %swap3A_140], %slice3A_138 {strides = array<i32>} : memref<3000x128xf32, #tpu.memory_space<vmem>>, vector<8x128xf32>,
    %slice3A_142 = vector.extract_strided_slice %dot_general3A_123 {offsets = [40, 0], sizes = [8, 128], strides = [1, 1]} : vector<128x128xf32> to vector<8x128xf32>
    %swap3A_143 = arith.constant 1000 : index
    %swap3A_144 = arith.constant 0 : index
    %swap3A_145 = vector.load %arg12[%swap3A_143, %swap3A_144] : memref<3000x128xf32, #tpu.memory_space<vmem>>, vector<8x128xf32>
    tpu.vector_store %arg12[%swap3A_143, %swap3A_144], %slice3A_142 {strides = array<i32>} : memref<3000x128xf32, #tpu.memory_space<vmem>>, vector<8x128xf32>,
    %slice3A_146 = vector.extract_strided_slice %dot_general3A_123 {offsets = [48, 0], sizes = [8, 128], strides = [1, 1]} : vector<128x128xf32> to vector<8x128xf32>
    %swap3A_147 = arith.constant 1200 : index
    %swap3A_148 = arith.constant 0 : index
    %swap3A_149 = vector.load %arg12[%swap3A_147, %swap3A_148] : memref<3000x128xf32, #tpu.memory_space<vmem>>, vector<8x128xf32>
    tpu.vector_store %arg12[%swap3A_147, %swap3A_148], %slice3A_146 {strides = array<i32>} : memref<3000x128xf32, #tpu.memory_space<vmem>>, vector<8x128xf32>,
    %slice3A_150 = vector.extract_strided_slice %dot_general3A_123 {offsets = [56, 0], sizes = [8, 128], strides = [1, 1]} : vector<128x128xf32> to vector<8x128xf32>
    %swap3A_151 = arith.constant 1400 : index
    %swap3A_152 = arith.constant 0 : index
    %swap3A_153 = vector.load %arg12[%swap3A_151, %swap3A_152] : memref<3000x128xf32, #tpu.memory_space<vmem>>, vector<8x128xf32>
    tpu.vector_store %arg12[%swap3A_151, %swap3A_152], %slice3A_150 {strides = array<i32>} : memref<3000x128xf32, #tpu.memory_space<vmem>>, vector<8x128xf32>,
    %slice3A_154 = vector.extract_strided_slice %dot_general3A_123 {offsets = [64, 0], sizes = [8, 128], strides = [1, 1]} : vector<128x128xf32> to vector<8x128xf32>
    %swap3A_155 = arith.constant 1600 : index
    %swap3A_156 = arith.constant 0 : index
    %swap3A_157 = vector.load %arg12[%swap3A_155, %swap3A_156] : memref<3000x128xf32, #tpu.memory_space<vmem>>, vector<8x128xf32>
    tpu.vector_store %arg12[%swap3A_155, %swap3A_156], %slice3A_154 {strides = array<i32>} : memref<3000x128xf32, #tpu.memory_space<vmem>>, vector<8x128xf32>,
    %slice3A_158 = vector.extract_strided_slice %dot_general3A_123 {offsets = [72, 0], sizes = [8, 128], strides = [1, 1]} : vector<128x128xf32> to vector<8x128xf32>
    %swap3A_159 = arith.constant 1800 : index
    %swap3A_160 = arith.constant 0 : index
    %swap3A_161 = vector.load %arg12[%swap3A_159, %swap3A_160] : memref<3000x128xf32, #tpu.memory_space<vmem>>, vector<8x128xf32>
    tpu.vector_store %arg12[%swap3A_159, %swap3A_160], %slice3A_158 {strides = array<i32>} : memref<3000x128xf32, #tpu.memory_space<vmem>>, vector<8x128xf32>,
    %slice3A_162 = vector.extract_strided_slice %dot_general3A_123 {offsets = [80, 0], sizes = [8, 128], strides = [1, 1]} : vector<128x128xf32> to vector<8x128xf32>
    %swap3A_163 = arith.constant 2000 : index
    %swap3A_164 = arith.constant 0 : index
    %swap3A_165 = vector.load %arg12[%swap3A_163, %swap3A_164] : memref<3000x128xf32, #tpu.memory_space<vmem>>, vector<8x128xf32>
    tpu.vector_store %arg12[%swap3A_163, %swap3A_164], %slice3A_162 {strides = array<i32>} : memref<3000x128xf32, #tpu.memory_space<vmem>>, vector<8x128xf32>,
    %slice3A_166 = vector.extract_strided_slice %dot_general3A_123 {offsets = [88, 0], sizes = [8, 128], strides = [1, 1]} : vector<128x128xf32> to vector<8x128xf32>
    %swap3A_167 = arith.constant 2200 : index
    %swap3A_168 = arith.constant 0 : index
    %swap3A_169 = vector.load %arg12[%swap3A_167, %swap3A_168] : memref<3000x128xf32, #tpu.memory_space<vmem>>, vector<8x128xf32>
    tpu.vector_store %arg12[%swap3A_167, %swap3A_168], %slice3A_166 {strides = array<i32>} : memref<3000x128xf32, #tpu.memory_space<vmem>>, vector<8x128xf32>,
    %slice3A_170 = vector.extract_strided_slice %dot_general3A_123 {offsets = [96, 0], sizes = [8, 128], strides = [1, 1]} : vector<128x128xf32> to vector<8x128xf32>
    %swap3A_171 = arith.constant 2400 : index
    %swap3A_172 = arith.constant 0 : index
    %swap3A_173 = vector.load %arg12[%swap3A_171, %swap3A_172] : memref<3000x128xf32, #tpu.memory_space<vmem>>, vector<8x128xf32>
    tpu.vector_store %arg12[%swap3A_171, %swap3A_172], %slice3A_170 {strides = array<i32>} : memref<3000x128xf32, #tpu.memory_space<vmem>>, vector<8x128xf32>,
    %slice3A_174 = vector.extract_strided_slice %dot_general3A_123 {offsets = [104, 0], sizes = [8, 128], strides = [1, 1]} : vector<128x128xf32> to vector<8x128xf32>
    %swap3A_175 = arith.constant 2600 : index
    %swap3A_176 = arith.constant 0 : index
    %swap3A_177 = vector.load %arg12[%swap3A_175, %swap3A_176] : memref<3000x128xf32, #tpu.memory_space<vmem>>, vector<8x128xf32>
    tpu.vector_store %arg12[%swap3A_175, %swap3A_176], %slice3A_174 {strides = array<i32>} : memref<3000x128xf32, #tpu.memory_space<vmem>>, vector<8x128xf32>,
    %slice3A_178 = vector.extract_strided_slice %dot_general3A_123 {offsets = [112, 0], sizes = [8, 128], strides = [1, 1]} : vector<128x128xf32> to vector<8x128xf32>
    %swap3A_179 = arith.constant 2800 : index
    %swap3A_180 = arith.constant 0 : index
    %swap3A_181 = vector.load %arg12[%swap3A_179, %swap3A_180] : memref<3000x128xf32, #tpu.memory_space<vmem>>, vector<8x128xf32>
    tpu.vector_store %arg12[%swap3A_179, %swap3A_180], %slice3A_178 {strides = array<i32>} : memref<3000x128xf32, #tpu.memory_space<vmem>>, vector<8x128xf32>,
    %get3A_182 = arith.constant 0 : index
    %get3A_183 = arith.constant 1 : index
    %get3A_184 = arith.constant 0 : index
    %get3A_185 = vector.load %arg2[%get3A_182, %get3A_183, %get3A_184] : memref<1x25x256xf32, #tpu.memory_space<vmem>>, vector<1x1x256xf32>
    %get3A_186 = vector.shape_cast %get3A_185 : vector<1x1x256xf32> to vector<1x256xf32>
    %get3A_187 = arith.constant 0 : index
    %get3A_188 = arith.constant 1 : index
    %get3A_189 = arith.constant 0 : index
    %get3A_190 = vector.load %arg5[%get3A_187, %get3A_188, %get3A_189] : memref<1x25x256xf32, #tpu.memory_space<vmem>>, vector<1x1x256xf32>
    %get3A_191 = vector.shape_cast %get3A_190 : vector<1x1x256xf32> to vector<1x256xf32>
    %sub3A_192 = arith.subf %get3A_186, %get3A_191 : vector<1x256xf32>
    %get3A_193 = arith.constant 0 : index
    %get3A_194 = arith.constant 1 : index
    %get3A_195 = arith.constant 0 : index
    %get3A_196 = vector.load %arg3[%get3A_193, %get3A_194, %get3A_195] : memref<1x25x256xf32, #tpu.memory_space<vmem>>, vector<1x1x256xf32>
    %get3A_197 = vector.shape_cast %get3A_196 : vector<1x1x256xf32> to vector<1x256xf32>
    %get3A_198 = arith.constant 0 : index
    %get3A_199 = arith.constant 1 : index
    %get3A_200 = arith.constant 0 : index
    %get3A_201 = vector.load %arg6[%get3A_198, %get3A_199, %get3A_200] : memref<1x25x256xf32, #tpu.memory_space<vmem>>, vector<1x1x256xf32>
    %get3A_202 = vector.shape_cast %get3A_201 : vector<1x1x256xf32> to vector<1x256xf32>
    %sub3A_203 = arith.subf %get3A_197, %get3A_202 : vector<1x256xf32>
    %get3A_204 = arith.constant 0 : index
    %get3A_205 = arith.constant 1 : index
    %get3A_206 = arith.constant 0 : index
    %get3A_207 = vector.load %arg4[%get3A_204, %get3A_205, %get3A_206] : memref<1x25x256xf32, #tpu.memory_space<vmem>>, vector<1x1x256xf32>
    %get3A_208 = vector.shape_cast %get3A_207 : vector<1x1x256xf32> to vector<1x256xf32>
    %get3A_209 = arith.constant 0 : index
    %get3A_210 = arith.constant 1 : index
    %get3A_211 = arith.constant 0 : index
    %get3A_212 = vector.load %arg7[%get3A_209, %get3A_210, %get3A_211] : memref<1x25x256xf32, #tpu.memory_space<vmem>>, vector<1x1x256xf32>
    %get3A_213 = vector.shape_cast %get3A_212 : vector<1x1x256xf32> to vector<1x256xf32>
    %sub3A_214 = arith.subf %get3A_208, %get3A_213 : vector<1x256xf32>
    %broadcast_in_dim3A_215 = vector.shape_cast %sub3A_192 : vector<1x256xf32> to vector<1x256xf32>
    %broadcast_in_dim3A_216 = vector.broadcast %broadcast_in_dim3A_215 : vector<1x256xf32> to vector<16x256xf32>
    %sub3A_217 = arith.subf %broadcast_in_dim3A_216, %broadcast_in_dim3A_2 : vector<16x256xf32>
    %broadcast_in_dim3A_218 = vector.shape_cast %sub3A_203 : vector<1x256xf32> to vector<1x256xf32>
    %broadcast_in_dim3A_219 = vector.broadcast %broadcast_in_dim3A_218 : vector<1x256xf32> to vector<16x256xf32>
    %sub3A_220 = arith.subf %broadcast_in_dim3A_219, %broadcast_in_dim3A_7 : vector<16x256xf32>
    %broadcast_in_dim3A_221 = vector.shape_cast %sub3A_214 : vector<1x256xf32> to vector<1x256xf32>
    %broadcast_in_dim3A_222 = vector.broadcast %broadcast_in_dim3A_221 : vector<1x256xf32> to vector<16x256xf32>
    %sub3A_223 = arith.subf %broadcast_in_dim3A_222, %broadcast_in_dim3A_12 : vector<16x256xf32>
    %mul3A_224 = arith.mulf %sub3A_217, %sub3A_217 : vector<16x256xf32>
    %mul3A_225 = arith.mulf %sub3A_220, %sub3A_220 : vector<16x256xf32>
    %add3A_226 = arith.addf %mul3A_224, %mul3A_225 : vector<16x256xf32>
    %mul3A_227 = arith.mulf %sub3A_223, %sub3A_223 : vector<16x256xf32>
    %add3A_228 = arith.addf %add3A_226, %mul3A_227 : vector<16x256xf32>
    %add3A_229 = arith.constant 9.99999996E-13 : f32
    %add3A_230 = vector.broadcast %add3A_229 : f32 to vector<16x256xf32>
    %add3A_231 = arith.addf %add3A_228, %add3A_230 : vector<16x256xf32>
    %rsqrt3A_232 = math.rsqrt %add3A_231 : vector<16x256xf32>
    %mul3A_233 = arith.mulf %add3A_228, %rsqrt3A_232 : vector<16x256xf32>
    %mul3A_234 = arith.constant 5.000000e-01 : f32
    %mul3A_235 = vector.broadcast %mul3A_234 : f32 to vector<16x256xf32>
    %mul3A_236 = arith.mulf %mul3A_233, %mul3A_235 : vector<16x256xf32>
    %sub3A_237 = arith.constant 1.000000e+00 : f32
    %sub3A_238 = vector.broadcast %sub3A_237 : f32 to vector<16x256xf32>
    %sub3A_239 = arith.subf %sub3A_238, %mul3A_236 : vector<16x256xf32>
    %max3A_240 = arith.constant 0.000000e+00 : f32
    %max3A_241 = vector.broadcast %max3A_240 : f32 to vector<16x256xf32>
    %max3A_242 = arith.maximumf %sub3A_239, %max3A_241 : vector<16x256xf32>
    %reshape3A_243 = vector.shape_cast %max3A_242 : vector<16x256xf32> to vector<16x1x256xf32>
    %broadcast_in_dim3A_244 = vector.shape_cast %reshape3A_243 : vector<16x1x256xf32> to vector<16x1x256xf32>
    %broadcast_in_dim3A_245 = vector.broadcast %broadcast_in_dim3A_244 : vector<16x1x256xf32> to vector<16x8x256xf32>
    %reshape3A_246 = vector.shape_cast %broadcast_in_dim3A_245 : vector<16x8x256xf32> to vector<128x256xf32>
    %mul3A_247 = arith.mulf %reshape3A_246, %convert_element_type3A_57 : vector<128x256xf32>
    %get3A_248 = arith.constant 256 : index
    %get3A_249 = arith.constant 0 : index
    %get3A_250 = vector.load %arg1[%get3A_248, %get3A_249] : memref<6400x128xf32, #tpu.memory_space<vmem>>, vector<256x128xf32>
    %dot_general3A_251 = arith.constant dense<0.000000e+00> : vector<128x128xf32>
    %dot_general3A_252 = tpu.matmul %mul3A_247, %get3A_250, %dot_general3A_251 {dimension_numbers = #tpu.dot_dimension_numbers<[1], [0], [0], [1], [0, 0, 1, 1], [], []>, transpose_lhs_hint = false} : vector<128x256xf32>, vector<256x128xf32>, vector<128x128xf32> -> vector<128x128xf32>
    %slice3A_253 = vector.extract_strided_slice %dot_general3A_252 {offsets = [0, 0], sizes = [8, 128], strides = [1, 1]} : vector<128x128xf32> to vector<8x128xf32>
    %swap3A_254 = arith.constant 8 : index
    %swap3A_255 = arith.constant 0 : index
    %swap3A_256 = vector.load %arg12[%swap3A_254, %swap3A_255] : memref<3000x128xf32, #tpu.memory_space<vmem>>, vector<8x128xf32>
    tpu.vector_store %arg12[%swap3A_254, %swap3A_255], %slice3A_253 {strides = array<i32>} : memref<3000x128xf32, #tpu.memory_space<vmem>>, vector<8x128xf32>,
    %slice3A_257 = vector.extract_strided_slice %dot_general3A_252 {offsets = [8, 0], sizes = [8, 128], strides = [1, 1]} : vector<128x128xf32> to vector<8x128xf32>
    %swap3A_258 = arith.constant 208 : index
    %swap3A_259 = arith.constant 0 : index
    %swap3A_260 = vector.load %arg12[%swap3A_258, %swap3A_259] : memref<3000x128xf32, #tpu.memory_space<vmem>>, vector<8x128xf32>
    tpu.vector_store %arg12[%swap3A_258, %swap3A_259], %slice3A_257 {strides = array<i32>} : memref<3000x128xf32, #tpu.memory_space<vmem>>, vector<8x128xf32>,
    %slice3A_261 = vector.extract_strided_slice %dot_general3A_252 {offsets = [16, 0], sizes = [8, 128], strides = [1, 1]} : vector<128x128xf32> to vector<8x128xf32>
    %swap3A_262 = arith.constant 408 : index
    %swap3A_263 = arith.constant 0 : index
    %swap3A_264 = vector.load %arg12[%swap3A_262, %swap3A_263] : memref<3000x128xf32, #tpu.memory_space<vmem>>, vector<8x128xf32>
    tpu.vector_store %arg12[%swap3A_262, %swap3A_263], %slice3A_261 {strides = array<i32>} : memref<3000x128xf32, #tpu.memory_space<vmem>>, vector<8x128xf32>,
    %slice3A_265 = vector.extract_strided_slice %dot_general3A_252 {offsets = [24, 0], sizes = [8, 128], strides = [1, 1]} : vector<128x128xf32> to vector<8x128xf32>
    %swap3A_266 = arith.constant 608 : index
    %swap3A_267 = arith.constant 0 : index
    %swap3A_268 = vector.load %arg12[%swap3A_266, %swap3A_267] : memref<3000x128xf32, #tpu.memory_space<vmem>>, vector<8x128xf32>
    tpu.vector_store %arg12[%swap3A_266, %swap3A_267], %slice3A_265 {strides = array<i32>} : memref<3000x128xf32, #tpu.memory_space<vmem>>, vector<8x128xf32>,
    %slice3A_269 = vector.extract_strided_slice %dot_general3A_252 {offsets = [32, 0], sizes = [8, 128], strides = [1, 1]} : vector<128x128xf32> to vector<8x128xf32>
    %swap3A_270 = arith.constant 808 : index
    %swap3A_271 = arith.constant 0 : index
    %swap3A_272 = vector.load %arg12[%swap3A_270, %swap3A_271] : memref<3000x128xf32, #tpu.memory_space<vmem>>, vector<8x128xf32>
    tpu.vector_store %arg12[%swap3A_270, %swap3A_271], %slice3A_269 {strides = array<i32>} : memref<3000x128xf32, #tpu.memory_space<vmem>>, vector<8x128xf32>,
    %slice3A_273 = vector.extract_strided_slice %dot_general3A_252 {offsets = [40, 0], sizes = [8, 128], strides = [1, 1]} : vector<128x128xf32> to vector<8x128xf32>
    %swap3A_274 = arith.constant 1008 : index
    %swap3A_275 = arith.constant 0 : index
    %swap3A_276 = vector.load %arg12[%swap3A_274, %swap3A_275] : memref<3000x128xf32, #tpu.memory_space<vmem>>, vector<8x128xf32>
    tpu.vector_store %arg12[%swap3A_274, %swap3A_275], %slice3A_273 {strides = array<i32>} : memref<3000x128xf32, #tpu.memory_space<vmem>>, vector<8x128xf32>,
    %slice3A_277 = vector.extract_strided_slice %dot_general3A_252 {offsets = [48, 0], sizes = [8, 128], strides = [1, 1]} : vector<128x128xf32> to vector<8x128xf32>
    %swap3A_278 = arith.constant 1208 : index
    %swap3A_279 = arith.constant 0 : index
    %swap3A_280 = vector.load %arg12[%swap3A_278, %swap3A_279] : memref<3000x128xf32, #tpu.memory_space<vmem>>, vector<8x128xf32>
    tpu.vector_store %arg12[%swap3A_278, %swap3A_279], %slice3A_277 {strides = array<i32>} : memref<3000x128xf32, #tpu.memory_space<vmem>>, vector<8x128xf32>,
    %slice3A_281 = vector.extract_strided_slice %dot_general3A_252 {offsets = [56, 0], sizes = [8, 128], strides = [1, 1]} : vector<128x128xf32> to vector<8x128xf32>
    %swap3A_282 = arith.constant 1408 : index
    %swap3A_283 = arith.constant 0 : index
    %swap3A_284 = vector.load %arg12[%swap3A_282, %swap3A_283] : memref<3000x128xf32, #tpu.memory_space<vmem>>, vector<8x128xf32>
    tpu.vector_store %arg12[%swap3A_282, %swap3A_283], %slice3A_281 {strides = array<i32>} : memref<3000x128xf32, #tpu.memory_space<vmem>>, vector<8x128xf32>,
    %slice3A_285 = vector.extract_strided_slice %dot_general3A_252 {offsets = [64, 0], sizes = [8, 128], strides = [1, 1]} : vector<128x128xf32> to vector<8x128xf32>
    %swap3A_286 = arith.constant 1608 : index
    %swap3A_287 = arith.constant 0 : index
    %swap3A_288 = vector.load %arg12[%swap3A_286, %swap3A_287] : memref<3000x128xf32, #tpu.memory_space<vmem>>, vector<8x128xf32>
    tpu.vector_store %arg12[%swap3A_286, %swap3A_287], %slice3A_285 {strides = array<i32>} : memref<3000x128xf32, #tpu.memory_space<vmem>>, vector<8x128xf32>,
    %slice3A_289 = vector.extract_strided_slice %dot_general3A_252 {offsets = [72, 0], sizes = [8, 128], strides = [1, 1]} : vector<128x128xf32> to vector<8x128xf32>
    %swap3A_290 = arith.constant 1808 : index
    %swap3A_291 = arith.constant 0 : index
    %swap3A_292 = vector.load %arg12[%swap3A_290, %swap3A_291] : memref<3000x128xf32, #tpu.memory_space<vmem>>, vector<8x128xf32>
    tpu.vector_store %arg12[%swap3A_290, %swap3A_291], %slice3A_289 {strides = array<i32>} : memref<3000x128xf32, #tpu.memory_space<vmem>>, vector<8x128xf32>,
    %slice3A_293 = vector.extract_strided_slice %dot_general3A_252 {offsets = [80, 0], sizes = [8, 128], strides = [1, 1]} : vector<128x128xf32> to vector<8x128xf32>
    %swap3A_294 = arith.constant 2008 : index
    %swap3A_295 = arith.constant 0 : index
    %swap3A_296 = vector.load %arg12[%swap3A_294, %swap3A_295] : memref<3000x128xf32, #tpu.memory_space<vmem>>, vector<8x128xf32>
    tpu.vector_store %arg12[%swap3A_294, %swap3A_295], %slice3A_293 {strides = array<i32>} : memref<3000x128xf32, #tpu.memory_space<vmem>>, vector<8x128xf32>,
    %slice3A_297 = vector.extract_strided_slice %dot_general3A_252 {offsets = [88, 0], sizes = [8, 128], strides = [1, 1]} : vector<128x128xf32> to vector<8x128xf32>
    %swap3A_298 = arith.constant 2208 : index
    %swap3A_299 = arith.constant 0 : index
    %swap3A_300 = vector.load %arg12[%swap3A_298, %swap3A_299] : memref<3000x128xf32, #tpu.memory_space<vmem>>, vector<8x128xf32>
    tpu.vector_store %arg12[%swap3A_298, %swap3A_299], %slice3A_297 {strides = array<i32>} : memref<3000x128xf32, #tpu.memory_space<vmem>>, vector<8x128xf32>,
    %slice3A_301 = vector.extract_strided_slice %dot_general3A_252 {offsets = [96, 0], sizes = [8, 128], strides = [1, 1]} : vector<128x128xf32> to vector<8x128xf32>
    %swap3A_302 = arith.constant 2408 : index
    %swap3A_303 = arith.constant 0 : index
    %swap3A_304 = vector.load %arg12[%swap3A_302, %swap3A_303] : memref<3000x128xf32, #tpu.memory_space<vmem>>, vector<8x128xf32>
    tpu.vector_store %arg12[%swap3A_302, %swap3A_303], %slice3A_301 {strides = array<i32>} : memref<3000x128xf32, #tpu.memory_space<vmem>>, vector<8x128xf32>,
    %slice3A_305 = vector.extract_strided_slice %dot_general3A_252 {offsets = [104, 0], sizes = [8, 128], strides = [1, 1]} : vector<128x128xf32> to vector<8x128xf32>
    %swap3A_306 = arith.constant 2608 : index
    %swap3A_307 = arith.constant 0 : index
    %swap3A_308 = vector.load %arg12[%swap3A_306, %swap3A_307] : memref<3000x128xf32, #tpu.memory_space<vmem>>, vector<8x128xf32>
    tpu.vector_store %arg12[%swap3A_306, %swap3A_307], %slice3A_305 {strides = array<i32>} : memref<3000x128xf32, #tpu.memory_space<vmem>>, vector<8x128xf32>,
    %slice3A_309 = vector.extract_strided_slice %dot_general3A_252 {offsets = [112, 0], sizes = [8, 128], strides = [1, 1]} : vector<128x128xf32> to vector<8x128xf32>
    %swap3A_310 = arith.constant 2808 : index
    %swap3A_311 = arith.constant 0 : index
    %swap3A_312 = vector.load %arg12[%swap3A_310, %swap3A_311] : memref<3000x128xf32, #tpu.memory_space<vmem>>, vector<8x128xf32>
    tpu.vector_store %arg12[%swap3A_310, %swap3A_311], %slice3A_309 {strides = array<i32>} : memref<3000x128xf32, #tpu.memory_space<vmem>>, vector<8x128xf32>,
    %get3A_313 = arith.constant 0 : index
    %get3A_314 = arith.constant 2 : index
    %get3A_315 = arith.constant 0 : index
    %get3A_316 = vector.load %arg2[%get3A_313, %get3A_314, %get3A_315] : memref<1x25x256xf32, #tpu.memory_space<vmem>>, vector<1x1x256xf32>
    %get3A_317 = vector.shape_cast %get3A_316 : vector<1x1x256xf32> to vector<1x256xf32>
    %get3A_318 = arith.constant 0 : index
    %get3A_319 = arith.constant 2 : index
    %get3A_320 = arith.constant 0 : index
    %get3A_321 = vector.load %arg5[%get3A_318, %get3A_319, %get3A_320] : memref<1x25x256xf32, #tpu.memory_space<vmem>>, vector<1x1x256xf32>
    %get3A_322 = vector.shape_cast %get3A_321 : vector<1x1x256xf32> to vector<1x256xf32>
    %sub3A_323 = arith.subf %get3A_317, %get3A_322 : vector<1x256xf32>
    %get3A_324 = arith.constant 0 : index
    %get3A_325 = arith.constant 2 : index
    %get3A_326 = arith.constant 0 : index
    %get3A_327 = vector.load %arg3[%get3A_324, %get3A_325, %get3A_326] : memref<1x25x256xf32, #tpu.memory_space<vmem>>, vector<1x1x256xf32>
    %get3A_328 = vector.shape_cast %get3A_327 : vector<1x1x256xf32> to vector<1x256xf32>
    %get3A_329 = arith.constant 0 : index
    %get3A_330 = arith.constant 2 : index
    %get3A_331 = arith.constant 0 : index
    %get3A_332 = vector.load %arg6[%get3A_329, %get3A_330, %get3A_331] : memref<1x25x256xf32, #tpu.memory_space<vmem>>, vector<1x1x256xf32>
    %get3A_333 = vector.shape_cast %get3A_332 : vector<1x1x256xf32> to vector<1x256xf32>
    %sub3A_334 = arith.subf %get3A_328, %get3A_333 : vector<1x256xf32>
    %get3A_335 = arith.constant 0 : index
    %get3A_336 = arith.constant 2 : index
    %get3A_337 = arith.constant 0 : index
    %get3A_338 = vector.load %arg4[%get3A_335, %get3A_336, %get3A_337] : memref<1x25x256xf32, #tpu.memory_space<vmem>>, vector<1x1x256xf32>
    %get3A_339 = vector.shape_cast %get3A_338 : vector<1x1x256xf32> to vector<1x256xf32>
    %get3A_340 = arith.constant 0 : index
    %get3A_341 = arith.constant 2 : index
    %get3A_342 = arith.constant 0 : index
    %get3A_343 = vector.load %arg7[%get3A_340, %get3A_341, %get3A_342] : memref<1x25x256xf32, #tpu.memory_space<vmem>>, vector<1x1x256xf32>
    %get3A_344 = vector.shape_cast %get3A_343 : vector<1x1x256xf32> to vector<1x256xf32>
    %sub3A_345 = arith.subf %get3A_339, %get3A_344 : vector<1x256xf32>
    %broadcast_in_dim3A_346 = vector.shape_cast %sub3A_323 : vector<1x256xf32> to vector<1x256xf32>
    %broadcast_in_dim3A_347 = vector.broadcast %broadcast_in_dim3A_346 : vector<1x256xf32> to vector<16x256xf32>
    %sub3A_348 = arith.subf %broadcast_in_dim3A_347, %broadcast_in_dim3A_2 : vector<16x256xf32>
    %broadcast_in_dim3A_349 = vector.shape_cast %sub3A_334 : vector<1x256xf32> to vector<1x256xf32>
    %broadcast_in_dim3A_350 = vector.broadcast %broadcast_in_dim3A_349 : vector<1x256xf32> to vector<16x256xf32>
    %sub3A_351 = arith.subf %broadcast_in_dim3A_350, %broadcast_in_dim3A_7 : vector<16x256xf32>
    %broadcast_in_dim3A_352 = vector.shape_cast %sub3A_345 : vector<1x256xf32> to vector<1x256xf32>
    %broadcast_in_dim3A_353 = vector.broadcast %broadcast_in_dim3A_352 : vector<1x256xf32> to vector<16x256xf32>
    %sub3A_354 = arith.subf %broadcast_in_dim3A_353, %broadcast_in_dim3A_12 : vector<16x256xf32>
    %mul3A_355 = arith.mulf %sub3A_348, %sub3A_348 : vector<16x256xf32>
    %mul3A_356 = arith.mulf %sub3A_351, %sub3A_351 : vector<16x256xf32>
    %add3A_357 = arith.addf %mul3A_355, %mul3A_356 : vector<16x256xf32>
    %mul3A_358 = arith.mulf %sub3A_354, %sub3A_354 : vector<16x256xf32>
    %add3A_359 = arith.addf %add3A_357, %mul3A_358 : vector<16x256xf32>
    %add3A_360 = arith.constant 9.99999996E-13 : f32
    %add3A_361 = vector.broadcast %add3A_360 : f32 to vector<16x256xf32>
    %add3A_362 = arith.addf %add3A_359, %add3A_361 : vector<16x256xf32>
    %rsqrt3A_363 = math.rsqrt %add3A_362 : vector<16x256xf32>
    %mul3A_364 = arith.mulf %add3A_359, %rsqrt3A_363 : vector<16x256xf32>
    %mul3A_365 = arith.constant 5.000000e-01 : f32
    %mul3A_366 = vector.broadcast %mul3A_365 : f32 to vector<16x256xf32>
    %mul3A_367 = arith.mulf %mul3A_364, %mul3A_366 : vector<16x256xf32>
    %sub3A_368 = arith.constant 1.000000e+00 : f32
    %sub3A_369 = vector.broadcast %sub3A_368 : f32 to vector<16x256xf32>
    %sub3A_370 = arith.subf %sub3A_369, %mul3A_367 : vector<16x256xf32>
    %max3A_371 = arith.constant 0.000000e+00 : f32
    %max3A_372 = vector.broadcast %max3A_371 : f32 to vector<16x256xf32>
    %max3A_373 = arith.maximumf %sub3A_370, %max3A_372 : vector<16x256xf32>
    %reshape3A_374 = vector.shape_cast %max3A_373 : vector<16x256xf32> to vector<16x1x256xf32>
    %broadcast_in_dim3A_375 = vector.shape_cast %reshape3A_374 : vector<16x1x256xf32> to vector<16x1x256xf32>
    %broadcast_in_dim3A_376 = vector.broadcast %broadcast_in_dim3A_375 : vector<16x1x256xf32> to vector<16x8x256xf32>
    %reshape3A_377 = vector.shape_cast %broadcast_in_dim3A_376 : vector<16x8x256xf32> to vector<128x256xf32>
    %mul3A_378 = arith.mulf %reshape3A_377, %convert_element_type3A_57 : vector<128x256xf32>
    %get3A_379 = arith.constant 512 : index
    %get3A_380 = arith.constant 0 : index
    %get3A_381 = vector.load %arg1[%get3A_379, %get3A_380] : memref<6400x128xf32, #tpu.memory_space<vmem>>, vector<256x128xf32>
    %dot_general3A_382 = arith.constant dense<0.000000e+00> : vector<128x128xf32>
    %dot_general3A_383 = tpu.matmul %mul3A_378, %get3A_381, %dot_general3A_382 {dimension_numbers = #tpu.dot_dimension_numbers<[1], [0], [0], [1], [0, 0, 1, 1], [], []>, transpose_lhs_hint = false} : vector<128x256xf32>, vector<256x128xf32>, vector<128x128xf32> -> vector<128x128xf32>
    %slice3A_384 = vector.extract_strided_slice %dot_general3A_383 {offsets = [0, 0], sizes = [8, 128], strides = [1, 1]} : vector<128x128xf32> to vector<8x128xf32>
    %swap3A_385 = arith.constant 16 : index
    %swap3A_386 = arith.constant 0 : index
    %swap3A_387 = vector.load %arg12[%swap3A_385, %swap3A_386] : memref<3000x128xf32, #tpu.memory_space<vmem>>, vector<8x128xf32>
    tpu.vector_store %arg12[%swap3A_385, %swap3A_386], %slice3A_384 {strides = array<i32>} : memref<3000x128xf32, #tpu.memory_space<vmem>>, vector<8x128xf32>,
    %slice3A_388 = vector.extract_strided_slice %dot_general3A_383 {offsets = [8, 0], sizes = [8, 128], strides = [1, 1]} : vector<128x128xf32> to vector<8x128xf32>
    %swap3A_389 = arith.constant 216 : index
    %swap3A_390 = arith.constant 0 : index
    %swap3A_391 = vector.load %arg12[%swap3A_389, %swap3A_390] : memref<3000x128xf32, #tpu.memory_space<vmem>>, vector<8x128xf32>
    tpu.vector_store %arg12[%swap3A_389, %swap3A_390], %slice3A_388 {strides = array<i32>} : memref<3000x128xf32, #tpu.memory_space<vmem>>, vector<8x128xf32>,
    %slice3A_392 = vector.extract_strided_slice %dot_general3A_383 {offsets = [16, 0], sizes = [8, 128], strides = [1, 1]} : vector<128x128xf32> to vector<8x128xf32>
    %swap3A_393 = arith.constant 416 : index
    %swap3A_394 = arith.constant 0 : index
    %swap3A_395 = vector.load %arg12[%swap3A_393, %swap3A_394] : memref<3000x128xf32, #tpu.memory_space<vmem>>, vector<8x128xf32>
    tpu.vector_store %arg12[%swap3A_393, %swap3A_394], %slice3A_392 {strides = array<i32>} : memref<3000x128xf32, #tpu.memory_space<vmem>>, vector<8x128xf32>,
    %slice3A_396 = vector.extract_strided_slice %dot_general3A_383 {offsets = [24, 0], sizes = [8, 128], strides = [1, 1]} : vector<128x128xf32> to vector<8x128xf32>
    %swap3A_397 = arith.constant 616 : index
    %swap3A_398 = arith.constant 0 : index
    %swap3A_399 = vector.load %arg12[%swap3A_397, %swap3A_398] : memref<3000x128xf32, #tpu.memory_space<vmem>>, vector<8x128xf32>
    tpu.vector_store %arg12[%swap3A_397, %swap3A_398], %slice3A_396 {strides = array<i32>} : memref<3000x128xf32, #tpu.memory_space<vmem>>, vector<8x128xf32>,
    %slice3A_400 = vector.extract_strided_slice %dot_general3A_383 {offsets = [32, 0], sizes = [8, 128], strides = [1, 1]} : vector<128x128xf32> to vector<8x128xf32>
    %swap3A_401 = arith.constant 816 : index
    %swap3A_402 = arith.constant 0 : index
    %swap3A_403 = vector.load %arg12[%swap3A_401, %swap3A_402] : memref<3000x128xf32, #tpu.memory_space<vmem>>, vector<8x128xf32>
    tpu.vector_store %arg12[%swap3A_401, %swap3A_402], %slice3A_400 {strides = array<i32>} : memref<3000x128xf32, #tpu.memory_space<vmem>>, vector<8x128xf32>,
    %slice3A_404 = vector.extract_strided_slice %dot_general3A_383 {offsets = [40, 0], sizes = [8, 128], strides = [1, 1]} : vector<128x128xf32> to vector<8x128xf32>
    %swap3A_405 = arith.constant 1016 : index
    %swap3A_406 = arith.constant 0 : index
    %swap3A_407 = vector.load %arg12[%swap3A_405, %swap3A_406] : memref<3000x128xf32, #tpu.memory_space<vmem>>, vector<8x128xf32>
    tpu.vector_store %arg12[%swap3A_405, %swap3A_406], %slice3A_404 {strides = array<i32>} : memref<3000x128xf32, #tpu.memory_space<vmem>>, vector<8x128xf32>,
    %slice3A_408 = vector.extract_strided_slice %dot_general3A_383 {offsets = [48, 0], sizes = [8, 128], strides = [1, 1]} : vector<128x128xf32> to vector<8x128xf32>
    %swap3A_409 = arith.constant 1216 : index
    %swap3A_410 = arith.constant 0 : index
    %swap3A_411 = vector.load %arg12[%swap3A_409, %swap3A_410] : memref<3000x128xf32, #tpu.memory_space<vmem>>, vector<8x128xf32>
    tpu.vector_store %arg12[%swap3A_409, %swap3A_410], %slice3A_408 {strides = array<i32>} : memref<3000x128xf32, #tpu.memory_space<vmem>>, vector<8x128xf32>,
    %slice3A_412 = vector.extract_strided_slice %dot_general3A_383 {offsets = [56, 0], sizes = [8, 128], strides = [1, 1]} : vector<128x128xf32> to vector<8x128xf32>
    %swap3A_413 = arith.constant 1416 : index
    %swap3A_414 = arith.constant 0 : index
    %swap3A_415 = vector.load %arg12[%swap3A_413, %swap3A_414] : memref<3000x128xf32, #tpu.memory_space<vmem>>, vector<8x128xf32>
    tpu.vector_store %arg12[%swap3A_413, %swap3A_414], %slice3A_412 {strides = array<i32>} : memref<3000x128xf32, #tpu.memory_space<vmem>>, vector<8x128xf32>,
    %slice3A_416 = vector.extract_strided_slice %dot_general3A_383 {offsets = [64, 0], sizes = [8, 128], strides = [1, 1]} : vector<128x128xf32> to vector<8x128xf32>
    %swap3A_417 = arith.constant 1616 : index
    %swap3A_418 = arith.constant 0 : index
    %swap3A_419 = vector.load %arg12[%swap3A_417, %swap3A_418] : memref<3000x128xf32, #tpu.memory_space<vmem>>, vector<8x128xf32>
    tpu.vector_store %arg12[%swap3A_417, %swap3A_418], %slice3A_416 {strides = array<i32>} : memref<3000x128xf32, #tpu.memory_space<vmem>>, vector<8x128xf32>,
    %slice3A_420 = vector.extract_strided_slice %dot_general3A_383 {offsets = [72, 0], sizes = [8, 128], strides = [1, 1]} : vector<128x128xf32> to vector<8x128xf32>
    %swap3A_421 = arith.constant 1816 : index
    %swap3A_422 = arith.constant 0 : index
    %swap3A_423 = vector.load %arg12[%swap3A_421, %swap3A_422] : memref<3000x128xf32, #tpu.memory_space<vmem>>, vector<8x128xf32>
    tpu.vector_store %arg12[%swap3A_421, %swap3A_422], %slice3A_420 {strides = array<i32>} : memref<3000x128xf32, #tpu.memory_space<vmem>>, vector<8x128xf32>,
    %slice3A_424 = vector.extract_strided_slice %dot_general3A_383 {offsets = [80, 0], sizes = [8, 128], strides = [1, 1]} : vector<128x128xf32> to vector<8x128xf32>
    %swap3A_425 = arith.constant 2016 : index
    %swap3A_426 = arith.constant 0 : index
    %swap3A_427 = vector.load %arg12[%swap3A_425, %swap3A_426] : memref<3000x128xf32, #tpu.memory_space<vmem>>, vector<8x128xf32>
    tpu.vector_store %arg12[%swap3A_425, %swap3A_426], %slice3A_424 {strides = array<i32>} : memref<3000x128xf32, #tpu.memory_space<vmem>>, vector<8x128xf32>,
    %slice3A_428 = vector.extract_strided_slice %dot_general3A_383 {offsets = [88, 0], sizes = [8, 128], strides = [1, 1]} : vector<128x128xf32> to vector<8x128xf32>
    %swap3A_429 = arith.constant 2216 : index
    %swap3A_430 = arith.constant 0 : index
    %swap3A_431 = vector.load %arg12[%swap3A_429, %swap3A_430] : memref<3000x128xf32, #tpu.memory_space<vmem>>, vector<8x128xf32>
    tpu.vector_store %arg12[%swap3A_429, %swap3A_430], %slice3A_428 {strides = array<i32>} : memref<3000x128xf32, #tpu.memory_space<vmem>>, vector<8x128xf32>,
    %slice3A_432 = vector.extract_strided_slice %dot_general3A_383 {offsets = [96, 0], sizes = [8, 128], strides = [1, 1]} : vector<128x128xf32> to vector<8x128xf32>
    %swap3A_433 = arith.constant 2416 : index
    %swap3A_434 = arith.constant 0 : index
    %swap3A_435 = vector.load %arg12[%swap3A_433, %swap3A_434] : memref<3000x128xf32, #tpu.memory_space<vmem>>, vector<8x128xf32>
    tpu.vector_store %arg12[%swap3A_433, %swap3A_434], %slice3A_432 {strides = array<i32>} : memref<3000x128xf32, #tpu.memory_space<vmem>>, vector<8x128xf32>,
    %slice3A_436 = vector.extract_strided_slice %dot_general3A_383 {offsets = [104, 0], sizes = [8, 128], strides = [1, 1]} : vector<128x128xf32> to vector<8x128xf32>
    %swap3A_437 = arith.constant 2616 : index
    %swap3A_438 = arith.constant 0 : index
    %swap3A_439 = vector.load %arg12[%swap3A_437, %swap3A_438] : memref<3000x128xf32, #tpu.memory_space<vmem>>, vector<8x128xf32>
    tpu.vector_store %arg12[%swap3A_437, %swap3A_438], %slice3A_436 {strides = array<i32>} : memref<3000x128xf32, #tpu.memory_space<vmem>>, vector<8x128xf32>,
    %slice3A_440 = vector.extract_strided_slice %dot_general3A_383 {offsets = [112, 0], sizes = [8, 128], strides = [1, 1]} : vector<128x128xf32> to vector<8x128xf32>
    %swap3A_441 = arith.constant 2816 : index
    %swap3A_442 = arith.constant 0 : index
    %swap3A_443 = vector.load %arg12[%swap3A_441, %swap3A_442] : memref<3000x128xf32, #tpu.memory_space<vmem>>, vector<8x128xf32>
    tpu.vector_store %arg12[%swap3A_441, %swap3A_442], %slice3A_440 {strides = array<i32>} : memref<3000x128xf32, #tpu.memory_space<vmem>>, vector<8x128xf32>,
    %get3A_444 = arith.constant 0 : index
    %get3A_445 = arith.constant 3 : index
    %get3A_446 = arith.constant 0 : index
    %get3A_447 = vector.load %arg2[%get3A_444, %get3A_445, %get3A_446] : memref<1x25x256xf32, #tpu.memory_space<vmem>>, vector<1x1x256xf32>
    %get3A_448 = vector.shape_cast %get3A_447 : vector<1x1x256xf32> to vector<1x256xf32>
    %get3A_449 = arith.constant 0 : index
    %get3A_450 = arith.constant 3 : index
    %get3A_451 = arith.constant 0 : index
    %get3A_452 = vector.load %arg5[%get3A_449, %get3A_450, %get3A_451] : memref<1x25x256xf32, #tpu.memory_space<vmem>>, vector<1x1x256xf32>
    %get3A_453 = vector.shape_cast %get3A_452 : vector<1x1x256xf32> to vector<1x256xf32>
    %sub3A_454 = arith.subf %get3A_448, %get3A_453 : vector<1x256xf32>
    %get3A_455 = arith.constant 0 : index
    %get3A_456 = arith.constant 3 : index
    %get3A_457 = arith.constant 0 : index
    %get3A_458 = vector.load %arg3[%get3A_455, %get3A_456, %get3A_457] : memref<1x25x256xf32, #tpu.memory_space<vmem>>, vector<1x1x256xf32>
    %get3A_459 = vector.shape_cast %get3A_458 : vector<1x1x256xf32> to vector<1x256xf32>
    %get3A_460 = arith.constant 0 : index
    %get3A_461 = arith.constant 3 : index
    %get3A_462 = arith.constant 0 : index
    %get3A_463 = vector.load %arg6[%get3A_460, %get3A_461, %get3A_462] : memref<1x25x256xf32, #tpu.memory_space<vmem>>, vector<1x1x256xf32>
    %get3A_464 = vector.shape_cast %get3A_463 : vector<1x1x256xf32> to vector<1x256xf32>
    %sub3A_465 = arith.subf %get3A_459, %get3A_464 : vector<1x256xf32>
    %get3A_466 = arith.constant 0 : index
    %get3A_467 = arith.constant 3 : index
    %get3A_468 = arith.constant 0 : index
    %get3A_469 = vector.load %arg4[%get3A_466, %get3A_467, %get3A_468] : memref<1x25x256xf32, #tpu.memory_space<vmem>>, vector<1x1x256xf32>
    %get3A_470 = vector.shape_cast %get3A_469 : vector<1x1x256xf32> to vector<1x256xf32>
    %get3A_471 = arith.constant 0 : index
    %get3A_472 = arith.constant 3 : index
    %get3A_473 = arith.constant 0 : index
    %get3A_474 = vector.load %arg7[%get3A_471, %get3A_472, %get3A_473] : memref<1x25x256xf32, #tpu.memory_space<vmem>>, vector<1x1x256xf32>
    %get3A_475 = vector.shape_cast %get3A_474 : vector<1x1x256xf32> to vector<1x256xf32>
    %sub3A_476 = arith.subf %get3A_470, %get3A_475 : vector<1x256xf32>
    %broadcast_in_dim3A_477 = vector.shape_cast %sub3A_454 : vector<1x256xf32> to vector<1x256xf32>
    %broadcast_in_dim3A_478 = vector.broadcast %broadcast_in_dim3A_477 : vector<1x256xf32> to vector<16x256xf32>
    %sub3A_479 = arith.subf %broadcast_in_dim3A_478, %broadcast_in_dim3A_2 : vector<16x256xf32>
    %broadcast_in_dim3A_480 = vector.shape_cast %sub3A_465 : vector<1x256xf32> to vector<1x256xf32>
    %broadcast_in_dim3A_481 = vector.broadcast %broadcast_in_dim3A_480 : vector<1x256xf32> to vector<16x256xf32>
    %sub3A_482 = arith.subf %broadcast_in_dim3A_481, %broadcast_in_dim3A_7 : vector<16x256xf32>
    %broadcast_in_dim3A_483 = vector.shape_cast %sub3A_476 : vector<1x256xf32> to vector<1x256xf32>
    %broadcast_in_dim3A_484 = vector.broadcast %broadcast_in_dim3A_483 : vector<1x256xf32> to vector<16x256xf32>
    %sub3A_485 = arith.subf %broadcast_in_dim3A_484, %broadcast_in_dim3A_12 : vector<16x256xf32>
    %mul3A_486 = arith.mulf %sub3A_479, %sub3A_479 : vector<16x256xf32>
    %mul3A_487 = arith.mulf %sub3A_482, %sub3A_482 : vector<16x256xf32>
    %add3A_488 = arith.addf %mul3A_486, %mul3A_487 : vector<16x256xf32>
    %mul3A_489 = arith.mulf %sub3A_485, %sub3A_485 : vector<16x256xf32>
    %add3A_490 = arith.addf %add3A_488, %mul3A_489 : vector<16x256xf32>
    %add3A_491 = arith.constant 9.99999996E-13 : f32
    %add3A_492 = vector.broadcast %add3A_491 : f32 to vector<16x256xf32>
    %add3A_493 = arith.addf %add3A_490, %add3A_492 : vector<16x256xf32>
    %rsqrt3A_494 = math.rsqrt %add3A_493 : vector<16x256xf32>
    %mul3A_495 = arith.mulf %add3A_490, %rsqrt3A_494 : vector<16x256xf32>
    %mul3A_496 = arith.constant 5.000000e-01 : f32
    %mul3A_497 = vector.broadcast %mul3A_496 : f32 to vector<16x256xf32>
    %mul3A_498 = arith.mulf %mul3A_495, %mul3A_497 : vector<16x256xf32>
    %sub3A_499 = arith.constant 1.000000e+00 : f32
    %sub3A_500 = vector.broadcast %sub3A_499 : f32 to vector<16x256xf32>
    %sub3A_501 = arith.subf %sub3A_500, %mul3A_498 : vector<16x256xf32>
    %max3A_502 = arith.constant 0.000000e+00 : f32
    %max3A_503 = vector.broadcast %max3A_502 : f32 to vector<16x256xf32>
    %max3A_504 = arith.maximumf %sub3A_501, %max3A_503 : vector<16x256xf32>
    %reshape3A_505 = vector.shape_cast %max3A_504 : vector<16x256xf32> to vector<16x1x256xf32>
    %broadcast_in_dim3A_506 = vector.shape_cast %reshape3A_505 : vector<16x1x256xf32> to vector<16x1x256xf32>
    %broadcast_in_dim3A_507 = vector.broadcast %broadcast_in_dim3A_506 : vector<16x1x256xf32> to vector<16x8x256xf32>
    %reshape3A_508 = vector.shape_cast %broadcast_in_dim3A_507 : vector<16x8x256xf32> to vector<128x256xf32>
    %mul3A_509 = arith.mulf %reshape3A_508, %convert_element_type3A_57 : vector<128x256xf32>
    %get3A_510 = arith.constant 768 : index
    %get3A_511 = arith.constant 0 : index
    %get3A_512 = vector.load %arg1[%get3A_510, %get3A_511] : memref<6400x128xf32, #tpu.memory_space<vmem>>, vector<256x128xf32>
    %dot_general3A_513 = arith.constant dense<0.000000e+00> : vector<128x128xf32>
    %dot_general3A_514 = tpu.matmul %mul3A_509, %get3A_512, %dot_general3A_513 {dimension_numbers = #tpu.dot_dimension_numbers<[1], [0], [0], [1], [0, 0, 1, 1], [], []>, transpose_lhs_hint = false} : vector<128x256xf32>, vector<256x128xf32>, vector<128x128xf32> -> vector<128x128xf32>
    %slice3A_515 = vector.extract_strided_slice %dot_general3A_514 {offsets = [0, 0], sizes = [8, 128], strides = [1, 1]} : vector<128x128xf32> to vector<8x128xf32>
    %swap3A_516 = arith.constant 24 : index
    %swap3A_517 = arith.constant 0 : index
    %swap3A_518 = vector.load %arg12[%swap3A_516, %swap3A_517] : memref<3000x128xf32, #tpu.memory_space<vmem>>, vector<8x128xf32>
    tpu.vector_store %arg12[%swap3A_516, %swap3A_517], %slice3A_515 {strides = array<i32>} : memref<3000x128xf32, #tpu.memory_space<vmem>>, vector<8x128xf32>,
    %slice3A_519 = vector.extract_strided_slice %dot_general3A_514 {offsets = [8, 0], sizes = [8, 128], strides = [1, 1]} : vector<128x128xf32> to vector<8x128xf32>
    %swap3A_520 = arith.constant 224 : index
    %swap3A_521 = arith.constant 0 : index
    %swap3A_522 = vector.load %arg12[%swap3A_520, %swap3A_521] : memref<3000x128xf32, #tpu.memory_space<vmem>>, vector<8x128xf32>
    tpu.vector_store %arg12[%swap3A_520, %swap3A_521], %slice3A_519 {strides = array<i32>} : memref<3000x128xf32, #tpu.memory_space<vmem>>, vector<8x128xf32>,
    %slice3A_523 = vector.extract_strided_slice %dot_general3A_514 {offsets = [16, 0], sizes = [8, 128], strides = [1, 1]} : vector<128x128xf32> to vector<8x128xf32>
    %swap3A_524 = arith.constant 424 : index
    %swap3A_525 = arith.constant 0 : index
    %swap3A_526 = vector.load %arg12[%swap3A_524, %swap3A_525] : memref<3000x128xf32, #tpu.memory_space<vmem>>, vector<8x128xf32>
    tpu.vector_store %arg12[%swap3A_524, %swap3A_525], %slice3A_523 {strides = array<i32>} : memref<3000x128xf32, #tpu.memory_space<vmem>>, vector<8x128xf32>,
    %slice3A_527 = vector.extract_strided_slice %dot_general3A_514 {offsets = [24, 0], sizes = [8, 128], strides = [1, 1]} : vector<128x128xf32> to vector<8x128xf32>
    %swap3A_528 = arith.constant 624 : index
    %swap3A_529 = arith.constant 0 : index
    %swap3A_530 = vector.load %arg12[%swap3A_528, %swap3A_529] : memref<3000x128xf32, #tpu.memory_space<vmem>>, vector<8x128xf32>
    tpu.vector_store %arg12[%swap3A_528, %swap3A_529], %slice3A_527 {strides = array<i32>} : memref<3000x128xf32, #tpu.memory_space<vmem>>, vector<8x128xf32>,
    %slice3A_531 = vector.extract_strided_slice %dot_general3A_514 {offsets = [32, 0], sizes = [8, 128], strides = [1, 1]} : vector<128x128xf32> to vector<8x128xf32>
    %swap3A_532 = arith.constant 824 : index
    %swap3A_533 = arith.constant 0 : index
    %swap3A_534 = vector.load %arg12[%swap3A_532, %swap3A_533] : memref<3000x128xf32, #tpu.memory_space<vmem>>, vector<8x128xf32>
    tpu.vector_store %arg12[%swap3A_532, %swap3A_533], %slice3A_531 {strides = array<i32>} : memref<3000x128xf32, #tpu.memory_space<vmem>>, vector<8x128xf32>,
    %slice3A_535 = vector.extract_strided_slice %dot_general3A_514 {offsets = [40, 0], sizes = [8, 128], strides = [1, 1]} : vector<128x128xf32> to vector<8x128xf32>
    %swap3A_536 = arith.constant 1024 : index
    %swap3A_537 = arith.constant 0 : index
    %swap3A_538 = vector.load %arg12[%swap3A_536, %swap3A_537] : memref<3000x128xf32, #tpu.memory_space<vmem>>, vector<8x128xf32>
    tpu.vector_store %arg12[%swap3A_536, %swap3A_537], %slice3A_535 {strides = array<i32>} : memref<3000x128xf32, #tpu.memory_space<vmem>>, vector<8x128xf32>,
    %slice3A_539 = vector.extract_strided_slice %dot_general3A_514 {offsets = [48, 0], sizes = [8, 128], strides = [1, 1]} : vector<128x128xf32> to vector<8x128xf32>
    %swap3A_540 = arith.constant 1224 : index
    %swap3A_541 = arith.constant 0 : index
    %swap3A_542 = vector.load %arg12[%swap3A_540, %swap3A_541] : memref<3000x128xf32, #tpu.memory_space<vmem>>, vector<8x128xf32>
    tpu.vector_store %arg12[%swap3A_540, %swap3A_541], %slice3A_539 {strides = array<i32>} : memref<3000x128xf32, #tpu.memory_space<vmem>>, vector<8x128xf32>,
    %slice3A_543 = vector.extract_strided_slice %dot_general3A_514 {offsets = [56, 0], sizes = [8, 128], strides = [1, 1]} : vector<128x128xf32> to vector<8x128xf32>
    %swap3A_544 = arith.constant 1424 : index
    %swap3A_545 = arith.constant 0 : index
    %swap3A_546 = vector.load %arg12[%swap3A_544, %swap3A_545] : memref<3000x128xf32, #tpu.memory_space<vmem>>, vector<8x128xf32>
    tpu.vector_store %arg12[%swap3A_544, %swap3A_545], %slice3A_543 {strides = array<i32>} : memref<3000x128xf32, #tpu.memory_space<vmem>>, vector<8x128xf32>,
    %slice3A_547 = vector.extract_strided_slice %dot_general3A_514 {offsets = [64, 0], sizes = [8, 128], strides = [1, 1]} : vector<128x128xf32> to vector<8x128xf32>
    %swap3A_548 = arith.constant 1624 : index
    %swap3A_549 = arith.constant 0 : index
    %swap3A_550 = vector.load %arg12[%swap3A_548, %swap3A_549] : memref<3000x128xf32, #tpu.memory_space<vmem>>, vector<8x128xf32>
    tpu.vector_store %arg12[%swap3A_548, %swap3A_549], %slice3A_547 {strides = array<i32>} : memref<3000x128xf32, #tpu.memory_space<vmem>>, vector<8x128xf32>,
    %slice3A_551 = vector.extract_strided_slice %dot_general3A_514 {offsets = [72, 0], sizes = [8, 128], strides = [1, 1]} : vector<128x128xf32> to vector<8x128xf32>
    %swap3A_552 = arith.constant 1824 : index
    %swap3A_553 = arith.constant 0 : index
    %swap3A_554 = vector.load %arg12[%swap3A_552, %swap3A_553] : memref<3000x128xf32, #tpu.memory_space<vmem>>, vector<8x128xf32>
    tpu.vector_store %arg12[%swap3A_552, %swap3A_553], %slice3A_551 {strides = array<i32>} : memref<3000x128xf32, #tpu.memory_space<vmem>>, vector<8x128xf32>,
    %slice3A_555 = vector.extract_strided_slice %dot_general3A_514 {offsets = [80, 0], sizes = [8, 128], strides = [1, 1]} : vector<128x128xf32> to vector<8x128xf32>
    %swap3A_556 = arith.constant 2024 : index
    %swap3A_557 = arith.constant 0 : index
    %swap3A_558 = vector.load %arg12[%swap3A_556, %swap3A_557] : memref<3000x128xf32, #tpu.memory_space<vmem>>, vector<8x128xf32>
    tpu.vector_store %arg12[%swap3A_556, %swap3A_557], %slice3A_555 {strides = array<i32>} : memref<3000x128xf32, #tpu.memory_space<vmem>>, vector<8x128xf32>,
    %slice3A_559 = vector.extract_strided_slice %dot_general3A_514 {offsets = [88, 0], sizes = [8, 128], strides = [1, 1]} : vector<128x128xf32> to vector<8x128xf32>
    %swap3A_560 = arith.constant 2224 : index
    %swap3A_561 = arith.constant 0 : index
    %swap3A_562 = vector.load %arg12[%swap3A_560, %swap3A_561] : memref<3000x128xf32, #tpu.memory_space<vmem>>, vector<8x128xf32>
    tpu.vector_store %arg12[%swap3A_560, %swap3A_561], %slice3A_559 {strides = array<i32>} : memref<3000x128xf32, #tpu.memory_space<vmem>>, vector<8x128xf32>,
    %slice3A_563 = vector.extract_strided_slice %dot_general3A_514 {offsets = [96, 0], sizes = [8, 128], strides = [1, 1]} : vector<128x128xf32> to vector<8x128xf32>
    %swap3A_564 = arith.constant 2424 : index
    %swap3A_565 = arith.constant 0 : index
    %swap3A_566 = vector.load %arg12[%swap3A_564, %swap3A_565] : memref<3000x128xf32, #tpu.memory_space<vmem>>, vector<8x128xf32>
    tpu.vector_store %arg12[%swap3A_564, %swap3A_565], %slice3A_563 {strides = array<i32>} : memref<3000x128xf32, #tpu.memory_space<vmem>>, vector<8x128xf32>,
    %slice3A_567 = vector.extract_strided_slice %dot_general3A_514 {offsets = [104, 0], sizes = [8, 128], strides = [1, 1]} : vector<128x128xf32> to vector<8x128xf32>
    %swap3A_568 = arith.constant 2624 : index
    %swap3A_569 = arith.constant 0 : index
    %swap3A_570 = vector.load %arg12[%swap3A_568, %swap3A_569] : memref<3000x128xf32, #tpu.memory_space<vmem>>, vector<8x128xf32>
    tpu.vector_store %arg12[%swap3A_568, %swap3A_569], %slice3A_567 {strides = array<i32>} : memref<3000x128xf32, #tpu.memory_space<vmem>>, vector<8x128xf32>,
    %slice3A_571 = vector.extract_strided_slice %dot_general3A_514 {offsets = [112, 0], sizes = [8, 128], strides = [1, 1]} : vector<128x128xf32> to vector<8x128xf32>
    %swap3A_572 = arith.constant 2824 : index
    %swap3A_573 = arith.constant 0 : index
    %swap3A_574 = vector.load %arg12[%swap3A_572, %swap3A_573] : memref<3000x128xf32, #tpu.memory_space<vmem>>, vector<8x128xf32>
    tpu.vector_store %arg12[%swap3A_572, %swap3A_573], %slice3A_571 {strides = array<i32>} : memref<3000x128xf32, #tpu.memory_space<vmem>>, vector<8x128xf32>,
    %get3A_575 = arith.constant 0 : index
    %get3A_576 = arith.constant 4 : index
    %get3A_577 = arith.constant 0 : index
    %get3A_578 = vector.load %arg2[%get3A_575, %get3A_576, %get3A_577] : memref<1x25x256xf32, #tpu.memory_space<vmem>>, vector<1x1x256xf32>
    %get3A_579 = vector.shape_cast %get3A_578 : vector<1x1x256xf32> to vector<1x256xf32>
    %get3A_580 = arith.constant 0 : index
    %get3A_581 = arith.constant 4 : index
    %get3A_582 = arith.constant 0 : index
    %get3A_583 = vector.load %arg5[%get3A_580, %get3A_581, %get3A_582] : memref<1x25x256xf32, #tpu.memory_space<vmem>>, vector<1x1x256xf32>
    %get3A_584 = vector.shape_cast %get3A_583 : vector<1x1x256xf32> to vector<1x256xf32>
    %sub3A_585 = arith.subf %get3A_579, %get3A_584 : vector<1x256xf32>
    %get3A_586 = arith.constant 0 : index
    %get3A_587 = arith.constant 4 : index
    %get3A_588 = arith.constant 0 : index
    %get3A_589 = vector.load %arg3[%get3A_586, %get3A_587, %get3A_588] : memref<1x25x256xf32, #tpu.memory_space<vmem>>, vector<1x1x256xf32>
    %get3A_590 = vector.shape_cast %get3A_589 : vector<1x1x256xf32> to vector<1x256xf32>
    %get3A_591 = arith.constant 0 : index
    %get3A_592 = arith.constant 4 : index
    %get3A_593 = arith.constant 0 : index
    %get3A_594 = vector.load %arg6[%get3A_591, %get3A_592, %get3A_593] : memref<1x25x256xf32, #tpu.memory_space<vmem>>, vector<1x1x256xf32>
    %get3A_595 = vector.shape_cast %get3A_594 : vector<1x1x256xf32> to vector<1x256xf32>
    %sub3A_596 = arith.subf %get3A_590, %get3A_595 : vector<1x256xf32>
    %get3A_597 = arith.constant 0 : index
    %get3A_598 = arith.constant 4 : index
    %get3A_599 = arith.constant 0 : index
    %get3A_600 = vector.load %arg4[%get3A_597, %get3A_598, %get3A_599] : memref<1x25x256xf32, #tpu.memory_space<vmem>>, vector<1x1x256xf32>
    %get3A_601 = vector.shape_cast %get3A_600 : vector<1x1x256xf32> to vector<1x256xf32>
    %get3A_602 = arith.constant 0 : index
    %get3A_603 = arith.constant 4 : index
    %get3A_604 = arith.constant 0 : index
    %get3A_605 = vector.load %arg7[%get3A_602, %get3A_603, %get3A_604] : memref<1x25x256xf32, #tpu.memory_space<vmem>>, vector<1x1x256xf32>
    %get3A_606 = vector.shape_cast %get3A_605 : vector<1x1x256xf32> to vector<1x256xf32>
    %sub3A_607 = arith.subf %get3A_601, %get3A_606 : vector<1x256xf32>
    %broadcast_in_dim3A_608 = vector.shape_cast %sub3A_585 : vector<1x256xf32> to vector<1x256xf32>
    %broadcast_in_dim3A_609 = vector.broadcast %broadcast_in_dim3A_608 : vector<1x256xf32> to vector<16x256xf32>
    %sub3A_610 = arith.subf %broadcast_in_dim3A_609, %broadcast_in_dim3A_2 : vector<16x256xf32>
    %broadcast_in_dim3A_611 = vector.shape_cast %sub3A_596 : vector<1x256xf32> to vector<1x256xf32>
    %broadcast_in_dim3A_612 = vector.broadcast %broadcast_in_dim3A_611 : vector<1x256xf32> to vector<16x256xf32>
    %sub3A_613 = arith.subf %broadcast_in_dim3A_612, %broadcast_in_dim3A_7 : vector<16x256xf32>
    %broadcast_in_dim3A_614 = vector.shape_cast %sub3A_607 : vector<1x256xf32> to vector<1x256xf32>
    %broadcast_in_dim3A_615 = vector.broadcast %broadcast_in_dim3A_614 : vector<1x256xf32> to vector<16x256xf32>
    %sub3A_616 = arith.subf %broadcast_in_dim3A_615, %broadcast_in_dim3A_12 : vector<16x256xf32>
    %mul3A_617 = arith.mulf %sub3A_610, %sub3A_610 : vector<16x256xf32>
    %mul3A_618 = arith.mulf %sub3A_613, %sub3A_613 : vector<16x256xf32>
    %add3A_619 = arith.addf %mul3A_617, %mul3A_618 : vector<16x256xf32>
    %mul3A_620 = arith.mulf %sub3A_616, %sub3A_616 : vector<16x256xf32>
    %add3A_621 = arith.addf %add3A_619, %mul3A_620 : vector<16x256xf32>
    %add3A_622 = arith.constant 9.99999996E-13 : f32
    %add3A_623 = vector.broadcast %add3A_622 : f32 to vector<16x256xf32>
    %add3A_624 = arith.addf %add3A_621, %add3A_623 : vector<16x256xf32>
    %rsqrt3A_625 = math.rsqrt %add3A_624 : vector<16x256xf32>
    %mul3A_626 = arith.mulf %add3A_621, %rsqrt3A_625 : vector<16x256xf32>
    %mul3A_627 = arith.constant 5.000000e-01 : f32
    %mul3A_628 = vector.broadcast %mul3A_627 : f32 to vector<16x256xf32>
    %mul3A_629 = arith.mulf %mul3A_626, %mul3A_628 : vector<16x256xf32>
    %sub3A_630 = arith.constant 1.000000e+00 : f32
    %sub3A_631 = vector.broadcast %sub3A_630 : f32 to vector<16x256xf32>
    %sub3A_632 = arith.subf %sub3A_631, %mul3A_629 : vector<16x256xf32>
    %max3A_633 = arith.constant 0.000000e+00 : f32
    %max3A_634 = vector.broadcast %max3A_633 : f32 to vector<16x256xf32>
    %max3A_635 = arith.maximumf %sub3A_632, %max3A_634 : vector<16x256xf32>
    %reshape3A_636 = vector.shape_cast %max3A_635 : vector<16x256xf32> to vector<16x1x256xf32>
    %broadcast_in_dim3A_637 = vector.shape_cast %reshape3A_636 : vector<16x1x256xf32> to vector<16x1x256xf32>
    %broadcast_in_dim3A_638 = vector.broadcast %broadcast_in_dim3A_637 : vector<16x1x256xf32> to vector<16x8x256xf32>
    %reshape3A_639 = vector.shape_cast %broadcast_in_dim3A_638 : vector<16x8x256xf32> to vector<128x256xf32>
    %mul3A_640 = arith.mulf %reshape3A_639, %convert_element_type3A_57 : vector<128x256xf32>
    %get3A_641 = arith.constant 1024 : index
    %get3A_642 = arith.constant 0 : index
    %get3A_643 = vector.load %arg1[%get3A_641, %get3A_642] : memref<6400x128xf32, #tpu.memory_space<vmem>>, vector<256x128xf32>
    %dot_general3A_644 = arith.constant dense<0.000000e+00> : vector<128x128xf32>
    %dot_general3A_645 = tpu.matmul %mul3A_640, %get3A_643, %dot_general3A_644 {dimension_numbers = #tpu.dot_dimension_numbers<[1], [0], [0], [1], [0, 0, 1, 1], [], []>, transpose_lhs_hint = false} : vector<128x256xf32>, vector<256x128xf32>, vector<128x128xf32> -> vector<128x128xf32>
    %slice3A_646 = vector.extract_strided_slice %dot_general3A_645 {offsets = [0, 0], sizes = [8, 128], strides = [1, 1]} : vector<128x128xf32> to vector<8x128xf32>
    %swap3A_647 = arith.constant 32 : index
    %swap3A_648 = arith.constant 0 : index
    %swap3A_649 = vector.load %arg12[%swap3A_647, %swap3A_648] : memref<3000x128xf32, #tpu.memory_space<vmem>>, vector<8x128xf32>
    tpu.vector_store %arg12[%swap3A_647, %swap3A_648], %slice3A_646 {strides = array<i32>} : memref<3000x128xf32, #tpu.memory_space<vmem>>, vector<8x128xf32>,
    %slice3A_650 = vector.extract_strided_slice %dot_general3A_645 {offsets = [8, 0], sizes = [8, 128], strides = [1, 1]} : vector<128x128xf32> to vector<8x128xf32>
    %swap3A_651 = arith.constant 232 : index
    %swap3A_652 = arith.constant 0 : index
    %swap3A_653 = vector.load %arg12[%swap3A_651, %swap3A_652] : memref<3000x128xf32, #tpu.memory_space<vmem>>, vector<8x128xf32>
    tpu.vector_store %arg12[%swap3A_651, %swap3A_652], %slice3A_650 {strides = array<i32>} : memref<3000x128xf32, #tpu.memory_space<vmem>>, vector<8x128xf32>,
    %slice3A_654 = vector.extract_strided_slice %dot_general3A_645 {offsets = [16, 0], sizes = [8, 128], strides = [1, 1]} : vector<128x128xf32> to vector<8x128xf32>
    %swap3A_655 = arith.constant 432 : index
    %swap3A_656 = arith.constant 0 : index
    %swap3A_657 = vector.load %arg12[%swap3A_655, %swap3A_656] : memref<3000x128xf32, #tpu.memory_space<vmem>>, vector<8x128xf32>
    tpu.vector_store %arg12[%swap3A_655, %swap3A_656], %slice3A_654 {strides = array<i32>} : memref<3000x128xf32, #tpu.memory_space<vmem>>, vector<8x128xf32>,
    %slice3A_658 = vector.extract_strided_slice %dot_general3A_645 {offsets = [24, 0], sizes = [8, 128], strides = [1, 1]} : vector<128x128xf32> to vector<8x128xf32>
    %swap3A_659 = arith.constant 632 : index
    %swap3A_660 = arith.constant 0 : index
    %swap3A_661 = vector.load %arg12[%swap3A_659, %swap3A_660] : memref<3000x128xf32, #tpu.memory_space<vmem>>, vector<8x128xf32>
    tpu.vector_store %arg12[%swap3A_659, %swap3A_660], %slice3A_658 {strides = array<i32>} : memref<3000x128xf32, #tpu.memory_space<vmem>>, vector<8x128xf32>,
    %slice3A_662 = vector.extract_strided_slice %dot_general3A_645 {offsets = [32, 0], sizes = [8, 128], strides = [1, 1]} : vector<128x128xf32> to vector<8x128xf32>
    %swap3A_663 = arith.constant 832 : index
    %swap3A_664 = arith.constant 0 : index
    %swap3A_665 = vector.load %arg12[%swap3A_663, %swap3A_664] : memref<3000x128xf32, #tpu.memory_space<vmem>>, vector<8x128xf32>
    tpu.vector_store %arg12[%swap3A_663, %swap3A_664], %slice3A_662 {strides = array<i32>} : memref<3000x128xf32, #tpu.memory_space<vmem>>, vector<8x128xf32>,
    %slice3A_666 = vector.extract_strided_slice %dot_general3A_645 {offsets = [40, 0], sizes = [8, 128], strides = [1, 1]} : vector<128x128xf32> to vector<8x128xf32>
    %swap3A_667 = arith.constant 1032 : index
    %swap3A_668 = arith.constant 0 : index
    %swap3A_669 = vector.load %arg12[%swap3A_667, %swap3A_668] : memref<3000x128xf32, #tpu.memory_space<vmem>>, vector<8x128xf32>
    tpu.vector_store %arg12[%swap3A_667, %swap3A_668], %slice3A_666 {strides = array<i32>} : memref<3000x128xf32, #tpu.memory_space<vmem>>, vector<8x128xf32>,
    %slice3A_670 = vector.extract_strided_slice %dot_general3A_645 {offsets = [48, 0], sizes = [8, 128], strides = [1, 1]} : vector<128x128xf32> to vector<8x128xf32>
    %swap3A_671 = arith.constant 1232 : index
    %swap3A_672 = arith.constant 0 : index
    %swap3A_673 = vector.load %arg12[%swap3A_671, %swap3A_672] : memref<3000x128xf32, #tpu.memory_space<vmem>>, vector<8x128xf32>
    tpu.vector_store %arg12[%swap3A_671, %swap3A_672], %slice3A_670 {strides = array<i32>} : memref<3000x128xf32, #tpu.memory_space<vmem>>, vector<8x128xf32>,
    %slice3A_674 = vector.extract_strided_slice %dot_general3A_645 {offsets = [56, 0], sizes = [8, 128], strides = [1, 1]} : vector<128x128xf32> to vector<8x128xf32>
    %swap3A_675 = arith.constant 1432 : index
    %swap3A_676 = arith.constant 0 : index
    %swap3A_677 = vector.load %arg12[%swap3A_675, %swap3A_676] : memref<3000x128xf32, #tpu.memory_space<vmem>>, vector<8x128xf32>
    tpu.vector_store %arg12[%swap3A_675, %swap3A_676], %slice3A_674 {strides = array<i32>} : memref<3000x128xf32, #tpu.memory_space<vmem>>, vector<8x128xf32>,
    %slice3A_678 = vector.extract_strided_slice %dot_general3A_645 {offsets = [64, 0], sizes = [8, 128], strides = [1, 1]} : vector<128x128xf32> to vector<8x128xf32>
    %swap3A_679 = arith.constant 1632 : index
    %swap3A_680 = arith.constant 0 : index
    %swap3A_681 = vector.load %arg12[%swap3A_679, %swap3A_680] : memref<3000x128xf32, #tpu.memory_space<vmem>>, vector<8x128xf32>
    tpu.vector_store %arg12[%swap3A_679, %swap3A_680], %slice3A_678 {strides = array<i32>} : memref<3000x128xf32, #tpu.memory_space<vmem>>, vector<8x128xf32>,
    %slice3A_682 = vector.extract_strided_slice %dot_general3A_645 {offsets = [72, 0], sizes = [8, 128], strides = [1, 1]} : vector<128x128xf32> to vector<8x128xf32>
    %swap3A_683 = arith.constant 1832 : index
    %swap3A_684 = arith.constant 0 : index
    %swap3A_685 = vector.load %arg12[%swap3A_683, %swap3A_684] : memref<3000x128xf32, #tpu.memory_space<vmem>>, vector<8x128xf32>
    tpu.vector_store %arg12[%swap3A_683, %swap3A_684], %slice3A_682 {strides = array<i32>} : memref<3000x128xf32, #tpu.memory_space<vmem>>, vector<8x128xf32>,
    %slice3A_686 = vector.extract_strided_slice %dot_general3A_645 {offsets = [80, 0], sizes = [8, 128], strides = [1, 1]} : vector<128x128xf32> to vector<8x128xf32>
    %swap3A_687 = arith.constant 2032 : index
    %swap3A_688 = arith.constant 0 : index
    %swap3A_689 = vector.load %arg12[%swap3A_687, %swap3A_688] : memref<3000x128xf32, #tpu.memory_space<vmem>>, vector<8x128xf32>
    tpu.vector_store %arg12[%swap3A_687, %swap3A_688], %slice3A_686 {strides = array<i32>} : memref<3000x128xf32, #tpu.memory_space<vmem>>, vector<8x128xf32>,
    %slice3A_690 = vector.extract_strided_slice %dot_general3A_645 {offsets = [88, 0], sizes = [8, 128], strides = [1, 1]} : vector<128x128xf32> to vector<8x128xf32>
    %swap3A_691 = arith.constant 2232 : index
    %swap3A_692 = arith.constant 0 : index
    %swap3A_693 = vector.load %arg12[%swap3A_691, %swap3A_692] : memref<3000x128xf32, #tpu.memory_space<vmem>>, vector<8x128xf32>
    tpu.vector_store %arg12[%swap3A_691, %swap3A_692], %slice3A_690 {strides = array<i32>} : memref<3000x128xf32, #tpu.memory_space<vmem>>, vector<8x128xf32>,
    %slice3A_694 = vector.extract_strided_slice %dot_general3A_645 {offsets = [96, 0], sizes = [8, 128], strides = [1, 1]} : vector<128x128xf32> to vector<8x128xf32>
    %swap3A_695 = arith.constant 2432 : index
    %swap3A_696 = arith.constant 0 : index
    %swap3A_697 = vector.load %arg12[%swap3A_695, %swap3A_696] : memref<3000x128xf32, #tpu.memory_space<vmem>>, vector<8x128xf32>
    tpu.vector_store %arg12[%swap3A_695, %swap3A_696], %slice3A_694 {strides = array<i32>} : memref<3000x128xf32, #tpu.memory_space<vmem>>, vector<8x128xf32>,
    %slice3A_698 = vector.extract_strided_slice %dot_general3A_645 {offsets = [104, 0], sizes = [8, 128], strides = [1, 1]} : vector<128x128xf32> to vector<8x128xf32>
    %swap3A_699 = arith.constant 2632 : index
    %swap3A_700 = arith.constant 0 : index
    %swap3A_701 = vector.load %arg12[%swap3A_699, %swap3A_700] : memref<3000x128xf32, #tpu.memory_space<vmem>>, vector<8x128xf32>
    tpu.vector_store %arg12[%swap3A_699, %swap3A_700], %slice3A_698 {strides = array<i32>} : memref<3000x128xf32, #tpu.memory_space<vmem>>, vector<8x128xf32>,
    %slice3A_702 = vector.extract_strided_slice %dot_general3A_645 {offsets = [112, 0], sizes = [8, 128], strides = [1, 1]} : vector<128x128xf32> to vector<8x128xf32>
    %swap3A_703 = arith.constant 2832 : index
    %swap3A_704 = arith.constant 0 : index
    %swap3A_705 = vector.load %arg12[%swap3A_703, %swap3A_704] : memref<3000x128xf32, #tpu.memory_space<vmem>>, vector<8x128xf32>
    tpu.vector_store %arg12[%swap3A_703, %swap3A_704], %slice3A_702 {strides = array<i32>} : memref<3000x128xf32, #tpu.memory_space<vmem>>, vector<8x128xf32>,
    %get3A_706 = arith.constant 0 : index
    %get3A_707 = arith.constant 5 : index
    %get3A_708 = arith.constant 0 : index
    %get3A_709 = vector.load %arg2[%get3A_706, %get3A_707, %get3A_708] : memref<1x25x256xf32, #tpu.memory_space<vmem>>, vector<1x1x256xf32>
    %get3A_710 = vector.shape_cast %get3A_709 : vector<1x1x256xf32> to vector<1x256xf32>
    %get3A_711 = arith.constant 0 : index
    %get3A_712 = arith.constant 5 : index
    %get3A_713 = arith.constant 0 : index
    %get3A_714 = vector.load %arg5[%get3A_711, %get3A_712, %get3A_713] : memref<1x25x256xf32, #tpu.memory_space<vmem>>, vector<1x1x256xf32>
    %get3A_715 = vector.shape_cast %get3A_714 : vector<1x1x256xf32> to vector<1x256xf32>
    %sub3A_716 = arith.subf %get3A_710, %get3A_715 : vector<1x256xf32>
    %get3A_717 = arith.constant 0 : index
    %get3A_718 = arith.constant 5 : index
    %get3A_719 = arith.constant 0 : index
    %get3A_720 = vector.load %arg3[%get3A_717, %get3A_718, %get3A_719] : memref<1x25x256xf32, #tpu.memory_space<vmem>>, vector<1x1x256xf32>
    %get3A_721 = vector.shape_cast %get3A_720 : vector<1x1x256xf32> to vector<1x256xf32>
    %get3A_722 = arith.constant 0 : index
    %get3A_723 = arith.constant 5 : index
    %get3A_724 = arith.constant 0 : index
    %get3A_725 = vector.load %arg6[%get3A_722, %get3A_723, %get3A_724] : memref<1x25x256xf32, #tpu.memory_space<vmem>>, vector<1x1x256xf32>
    %get3A_726 = vector.shape_cast %get3A_725 : vector<1x1x256xf32> to vector<1x256xf32>
    %sub3A_727 = arith.subf %get3A_721, %get3A_726 : vector<1x256xf32>
    %get3A_728 = arith.constant 0 : index
    %get3A_729 = arith.constant 5 : index
    %get3A_730 = arith.constant 0 : index
    %get3A_731 = vector.load %arg4[%get3A_728, %get3A_729, %get3A_730] : memref<1x25x256xf32, #tpu.memory_space<vmem>>, vector<1x1x256xf32>
    %get3A_732 = vector.shape_cast %get3A_731 : vector<1x1x256xf32> to vector<1x256xf32>
    %get3A_733 = arith.constant 0 : index
    %get3A_734 = arith.constant 5 : index
    %get3A_735 = arith.constant 0 : index
    %get3A_736 = vector.load %arg7[%get3A_733, %get3A_734, %get3A_735] : memref<1x25x256xf32, #tpu.memory_space<vmem>>, vector<1x1x256xf32>
    %get3A_737 = vector.shape_cast %get3A_736 : vector<1x1x256xf32> to vector<1x256xf32>
    %sub3A_738 = arith.subf %get3A_732, %get3A_737 : vector<1x256xf32>
    %broadcast_in_dim3A_739 = vector.shape_cast %sub3A_716 : vector<1x256xf32> to vector<1x256xf32>
    %broadcast_in_dim3A_740 = vector.broadcast %broadcast_in_dim3A_739 : vector<1x256xf32> to vector<16x256xf32>
    %sub3A_741 = arith.subf %broadcast_in_dim3A_740, %broadcast_in_dim3A_2 : vector<16x256xf32>
    %broadcast_in_dim3A_742 = vector.shape_cast %sub3A_727 : vector<1x256xf32> to vector<1x256xf32>
    %broadcast_in_dim3A_743 = vector.broadcast %broadcast_in_dim3A_742 : vector<1x256xf32> to vector<16x256xf32>
    %sub3A_744 = arith.subf %broadcast_in_dim3A_743, %broadcast_in_dim3A_7 : vector<16x256xf32>
    %broadcast_in_dim3A_745 = vector.shape_cast %sub3A_738 : vector<1x256xf32> to vector<1x256xf32>
    %broadcast_in_dim3A_746 = vector.broadcast %broadcast_in_dim3A_745 : vector<1x256xf32> to vector<16x256xf32>
    %sub3A_747 = arith.subf %broadcast_in_dim3A_746, %broadcast_in_dim3A_12 : vector<16x256xf32>
    %mul3A_748 = arith.mulf %sub3A_741, %sub3A_741 : vector<16x256xf32>
    %mul3A_749 = arith.mulf %sub3A_744, %sub3A_744 : vector<16x256xf32>
    %add3A_750 = arith.addf %mul3A_748, %mul3A_749 : vector<16x256xf32>
    %mul3A_751 = arith.mulf %sub3A_747, %sub3A_747 : vector<16x256xf32>
    %add3A_752 = arith.addf %add3A_750, %mul3A_751 : vector<16x256xf32>
    %add3A_753 = arith.constant 9.99999996E-13 : f32
    %add3A_754 = vector.broadcast %add3A_753 : f32 to vector<16x256xf32>
    %add3A_755 = arith.addf %add3A_752, %add3A_754 : vector<16x256xf32>
    %rsqrt3A_756 = math.rsqrt %add3A_755 : vector<16x256xf32>
    %mul3A_757 = arith.mulf %add3A_752, %rsqrt3A_756 : vector<16x256xf32>
    %mul3A_758 = arith.constant 5.000000e-01 : f32
    %mul3A_759 = vector.broadcast %mul3A_758 : f32 to vector<16x256xf32>
    %mul3A_760 = arith.mulf %mul3A_757, %mul3A_759 : vector<16x256xf32>
    %sub3A_761 = arith.constant 1.000000e+00 : f32
    %sub3A_762 = vector.broadcast %sub3A_761 : f32 to vector<16x256xf32>
    %sub3A_763 = arith.subf %sub3A_762, %mul3A_760 : vector<16x256xf32>
    %max3A_764 = arith.constant 0.000000e+00 : f32
    %max3A_765 = vector.broadcast %max3A_764 : f32 to vector<16x256xf32>
    %max3A_766 = arith.maximumf %sub3A_763, %max3A_765 : vector<16x256xf32>
    %reshape3A_767 = vector.shape_cast %max3A_766 : vector<16x256xf32> to vector<16x1x256xf32>
    %broadcast_in_dim3A_768 = vector.shape_cast %reshape3A_767 : vector<16x1x256xf32> to vector<16x1x256xf32>
    %broadcast_in_dim3A_769 = vector.broadcast %broadcast_in_dim3A_768 : vector<16x1x256xf32> to vector<16x8x256xf32>
    %reshape3A_770 = vector.shape_cast %broadcast_in_dim3A_769 : vector<16x8x256xf32> to vector<128x256xf32>
    %mul3A_771 = arith.mulf %reshape3A_770, %convert_element_type3A_57 : vector<128x256xf32>
    %get3A_772 = arith.constant 1280 : index
    %get3A_773 = arith.constant 0 : index
    %get3A_774 = vector.load %arg1[%get3A_772, %get3A_773] : memref<6400x128xf32, #tpu.memory_space<vmem>>, vector<256x128xf32>
    %dot_general3A_775 = arith.constant dense<0.000000e+00> : vector<128x128xf32>
    %dot_general3A_776 = tpu.matmul %mul3A_771, %get3A_774, %dot_general3A_775 {dimension_numbers = #tpu.dot_dimension_numbers<[1], [0], [0], [1], [0, 0, 1, 1], [], []>, transpose_lhs_hint = false} : vector<128x256xf32>, vector<256x128xf32>, vector<128x128xf32> -> vector<128x128xf32>
    %slice3A_777 = vector.extract_strided_slice %dot_general3A_776 {offsets = [0, 0], sizes = [8, 128], strides = [1, 1]} : vector<128x128xf32> to vector<8x128xf32>
    %swap3A_778 = arith.constant 40 : index
    %swap3A_779 = arith.constant 0 : index
    %swap3A_780 = vector.load %arg12[%swap3A_778, %swap3A_779] : memref<3000x128xf32, #tpu.memory_space<vmem>>, vector<8x128xf32>
    tpu.vector_store %arg12[%swap3A_778, %swap3A_779], %slice3A_777 {strides = array<i32>} : memref<3000x128xf32, #tpu.memory_space<vmem>>, vector<8x128xf32>,
    %slice3A_781 = vector.extract_strided_slice %dot_general3A_776 {offsets = [8, 0], sizes = [8, 128], strides = [1, 1]} : vector<128x128xf32> to vector<8x128xf32>
    %swap3A_782 = arith.constant 240 : index
    %swap3A_783 = arith.constant 0 : index
    %swap3A_784 = vector.load %arg12[%swap3A_782, %swap3A_783] : memref<3000x128xf32, #tpu.memory_space<vmem>>, vector<8x128xf32>
    tpu.vector_store %arg12[%swap3A_782, %swap3A_783], %slice3A_781 {strides = array<i32>} : memref<3000x128xf32, #tpu.memory_space<vmem>>, vector<8x128xf32>,
    %slice3A_785 = vector.extract_strided_slice %dot_general3A_776 {offsets = [16, 0], sizes = [8, 128], strides = [1, 1]} : vector<128x128xf32> to vector<8x128xf32>
    %swap3A_786 = arith.constant 440 : index
    %swap3A_787 = arith.constant 0 : index
    %swap3A_788 = vector.load %arg12[%swap3A_786, %swap3A_787] : memref<3000x128xf32, #tpu.memory_space<vmem>>, vector<8x128xf32>
    tpu.vector_store %arg12[%swap3A_786, %swap3A_787], %slice3A_785 {strides = array<i32>} : memref<3000x128xf32, #tpu.memory_space<vmem>>, vector<8x128xf32>,
    %slice3A_789 = vector.extract_strided_slice %dot_general3A_776 {offsets = [24, 0], sizes = [8, 128], strides = [1, 1]} : vector<128x128xf32> to vector<8x128xf32>
    %swap3A_790 = arith.constant 640 : index
    %swap3A_791 = arith.constant 0 : index
    %swap3A_792 = vector.load %arg12[%swap3A_790, %swap3A_791] : memref<3000x128xf32, #tpu.memory_space<vmem>>, vector<8x128xf32>
    tpu.vector_store %arg12[%swap3A_790, %swap3A_791], %slice3A_789 {strides = array<i32>} : memref<3000x128xf32, #tpu.memory_space<vmem>>, vector<8x128xf32>,
    %slice3A_793 = vector.extract_strided_slice %dot_general3A_776 {offsets = [32, 0], sizes = [8, 128], strides = [1, 1]} : vector<128x128xf32> to vector<8x128xf32>
    %swap3A_794 = arith.constant 840 : index
    %swap3A_795 = arith.constant 0 : index
    %swap3A_796 = vector.load %arg12[%swap3A_794, %swap3A_795] : memref<3000x128xf32, #tpu.memory_space<vmem>>, vector<8x128xf32>
    tpu.vector_store %arg12[%swap3A_794, %swap3A_795], %slice3A_793 {strides = array<i32>} : memref<3000x128xf32, #tpu.memory_space<vmem>>, vector<8x128xf32>,
    %slice3A_797 = vector.extract_strided_slice %dot_general3A_776 {offsets = [40, 0], sizes = [8, 128], strides = [1, 1]} : vector<128x128xf32> to vector<8x128xf32>
    %swap3A_798 = arith.constant 1040 : index
    %swap3A_799 = arith.constant 0 : index
    %swap3A_800 = vector.load %arg12[%swap3A_798, %swap3A_799] : memref<3000x128xf32, #tpu.memory_space<vmem>>, vector<8x128xf32>
    tpu.vector_store %arg12[%swap3A_798, %swap3A_799], %slice3A_797 {strides = array<i32>} : memref<3000x128xf32, #tpu.memory_space<vmem>>, vector<8x128xf32>,
    %slice3A_801 = vector.extract_strided_slice %dot_general3A_776 {offsets = [48, 0], sizes = [8, 128], strides = [1, 1]} : vector<128x128xf32> to vector<8x128xf32>
    %swap3A_802 = arith.constant 1240 : index
    %swap3A_803 = arith.constant 0 : index
    %swap3A_804 = vector.load %arg12[%swap3A_802, %swap3A_803] : memref<3000x128xf32, #tpu.memory_space<vmem>>, vector<8x128xf32>
    tpu.vector_store %arg12[%swap3A_802, %swap3A_803], %slice3A_801 {strides = array<i32>} : memref<3000x128xf32, #tpu.memory_space<vmem>>, vector<8x128xf32>,
    %slice3A_805 = vector.extract_strided_slice %dot_general3A_776 {offsets = [56, 0], sizes = [8, 128], strides = [1, 1]} : vector<128x128xf32> to vector<8x128xf32>
    %swap3A_806 = arith.constant 1440 : index
    %swap3A_807 = arith.constant 0 : index
    %swap3A_808 = vector.load %arg12[%swap3A_806, %swap3A_807] : memref<3000x128xf32, #tpu.memory_space<vmem>>, vector<8x128xf32>
    tpu.vector_store %arg12[%swap3A_806, %swap3A_807], %slice3A_805 {strides = array<i32>} : memref<3000x128xf32, #tpu.memory_space<vmem>>, vector<8x128xf32>,
    %slice3A_809 = vector.extract_strided_slice %dot_general3A_776 {offsets = [64, 0], sizes = [8, 128], strides = [1, 1]} : vector<128x128xf32> to vector<8x128xf32>
    %swap3A_810 = arith.constant 1640 : index
    %swap3A_811 = arith.constant 0 : index
    %swap3A_812 = vector.load %arg12[%swap3A_810, %swap3A_811] : memref<3000x128xf32, #tpu.memory_space<vmem>>, vector<8x128xf32>
    tpu.vector_store %arg12[%swap3A_810, %swap3A_811], %slice3A_809 {strides = array<i32>} : memref<3000x128xf32, #tpu.memory_space<vmem>>, vector<8x128xf32>,
    %slice3A_813 = vector.extract_strided_slice %dot_general3A_776 {offsets = [72, 0], sizes = [8, 128], strides = [1, 1]} : vector<128x128xf32> to vector<8x128xf32>
    %swap3A_814 = arith.constant 1840 : index
    %swap3A_815 = arith.constant 0 : index
    %swap3A_816 = vector.load %arg12[%swap3A_814, %swap3A_815] : memref<3000x128xf32, #tpu.memory_space<vmem>>, vector<8x128xf32>
    tpu.vector_store %arg12[%swap3A_814, %swap3A_815], %slice3A_813 {strides = array<i32>} : memref<3000x128xf32, #tpu.memory_space<vmem>>, vector<8x128xf32>,
    %slice3A_817 = vector.extract_strided_slice %dot_general3A_776 {offsets = [80, 0], sizes = [8, 128], strides = [1, 1]} : vector<128x128xf32> to vector<8x128xf32>
    %swap3A_818 = arith.constant 2040 : index
    %swap3A_819 = arith.constant 0 : index
    %swap3A_820 = vector.load %arg12[%swap3A_818, %swap3A_819] : memref<3000x128xf32, #tpu.memory_space<vmem>>, vector<8x128xf32>
    tpu.vector_store %arg12[%swap3A_818, %swap3A_819], %slice3A_817 {strides = array<i32>} : memref<3000x128xf32, #tpu.memory_space<vmem>>, vector<8x128xf32>,
    %slice3A_821 = vector.extract_strided_slice %dot_general3A_776 {offsets = [88, 0], sizes = [8, 128], strides = [1, 1]} : vector<128x128xf32> to vector<8x128xf32>
    %swap3A_822 = arith.constant 2240 : index
    %swap3A_823 = arith.constant 0 : index
    %swap3A_824 = vector.load %arg12[%swap3A_822, %swap3A_823] : memref<3000x128xf32, #tpu.memory_space<vmem>>, vector<8x128xf32>
    tpu.vector_store %arg12[%swap3A_822, %swap3A_823], %slice3A_821 {strides = array<i32>} : memref<3000x128xf32, #tpu.memory_space<vmem>>, vector<8x128xf32>,
    %slice3A_825 = vector.extract_strided_slice %dot_general3A_776 {offsets = [96, 0], sizes = [8, 128], strides = [1, 1]} : vector<128x128xf32> to vector<8x128xf32>
    %swap3A_826 = arith.constant 2440 : index
    %swap3A_827 = arith.constant 0 : index
    %swap3A_828 = vector.load %arg12[%swap3A_826, %swap3A_827] : memref<3000x128xf32, #tpu.memory_space<vmem>>, vector<8x128xf32>
    tpu.vector_store %arg12[%swap3A_826, %swap3A_827], %slice3A_825 {strides = array<i32>} : memref<3000x128xf32, #tpu.memory_space<vmem>>, vector<8x128xf32>,
    %slice3A_829 = vector.extract_strided_slice %dot_general3A_776 {offsets = [104, 0], sizes = [8, 128], strides = [1, 1]} : vector<128x128xf32> to vector<8x128xf32>
    %swap3A_830 = arith.constant 2640 : index
    %swap3A_831 = arith.constant 0 : index
    %swap3A_832 = vector.load %arg12[%swap3A_830, %swap3A_831] : memref<3000x128xf32, #tpu.memory_space<vmem>>, vector<8x128xf32>
    tpu.vector_store %arg12[%swap3A_830, %swap3A_831], %slice3A_829 {strides = array<i32>} : memref<3000x128xf32, #tpu.memory_space<vmem>>, vector<8x128xf32>,
    %slice3A_833 = vector.extract_strided_slice %dot_general3A_776 {offsets = [112, 0], sizes = [8, 128], strides = [1, 1]} : vector<128x128xf32> to vector<8x128xf32>
    %swap3A_834 = arith.constant 2840 : index
    %swap3A_835 = arith.constant 0 : index
    %swap3A_836 = vector.load %arg12[%swap3A_834, %swap3A_835] : memref<3000x128xf32, #tpu.memory_space<vmem>>, vector<8x128xf32>
    tpu.vector_store %arg12[%swap3A_834, %swap3A_835], %slice3A_833 {strides = array<i32>} : memref<3000x128xf32, #tpu.memory_space<vmem>>, vector<8x128xf32>,
    %get3A_837 = arith.constant 0 : index
    %get3A_838 = arith.constant 6 : index
    %get3A_839 = arith.constant 0 : index
    %get3A_840 = vector.load %arg2[%get3A_837, %get3A_838, %get3A_839] : memref<1x25x256xf32, #tpu.memory_space<vmem>>, vector<1x1x256xf32>
    %get3A_841 = vector.shape_cast %get3A_840 : vector<1x1x256xf32> to vector<1x256xf32>
    %get3A_842 = arith.constant 0 : index
    %get3A_843 = arith.constant 6 : index
    %get3A_844 = arith.constant 0 : index
    %get3A_845 = vector.load %arg5[%get3A_842, %get3A_843, %get3A_844] : memref<1x25x256xf32, #tpu.memory_space<vmem>>, vector<1x1x256xf32>
    %get3A_846 = vector.shape_cast %get3A_845 : vector<1x1x256xf32> to vector<1x256xf32>
    %sub3A_847 = arith.subf %get3A_841, %get3A_846 : vector<1x256xf32>
    %get3A_848 = arith.constant 0 : index
    %get3A_849 = arith.constant 6 : index
    %get3A_850 = arith.constant 0 : index
    %get3A_851 = vector.load %arg3[%get3A_848, %get3A_849, %get3A_850] : memref<1x25x256xf32, #tpu.memory_space<vmem>>, vector<1x1x256xf32>
    %get3A_852 = vector.shape_cast %get3A_851 : vector<1x1x256xf32> to vector<1x256xf32>
    %get3A_853 = arith.constant 0 : index
    %get3A_854 = arith.constant 6 : index
    %get3A_855 = arith.constant 0 : index
    %get3A_856 = vector.load %arg6[%get3A_853, %get3A_854, %get3A_855] : memref<1x25x256xf32, #tpu.memory_space<vmem>>, vector<1x1x256xf32>
    %get3A_857 = vector.shape_cast %get3A_856 : vector<1x1x256xf32> to vector<1x256xf32>
    %sub3A_858 = arith.subf %get3A_852, %get3A_857 : vector<1x256xf32>
    %get3A_859 = arith.constant 0 : index
    %get3A_860 = arith.constant 6 : index
    %get3A_861 = arith.constant 0 : index
    %get3A_862 = vector.load %arg4[%get3A_859, %get3A_860, %get3A_861] : memref<1x25x256xf32, #tpu.memory_space<vmem>>, vector<1x1x256xf32>
    %get3A_863 = vector.shape_cast %get3A_862 : vector<1x1x256xf32> to vector<1x256xf32>
    %get3A_864 = arith.constant 0 : index
    %get3A_865 = arith.constant 6 : index
    %get3A_866 = arith.constant 0 : index
    %get3A_867 = vector.load %arg7[%get3A_864, %get3A_865, %get3A_866] : memref<1x25x256xf32, #tpu.memory_space<vmem>>, vector<1x1x256xf32>
    %get3A_868 = vector.shape_cast %get3A_867 : vector<1x1x256xf32> to vector<1x256xf32>
    %sub3A_869 = arith.subf %get3A_863, %get3A_868 : vector<1x256xf32>
    %broadcast_in_dim3A_870 = vector.shape_cast %sub3A_847 : vector<1x256xf32> to vector<1x256xf32>
    %broadcast_in_dim3A_871 = vector.broadcast %broadcast_in_dim3A_870 : vector<1x256xf32> to vector<16x256xf32>
    %sub3A_872 = arith.subf %broadcast_in_dim3A_871, %broadcast_in_dim3A_2 : vector<16x256xf32>
    %broadcast_in_dim3A_873 = vector.shape_cast %sub3A_858 : vector<1x256xf32> to vector<1x256xf32>
    %broadcast_in_dim3A_874 = vector.broadcast %broadcast_in_dim3A_873 : vector<1x256xf32> to vector<16x256xf32>
    %sub3A_875 = arith.subf %broadcast_in_dim3A_874, %broadcast_in_dim3A_7 : vector<16x256xf32>
    %broadcast_in_dim3A_876 = vector.shape_cast %sub3A_869 : vector<1x256xf32> to vector<1x256xf32>
    %broadcast_in_dim3A_877 = vector.broadcast %broadcast_in_dim3A_876 : vector<1x256xf32> to vector<16x256xf32>
    %sub3A_878 = arith.subf %broadcast_in_dim3A_877, %broadcast_in_dim3A_12 : vector<16x256xf32>
    %mul3A_879 = arith.mulf %sub3A_872, %sub3A_872 : vector<16x256xf32>
    %mul3A_880 = arith.mulf %sub3A_875, %sub3A_875 : vector<16x256xf32>
    %add3A_881 = arith.addf %mul3A_879, %mul3A_880 : vector<16x256xf32>
    %mul3A_882 = arith.mulf %sub3A_878, %sub3A_878 : vector<16x256xf32>
    %add3A_883 = arith.addf %add3A_881, %mul3A_882 : vector<16x256xf32>
    %add3A_884 = arith.constant 9.99999996E-13 : f32
    %add3A_885 = vector.broadcast %add3A_884 : f32 to vector<16x256xf32>
    %add3A_886 = arith.addf %add3A_883, %add3A_885 : vector<16x256xf32>
    %rsqrt3A_887 = math.rsqrt %add3A_886 : vector<16x256xf32>
    %mul3A_888 = arith.mulf %add3A_883, %rsqrt3A_887 : vector<16x256xf32>
    %mul3A_889 = arith.constant 5.000000e-01 : f32
    %mul3A_890 = vector.broadcast %mul3A_889 : f32 to vector<16x256xf32>
    %mul3A_891 = arith.mulf %mul3A_888, %mul3A_890 : vector<16x256xf32>
    %sub3A_892 = arith.constant 1.000000e+00 : f32
    %sub3A_893 = vector.broadcast %sub3A_892 : f32 to vector<16x256xf32>
    %sub3A_894 = arith.subf %sub3A_893, %mul3A_891 : vector<16x256xf32>
    %max3A_895 = arith.constant 0.000000e+00 : f32
    %max3A_896 = vector.broadcast %max3A_895 : f32 to vector<16x256xf32>
    %max3A_897 = arith.maximumf %sub3A_894, %max3A_896 : vector<16x256xf32>
    %reshape3A_898 = vector.shape_cast %max3A_897 : vector<16x256xf32> to vector<16x1x256xf32>
    %broadcast_in_dim3A_899 = vector.shape_cast %reshape3A_898 : vector<16x1x256xf32> to vector<16x1x256xf32>
    %broadcast_in_dim3A_900 = vector.broadcast %broadcast_in_dim3A_899 : vector<16x1x256xf32> to vector<16x8x256xf32>
    %reshape3A_901 = vector.shape_cast %broadcast_in_dim3A_900 : vector<16x8x256xf32> to vector<128x256xf32>
    %mul3A_902 = arith.mulf %reshape3A_901, %convert_element_type3A_57 : vector<128x256xf32>
    %get3A_903 = arith.constant 1536 : index
    %get3A_904 = arith.constant 0 : index
    %get3A_905 = vector.load %arg1[%get3A_903, %get3A_904] : memref<6400x128xf32, #tpu.memory_space<vmem>>, vector<256x128xf32>
    %dot_general3A_906 = arith.constant dense<0.000000e+00> : vector<128x128xf32>
    %dot_general3A_907 = tpu.matmul %mul3A_902, %get3A_905, %dot_general3A_906 {dimension_numbers = #tpu.dot_dimension_numbers<[1], [0], [0], [1], [0, 0, 1, 1], [], []>, transpose_lhs_hint = false} : vector<128x256xf32>, vector<256x128xf32>, vector<128x128xf32> -> vector<128x128xf32>
    %slice3A_908 = vector.extract_strided_slice %dot_general3A_907 {offsets = [0, 0], sizes = [8, 128], strides = [1, 1]} : vector<128x128xf32> to vector<8x128xf32>
    %swap3A_909 = arith.constant 48 : index
    %swap3A_910 = arith.constant 0 : index
    %swap3A_911 = vector.load %arg12[%swap3A_909, %swap3A_910] : memref<3000x128xf32, #tpu.memory_space<vmem>>, vector<8x128xf32>
    tpu.vector_store %arg12[%swap3A_909, %swap3A_910], %slice3A_908 {strides = array<i32>} : memref<3000x128xf32, #tpu.memory_space<vmem>>, vector<8x128xf32>,
    %slice3A_912 = vector.extract_strided_slice %dot_general3A_907 {offsets = [8, 0], sizes = [8, 128], strides = [1, 1]} : vector<128x128xf32> to vector<8x128xf32>
    %swap3A_913 = arith.constant 248 : index
    %swap3A_914 = arith.constant 0 : index
    %swap3A_915 = vector.load %arg12[%swap3A_913, %swap3A_914] : memref<3000x128xf32, #tpu.memory_space<vmem>>, vector<8x128xf32>
    tpu.vector_store %arg12[%swap3A_913, %swap3A_914], %slice3A_912 {strides = array<i32>} : memref<3000x128xf32, #tpu.memory_space<vmem>>, vector<8x128xf32>,
    %slice3A_916 = vector.extract_strided_slice %dot_general3A_907 {offsets = [16, 0], sizes = [8, 128], strides = [1, 1]} : vector<128x128xf32> to vector<8x128xf32>
    %swap3A_917 = arith.constant 448 : index
    %swap3A_918 = arith.constant 0 : index
    %swap3A_919 = vector.load %arg12[%swap3A_917, %swap3A_918] : memref<3000x128xf32, #tpu.memory_space<vmem>>, vector<8x128xf32>
    tpu.vector_store %arg12[%swap3A_917, %swap3A_918], %slice3A_916 {strides = array<i32>} : memref<3000x128xf32, #tpu.memory_space<vmem>>, vector<8x128xf32>,
    %slice3A_920 = vector.extract_strided_slice %dot_general3A_907 {offsets = [24, 0], sizes = [8, 128], strides = [1, 1]} : vector<128x128xf32> to vector<8x128xf32>
    %swap3A_921 = arith.constant 648 : index
    %swap3A_922 = arith.constant 0 : index
    %swap3A_923 = vector.load %arg12[%swap3A_921, %swap3A_922] : memref<3000x128xf32, #tpu.memory_space<vmem>>, vector<8x128xf32>
    tpu.vector_store %arg12[%swap3A_921, %swap3A_922], %slice3A_920 {strides = array<i32>} : memref<3000x128xf32, #tpu.memory_space<vmem>>, vector<8x128xf32>,
    %slice3A_924 = vector.extract_strided_slice %dot_general3A_907 {offsets = [32, 0], sizes = [8, 128], strides = [1, 1]} : vector<128x128xf32> to vector<8x128xf32>
    %swap3A_925 = arith.constant 848 : index
    %swap3A_926 = arith.constant 0 : index
    %swap3A_927 = vector.load %arg12[%swap3A_925, %swap3A_926] : memref<3000x128xf32, #tpu.memory_space<vmem>>, vector<8x128xf32>
    tpu.vector_store %arg12[%swap3A_925, %swap3A_926], %slice3A_924 {strides = array<i32>} : memref<3000x128xf32, #tpu.memory_space<vmem>>, vector<8x128xf32>,
    %slice3A_928 = vector.extract_strided_slice %dot_general3A_907 {offsets = [40, 0], sizes = [8, 128], strides = [1, 1]} : vector<128x128xf32> to vector<8x128xf32>
    %swap3A_929 = arith.constant 1048 : index
    %swap3A_930 = arith.constant 0 : index
    %swap3A_931 = vector.load %arg12[%swap3A_929, %swap3A_930] : memref<3000x128xf32, #tpu.memory_space<vmem>>, vector<8x128xf32>
    tpu.vector_store %arg12[%swap3A_929, %swap3A_930], %slice3A_928 {strides = array<i32>} : memref<3000x128xf32, #tpu.memory_space<vmem>>, vector<8x128xf32>,
    %slice3A_932 = vector.extract_strided_slice %dot_general3A_907 {offsets = [48, 0], sizes = [8, 128], strides = [1, 1]} : vector<128x128xf32> to vector<8x128xf32>
    %swap3A_933 = arith.constant 1248 : index
    %swap3A_934 = arith.constant 0 : index
    %swap3A_935 = vector.load %arg12[%swap3A_933, %swap3A_934] : memref<3000x128xf32, #tpu.memory_space<vmem>>, vector<8x128xf32>
    tpu.vector_store %arg12[%swap3A_933, %swap3A_934], %slice3A_932 {strides = array<i32>} : memref<3000x128xf32, #tpu.memory_space<vmem>>, vector<8x128xf32>,
    %slice3A_936 = vector.extract_strided_slice %dot_general3A_907 {offsets = [56, 0], sizes = [8, 128], strides = [1, 1]} : vector<128x128xf32> to vector<8x128xf32>
    %swap3A_937 = arith.constant 1448 : index
    %swap3A_938 = arith.constant 0 : index
    %swap3A_939 = vector.load %arg12[%swap3A_937, %swap3A_938] : memref<3000x128xf32, #tpu.memory_space<vmem>>, vector<8x128xf32>
    tpu.vector_store %arg12[%swap3A_937, %swap3A_938], %slice3A_936 {strides = array<i32>} : memref<3000x128xf32, #tpu.memory_space<vmem>>, vector<8x128xf32>,
    %slice3A_940 = vector.extract_strided_slice %dot_general3A_907 {offsets = [64, 0], sizes = [8, 128], strides = [1, 1]} : vector<128x128xf32> to vector<8x128xf32>
    %swap3A_941 = arith.constant 1648 : index
    %swap3A_942 = arith.constant 0 : index
    %swap3A_943 = vector.load %arg12[%swap3A_941, %swap3A_942] : memref<3000x128xf32, #tpu.memory_space<vmem>>, vector<8x128xf32>
    tpu.vector_store %arg12[%swap3A_941, %swap3A_942], %slice3A_940 {strides = array<i32>} : memref<3000x128xf32, #tpu.memory_space<vmem>>, vector<8x128xf32>,
    %slice3A_944 = vector.extract_strided_slice %dot_general3A_907 {offsets = [72, 0], sizes = [8, 128], strides = [1, 1]} : vector<128x128xf32> to vector<8x128xf32>
    %swap3A_945 = arith.constant 1848 : index
    %swap3A_946 = arith.constant 0 : index
    %swap3A_947 = vector.load %arg12[%swap3A_945, %swap3A_946] : memref<3000x128xf32, #tpu.memory_space<vmem>>, vector<8x128xf32>
    tpu.vector_store %arg12[%swap3A_945, %swap3A_946], %slice3A_944 {strides = array<i32>} : memref<3000x128xf32, #tpu.memory_space<vmem>>, vector<8x128xf32>,
    %slice3A_948 = vector.extract_strided_slice %dot_general3A_907 {offsets = [80, 0], sizes = [8, 128], strides = [1, 1]} : vector<128x128xf32> to vector<8x128xf32>
    %swap3A_949 = arith.constant 2048 : index
    %swap3A_950 = arith.constant 0 : index
    %swap3A_951 = vector.load %arg12[%swap3A_949, %swap3A_950] : memref<3000x128xf32, #tpu.memory_space<vmem>>, vector<8x128xf32>
    tpu.vector_store %arg12[%swap3A_949, %swap3A_950], %slice3A_948 {strides = array<i32>} : memref<3000x128xf32, #tpu.memory_space<vmem>>, vector<8x128xf32>,
    %slice3A_952 = vector.extract_strided_slice %dot_general3A_907 {offsets = [88, 0], sizes = [8, 128], strides = [1, 1]} : vector<128x128xf32> to vector<8x128xf32>
    %swap3A_953 = arith.constant 2248 : index
    %swap3A_954 = arith.constant 0 : index
    %swap3A_955 = vector.load %arg12[%swap3A_953, %swap3A_954] : memref<3000x128xf32, #tpu.memory_space<vmem>>, vector<8x128xf32>
    tpu.vector_store %arg12[%swap3A_953, %swap3A_954], %slice3A_952 {strides = array<i32>} : memref<3000x128xf32, #tpu.memory_space<vmem>>, vector<8x128xf32>,
    %slice3A_956 = vector.extract_strided_slice %dot_general3A_907 {offsets = [96, 0], sizes = [8, 128], strides = [1, 1]} : vector<128x128xf32> to vector<8x128xf32>
    %swap3A_957 = arith.constant 2448 : index
    %swap3A_958 = arith.constant 0 : index
    %swap3A_959 = vector.load %arg12[%swap3A_957, %swap3A_958] : memref<3000x128xf32, #tpu.memory_space<vmem>>, vector<8x128xf32>
    tpu.vector_store %arg12[%swap3A_957, %swap3A_958], %slice3A_956 {strides = array<i32>} : memref<3000x128xf32, #tpu.memory_space<vmem>>, vector<8x128xf32>,
    %slice3A_960 = vector.extract_strided_slice %dot_general3A_907 {offsets = [104, 0], sizes = [8, 128], strides = [1, 1]} : vector<128x128xf32> to vector<8x128xf32>
    %swap3A_961 = arith.constant 2648 : index
    %swap3A_962 = arith.constant 0 : index
    %swap3A_963 = vector.load %arg12[%swap3A_961, %swap3A_962] : memref<3000x128xf32, #tpu.memory_space<vmem>>, vector<8x128xf32>
    tpu.vector_store %arg12[%swap3A_961, %swap3A_962], %slice3A_960 {strides = array<i32>} : memref<3000x128xf32, #tpu.memory_space<vmem>>, vector<8x128xf32>,
    %slice3A_964 = vector.extract_strided_slice %dot_general3A_907 {offsets = [112, 0], sizes = [8, 128], strides = [1, 1]} : vector<128x128xf32> to vector<8x128xf32>
    %swap3A_965 = arith.constant 2848 : index
    %swap3A_966 = arith.constant 0 : index
    %swap3A_967 = vector.load %arg12[%swap3A_965, %swap3A_966] : memref<3000x128xf32, #tpu.memory_space<vmem>>, vector<8x128xf32>
    tpu.vector_store %arg12[%swap3A_965, %swap3A_966], %slice3A_964 {strides = array<i32>} : memref<3000x128xf32, #tpu.memory_space<vmem>>, vector<8x128xf32>,
    %get3A_968 = arith.constant 0 : index
    %get3A_969 = arith.constant 7 : index
    %get3A_970 = arith.constant 0 : index
    %get3A_971 = vector.load %arg2[%get3A_968, %get3A_969, %get3A_970] : memref<1x25x256xf32, #tpu.memory_space<vmem>>, vector<1x1x256xf32>
    %get3A_972 = vector.shape_cast %get3A_971 : vector<1x1x256xf32> to vector<1x256xf32>
    %get3A_973 = arith.constant 0 : index
    %get3A_974 = arith.constant 7 : index
    %get3A_975 = arith.constant 0 : index
    %get3A_976 = vector.load %arg5[%get3A_973, %get3A_974, %get3A_975] : memref<1x25x256xf32, #tpu.memory_space<vmem>>, vector<1x1x256xf32>
    %get3A_977 = vector.shape_cast %get3A_976 : vector<1x1x256xf32> to vector<1x256xf32>
    %sub3A_978 = arith.subf %get3A_972, %get3A_977 : vector<1x256xf32>
    %get3A_979 = arith.constant 0 : index
    %get3A_980 = arith.constant 7 : index
    %get3A_981 = arith.constant 0 : index
    %get3A_982 = vector.load %arg3[%get3A_979, %get3A_980, %get3A_981] : memref<1x25x256xf32, #tpu.memory_space<vmem>>, vector<1x1x256xf32>
    %get3A_983 = vector.shape_cast %get3A_982 : vector<1x1x256xf32> to vector<1x256xf32>
    %get3A_984 = arith.constant 0 : index
    %get3A_985 = arith.constant 7 : index
    %get3A_986 = arith.constant 0 : index
    %get3A_987 = vector.load %arg6[%get3A_984, %get3A_985, %get3A_986] : memref<1x25x256xf32, #tpu.memory_space<vmem>>, vector<1x1x256xf32>
    %get3A_988 = vector.shape_cast %get3A_987 : vector<1x1x256xf32> to vector<1x256xf32>
    %sub3A_989 = arith.subf %get3A_983, %get3A_988 : vector<1x256xf32>
    %get3A_990 = arith.constant 0 : index
    %get3A_991 = arith.constant 7 : index
    %get3A_992 = arith.constant 0 : index
    %get3A_993 = vector.load %arg4[%get3A_990, %get3A_991, %get3A_992] : memref<1x25x256xf32, #tpu.memory_space<vmem>>, vector<1x1x256xf32>
    %get3A_994 = vector.shape_cast %get3A_993 : vector<1x1x256xf32> to vector<1x256xf32>
    %get3A_995 = arith.constant 0 : index
    %get3A_996 = arith.constant 7 : index
    %get3A_997 = arith.constant 0 : index
    %get3A_998 = vector.load %arg7[%get3A_995, %get3A_996, %get3A_997] : memref<1x25x256xf32, #tpu.memory_space<vmem>>, vector<1x1x256xf32>
    %get3A_999 = vector.shape_cast %get3A_998 : vector<1x1x256xf32> to vector<1x256xf32>
    %sub3A_1000 = arith.subf %get3A_994, %get3A_999 : vector<1x256xf32>
    %broadcast_in_dim3A_1001 = vector.shape_cast %sub3A_978 : vector<1x256xf32> to vector<1x256xf32>
    %broadcast_in_dim3A_1002 = vector.broadcast %broadcast_in_dim3A_1001 : vector<1x256xf32> to vector<16x256xf32>
    %sub3A_1003 = arith.subf %broadcast_in_dim3A_1002, %broadcast_in_dim3A_2 : vector<16x256xf32>
    %broadcast_in_dim3A_1004 = vector.shape_cast %sub3A_989 : vector<1x256xf32> to vector<1x256xf32>
    %broadcast_in_dim3A_1005 = vector.broadcast %broadcast_in_dim3A_1004 : vector<1x256xf32> to vector<16x256xf32>
    %sub3A_1006 = arith.subf %broadcast_in_dim3A_1005, %broadcast_in_dim3A_7 : vector<16x256xf32>
    %broadcast_in_dim3A_1007 = vector.shape_cast %sub3A_1000 : vector<1x256xf32> to vector<1x256xf32>
    %broadcast_in_dim3A_1008 = vector.broadcast %broadcast_in_dim3A_1007 : vector<1x256xf32> to vector<16x256xf32>
    %sub3A_1009 = arith.subf %broadcast_in_dim3A_1008, %broadcast_in_dim3A_12 : vector<16x256xf32>
    %mul3A_1010 = arith.mulf %sub3A_1003, %sub3A_1003 : vector<16x256xf32>
    %mul3A_1011 = arith.mulf %sub3A_1006, %sub3A_1006 : vector<16x256xf32>
    %add3A_1012 = arith.addf %mul3A_1010, %mul3A_1011 : vector<16x256xf32>
    %mul3A_1013 = arith.mulf %sub3A_1009, %sub3A_1009 : vector<16x256xf32>
    %add3A_1014 = arith.addf %add3A_1012, %mul3A_1013 : vector<16x256xf32>
    %add3A_1015 = arith.constant 9.99999996E-13 : f32
    %add3A_1016 = vector.broadcast %add3A_1015 : f32 to vector<16x256xf32>
    %add3A_1017 = arith.addf %add3A_1014, %add3A_1016 : vector<16x256xf32>
    %rsqrt3A_1018 = math.rsqrt %add3A_1017 : vector<16x256xf32>
    %mul3A_1019 = arith.mulf %add3A_1014, %rsqrt3A_1018 : vector<16x256xf32>
    %mul3A_1020 = arith.constant 5.000000e-01 : f32
    %mul3A_1021 = vector.broadcast %mul3A_1020 : f32 to vector<16x256xf32>
    %mul3A_1022 = arith.mulf %mul3A_1019, %mul3A_1021 : vector<16x256xf32>
    %sub3A_1023 = arith.constant 1.000000e+00 : f32
    %sub3A_1024 = vector.broadcast %sub3A_1023 : f32 to vector<16x256xf32>
    %sub3A_1025 = arith.subf %sub3A_1024, %mul3A_1022 : vector<16x256xf32>
    %max3A_1026 = arith.constant 0.000000e+00 : f32
    %max3A_1027 = vector.broadcast %max3A_1026 : f32 to vector<16x256xf32>
    %max3A_1028 = arith.maximumf %sub3A_1025, %max3A_1027 : vector<16x256xf32>
    %reshape3A_1029 = vector.shape_cast %max3A_1028 : vector<16x256xf32> to vector<16x1x256xf32>
    %broadcast_in_dim3A_1030 = vector.shape_cast %reshape3A_1029 : vector<16x1x256xf32> to vector<16x1x256xf32>
    %broadcast_in_dim3A_1031 = vector.broadcast %broadcast_in_dim3A_1030 : vector<16x1x256xf32> to vector<16x8x256xf32>
    %reshape3A_1032 = vector.shape_cast %broadcast_in_dim3A_1031 : vector<16x8x256xf32> to vector<128x256xf32>
    %mul3A_1033 = arith.mulf %reshape3A_1032, %convert_element_type3A_57 : vector<128x256xf32>
    %get3A_1034 = arith.constant 1792 : index
    %get3A_1035 = arith.constant 0 : index
    %get3A_1036 = vector.load %arg1[%get3A_1034, %get3A_1035] : memref<6400x128xf32, #tpu.memory_space<vmem>>, vector<256x128xf32>
    %dot_general3A_1037 = arith.constant dense<0.000000e+00> : vector<128x128xf32>
    %dot_general3A_1038 = tpu.matmul %mul3A_1033, %get3A_1036, %dot_general3A_1037 {dimension_numbers = #tpu.dot_dimension_numbers<[1], [0], [0], [1], [0, 0, 1, 1], [], []>, transpose_lhs_hint = false} : vector<128x256xf32>, vector<256x128xf32>, vector<128x128xf32> -> vector<128x128xf32>
    %slice3A_1039 = vector.extract_strided_slice %dot_general3A_1038 {offsets = [0, 0], sizes = [8, 128], strides = [1, 1]} : vector<128x128xf32> to vector<8x128xf32>
    %swap3A_1040 = arith.constant 56 : index
    %swap3A_1041 = arith.constant 0 : index
    %swap3A_1042 = vector.load %arg12[%swap3A_1040, %swap3A_1041] : memref<3000x128xf32, #tpu.memory_space<vmem>>, vector<8x128xf32>
    tpu.vector_store %arg12[%swap3A_1040, %swap3A_1041], %slice3A_1039 {strides = array<i32>} : memref<3000x128xf32, #tpu.memory_space<vmem>>, vector<8x128xf32>,
    %slice3A_1043 = vector.extract_strided_slice %dot_general3A_1038 {offsets = [8, 0], sizes = [8, 128], strides = [1, 1]} : vector<128x128xf32> to vector<8x128xf32>
    %swap3A_1044 = arith.constant 256 : index
    %swap3A_1045 = arith.constant 0 : index
    %swap3A_1046 = vector.load %arg12[%swap3A_1044, %swap3A_1045] : memref<3000x128xf32, #tpu.memory_space<vmem>>, vector<8x128xf32>
    tpu.vector_store %arg12[%swap3A_1044, %swap3A_1045], %slice3A_1043 {strides = array<i32>} : memref<3000x128xf32, #tpu.memory_space<vmem>>, vector<8x128xf32>,
    %slice3A_1047 = vector.extract_strided_slice %dot_general3A_1038 {offsets = [16, 0], sizes = [8, 128], strides = [1, 1]} : vector<128x128xf32> to vector<8x128xf32>
    %swap3A_1048 = arith.constant 456 : index
    %swap3A_1049 = arith.constant 0 : index
    %swap3A_1050 = vector.load %arg12[%swap3A_1048, %swap3A_1049] : memref<3000x128xf32, #tpu.memory_space<vmem>>, vector<8x128xf32>
    tpu.vector_store %arg12[%swap3A_1048, %swap3A_1049], %slice3A_1047 {strides = array<i32>} : memref<3000x128xf32, #tpu.memory_space<vmem>>, vector<8x128xf32>,
    %slice3A_1051 = vector.extract_strided_slice %dot_general3A_1038 {offsets = [24, 0], sizes = [8, 128], strides = [1, 1]} : vector<128x128xf32> to vector<8x128xf32>
    %swap3A_1052 = arith.constant 656 : index
    %swap3A_1053 = arith.constant 0 : index
    %swap3A_1054 = vector.load %arg12[%swap3A_1052, %swap3A_1053] : memref<3000x128xf32, #tpu.memory_space<vmem>>, vector<8x128xf32>
    tpu.vector_store %arg12[%swap3A_1052, %swap3A_1053], %slice3A_1051 {strides = array<i32>} : memref<3000x128xf32, #tpu.memory_space<vmem>>, vector<8x128xf32>,
    %slice3A_1055 = vector.extract_strided_slice %dot_general3A_1038 {offsets = [32, 0], sizes = [8, 128], strides = [1, 1]} : vector<128x128xf32> to vector<8x128xf32>
    %swap3A_1056 = arith.constant 856 : index
    %swap3A_1057 = arith.constant 0 : index
    %swap3A_1058 = vector.load %arg12[%swap3A_1056, %swap3A_1057] : memref<3000x128xf32, #tpu.memory_space<vmem>>, vector<8x128xf32>
    tpu.vector_store %arg12[%swap3A_1056, %swap3A_1057], %slice3A_1055 {strides = array<i32>} : memref<3000x128xf32, #tpu.memory_space<vmem>>, vector<8x128xf32>,
    %slice3A_1059 = vector.extract_strided_slice %dot_general3A_1038 {offsets = [40, 0], sizes = [8, 128], strides = [1, 1]} : vector<128x128xf32> to vector<8x128xf32>
    %swap3A_1060 = arith.constant 1056 : index
    %swap3A_1061 = arith.constant 0 : index
    %swap3A_1062 = vector.load %arg12[%swap3A_1060, %swap3A_1061] : memref<3000x128xf32, #tpu.memory_space<vmem>>, vector<8x128xf32>
    tpu.vector_store %arg12[%swap3A_1060, %swap3A_1061], %slice3A_1059 {strides = array<i32>} : memref<3000x128xf32, #tpu.memory_space<vmem>>, vector<8x128xf32>,
    %slice3A_1063 = vector.extract_strided_slice %dot_general3A_1038 {offsets = [48, 0], sizes = [8, 128], strides = [1, 1]} : vector<128x128xf32> to vector<8x128xf32>
    %swap3A_1064 = arith.constant 1256 : index
    %swap3A_1065 = arith.constant 0 : index
    %swap3A_1066 = vector.load %arg12[%swap3A_1064, %swap3A_1065] : memref<3000x128xf32, #tpu.memory_space<vmem>>, vector<8x128xf32>
    tpu.vector_store %arg12[%swap3A_1064, %swap3A_1065], %slice3A_1063 {strides = array<i32>} : memref<3000x128xf32, #tpu.memory_space<vmem>>, vector<8x128xf32>,
    %slice3A_1067 = vector.extract_strided_slice %dot_general3A_1038 {offsets = [56, 0], sizes = [8, 128], strides = [1, 1]} : vector<128x128xf32> to vector<8x128xf32>
    %swap3A_1068 = arith.constant 1456 : index
    %swap3A_1069 = arith.constant 0 : index
    %swap3A_1070 = vector.load %arg12[%swap3A_1068, %swap3A_1069] : memref<3000x128xf32, #tpu.memory_space<vmem>>, vector<8x128xf32>
    tpu.vector_store %arg12[%swap3A_1068, %swap3A_1069], %slice3A_1067 {strides = array<i32>} : memref<3000x128xf32, #tpu.memory_space<vmem>>, vector<8x128xf32>,
    %slice3A_1071 = vector.extract_strided_slice %dot_general3A_1038 {offsets = [64, 0], sizes = [8, 128], strides = [1, 1]} : vector<128x128xf32> to vector<8x128xf32>
    %swap3A_1072 = arith.constant 1656 : index
    %swap3A_1073 = arith.constant 0 : index
    %swap3A_1074 = vector.load %arg12[%swap3A_1072, %swap3A_1073] : memref<3000x128xf32, #tpu.memory_space<vmem>>, vector<8x128xf32>
    tpu.vector_store %arg12[%swap3A_1072, %swap3A_1073], %slice3A_1071 {strides = array<i32>} : memref<3000x128xf32, #tpu.memory_space<vmem>>, vector<8x128xf32>,
    %slice3A_1075 = vector.extract_strided_slice %dot_general3A_1038 {offsets = [72, 0], sizes = [8, 128], strides = [1, 1]} : vector<128x128xf32> to vector<8x128xf32>
    %swap3A_1076 = arith.constant 1856 : index
    %swap3A_1077 = arith.constant 0 : index
    %swap3A_1078 = vector.load %arg12[%swap3A_1076, %swap3A_1077] : memref<3000x128xf32, #tpu.memory_space<vmem>>, vector<8x128xf32>
    tpu.vector_store %arg12[%swap3A_1076, %swap3A_1077], %slice3A_1075 {strides = array<i32>} : memref<3000x128xf32, #tpu.memory_space<vmem>>, vector<8x128xf32>,
    %slice3A_1079 = vector.extract_strided_slice %dot_general3A_1038 {offsets = [80, 0], sizes = [8, 128], strides = [1, 1]} : vector<128x128xf32> to vector<8x128xf32>
    %swap3A_1080 = arith.constant 2056 : index
    %swap3A_1081 = arith.constant 0 : index
    %swap3A_1082 = vector.load %arg12[%swap3A_1080, %swap3A_1081] : memref<3000x128xf32, #tpu.memory_space<vmem>>, vector<8x128xf32>
    tpu.vector_store %arg12[%swap3A_1080, %swap3A_1081], %slice3A_1079 {strides = array<i32>} : memref<3000x128xf32, #tpu.memory_space<vmem>>, vector<8x128xf32>,
    %slice3A_1083 = vector.extract_strided_slice %dot_general3A_1038 {offsets = [88, 0], sizes = [8, 128], strides = [1, 1]} : vector<128x128xf32> to vector<8x128xf32>
    %swap3A_1084 = arith.constant 2256 : index
    %swap3A_1085 = arith.constant 0 : index
    %swap3A_1086 = vector.load %arg12[%swap3A_1084, %swap3A_1085] : memref<3000x128xf32, #tpu.memory_space<vmem>>, vector<8x128xf32>
    tpu.vector_store %arg12[%swap3A_1084, %swap3A_1085], %slice3A_1083 {strides = array<i32>} : memref<3000x128xf32, #tpu.memory_space<vmem>>, vector<8x128xf32>,
    %slice3A_1087 = vector.extract_strided_slice %dot_general3A_1038 {offsets = [96, 0], sizes = [8, 128], strides = [1, 1]} : vector<128x128xf32> to vector<8x128xf32>
    %swap3A_1088 = arith.constant 2456 : index
    %swap3A_1089 = arith.constant 0 : index
    %swap3A_1090 = vector.load %arg12[%swap3A_1088, %swap3A_1089] : memref<3000x128xf32, #tpu.memory_space<vmem>>, vector<8x128xf32>
    tpu.vector_store %arg12[%swap3A_1088, %swap3A_1089], %slice3A_1087 {strides = array<i32>} : memref<3000x128xf32, #tpu.memory_space<vmem>>, vector<8x128xf32>,
    %slice3A_1091 = vector.extract_strided_slice %dot_general3A_1038 {offsets = [104, 0], sizes = [8, 128], strides = [1, 1]} : vector<128x128xf32> to vector<8x128xf32>
    %swap3A_1092 = arith.constant 2656 : index
    %swap3A_1093 = arith.constant 0 : index
    %swap3A_1094 = vector.load %arg12[%swap3A_1092, %swap3A_1093] : memref<3000x128xf32, #tpu.memory_space<vmem>>, vector<8x128xf32>
    tpu.vector_store %arg12[%swap3A_1092, %swap3A_1093], %slice3A_1091 {strides = array<i32>} : memref<3000x128xf32, #tpu.memory_space<vmem>>, vector<8x128xf32>,
    %slice3A_1095 = vector.extract_strided_slice %dot_general3A_1038 {offsets = [112, 0], sizes = [8, 128], strides = [1, 1]} : vector<128x128xf32> to vector<8x128xf32>
    %swap3A_1096 = arith.constant 2856 : index
    %swap3A_1097 = arith.constant 0 : index
    %swap3A_1098 = vector.load %arg12[%swap3A_1096, %swap3A_1097] : memref<3000x128xf32, #tpu.memory_space<vmem>>, vector<8x128xf32>
    tpu.vector_store %arg12[%swap3A_1096, %swap3A_1097], %slice3A_1095 {strides = array<i32>} : memref<3000x128xf32, #tpu.memory_space<vmem>>, vector<8x128xf32>,
    %get3A_1099 = arith.constant 0 : index
    %get3A_1100 = arith.constant 8 : index
    %get3A_1101 = arith.constant 0 : index
    %get3A_1102 = vector.load %arg2[%get3A_1099, %get3A_1100, %get3A_1101] : memref<1x25x256xf32, #tpu.memory_space<vmem>>, vector<1x1x256xf32>
    %get3A_1103 = vector.shape_cast %get3A_1102 : vector<1x1x256xf32> to vector<1x256xf32>
    %get3A_1104 = arith.constant 0 : index
    %get3A_1105 = arith.constant 8 : index
    %get3A_1106 = arith.constant 0 : index
    %get3A_1107 = vector.load %arg5[%get3A_1104, %get3A_1105, %get3A_1106] : memref<1x25x256xf32, #tpu.memory_space<vmem>>, vector<1x1x256xf32>
    %get3A_1108 = vector.shape_cast %get3A_1107 : vector<1x1x256xf32> to vector<1x256xf32>
    %sub3A_1109 = arith.subf %get3A_1103, %get3A_1108 : vector<1x256xf32>
    %get3A_1110 = arith.constant 0 : index
    %get3A_1111 = arith.constant 8 : index
    %get3A_1112 = arith.constant 0 : index
    %get3A_1113 = vector.load %arg3[%get3A_1110, %get3A_1111, %get3A_1112] : memref<1x25x256xf32, #tpu.memory_space<vmem>>, vector<1x1x256xf32>
    %get3A_1114 = vector.shape_cast %get3A_1113 : vector<1x1x256xf32> to vector<1x256xf32>
    %get3A_1115 = arith.constant 0 : index
    %get3A_1116 = arith.constant 8 : index
    %get3A_1117 = arith.constant 0 : index
    %get3A_1118 = vector.load %arg6[%get3A_1115, %get3A_1116, %get3A_1117] : memref<1x25x256xf32, #tpu.memory_space<vmem>>, vector<1x1x256xf32>
    %get3A_1119 = vector.shape_cast %get3A_1118 : vector<1x1x256xf32> to vector<1x256xf32>
    %sub3A_1120 = arith.subf %get3A_1114, %get3A_1119 : vector<1x256xf32>
    %get3A_1121 = arith.constant 0 : index
    %get3A_1122 = arith.constant 8 : index
    %get3A_1123 = arith.constant 0 : index
    %get3A_1124 = vector.load %arg4[%get3A_1121, %get3A_1122, %get3A_1123] : memref<1x25x256xf32, #tpu.memory_space<vmem>>, vector<1x1x256xf32>
    %get3A_1125 = vector.shape_cast %get3A_1124 : vector<1x1x256xf32> to vector<1x256xf32>
    %get3A_1126 = arith.constant 0 : index
    %get3A_1127 = arith.constant 8 : index
    %get3A_1128 = arith.constant 0 : index
    %get3A_1129 = vector.load %arg7[%get3A_1126, %get3A_1127, %get3A_1128] : memref<1x25x256xf32, #tpu.memory_space<vmem>>, vector<1x1x256xf32>
    %get3A_1130 = vector.shape_cast %get3A_1129 : vector<1x1x256xf32> to vector<1x256xf32>
    %sub3A_1131 = arith.subf %get3A_1125, %get3A_1130 : vector<1x256xf32>
    %broadcast_in_dim3A_1132 = vector.shape_cast %sub3A_1109 : vector<1x256xf32> to vector<1x256xf32>
    %broadcast_in_dim3A_1133 = vector.broadcast %broadcast_in_dim3A_1132 : vector<1x256xf32> to vector<16x256xf32>
    %sub3A_1134 = arith.subf %broadcast_in_dim3A_1133, %broadcast_in_dim3A_2 : vector<16x256xf32>
    %broadcast_in_dim3A_1135 = vector.shape_cast %sub3A_1120 : vector<1x256xf32> to vector<1x256xf32>
    %broadcast_in_dim3A_1136 = vector.broadcast %broadcast_in_dim3A_1135 : vector<1x256xf32> to vector<16x256xf32>
    %sub3A_1137 = arith.subf %broadcast_in_dim3A_1136, %broadcast_in_dim3A_7 : vector<16x256xf32>
    %broadcast_in_dim3A_1138 = vector.shape_cast %sub3A_1131 : vector<1x256xf32> to vector<1x256xf32>
    %broadcast_in_dim3A_1139 = vector.broadcast %broadcast_in_dim3A_1138 : vector<1x256xf32> to vector<16x256xf32>
    %sub3A_1140 = arith.subf %broadcast_in_dim3A_1139, %broadcast_in_dim3A_12 : vector<16x256xf32>
    %mul3A_1141 = arith.mulf %sub3A_1134, %sub3A_1134 : vector<16x256xf32>
    %mul3A_1142 = arith.mulf %sub3A_1137, %sub3A_1137 : vector<16x256xf32>
    %add3A_1143 = arith.addf %mul3A_1141, %mul3A_1142 : vector<16x256xf32>
    %mul3A_1144 = arith.mulf %sub3A_1140, %sub3A_1140 : vector<16x256xf32>
    %add3A_1145 = arith.addf %add3A_1143, %mul3A_1144 : vector<16x256xf32>
    %add3A_1146 = arith.constant 9.99999996E-13 : f32
    %add3A_1147 = vector.broadcast %add3A_1146 : f32 to vector<16x256xf32>
    %add3A_1148 = arith.addf %add3A_1145, %add3A_1147 : vector<16x256xf32>
    %rsqrt3A_1149 = math.rsqrt %add3A_1148 : vector<16x256xf32>
    %mul3A_1150 = arith.mulf %add3A_1145, %rsqrt3A_1149 : vector<16x256xf32>
    %mul3A_1151 = arith.constant 5.000000e-01 : f32
    %mul3A_1152 = vector.broadcast %mul3A_1151 : f32 to vector<16x256xf32>
    %mul3A_1153 = arith.mulf %mul3A_1150, %mul3A_1152 : vector<16x256xf32>
    %sub3A_1154 = arith.constant 1.000000e+00 : f32
    %sub3A_1155 = vector.broadcast %sub3A_1154 : f32 to vector<16x256xf32>
    %sub3A_1156 = arith.subf %sub3A_1155, %mul3A_1153 : vector<16x256xf32>
    %max3A_1157 = arith.constant 0.000000e+00 : f32
    %max3A_1158 = vector.broadcast %max3A_1157 : f32 to vector<16x256xf32>
    %max3A_1159 = arith.maximumf %sub3A_1156, %max3A_1158 : vector<16x256xf32>
    %reshape3A_1160 = vector.shape_cast %max3A_1159 : vector<16x256xf32> to vector<16x1x256xf32>
    %broadcast_in_dim3A_1161 = vector.shape_cast %reshape3A_1160 : vector<16x1x256xf32> to vector<16x1x256xf32>
    %broadcast_in_dim3A_1162 = vector.broadcast %broadcast_in_dim3A_1161 : vector<16x1x256xf32> to vector<16x8x256xf32>
    %reshape3A_1163 = vector.shape_cast %broadcast_in_dim3A_1162 : vector<16x8x256xf32> to vector<128x256xf32>
    %mul3A_1164 = arith.mulf %reshape3A_1163, %convert_element_type3A_57 : vector<128x256xf32>
    %get3A_1165 = arith.constant 2048 : index
    %get3A_1166 = arith.constant 0 : index
    %get3A_1167 = vector.load %arg1[%get3A_1165, %get3A_1166] : memref<6400x128xf32, #tpu.memory_space<vmem>>, vector<256x128xf32>
    %dot_general3A_1168 = arith.constant dense<0.000000e+00> : vector<128x128xf32>
    %dot_general3A_1169 = tpu.matmul %mul3A_1164, %get3A_1167, %dot_general3A_1168 {dimension_numbers = #tpu.dot_dimension_numbers<[1], [0], [0], [1], [0, 0, 1, 1], [], []>, transpose_lhs_hint = false} : vector<128x256xf32>, vector<256x128xf32>, vector<128x128xf32> -> vector<128x128xf32>
    %slice3A_1170 = vector.extract_strided_slice %dot_general3A_1169 {offsets = [0, 0], sizes = [8, 128], strides = [1, 1]} : vector<128x128xf32> to vector<8x128xf32>
    %swap3A_1171 = arith.constant 64 : index
    %swap3A_1172 = arith.constant 0 : index
    %swap3A_1173 = vector.load %arg12[%swap3A_1171, %swap3A_1172] : memref<3000x128xf32, #tpu.memory_space<vmem>>, vector<8x128xf32>
    tpu.vector_store %arg12[%swap3A_1171, %swap3A_1172], %slice3A_1170 {strides = array<i32>} : memref<3000x128xf32, #tpu.memory_space<vmem>>, vector<8x128xf32>,
    %slice3A_1174 = vector.extract_strided_slice %dot_general3A_1169 {offsets = [8, 0], sizes = [8, 128], strides = [1, 1]} : vector<128x128xf32> to vector<8x128xf32>
    %swap3A_1175 = arith.constant 264 : index
    %swap3A_1176 = arith.constant 0 : index
    %swap3A_1177 = vector.load %arg12[%swap3A_1175, %swap3A_1176] : memref<3000x128xf32, #tpu.memory_space<vmem>>, vector<8x128xf32>
    tpu.vector_store %arg12[%swap3A_1175, %swap3A_1176], %slice3A_1174 {strides = array<i32>} : memref<3000x128xf32, #tpu.memory_space<vmem>>, vector<8x128xf32>,
    %slice3A_1178 = vector.extract_strided_slice %dot_general3A_1169 {offsets = [16, 0], sizes = [8, 128], strides = [1, 1]} : vector<128x128xf32> to vector<8x128xf32>
    %swap3A_1179 = arith.constant 464 : index
    %swap3A_1180 = arith.constant 0 : index
    %swap3A_1181 = vector.load %arg12[%swap3A_1179, %swap3A_1180] : memref<3000x128xf32, #tpu.memory_space<vmem>>, vector<8x128xf32>
    tpu.vector_store %arg12[%swap3A_1179, %swap3A_1180], %slice3A_1178 {strides = array<i32>} : memref<3000x128xf32, #tpu.memory_space<vmem>>, vector<8x128xf32>,
    %slice3A_1182 = vector.extract_strided_slice %dot_general3A_1169 {offsets = [24, 0], sizes = [8, 128], strides = [1, 1]} : vector<128x128xf32> to vector<8x128xf32>
    %swap3A_1183 = arith.constant 664 : index
    %swap3A_1184 = arith.constant 0 : index
    %swap3A_1185 = vector.load %arg12[%swap3A_1183, %swap3A_1184] : memref<3000x128xf32, #tpu.memory_space<vmem>>, vector<8x128xf32>
    tpu.vector_store %arg12[%swap3A_1183, %swap3A_1184], %slice3A_1182 {strides = array<i32>} : memref<3000x128xf32, #tpu.memory_space<vmem>>, vector<8x128xf32>,
    %slice3A_1186 = vector.extract_strided_slice %dot_general3A_1169 {offsets = [32, 0], sizes = [8, 128], strides = [1, 1]} : vector<128x128xf32> to vector<8x128xf32>
    %swap3A_1187 = arith.constant 864 : index
    %swap3A_1188 = arith.constant 0 : index
    %swap3A_1189 = vector.load %arg12[%swap3A_1187, %swap3A_1188] : memref<3000x128xf32, #tpu.memory_space<vmem>>, vector<8x128xf32>
    tpu.vector_store %arg12[%swap3A_1187, %swap3A_1188], %slice3A_1186 {strides = array<i32>} : memref<3000x128xf32, #tpu.memory_space<vmem>>, vector<8x128xf32>,
    %slice3A_1190 = vector.extract_strided_slice %dot_general3A_1169 {offsets = [40, 0], sizes = [8, 128], strides = [1, 1]} : vector<128x128xf32> to vector<8x128xf32>
    %swap3A_1191 = arith.constant 1064 : index
    %swap3A_1192 = arith.constant 0 : index
    %swap3A_1193 = vector.load %arg12[%swap3A_1191, %swap3A_1192] : memref<3000x128xf32, #tpu.memory_space<vmem>>, vector<8x128xf32>
    tpu.vector_store %arg12[%swap3A_1191, %swap3A_1192], %slice3A_1190 {strides = array<i32>} : memref<3000x128xf32, #tpu.memory_space<vmem>>, vector<8x128xf32>,
    %slice3A_1194 = vector.extract_strided_slice %dot_general3A_1169 {offsets = [48, 0], sizes = [8, 128], strides = [1, 1]} : vector<128x128xf32> to vector<8x128xf32>
    %swap3A_1195 = arith.constant 1264 : index
    %swap3A_1196 = arith.constant 0 : index
    %swap3A_1197 = vector.load %arg12[%swap3A_1195, %swap3A_1196] : memref<3000x128xf32, #tpu.memory_space<vmem>>, vector<8x128xf32>
    tpu.vector_store %arg12[%swap3A_1195, %swap3A_1196], %slice3A_1194 {strides = array<i32>} : memref<3000x128xf32, #tpu.memory_space<vmem>>, vector<8x128xf32>,
    %slice3A_1198 = vector.extract_strided_slice %dot_general3A_1169 {offsets = [56, 0], sizes = [8, 128], strides = [1, 1]} : vector<128x128xf32> to vector<8x128xf32>
    %swap3A_1199 = arith.constant 1464 : index
    %swap3A_1200 = arith.constant 0 : index
    %swap3A_1201 = vector.load %arg12[%swap3A_1199, %swap3A_1200] : memref<3000x128xf32, #tpu.memory_space<vmem>>, vector<8x128xf32>
    tpu.vector_store %arg12[%swap3A_1199, %swap3A_1200], %slice3A_1198 {strides = array<i32>} : memref<3000x128xf32, #tpu.memory_space<vmem>>, vector<8x128xf32>,
    %slice3A_1202 = vector.extract_strided_slice %dot_general3A_1169 {offsets = [64, 0], sizes = [8, 128], strides = [1, 1]} : vector<128x128xf32> to vector<8x128xf32>
    %swap3A_1203 = arith.constant 1664 : index
    %swap3A_1204 = arith.constant 0 : index
    %swap3A_1205 = vector.load %arg12[%swap3A_1203, %swap3A_1204] : memref<3000x128xf32, #tpu.memory_space<vmem>>, vector<8x128xf32>
    tpu.vector_store %arg12[%swap3A_1203, %swap3A_1204], %slice3A_1202 {strides = array<i32>} : memref<3000x128xf32, #tpu.memory_space<vmem>>, vector<8x128xf32>,
    %slice3A_1206 = vector.extract_strided_slice %dot_general3A_1169 {offsets = [72, 0], sizes = [8, 128], strides = [1, 1]} : vector<128x128xf32> to vector<8x128xf32>
    %swap3A_1207 = arith.constant 1864 : index
    %swap3A_1208 = arith.constant 0 : index
    %swap3A_1209 = vector.load %arg12[%swap3A_1207, %swap3A_1208] : memref<3000x128xf32, #tpu.memory_space<vmem>>, vector<8x128xf32>
    tpu.vector_store %arg12[%swap3A_1207, %swap3A_1208], %slice3A_1206 {strides = array<i32>} : memref<3000x128xf32, #tpu.memory_space<vmem>>, vector<8x128xf32>,
    %slice3A_1210 = vector.extract_strided_slice %dot_general3A_1169 {offsets = [80, 0], sizes = [8, 128], strides = [1, 1]} : vector<128x128xf32> to vector<8x128xf32>
    %swap3A_1211 = arith.constant 2064 : index
    %swap3A_1212 = arith.constant 0 : index
    %swap3A_1213 = vector.load %arg12[%swap3A_1211, %swap3A_1212] : memref<3000x128xf32, #tpu.memory_space<vmem>>, vector<8x128xf32>
    tpu.vector_store %arg12[%swap3A_1211, %swap3A_1212], %slice3A_1210 {strides = array<i32>} : memref<3000x128xf32, #tpu.memory_space<vmem>>, vector<8x128xf32>,
    %slice3A_1214 = vector.extract_strided_slice %dot_general3A_1169 {offsets = [88, 0], sizes = [8, 128], strides = [1, 1]} : vector<128x128xf32> to vector<8x128xf32>
    %swap3A_1215 = arith.constant 2264 : index
    %swap3A_1216 = arith.constant 0 : index
    %swap3A_1217 = vector.load %arg12[%swap3A_1215, %swap3A_1216] : memref<3000x128xf32, #tpu.memory_space<vmem>>, vector<8x128xf32>
    tpu.vector_store %arg12[%swap3A_1215, %swap3A_1216], %slice3A_1214 {strides = array<i32>} : memref<3000x128xf32, #tpu.memory_space<vmem>>, vector<8x128xf32>,
    %slice3A_1218 = vector.extract_strided_slice %dot_general3A_1169 {offsets = [96, 0], sizes = [8, 128], strides = [1, 1]} : vector<128x128xf32> to vector<8x128xf32>
    %swap3A_1219 = arith.constant 2464 : index
    %swap3A_1220 = arith.constant 0 : index
    %swap3A_1221 = vector.load %arg12[%swap3A_1219, %swap3A_1220] : memref<3000x128xf32, #tpu.memory_space<vmem>>, vector<8x128xf32>
    tpu.vector_store %arg12[%swap3A_1219, %swap3A_1220], %slice3A_1218 {strides = array<i32>} : memref<3000x128xf32, #tpu.memory_space<vmem>>, vector<8x128xf32>,
    %slice3A_1222 = vector.extract_strided_slice %dot_general3A_1169 {offsets = [104, 0], sizes = [8, 128], strides = [1, 1]} : vector<128x128xf32> to vector<8x128xf32>
    %swap3A_1223 = arith.constant 2664 : index
    %swap3A_1224 = arith.constant 0 : index
    %swap3A_1225 = vector.load %arg12[%swap3A_1223, %swap3A_1224] : memref<3000x128xf32, #tpu.memory_space<vmem>>, vector<8x128xf32>
    tpu.vector_store %arg12[%swap3A_1223, %swap3A_1224], %slice3A_1222 {strides = array<i32>} : memref<3000x128xf32, #tpu.memory_space<vmem>>, vector<8x128xf32>,
    %slice3A_1226 = vector.extract_strided_slice %dot_general3A_1169 {offsets = [112, 0], sizes = [8, 128], strides = [1, 1]} : vector<128x128xf32> to vector<8x128xf32>
    %swap3A_1227 = arith.constant 2864 : index
    %swap3A_1228 = arith.constant 0 : index
    %swap3A_1229 = vector.load %arg12[%swap3A_1227, %swap3A_1228] : memref<3000x128xf32, #tpu.memory_space<vmem>>, vector<8x128xf32>
    tpu.vector_store %arg12[%swap3A_1227, %swap3A_1228], %slice3A_1226 {strides = array<i32>} : memref<3000x128xf32, #tpu.memory_space<vmem>>, vector<8x128xf32>,
    %get3A_1230 = arith.constant 0 : index
    %get3A_1231 = arith.constant 9 : index
    %get3A_1232 = arith.constant 0 : index
    %get3A_1233 = vector.load %arg2[%get3A_1230, %get3A_1231, %get3A_1232] : memref<1x25x256xf32, #tpu.memory_space<vmem>>, vector<1x1x256xf32>
    %get3A_1234 = vector.shape_cast %get3A_1233 : vector<1x1x256xf32> to vector<1x256xf32>
    %get3A_1235 = arith.constant 0 : index
    %get3A_1236 = arith.constant 9 : index
    %get3A_1237 = arith.constant 0 : index
    %get3A_1238 = vector.load %arg5[%get3A_1235, %get3A_1236, %get3A_1237] : memref<1x25x256xf32, #tpu.memory_space<vmem>>, vector<1x1x256xf32>
    %get3A_1239 = vector.shape_cast %get3A_1238 : vector<1x1x256xf32> to vector<1x256xf32>
    %sub3A_1240 = arith.subf %get3A_1234, %get3A_1239 : vector<1x256xf32>
    %get3A_1241 = arith.constant 0 : index
    %get3A_1242 = arith.constant 9 : index
    %get3A_1243 = arith.constant 0 : index
    %get3A_1244 = vector.load %arg3[%get3A_1241, %get3A_1242, %get3A_1243] : memref<1x25x256xf32, #tpu.memory_space<vmem>>, vector<1x1x256xf32>
    %get3A_1245 = vector.shape_cast %get3A_1244 : vector<1x1x256xf32> to vector<1x256xf32>
    %get3A_1246 = arith.constant 0 : index
    %get3A_1247 = arith.constant 9 : index
    %get3A_1248 = arith.constant 0 : index
    %get3A_1249 = vector.load %arg6[%get3A_1246, %get3A_1247, %get3A_1248] : memref<1x25x256xf32, #tpu.memory_space<vmem>>, vector<1x1x256xf32>
    %get3A_1250 = vector.shape_cast %get3A_1249 : vector<1x1x256xf32> to vector<1x256xf32>
    %sub3A_1251 = arith.subf %get3A_1245, %get3A_1250 : vector<1x256xf32>
    %get3A_1252 = arith.constant 0 : index
    %get3A_1253 = arith.constant 9 : index
    %get3A_1254 = arith.constant 0 : index
    %get3A_1255 = vector.load %arg4[%get3A_1252, %get3A_1253, %get3A_1254] : memref<1x25x256xf32, #tpu.memory_space<vmem>>, vector<1x1x256xf32>
    %get3A_1256 = vector.shape_cast %get3A_1255 : vector<1x1x256xf32> to vector<1x256xf32>
    %get3A_1257 = arith.constant 0 : index
    %get3A_1258 = arith.constant 9 : index
    %get3A_1259 = arith.constant 0 : index
    %get3A_1260 = vector.load %arg7[%get3A_1257, %get3A_1258, %get3A_1259] : memref<1x25x256xf32, #tpu.memory_space<vmem>>, vector<1x1x256xf32>
    %get3A_1261 = vector.shape_cast %get3A_1260 : vector<1x1x256xf32> to vector<1x256xf32>
    %sub3A_1262 = arith.subf %get3A_1256, %get3A_1261 : vector<1x256xf32>
    %broadcast_in_dim3A_1263 = vector.shape_cast %sub3A_1240 : vector<1x256xf32> to vector<1x256xf32>
    %broadcast_in_dim3A_1264 = vector.broadcast %broadcast_in_dim3A_1263 : vector<1x256xf32> to vector<16x256xf32>
    %sub3A_1265 = arith.subf %broadcast_in_dim3A_1264, %broadcast_in_dim3A_2 : vector<16x256xf32>
    %broadcast_in_dim3A_1266 = vector.shape_cast %sub3A_1251 : vector<1x256xf32> to vector<1x256xf32>
    %broadcast_in_dim3A_1267 = vector.broadcast %broadcast_in_dim3A_1266 : vector<1x256xf32> to vector<16x256xf32>
    %sub3A_1268 = arith.subf %broadcast_in_dim3A_1267, %broadcast_in_dim3A_7 : vector<16x256xf32>
    %broadcast_in_dim3A_1269 = vector.shape_cast %sub3A_1262 : vector<1x256xf32> to vector<1x256xf32>
    %broadcast_in_dim3A_1270 = vector.broadcast %broadcast_in_dim3A_1269 : vector<1x256xf32> to vector<16x256xf32>
    %sub3A_1271 = arith.subf %broadcast_in_dim3A_1270, %broadcast_in_dim3A_12 : vector<16x256xf32>
    %mul3A_1272 = arith.mulf %sub3A_1265, %sub3A_1265 : vector<16x256xf32>
    %mul3A_1273 = arith.mulf %sub3A_1268, %sub3A_1268 : vector<16x256xf32>
    %add3A_1274 = arith.addf %mul3A_1272, %mul3A_1273 : vector<16x256xf32>
    %mul3A_1275 = arith.mulf %sub3A_1271, %sub3A_1271 : vector<16x256xf32>
    %add3A_1276 = arith.addf %add3A_1274, %mul3A_1275 : vector<16x256xf32>
    %add3A_1277 = arith.constant 9.99999996E-13 : f32
    %add3A_1278 = vector.broadcast %add3A_1277 : f32 to vector<16x256xf32>
    %add3A_1279 = arith.addf %add3A_1276, %add3A_1278 : vector<16x256xf32>
    %rsqrt3A_1280 = math.rsqrt %add3A_1279 : vector<16x256xf32>
    %mul3A_1281 = arith.mulf %add3A_1276, %rsqrt3A_1280 : vector<16x256xf32>
    %mul3A_1282 = arith.constant 5.000000e-01 : f32
    %mul3A_1283 = vector.broadcast %mul3A_1282 : f32 to vector<16x256xf32>
    %mul3A_1284 = arith.mulf %mul3A_1281, %mul3A_1283 : vector<16x256xf32>
    %sub3A_1285 = arith.constant 1.000000e+00 : f32
    %sub3A_1286 = vector.broadcast %sub3A_1285 : f32 to vector<16x256xf32>
    %sub3A_1287 = arith.subf %sub3A_1286, %mul3A_1284 : vector<16x256xf32>
    %max3A_1288 = arith.constant 0.000000e+00 : f32
    %max3A_1289 = vector.broadcast %max3A_1288 : f32 to vector<16x256xf32>
    %max3A_1290 = arith.maximumf %sub3A_1287, %max3A_1289 : vector<16x256xf32>
    %reshape3A_1291 = vector.shape_cast %max3A_1290 : vector<16x256xf32> to vector<16x1x256xf32>
    %broadcast_in_dim3A_1292 = vector.shape_cast %reshape3A_1291 : vector<16x1x256xf32> to vector<16x1x256xf32>
    %broadcast_in_dim3A_1293 = vector.broadcast %broadcast_in_dim3A_1292 : vector<16x1x256xf32> to vector<16x8x256xf32>
    %reshape3A_1294 = vector.shape_cast %broadcast_in_dim3A_1293 : vector<16x8x256xf32> to vector<128x256xf32>
    %mul3A_1295 = arith.mulf %reshape3A_1294, %convert_element_type3A_57 : vector<128x256xf32>
    %get3A_1296 = arith.constant 2304 : index
    %get3A_1297 = arith.constant 0 : index
    %get3A_1298 = vector.load %arg1[%get3A_1296, %get3A_1297] : memref<6400x128xf32, #tpu.memory_space<vmem>>, vector<256x128xf32>
    %dot_general3A_1299 = arith.constant dense<0.000000e+00> : vector<128x128xf32>
    %dot_general3A_1300 = tpu.matmul %mul3A_1295, %get3A_1298, %dot_general3A_1299 {dimension_numbers = #tpu.dot_dimension_numbers<[1], [0], [0], [1], [0, 0, 1, 1], [], []>, transpose_lhs_hint = false} : vector<128x256xf32>, vector<256x128xf32>, vector<128x128xf32> -> vector<128x128xf32>
    %slice3A_1301 = vector.extract_strided_slice %dot_general3A_1300 {offsets = [0, 0], sizes = [8, 128], strides = [1, 1]} : vector<128x128xf32> to vector<8x128xf32>
    %swap3A_1302 = arith.constant 72 : index
    %swap3A_1303 = arith.constant 0 : index
    %swap3A_1304 = vector.load %arg12[%swap3A_1302, %swap3A_1303] : memref<3000x128xf32, #tpu.memory_space<vmem>>, vector<8x128xf32>
    tpu.vector_store %arg12[%swap3A_1302, %swap3A_1303], %slice3A_1301 {strides = array<i32>} : memref<3000x128xf32, #tpu.memory_space<vmem>>, vector<8x128xf32>,
    %slice3A_1305 = vector.extract_strided_slice %dot_general3A_1300 {offsets = [8, 0], sizes = [8, 128], strides = [1, 1]} : vector<128x128xf32> to vector<8x128xf32>
    %swap3A_1306 = arith.constant 272 : index
    %swap3A_1307 = arith.constant 0 : index
    %swap3A_1308 = vector.load %arg12[%swap3A_1306, %swap3A_1307] : memref<3000x128xf32, #tpu.memory_space<vmem>>, vector<8x128xf32>
    tpu.vector_store %arg12[%swap3A_1306, %swap3A_1307], %slice3A_1305 {strides = array<i32>} : memref<3000x128xf32, #tpu.memory_space<vmem>>, vector<8x128xf32>,
    %slice3A_1309 = vector.extract_strided_slice %dot_general3A_1300 {offsets = [16, 0], sizes = [8, 128], strides = [1, 1]} : vector<128x128xf32> to vector<8x128xf32>
    %swap3A_1310 = arith.constant 472 : index
    %swap3A_1311 = arith.constant 0 : index
    %swap3A_1312 = vector.load %arg12[%swap3A_1310, %swap3A_1311] : memref<3000x128xf32, #tpu.memory_space<vmem>>, vector<8x128xf32>
    tpu.vector_store %arg12[%swap3A_1310, %swap3A_1311], %slice3A_1309 {strides = array<i32>} : memref<3000x128xf32, #tpu.memory_space<vmem>>, vector<8x128xf32>,
    %slice3A_1313 = vector.extract_strided_slice %dot_general3A_1300 {offsets = [24, 0], sizes = [8, 128], strides = [1, 1]} : vector<128x128xf32> to vector<8x128xf32>
    %swap3A_1314 = arith.constant 672 : index
    %swap3A_1315 = arith.constant 0 : index
    %swap3A_1316 = vector.load %arg12[%swap3A_1314, %swap3A_1315] : memref<3000x128xf32, #tpu.memory_space<vmem>>, vector<8x128xf32>
    tpu.vector_store %arg12[%swap3A_1314, %swap3A_1315], %slice3A_1313 {strides = array<i32>} : memref<3000x128xf32, #tpu.memory_space<vmem>>, vector<8x128xf32>,
    %slice3A_1317 = vector.extract_strided_slice %dot_general3A_1300 {offsets = [32, 0], sizes = [8, 128], strides = [1, 1]} : vector<128x128xf32> to vector<8x128xf32>
    %swap3A_1318 = arith.constant 872 : index
    %swap3A_1319 = arith.constant 0 : index
    %swap3A_1320 = vector.load %arg12[%swap3A_1318, %swap3A_1319] : memref<3000x128xf32, #tpu.memory_space<vmem>>, vector<8x128xf32>
    tpu.vector_store %arg12[%swap3A_1318, %swap3A_1319], %slice3A_1317 {strides = array<i32>} : memref<3000x128xf32, #tpu.memory_space<vmem>>, vector<8x128xf32>,
    %slice3A_1321 = vector.extract_strided_slice %dot_general3A_1300 {offsets = [40, 0], sizes = [8, 128], strides = [1, 1]} : vector<128x128xf32> to vector<8x128xf32>
    %swap3A_1322 = arith.constant 1072 : index
    %swap3A_1323 = arith.constant 0 : index
    %swap3A_1324 = vector.load %arg12[%swap3A_1322, %swap3A_1323] : memref<3000x128xf32, #tpu.memory_space<vmem>>, vector<8x128xf32>
    tpu.vector_store %arg12[%swap3A_1322, %swap3A_1323], %slice3A_1321 {strides = array<i32>} : memref<3000x128xf32, #tpu.memory_space<vmem>>, vector<8x128xf32>,
    %slice3A_1325 = vector.extract_strided_slice %dot_general3A_1300 {offsets = [48, 0], sizes = [8, 128], strides = [1, 1]} : vector<128x128xf32> to vector<8x128xf32>
    %swap3A_1326 = arith.constant 1272 : index
    %swap3A_1327 = arith.constant 0 : index
    %swap3A_1328 = vector.load %arg12[%swap3A_1326, %swap3A_1327] : memref<3000x128xf32, #tpu.memory_space<vmem>>, vector<8x128xf32>
    tpu.vector_store %arg12[%swap3A_1326, %swap3A_1327], %slice3A_1325 {strides = array<i32>} : memref<3000x128xf32, #tpu.memory_space<vmem>>, vector<8x128xf32>,
    %slice3A_1329 = vector.extract_strided_slice %dot_general3A_1300 {offsets = [56, 0], sizes = [8, 128], strides = [1, 1]} : vector<128x128xf32> to vector<8x128xf32>
    %swap3A_1330 = arith.constant 1472 : index
    %swap3A_1331 = arith.constant 0 : index
    %swap3A_1332 = vector.load %arg12[%swap3A_1330, %swap3A_1331] : memref<3000x128xf32, #tpu.memory_space<vmem>>, vector<8x128xf32>
    tpu.vector_store %arg12[%swap3A_1330, %swap3A_1331], %slice3A_1329 {strides = array<i32>} : memref<3000x128xf32, #tpu.memory_space<vmem>>, vector<8x128xf32>,
    %slice3A_1333 = vector.extract_strided_slice %dot_general3A_1300 {offsets = [64, 0], sizes = [8, 128], strides = [1, 1]} : vector<128x128xf32> to vector<8x128xf32>
    %swap3A_1334 = arith.constant 1672 : index
    %swap3A_1335 = arith.constant 0 : index
    %swap3A_1336 = vector.load %arg12[%swap3A_1334, %swap3A_1335] : memref<3000x128xf32, #tpu.memory_space<vmem>>, vector<8x128xf32>
    tpu.vector_store %arg12[%swap3A_1334, %swap3A_1335], %slice3A_1333 {strides = array<i32>} : memref<3000x128xf32, #tpu.memory_space<vmem>>, vector<8x128xf32>,
    %slice3A_1337 = vector.extract_strided_slice %dot_general3A_1300 {offsets = [72, 0], sizes = [8, 128], strides = [1, 1]} : vector<128x128xf32> to vector<8x128xf32>
    %swap3A_1338 = arith.constant 1872 : index
    %swap3A_1339 = arith.constant 0 : index
    %swap3A_1340 = vector.load %arg12[%swap3A_1338, %swap3A_1339] : memref<3000x128xf32, #tpu.memory_space<vmem>>, vector<8x128xf32>
    tpu.vector_store %arg12[%swap3A_1338, %swap3A_1339], %slice3A_1337 {strides = array<i32>} : memref<3000x128xf32, #tpu.memory_space<vmem>>, vector<8x128xf32>,
    %slice3A_1341 = vector.extract_strided_slice %dot_general3A_1300 {offsets = [80, 0], sizes = [8, 128], strides = [1, 1]} : vector<128x128xf32> to vector<8x128xf32>
    %swap3A_1342 = arith.constant 2072 : index
    %swap3A_1343 = arith.constant 0 : index
    %swap3A_1344 = vector.load %arg12[%swap3A_1342, %swap3A_1343] : memref<3000x128xf32, #tpu.memory_space<vmem>>, vector<8x128xf32>
    tpu.vector_store %arg12[%swap3A_1342, %swap3A_1343], %slice3A_1341 {strides = array<i32>} : memref<3000x128xf32, #tpu.memory_space<vmem>>, vector<8x128xf32>,
    %slice3A_1345 = vector.extract_strided_slice %dot_general3A_1300 {offsets = [88, 0], sizes = [8, 128], strides = [1, 1]} : vector<128x128xf32> to vector<8x128xf32>
    %swap3A_1346 = arith.constant 2272 : index
    %swap3A_1347 = arith.constant 0 : index
    %swap3A_1348 = vector.load %arg12[%swap3A_1346, %swap3A_1347] : memref<3000x128xf32, #tpu.memory_space<vmem>>, vector<8x128xf32>
    tpu.vector_store %arg12[%swap3A_1346, %swap3A_1347], %slice3A_1345 {strides = array<i32>} : memref<3000x128xf32, #tpu.memory_space<vmem>>, vector<8x128xf32>,
    %slice3A_1349 = vector.extract_strided_slice %dot_general3A_1300 {offsets = [96, 0], sizes = [8, 128], strides = [1, 1]} : vector<128x128xf32> to vector<8x128xf32>
    %swap3A_1350 = arith.constant 2472 : index
    %swap3A_1351 = arith.constant 0 : index
    %swap3A_1352 = vector.load %arg12[%swap3A_1350, %swap3A_1351] : memref<3000x128xf32, #tpu.memory_space<vmem>>, vector<8x128xf32>
    tpu.vector_store %arg12[%swap3A_1350, %swap3A_1351], %slice3A_1349 {strides = array<i32>} : memref<3000x128xf32, #tpu.memory_space<vmem>>, vector<8x128xf32>,
    %slice3A_1353 = vector.extract_strided_slice %dot_general3A_1300 {offsets = [104, 0], sizes = [8, 128], strides = [1, 1]} : vector<128x128xf32> to vector<8x128xf32>
    %swap3A_1354 = arith.constant 2672 : index
    %swap3A_1355 = arith.constant 0 : index
    %swap3A_1356 = vector.load %arg12[%swap3A_1354, %swap3A_1355] : memref<3000x128xf32, #tpu.memory_space<vmem>>, vector<8x128xf32>
    tpu.vector_store %arg12[%swap3A_1354, %swap3A_1355], %slice3A_1353 {strides = array<i32>} : memref<3000x128xf32, #tpu.memory_space<vmem>>, vector<8x128xf32>,
    %slice3A_1357 = vector.extract_strided_slice %dot_general3A_1300 {offsets = [112, 0], sizes = [8, 128], strides = [1, 1]} : vector<128x128xf32> to vector<8x128xf32>
    %swap3A_1358 = arith.constant 2872 : index
    %swap3A_1359 = arith.constant 0 : index
    %swap3A_1360 = vector.load %arg12[%swap3A_1358, %swap3A_1359] : memref<3000x128xf32, #tpu.memory_space<vmem>>, vector<8x128xf32>
    tpu.vector_store %arg12[%swap3A_1358, %swap3A_1359], %slice3A_1357 {strides = array<i32>} : memref<3000x128xf32, #tpu.memory_space<vmem>>, vector<8x128xf32>,
    %get3A_1361 = arith.constant 0 : index
    %get3A_1362 = arith.constant 10 : index
    %get3A_1363 = arith.constant 0 : index
    %get3A_1364 = vector.load %arg2[%get3A_1361, %get3A_1362, %get3A_1363] : memref<1x25x256xf32, #tpu.memory_space<vmem>>, vector<1x1x256xf32>
    %get3A_1365 = vector.shape_cast %get3A_1364 : vector<1x1x256xf32> to vector<1x256xf32>
    %get3A_1366 = arith.constant 0 : index
    %get3A_1367 = arith.constant 10 : index
    %get3A_1368 = arith.constant 0 : index
    %get3A_1369 = vector.load %arg5[%get3A_1366, %get3A_1367, %get3A_1368] : memref<1x25x256xf32, #tpu.memory_space<vmem>>, vector<1x1x256xf32>
    %get3A_1370 = vector.shape_cast %get3A_1369 : vector<1x1x256xf32> to vector<1x256xf32>
    %sub3A_1371 = arith.subf %get3A_1365, %get3A_1370 : vector<1x256xf32>
    %get3A_1372 = arith.constant 0 : index
    %get3A_1373 = arith.constant 10 : index
    %get3A_1374 = arith.constant 0 : index
    %get3A_1375 = vector.load %arg3[%get3A_1372, %get3A_1373, %get3A_1374] : memref<1x25x256xf32, #tpu.memory_space<vmem>>, vector<1x1x256xf32>
    %get3A_1376 = vector.shape_cast %get3A_1375 : vector<1x1x256xf32> to vector<1x256xf32>
    %get3A_1377 = arith.constant 0 : index
    %get3A_1378 = arith.constant 10 : index
    %get3A_1379 = arith.constant 0 : index
    %get3A_1380 = vector.load %arg6[%get3A_1377, %get3A_1378, %get3A_1379] : memref<1x25x256xf32, #tpu.memory_space<vmem>>, vector<1x1x256xf32>
    %get3A_1381 = vector.shape_cast %get3A_1380 : vector<1x1x256xf32> to vector<1x256xf32>
    %sub3A_1382 = arith.subf %get3A_1376, %get3A_1381 : vector<1x256xf32>
    %get3A_1383 = arith.constant 0 : index
    %get3A_1384 = arith.constant 10 : index
    %get3A_1385 = arith.constant 0 : index
    %get3A_1386 = vector.load %arg4[%get3A_1383, %get3A_1384, %get3A_1385] : memref<1x25x256xf32, #tpu.memory_space<vmem>>, vector<1x1x256xf32>
    %get3A_1387 = vector.shape_cast %get3A_1386 : vector<1x1x256xf32> to vector<1x256xf32>
    %get3A_1388 = arith.constant 0 : index
    %get3A_1389 = arith.constant 10 : index
    %get3A_1390 = arith.constant 0 : index
    %get3A_1391 = vector.load %arg7[%get3A_1388, %get3A_1389, %get3A_1390] : memref<1x25x256xf32, #tpu.memory_space<vmem>>, vector<1x1x256xf32>
    %get3A_1392 = vector.shape_cast %get3A_1391 : vector<1x1x256xf32> to vector<1x256xf32>
    %sub3A_1393 = arith.subf %get3A_1387, %get3A_1392 : vector<1x256xf32>
    %broadcast_in_dim3A_1394 = vector.shape_cast %sub3A_1371 : vector<1x256xf32> to vector<1x256xf32>
    %broadcast_in_dim3A_1395 = vector.broadcast %broadcast_in_dim3A_1394 : vector<1x256xf32> to vector<16x256xf32>
    %sub3A_1396 = arith.subf %broadcast_in_dim3A_1395, %broadcast_in_dim3A_2 : vector<16x256xf32>
    %broadcast_in_dim3A_1397 = vector.shape_cast %sub3A_1382 : vector<1x256xf32> to vector<1x256xf32>
    %broadcast_in_dim3A_1398 = vector.broadcast %broadcast_in_dim3A_1397 : vector<1x256xf32> to vector<16x256xf32>
    %sub3A_1399 = arith.subf %broadcast_in_dim3A_1398, %broadcast_in_dim3A_7 : vector<16x256xf32>
    %broadcast_in_dim3A_1400 = vector.shape_cast %sub3A_1393 : vector<1x256xf32> to vector<1x256xf32>
    %broadcast_in_dim3A_1401 = vector.broadcast %broadcast_in_dim3A_1400 : vector<1x256xf32> to vector<16x256xf32>
    %sub3A_1402 = arith.subf %broadcast_in_dim3A_1401, %broadcast_in_dim3A_12 : vector<16x256xf32>
    %mul3A_1403 = arith.mulf %sub3A_1396, %sub3A_1396 : vector<16x256xf32>
    %mul3A_1404 = arith.mulf %sub3A_1399, %sub3A_1399 : vector<16x256xf32>
    %add3A_1405 = arith.addf %mul3A_1403, %mul3A_1404 : vector<16x256xf32>
    %mul3A_1406 = arith.mulf %sub3A_1402, %sub3A_1402 : vector<16x256xf32>
    %add3A_1407 = arith.addf %add3A_1405, %mul3A_1406 : vector<16x256xf32>
    %add3A_1408 = arith.constant 9.99999996E-13 : f32
    %add3A_1409 = vector.broadcast %add3A_1408 : f32 to vector<16x256xf32>
    %add3A_1410 = arith.addf %add3A_1407, %add3A_1409 : vector<16x256xf32>
    %rsqrt3A_1411 = math.rsqrt %add3A_1410 : vector<16x256xf32>
    %mul3A_1412 = arith.mulf %add3A_1407, %rsqrt3A_1411 : vector<16x256xf32>
    %mul3A_1413 = arith.constant 5.000000e-01 : f32
    %mul3A_1414 = vector.broadcast %mul3A_1413 : f32 to vector<16x256xf32>
    %mul3A_1415 = arith.mulf %mul3A_1412, %mul3A_1414 : vector<16x256xf32>
    %sub3A_1416 = arith.constant 1.000000e+00 : f32
    %sub3A_1417 = vector.broadcast %sub3A_1416 : f32 to vector<16x256xf32>
    %sub3A_1418 = arith.subf %sub3A_1417, %mul3A_1415 : vector<16x256xf32>
    %max3A_1419 = arith.constant 0.000000e+00 : f32
    %max3A_1420 = vector.broadcast %max3A_1419 : f32 to vector<16x256xf32>
    %max3A_1421 = arith.maximumf %sub3A_1418, %max3A_1420 : vector<16x256xf32>
    %reshape3A_1422 = vector.shape_cast %max3A_1421 : vector<16x256xf32> to vector<16x1x256xf32>
    %broadcast_in_dim3A_1423 = vector.shape_cast %reshape3A_1422 : vector<16x1x256xf32> to vector<16x1x256xf32>
    %broadcast_in_dim3A_1424 = vector.broadcast %broadcast_in_dim3A_1423 : vector<16x1x256xf32> to vector<16x8x256xf32>
    %reshape3A_1425 = vector.shape_cast %broadcast_in_dim3A_1424 : vector<16x8x256xf32> to vector<128x256xf32>
    %mul3A_1426 = arith.mulf %reshape3A_1425, %convert_element_type3A_57 : vector<128x256xf32>
    %get3A_1427 = arith.constant 2560 : index
    %get3A_1428 = arith.constant 0 : index
    %get3A_1429 = vector.load %arg1[%get3A_1427, %get3A_1428] : memref<6400x128xf32, #tpu.memory_space<vmem>>, vector<256x128xf32>
    %dot_general3A_1430 = arith.constant dense<0.000000e+00> : vector<128x128xf32>
    %dot_general3A_1431 = tpu.matmul %mul3A_1426, %get3A_1429, %dot_general3A_1430 {dimension_numbers = #tpu.dot_dimension_numbers<[1], [0], [0], [1], [0, 0, 1, 1], [], []>, transpose_lhs_hint = false} : vector<128x256xf32>, vector<256x128xf32>, vector<128x128xf32> -> vector<128x128xf32>
    %slice3A_1432 = vector.extract_strided_slice %dot_general3A_1431 {offsets = [0, 0], sizes = [8, 128], strides = [1, 1]} : vector<128x128xf32> to vector<8x128xf32>
    %swap3A_1433 = arith.constant 80 : index
    %swap3A_1434 = arith.constant 0 : index
    %swap3A_1435 = vector.load %arg12[%swap3A_1433, %swap3A_1434] : memref<3000x128xf32, #tpu.memory_space<vmem>>, vector<8x128xf32>
    tpu.vector_store %arg12[%swap3A_1433, %swap3A_1434], %slice3A_1432 {strides = array<i32>} : memref<3000x128xf32, #tpu.memory_space<vmem>>, vector<8x128xf32>,
    %slice3A_1436 = vector.extract_strided_slice %dot_general3A_1431 {offsets = [8, 0], sizes = [8, 128], strides = [1, 1]} : vector<128x128xf32> to vector<8x128xf32>
    %swap3A_1437 = arith.constant 280 : index
    %swap3A_1438 = arith.constant 0 : index
    %swap3A_1439 = vector.load %arg12[%swap3A_1437, %swap3A_1438] : memref<3000x128xf32, #tpu.memory_space<vmem>>, vector<8x128xf32>
    tpu.vector_store %arg12[%swap3A_1437, %swap3A_1438], %slice3A_1436 {strides = array<i32>} : memref<3000x128xf32, #tpu.memory_space<vmem>>, vector<8x128xf32>,
    %slice3A_1440 = vector.extract_strided_slice %dot_general3A_1431 {offsets = [16, 0], sizes = [8, 128], strides = [1, 1]} : vector<128x128xf32> to vector<8x128xf32>
    %swap3A_1441 = arith.constant 480 : index
    %swap3A_1442 = arith.constant 0 : index
    %swap3A_1443 = vector.load %arg12[%swap3A_1441, %swap3A_1442] : memref<3000x128xf32, #tpu.memory_space<vmem>>, vector<8x128xf32>
    tpu.vector_store %arg12[%swap3A_1441, %swap3A_1442], %slice3A_1440 {strides = array<i32>} : memref<3000x128xf32, #tpu.memory_space<vmem>>, vector<8x128xf32>,
    %slice3A_1444 = vector.extract_strided_slice %dot_general3A_1431 {offsets = [24, 0], sizes = [8, 128], strides = [1, 1]} : vector<128x128xf32> to vector<8x128xf32>
    %swap3A_1445 = arith.constant 680 : index
    %swap3A_1446 = arith.constant 0 : index
    %swap3A_1447 = vector.load %arg12[%swap3A_1445, %swap3A_1446] : memref<3000x128xf32, #tpu.memory_space<vmem>>, vector<8x128xf32>
    tpu.vector_store %arg12[%swap3A_1445, %swap3A_1446], %slice3A_1444 {strides = array<i32>} : memref<3000x128xf32, #tpu.memory_space<vmem>>, vector<8x128xf32>,
    %slice3A_1448 = vector.extract_strided_slice %dot_general3A_1431 {offsets = [32, 0], sizes = [8, 128], strides = [1, 1]} : vector<128x128xf32> to vector<8x128xf32>
    %swap3A_1449 = arith.constant 880 : index
    %swap3A_1450 = arith.constant 0 : index
    %swap3A_1451 = vector.load %arg12[%swap3A_1449, %swap3A_1450] : memref<3000x128xf32, #tpu.memory_space<vmem>>, vector<8x128xf32>
    tpu.vector_store %arg12[%swap3A_1449, %swap3A_1450], %slice3A_1448 {strides = array<i32>} : memref<3000x128xf32, #tpu.memory_space<vmem>>, vector<8x128xf32>,
    %slice3A_1452 = vector.extract_strided_slice %dot_general3A_1431 {offsets = [40, 0], sizes = [8, 128], strides = [1, 1]} : vector<128x128xf32> to vector<8x128xf32>
    %swap3A_1453 = arith.constant 1080 : index
    %swap3A_1454 = arith.constant 0 : index
    %swap3A_1455 = vector.load %arg12[%swap3A_1453, %swap3A_1454] : memref<3000x128xf32, #tpu.memory_space<vmem>>, vector<8x128xf32>
    tpu.vector_store %arg12[%swap3A_1453, %swap3A_1454], %slice3A_1452 {strides = array<i32>} : memref<3000x128xf32, #tpu.memory_space<vmem>>, vector<8x128xf32>,
    %slice3A_1456 = vector.extract_strided_slice %dot_general3A_1431 {offsets = [48, 0], sizes = [8, 128], strides = [1, 1]} : vector<128x128xf32> to vector<8x128xf32>
    %swap3A_1457 = arith.constant 1280 : index
    %swap3A_1458 = arith.constant 0 : index
    %swap3A_1459 = vector.load %arg12[%swap3A_1457, %swap3A_1458] : memref<3000x128xf32, #tpu.memory_space<vmem>>, vector<8x128xf32>
    tpu.vector_store %arg12[%swap3A_1457, %swap3A_1458], %slice3A_1456 {strides = array<i32>} : memref<3000x128xf32, #tpu.memory_space<vmem>>, vector<8x128xf32>,
    %slice3A_1460 = vector.extract_strided_slice %dot_general3A_1431 {offsets = [56, 0], sizes = [8, 128], strides = [1, 1]} : vector<128x128xf32> to vector<8x128xf32>
    %swap3A_1461 = arith.constant 1480 : index
    %swap3A_1462 = arith.constant 0 : index
    %swap3A_1463 = vector.load %arg12[%swap3A_1461, %swap3A_1462] : memref<3000x128xf32, #tpu.memory_space<vmem>>, vector<8x128xf32>
    tpu.vector_store %arg12[%swap3A_1461, %swap3A_1462], %slice3A_1460 {strides = array<i32>} : memref<3000x128xf32, #tpu.memory_space<vmem>>, vector<8x128xf32>,
    %slice3A_1464 = vector.extract_strided_slice %dot_general3A_1431 {offsets = [64, 0], sizes = [8, 128], strides = [1, 1]} : vector<128x128xf32> to vector<8x128xf32>
    %swap3A_1465 = arith.constant 1680 : index
    %swap3A_1466 = arith.constant 0 : index
    %swap3A_1467 = vector.load %arg12[%swap3A_1465, %swap3A_1466] : memref<3000x128xf32, #tpu.memory_space<vmem>>, vector<8x128xf32>
    tpu.vector_store %arg12[%swap3A_1465, %swap3A_1466], %slice3A_1464 {strides = array<i32>} : memref<3000x128xf32, #tpu.memory_space<vmem>>, vector<8x128xf32>,
    %slice3A_1468 = vector.extract_strided_slice %dot_general3A_1431 {offsets = [72, 0], sizes = [8, 128], strides = [1, 1]} : vector<128x128xf32> to vector<8x128xf32>
    %swap3A_1469 = arith.constant 1880 : index
    %swap3A_1470 = arith.constant 0 : index
    %swap3A_1471 = vector.load %arg12[%swap3A_1469, %swap3A_1470] : memref<3000x128xf32, #tpu.memory_space<vmem>>, vector<8x128xf32>
    tpu.vector_store %arg12[%swap3A_1469, %swap3A_1470], %slice3A_1468 {strides = array<i32>} : memref<3000x128xf32, #tpu.memory_space<vmem>>, vector<8x128xf32>,
    %slice3A_1472 = vector.extract_strided_slice %dot_general3A_1431 {offsets = [80, 0], sizes = [8, 128], strides = [1, 1]} : vector<128x128xf32> to vector<8x128xf32>
    %swap3A_1473 = arith.constant 2080 : index
    %swap3A_1474 = arith.constant 0 : index
    %swap3A_1475 = vector.load %arg12[%swap3A_1473, %swap3A_1474] : memref<3000x128xf32, #tpu.memory_space<vmem>>, vector<8x128xf32>
    tpu.vector_store %arg12[%swap3A_1473, %swap3A_1474], %slice3A_1472 {strides = array<i32>} : memref<3000x128xf32, #tpu.memory_space<vmem>>, vector<8x128xf32>,
    %slice3A_1476 = vector.extract_strided_slice %dot_general3A_1431 {offsets = [88, 0], sizes = [8, 128], strides = [1, 1]} : vector<128x128xf32> to vector<8x128xf32>
    %swap3A_1477 = arith.constant 2280 : index
    %swap3A_1478 = arith.constant 0 : index
    %swap3A_1479 = vector.load %arg12[%swap3A_1477, %swap3A_1478] : memref<3000x128xf32, #tpu.memory_space<vmem>>, vector<8x128xf32>
    tpu.vector_store %arg12[%swap3A_1477, %swap3A_1478], %slice3A_1476 {strides = array<i32>} : memref<3000x128xf32, #tpu.memory_space<vmem>>, vector<8x128xf32>,
    %slice3A_1480 = vector.extract_strided_slice %dot_general3A_1431 {offsets = [96, 0], sizes = [8, 128], strides = [1, 1]} : vector<128x128xf32> to vector<8x128xf32>
    %swap3A_1481 = arith.constant 2480 : index
    %swap3A_1482 = arith.constant 0 : index
    %swap3A_1483 = vector.load %arg12[%swap3A_1481, %swap3A_1482] : memref<3000x128xf32, #tpu.memory_space<vmem>>, vector<8x128xf32>
    tpu.vector_store %arg12[%swap3A_1481, %swap3A_1482], %slice3A_1480 {strides = array<i32>} : memref<3000x128xf32, #tpu.memory_space<vmem>>, vector<8x128xf32>,
    %slice3A_1484 = vector.extract_strided_slice %dot_general3A_1431 {offsets = [104, 0], sizes = [8, 128], strides = [1, 1]} : vector<128x128xf32> to vector<8x128xf32>
    %swap3A_1485 = arith.constant 2680 : index
    %swap3A_1486 = arith.constant 0 : index
    %swap3A_1487 = vector.load %arg12[%swap3A_1485, %swap3A_1486] : memref<3000x128xf32, #tpu.memory_space<vmem>>, vector<8x128xf32>
    tpu.vector_store %arg12[%swap3A_1485, %swap3A_1486], %slice3A_1484 {strides = array<i32>} : memref<3000x128xf32, #tpu.memory_space<vmem>>, vector<8x128xf32>,
    %slice3A_1488 = vector.extract_strided_slice %dot_general3A_1431 {offsets = [112, 0], sizes = [8, 128], strides = [1, 1]} : vector<128x128xf32> to vector<8x128xf32>
    %swap3A_1489 = arith.constant 2880 : index
    %swap3A_1490 = arith.constant 0 : index
    %swap3A_1491 = vector.load %arg12[%swap3A_1489, %swap3A_1490] : memref<3000x128xf32, #tpu.memory_space<vmem>>, vector<8x128xf32>
    tpu.vector_store %arg12[%swap3A_1489, %swap3A_1490], %slice3A_1488 {strides = array<i32>} : memref<3000x128xf32, #tpu.memory_space<vmem>>, vector<8x128xf32>,
    %get3A_1492 = arith.constant 0 : index
    %get3A_1493 = arith.constant 11 : index
    %get3A_1494 = arith.constant 0 : index
    %get3A_1495 = vector.load %arg2[%get3A_1492, %get3A_1493, %get3A_1494] : memref<1x25x256xf32, #tpu.memory_space<vmem>>, vector<1x1x256xf32>
    %get3A_1496 = vector.shape_cast %get3A_1495 : vector<1x1x256xf32> to vector<1x256xf32>
    %get3A_1497 = arith.constant 0 : index
    %get3A_1498 = arith.constant 11 : index
    %get3A_1499 = arith.constant 0 : index
    %get3A_1500 = vector.load %arg5[%get3A_1497, %get3A_1498, %get3A_1499] : memref<1x25x256xf32, #tpu.memory_space<vmem>>, vector<1x1x256xf32>
    %get3A_1501 = vector.shape_cast %get3A_1500 : vector<1x1x256xf32> to vector<1x256xf32>
    %sub3A_1502 = arith.subf %get3A_1496, %get3A_1501 : vector<1x256xf32>
    %get3A_1503 = arith.constant 0 : index
    %get3A_1504 = arith.constant 11 : index
    %get3A_1505 = arith.constant 0 : index
    %get3A_1506 = vector.load %arg3[%get3A_1503, %get3A_1504, %get3A_1505] : memref<1x25x256xf32, #tpu.memory_space<vmem>>, vector<1x1x256xf32>
    %get3A_1507 = vector.shape_cast %get3A_1506 : vector<1x1x256xf32> to vector<1x256xf32>
    %get3A_1508 = arith.constant 0 : index
    %get3A_1509 = arith.constant 11 : index
    %get3A_1510 = arith.constant 0 : index
    %get3A_1511 = vector.load %arg6[%get3A_1508, %get3A_1509, %get3A_1510] : memref<1x25x256xf32, #tpu.memory_space<vmem>>, vector<1x1x256xf32>
    %get3A_1512 = vector.shape_cast %get3A_1511 : vector<1x1x256xf32> to vector<1x256xf32>
    %sub3A_1513 = arith.subf %get3A_1507, %get3A_1512 : vector<1x256xf32>
    %get3A_1514 = arith.constant 0 : index
    %get3A_1515 = arith.constant 11 : index
    %get3A_1516 = arith.constant 0 : index
    %get3A_1517 = vector.load %arg4[%get3A_1514, %get3A_1515, %get3A_1516] : memref<1x25x256xf32, #tpu.memory_space<vmem>>, vector<1x1x256xf32>
    %get3A_1518 = vector.shape_cast %get3A_1517 : vector<1x1x256xf32> to vector<1x256xf32>
    %get3A_1519 = arith.constant 0 : index
    %get3A_1520 = arith.constant 11 : index
    %get3A_1521 = arith.constant 0 : index
    %get3A_1522 = vector.load %arg7[%get3A_1519, %get3A_1520, %get3A_1521] : memref<1x25x256xf32, #tpu.memory_space<vmem>>, vector<1x1x256xf32>
    %get3A_1523 = vector.shape_cast %get3A_1522 : vector<1x1x256xf32> to vector<1x256xf32>
    %sub3A_1524 = arith.subf %get3A_1518, %get3A_1523 : vector<1x256xf32>
    %broadcast_in_dim3A_1525 = vector.shape_cast %sub3A_1502 : vector<1x256xf32> to vector<1x256xf32>
    %broadcast_in_dim3A_1526 = vector.broadcast %broadcast_in_dim3A_1525 : vector<1x256xf32> to vector<16x256xf32>
    %sub3A_1527 = arith.subf %broadcast_in_dim3A_1526, %broadcast_in_dim3A_2 : vector<16x256xf32>
    %broadcast_in_dim3A_1528 = vector.shape_cast %sub3A_1513 : vector<1x256xf32> to vector<1x256xf32>
    %broadcast_in_dim3A_1529 = vector.broadcast %broadcast_in_dim3A_1528 : vector<1x256xf32> to vector<16x256xf32>
    %sub3A_1530 = arith.subf %broadcast_in_dim3A_1529, %broadcast_in_dim3A_7 : vector<16x256xf32>
    %broadcast_in_dim3A_1531 = vector.shape_cast %sub3A_1524 : vector<1x256xf32> to vector<1x256xf32>
    %broadcast_in_dim3A_1532 = vector.broadcast %broadcast_in_dim3A_1531 : vector<1x256xf32> to vector<16x256xf32>
    %sub3A_1533 = arith.subf %broadcast_in_dim3A_1532, %broadcast_in_dim3A_12 : vector<16x256xf32>
    %mul3A_1534 = arith.mulf %sub3A_1527, %sub3A_1527 : vector<16x256xf32>
    %mul3A_1535 = arith.mulf %sub3A_1530, %sub3A_1530 : vector<16x256xf32>
    %add3A_1536 = arith.addf %mul3A_1534, %mul3A_1535 : vector<16x256xf32>
    %mul3A_1537 = arith.mulf %sub3A_1533, %sub3A_1533 : vector<16x256xf32>
    %add3A_1538 = arith.addf %add3A_1536, %mul3A_1537 : vector<16x256xf32>
    %add3A_1539 = arith.constant 9.99999996E-13 : f32
    %add3A_1540 = vector.broadcast %add3A_1539 : f32 to vector<16x256xf32>
    %add3A_1541 = arith.addf %add3A_1538, %add3A_1540 : vector<16x256xf32>
    %rsqrt3A_1542 = math.rsqrt %add3A_1541 : vector<16x256xf32>
    %mul3A_1543 = arith.mulf %add3A_1538, %rsqrt3A_1542 : vector<16x256xf32>
    %mul3A_1544 = arith.constant 5.000000e-01 : f32
    %mul3A_1545 = vector.broadcast %mul3A_1544 : f32 to vector<16x256xf32>
    %mul3A_1546 = arith.mulf %mul3A_1543, %mul3A_1545 : vector<16x256xf32>
    %sub3A_1547 = arith.constant 1.000000e+00 : f32
    %sub3A_1548 = vector.broadcast %sub3A_1547 : f32 to vector<16x256xf32>
    %sub3A_1549 = arith.subf %sub3A_1548, %mul3A_1546 : vector<16x256xf32>
    %max3A_1550 = arith.constant 0.000000e+00 : f32
    %max3A_1551 = vector.broadcast %max3A_1550 : f32 to vector<16x256xf32>
    %max3A_1552 = arith.maximumf %sub3A_1549, %max3A_1551 : vector<16x256xf32>
    %reshape3A_1553 = vector.shape_cast %max3A_1552 : vector<16x256xf32> to vector<16x1x256xf32>
    %broadcast_in_dim3A_1554 = vector.shape_cast %reshape3A_1553 : vector<16x1x256xf32> to vector<16x1x256xf32>
    %broadcast_in_dim3A_1555 = vector.broadcast %broadcast_in_dim3A_1554 : vector<16x1x256xf32> to vector<16x8x256xf32>
    %reshape3A_1556 = vector.shape_cast %broadcast_in_dim3A_1555 : vector<16x8x256xf32> to vector<128x256xf32>
    %mul3A_1557 = arith.mulf %reshape3A_1556, %convert_element_type3A_57 : vector<128x256xf32>
    %get3A_1558 = arith.constant 2816 : index
    %get3A_1559 = arith.constant 0 : index
    %get3A_1560 = vector.load %arg1[%get3A_1558, %get3A_1559] : memref<6400x128xf32, #tpu.memory_space<vmem>>, vector<256x128xf32>
    %dot_general3A_1561 = arith.constant dense<0.000000e+00> : vector<128x128xf32>
    %dot_general3A_1562 = tpu.matmul %mul3A_1557, %get3A_1560, %dot_general3A_1561 {dimension_numbers = #tpu.dot_dimension_numbers<[1], [0], [0], [1], [0, 0, 1, 1], [], []>, transpose_lhs_hint = false} : vector<128x256xf32>, vector<256x128xf32>, vector<128x128xf32> -> vector<128x128xf32>
    %slice3A_1563 = vector.extract_strided_slice %dot_general3A_1562 {offsets = [0, 0], sizes = [8, 128], strides = [1, 1]} : vector<128x128xf32> to vector<8x128xf32>
    %swap3A_1564 = arith.constant 88 : index
    %swap3A_1565 = arith.constant 0 : index
    %swap3A_1566 = vector.load %arg12[%swap3A_1564, %swap3A_1565] : memref<3000x128xf32, #tpu.memory_space<vmem>>, vector<8x128xf32>
    tpu.vector_store %arg12[%swap3A_1564, %swap3A_1565], %slice3A_1563 {strides = array<i32>} : memref<3000x128xf32, #tpu.memory_space<vmem>>, vector<8x128xf32>,
    %slice3A_1567 = vector.extract_strided_slice %dot_general3A_1562 {offsets = [8, 0], sizes = [8, 128], strides = [1, 1]} : vector<128x128xf32> to vector<8x128xf32>
    %swap3A_1568 = arith.constant 288 : index
    %swap3A_1569 = arith.constant 0 : index
    %swap3A_1570 = vector.load %arg12[%swap3A_1568, %swap3A_1569] : memref<3000x128xf32, #tpu.memory_space<vmem>>, vector<8x128xf32>
    tpu.vector_store %arg12[%swap3A_1568, %swap3A_1569], %slice3A_1567 {strides = array<i32>} : memref<3000x128xf32, #tpu.memory_space<vmem>>, vector<8x128xf32>,
    %slice3A_1571 = vector.extract_strided_slice %dot_general3A_1562 {offsets = [16, 0], sizes = [8, 128], strides = [1, 1]} : vector<128x128xf32> to vector<8x128xf32>
    %swap3A_1572 = arith.constant 488 : index
    %swap3A_1573 = arith.constant 0 : index
    %swap3A_1574 = vector.load %arg12[%swap3A_1572, %swap3A_1573] : memref<3000x128xf32, #tpu.memory_space<vmem>>, vector<8x128xf32>
    tpu.vector_store %arg12[%swap3A_1572, %swap3A_1573], %slice3A_1571 {strides = array<i32>} : memref<3000x128xf32, #tpu.memory_space<vmem>>, vector<8x128xf32>,
    %slice3A_1575 = vector.extract_strided_slice %dot_general3A_1562 {offsets = [24, 0], sizes = [8, 128], strides = [1, 1]} : vector<128x128xf32> to vector<8x128xf32>
    %swap3A_1576 = arith.constant 688 : index
    %swap3A_1577 = arith.constant 0 : index
    %swap3A_1578 = vector.load %arg12[%swap3A_1576, %swap3A_1577] : memref<3000x128xf32, #tpu.memory_space<vmem>>, vector<8x128xf32>
    tpu.vector_store %arg12[%swap3A_1576, %swap3A_1577], %slice3A_1575 {strides = array<i32>} : memref<3000x128xf32, #tpu.memory_space<vmem>>, vector<8x128xf32>,
    %slice3A_1579 = vector.extract_strided_slice %dot_general3A_1562 {offsets = [32, 0], sizes = [8, 128], strides = [1, 1]} : vector<128x128xf32> to vector<8x128xf32>
    %swap3A_1580 = arith.constant 888 : index
    %swap3A_1581 = arith.constant 0 : index
    %swap3A_1582 = vector.load %arg12[%swap3A_1580, %swap3A_1581] : memref<3000x128xf32, #tpu.memory_space<vmem>>, vector<8x128xf32>
    tpu.vector_store %arg12[%swap3A_1580, %swap3A_1581], %slice3A_1579 {strides = array<i32>} : memref<3000x128xf32, #tpu.memory_space<vmem>>, vector<8x128xf32>,
    %slice3A_1583 = vector.extract_strided_slice %dot_general3A_1562 {offsets = [40, 0], sizes = [8, 128], strides = [1, 1]} : vector<128x128xf32> to vector<8x128xf32>
    %swap3A_1584 = arith.constant 1088 : index
    %swap3A_1585 = arith.constant 0 : index
    %swap3A_1586 = vector.load %arg12[%swap3A_1584, %swap3A_1585] : memref<3000x128xf32, #tpu.memory_space<vmem>>, vector<8x128xf32>
    tpu.vector_store %arg12[%swap3A_1584, %swap3A_1585], %slice3A_1583 {strides = array<i32>} : memref<3000x128xf32, #tpu.memory_space<vmem>>, vector<8x128xf32>,
    %slice3A_1587 = vector.extract_strided_slice %dot_general3A_1562 {offsets = [48, 0], sizes = [8, 128], strides = [1, 1]} : vector<128x128xf32> to vector<8x128xf32>
    %swap3A_1588 = arith.constant 1288 : index
    %swap3A_1589 = arith.constant 0 : index
    %swap3A_1590 = vector.load %arg12[%swap3A_1588, %swap3A_1589] : memref<3000x128xf32, #tpu.memory_space<vmem>>, vector<8x128xf32>
    tpu.vector_store %arg12[%swap3A_1588, %swap3A_1589], %slice3A_1587 {strides = array<i32>} : memref<3000x128xf32, #tpu.memory_space<vmem>>, vector<8x128xf32>,
    %slice3A_1591 = vector.extract_strided_slice %dot_general3A_1562 {offsets = [56, 0], sizes = [8, 128], strides = [1, 1]} : vector<128x128xf32> to vector<8x128xf32>
    %swap3A_1592 = arith.constant 1488 : index
    %swap3A_1593 = arith.constant 0 : index
    %swap3A_1594 = vector.load %arg12[%swap3A_1592, %swap3A_1593] : memref<3000x128xf32, #tpu.memory_space<vmem>>, vector<8x128xf32>
    tpu.vector_store %arg12[%swap3A_1592, %swap3A_1593], %slice3A_1591 {strides = array<i32>} : memref<3000x128xf32, #tpu.memory_space<vmem>>, vector<8x128xf32>,
    %slice3A_1595 = vector.extract_strided_slice %dot_general3A_1562 {offsets = [64, 0], sizes = [8, 128], strides = [1, 1]} : vector<128x128xf32> to vector<8x128xf32>
    %swap3A_1596 = arith.constant 1688 : index
    %swap3A_1597 = arith.constant 0 : index
    %swap3A_1598 = vector.load %arg12[%swap3A_1596, %swap3A_1597] : memref<3000x128xf32, #tpu.memory_space<vmem>>, vector<8x128xf32>
    tpu.vector_store %arg12[%swap3A_1596, %swap3A_1597], %slice3A_1595 {strides = array<i32>} : memref<3000x128xf32, #tpu.memory_space<vmem>>, vector<8x128xf32>,
    %slice3A_1599 = vector.extract_strided_slice %dot_general3A_1562 {offsets = [72, 0], sizes = [8, 128], strides = [1, 1]} : vector<128x128xf32> to vector<8x128xf32>
    %swap3A_1600 = arith.constant 1888 : index
    %swap3A_1601 = arith.constant 0 : index
    %swap3A_1602 = vector.load %arg12[%swap3A_1600, %swap3A_1601] : memref<3000x128xf32, #tpu.memory_space<vmem>>, vector<8x128xf32>
    tpu.vector_store %arg12[%swap3A_1600, %swap3A_1601], %slice3A_1599 {strides = array<i32>} : memref<3000x128xf32, #tpu.memory_space<vmem>>, vector<8x128xf32>,
    %slice3A_1603 = vector.extract_strided_slice %dot_general3A_1562 {offsets = [80, 0], sizes = [8, 128], strides = [1, 1]} : vector<128x128xf32> to vector<8x128xf32>
    %swap3A_1604 = arith.constant 2088 : index
    %swap3A_1605 = arith.constant 0 : index
    %swap3A_1606 = vector.load %arg12[%swap3A_1604, %swap3A_1605] : memref<3000x128xf32, #tpu.memory_space<vmem>>, vector<8x128xf32>
    tpu.vector_store %arg12[%swap3A_1604, %swap3A_1605], %slice3A_1603 {strides = array<i32>} : memref<3000x128xf32, #tpu.memory_space<vmem>>, vector<8x128xf32>,
    %slice3A_1607 = vector.extract_strided_slice %dot_general3A_1562 {offsets = [88, 0], sizes = [8, 128], strides = [1, 1]} : vector<128x128xf32> to vector<8x128xf32>
    %swap3A_1608 = arith.constant 2288 : index
    %swap3A_1609 = arith.constant 0 : index
    %swap3A_1610 = vector.load %arg12[%swap3A_1608, %swap3A_1609] : memref<3000x128xf32, #tpu.memory_space<vmem>>, vector<8x128xf32>
    tpu.vector_store %arg12[%swap3A_1608, %swap3A_1609], %slice3A_1607 {strides = array<i32>} : memref<3000x128xf32, #tpu.memory_space<vmem>>, vector<8x128xf32>,
    %slice3A_1611 = vector.extract_strided_slice %dot_general3A_1562 {offsets = [96, 0], sizes = [8, 128], strides = [1, 1]} : vector<128x128xf32> to vector<8x128xf32>
    %swap3A_1612 = arith.constant 2488 : index
    %swap3A_1613 = arith.constant 0 : index
    %swap3A_1614 = vector.load %arg12[%swap3A_1612, %swap3A_1613] : memref<3000x128xf32, #tpu.memory_space<vmem>>, vector<8x128xf32>
    tpu.vector_store %arg12[%swap3A_1612, %swap3A_1613], %slice3A_1611 {strides = array<i32>} : memref<3000x128xf32, #tpu.memory_space<vmem>>, vector<8x128xf32>,
    %slice3A_1615 = vector.extract_strided_slice %dot_general3A_1562 {offsets = [104, 0], sizes = [8, 128], strides = [1, 1]} : vector<128x128xf32> to vector<8x128xf32>
    %swap3A_1616 = arith.constant 2688 : index
    %swap3A_1617 = arith.constant 0 : index
    %swap3A_1618 = vector.load %arg12[%swap3A_1616, %swap3A_1617] : memref<3000x128xf32, #tpu.memory_space<vmem>>, vector<8x128xf32>
    tpu.vector_store %arg12[%swap3A_1616, %swap3A_1617], %slice3A_1615 {strides = array<i32>} : memref<3000x128xf32, #tpu.memory_space<vmem>>, vector<8x128xf32>,
    %slice3A_1619 = vector.extract_strided_slice %dot_general3A_1562 {offsets = [112, 0], sizes = [8, 128], strides = [1, 1]} : vector<128x128xf32> to vector<8x128xf32>
    %swap3A_1620 = arith.constant 2888 : index
    %swap3A_1621 = arith.constant 0 : index
    %swap3A_1622 = vector.load %arg12[%swap3A_1620, %swap3A_1621] : memref<3000x128xf32, #tpu.memory_space<vmem>>, vector<8x128xf32>
    tpu.vector_store %arg12[%swap3A_1620, %swap3A_1621], %slice3A_1619 {strides = array<i32>} : memref<3000x128xf32, #tpu.memory_space<vmem>>, vector<8x128xf32>,
    %get3A_1623 = arith.constant 0 : index
    %get3A_1624 = arith.constant 12 : index
    %get3A_1625 = arith.constant 0 : index
    %get3A_1626 = vector.load %arg2[%get3A_1623, %get3A_1624, %get3A_1625] : memref<1x25x256xf32, #tpu.memory_space<vmem>>, vector<1x1x256xf32>
    %get3A_1627 = vector.shape_cast %get3A_1626 : vector<1x1x256xf32> to vector<1x256xf32>
    %get3A_1628 = arith.constant 0 : index
    %get3A_1629 = arith.constant 12 : index
    %get3A_1630 = arith.constant 0 : index
    %get3A_1631 = vector.load %arg5[%get3A_1628, %get3A_1629, %get3A_1630] : memref<1x25x256xf32, #tpu.memory_space<vmem>>, vector<1x1x256xf32>
    %get3A_1632 = vector.shape_cast %get3A_1631 : vector<1x1x256xf32> to vector<1x256xf32>
    %sub3A_1633 = arith.subf %get3A_1627, %get3A_1632 : vector<1x256xf32>
    %get3A_1634 = arith.constant 0 : index
    %get3A_1635 = arith.constant 12 : index
    %get3A_1636 = arith.constant 0 : index
    %get3A_1637 = vector.load %arg3[%get3A_1634, %get3A_1635, %get3A_1636] : memref<1x25x256xf32, #tpu.memory_space<vmem>>, vector<1x1x256xf32>
    %get3A_1638 = vector.shape_cast %get3A_1637 : vector<1x1x256xf32> to vector<1x256xf32>
    %get3A_1639 = arith.constant 0 : index
    %get3A_1640 = arith.constant 12 : index
    %get3A_1641 = arith.constant 0 : index
    %get3A_1642 = vector.load %arg6[%get3A_1639, %get3A_1640, %get3A_1641] : memref<1x25x256xf32, #tpu.memory_space<vmem>>, vector<1x1x256xf32>
    %get3A_1643 = vector.shape_cast %get3A_1642 : vector<1x1x256xf32> to vector<1x256xf32>
    %sub3A_1644 = arith.subf %get3A_1638, %get3A_1643 : vector<1x256xf32>
    %get3A_1645 = arith.constant 0 : index
    %get3A_1646 = arith.constant 12 : index
    %get3A_1647 = arith.constant 0 : index
    %get3A_1648 = vector.load %arg4[%get3A_1645, %get3A_1646, %get3A_1647] : memref<1x25x256xf32, #tpu.memory_space<vmem>>, vector<1x1x256xf32>
    %get3A_1649 = vector.shape_cast %get3A_1648 : vector<1x1x256xf32> to vector<1x256xf32>
    %get3A_1650 = arith.constant 0 : index
    %get3A_1651 = arith.constant 12 : index
    %get3A_1652 = arith.constant 0 : index
    %get3A_1653 = vector.load %arg7[%get3A_1650, %get3A_1651, %get3A_1652] : memref<1x25x256xf32, #tpu.memory_space<vmem>>, vector<1x1x256xf32>
    %get3A_1654 = vector.shape_cast %get3A_1653 : vector<1x1x256xf32> to vector<1x256xf32>
    %sub3A_1655 = arith.subf %get3A_1649, %get3A_1654 : vector<1x256xf32>
    %broadcast_in_dim3A_1656 = vector.shape_cast %sub3A_1633 : vector<1x256xf32> to vector<1x256xf32>
    %broadcast_in_dim3A_1657 = vector.broadcast %broadcast_in_dim3A_1656 : vector<1x256xf32> to vector<16x256xf32>
    %sub3A_1658 = arith.subf %broadcast_in_dim3A_1657, %broadcast_in_dim3A_2 : vector<16x256xf32>
    %broadcast_in_dim3A_1659 = vector.shape_cast %sub3A_1644 : vector<1x256xf32> to vector<1x256xf32>
    %broadcast_in_dim3A_1660 = vector.broadcast %broadcast_in_dim3A_1659 : vector<1x256xf32> to vector<16x256xf32>
    %sub3A_1661 = arith.subf %broadcast_in_dim3A_1660, %broadcast_in_dim3A_7 : vector<16x256xf32>
    %broadcast_in_dim3A_1662 = vector.shape_cast %sub3A_1655 : vector<1x256xf32> to vector<1x256xf32>
    %broadcast_in_dim3A_1663 = vector.broadcast %broadcast_in_dim3A_1662 : vector<1x256xf32> to vector<16x256xf32>
    %sub3A_1664 = arith.subf %broadcast_in_dim3A_1663, %broadcast_in_dim3A_12 : vector<16x256xf32>
    %mul3A_1665 = arith.mulf %sub3A_1658, %sub3A_1658 : vector<16x256xf32>
    %mul3A_1666 = arith.mulf %sub3A_1661, %sub3A_1661 : vector<16x256xf32>
    %add3A_1667 = arith.addf %mul3A_1665, %mul3A_1666 : vector<16x256xf32>
    %mul3A_1668 = arith.mulf %sub3A_1664, %sub3A_1664 : vector<16x256xf32>
    %add3A_1669 = arith.addf %add3A_1667, %mul3A_1668 : vector<16x256xf32>
    %add3A_1670 = arith.constant 9.99999996E-13 : f32
    %add3A_1671 = vector.broadcast %add3A_1670 : f32 to vector<16x256xf32>
    %add3A_1672 = arith.addf %add3A_1669, %add3A_1671 : vector<16x256xf32>
    %rsqrt3A_1673 = math.rsqrt %add3A_1672 : vector<16x256xf32>
    %mul3A_1674 = arith.mulf %add3A_1669, %rsqrt3A_1673 : vector<16x256xf32>
    %mul3A_1675 = arith.constant 5.000000e-01 : f32
    %mul3A_1676 = vector.broadcast %mul3A_1675 : f32 to vector<16x256xf32>
    %mul3A_1677 = arith.mulf %mul3A_1674, %mul3A_1676 : vector<16x256xf32>
    %sub3A_1678 = arith.constant 1.000000e+00 : f32
    %sub3A_1679 = vector.broadcast %sub3A_1678 : f32 to vector<16x256xf32>
    %sub3A_1680 = arith.subf %sub3A_1679, %mul3A_1677 : vector<16x256xf32>
    %max3A_1681 = arith.constant 0.000000e+00 : f32
    %max3A_1682 = vector.broadcast %max3A_1681 : f32 to vector<16x256xf32>
    %max3A_1683 = arith.maximumf %sub3A_1680, %max3A_1682 : vector<16x256xf32>
    %reshape3A_1684 = vector.shape_cast %max3A_1683 : vector<16x256xf32> to vector<16x1x256xf32>
    %broadcast_in_dim3A_1685 = vector.shape_cast %reshape3A_1684 : vector<16x1x256xf32> to vector<16x1x256xf32>
    %broadcast_in_dim3A_1686 = vector.broadcast %broadcast_in_dim3A_1685 : vector<16x1x256xf32> to vector<16x8x256xf32>
    %reshape3A_1687 = vector.shape_cast %broadcast_in_dim3A_1686 : vector<16x8x256xf32> to vector<128x256xf32>
    %mul3A_1688 = arith.mulf %reshape3A_1687, %convert_element_type3A_57 : vector<128x256xf32>
    %get3A_1689 = arith.constant 3072 : index
    %get3A_1690 = arith.constant 0 : index
    %get3A_1691 = vector.load %arg1[%get3A_1689, %get3A_1690] : memref<6400x128xf32, #tpu.memory_space<vmem>>, vector<256x128xf32>
    %dot_general3A_1692 = arith.constant dense<0.000000e+00> : vector<128x128xf32>
    %dot_general3A_1693 = tpu.matmul %mul3A_1688, %get3A_1691, %dot_general3A_1692 {dimension_numbers = #tpu.dot_dimension_numbers<[1], [0], [0], [1], [0, 0, 1, 1], [], []>, transpose_lhs_hint = false} : vector<128x256xf32>, vector<256x128xf32>, vector<128x128xf32> -> vector<128x128xf32>
    %slice3A_1694 = vector.extract_strided_slice %dot_general3A_1693 {offsets = [0, 0], sizes = [8, 128], strides = [1, 1]} : vector<128x128xf32> to vector<8x128xf32>
    %swap3A_1695 = arith.constant 96 : index
    %swap3A_1696 = arith.constant 0 : index
    %swap3A_1697 = vector.load %arg12[%swap3A_1695, %swap3A_1696] : memref<3000x128xf32, #tpu.memory_space<vmem>>, vector<8x128xf32>
    tpu.vector_store %arg12[%swap3A_1695, %swap3A_1696], %slice3A_1694 {strides = array<i32>} : memref<3000x128xf32, #tpu.memory_space<vmem>>, vector<8x128xf32>,
    %slice3A_1698 = vector.extract_strided_slice %dot_general3A_1693 {offsets = [8, 0], sizes = [8, 128], strides = [1, 1]} : vector<128x128xf32> to vector<8x128xf32>
    %swap3A_1699 = arith.constant 296 : index
    %swap3A_1700 = arith.constant 0 : index
    %swap3A_1701 = vector.load %arg12[%swap3A_1699, %swap3A_1700] : memref<3000x128xf32, #tpu.memory_space<vmem>>, vector<8x128xf32>
    tpu.vector_store %arg12[%swap3A_1699, %swap3A_1700], %slice3A_1698 {strides = array<i32>} : memref<3000x128xf32, #tpu.memory_space<vmem>>, vector<8x128xf32>,
    %slice3A_1702 = vector.extract_strided_slice %dot_general3A_1693 {offsets = [16, 0], sizes = [8, 128], strides = [1, 1]} : vector<128x128xf32> to vector<8x128xf32>
    %swap3A_1703 = arith.constant 496 : index
    %swap3A_1704 = arith.constant 0 : index
    %swap3A_1705 = vector.load %arg12[%swap3A_1703, %swap3A_1704] : memref<3000x128xf32, #tpu.memory_space<vmem>>, vector<8x128xf32>
    tpu.vector_store %arg12[%swap3A_1703, %swap3A_1704], %slice3A_1702 {strides = array<i32>} : memref<3000x128xf32, #tpu.memory_space<vmem>>, vector<8x128xf32>,
    %slice3A_1706 = vector.extract_strided_slice %dot_general3A_1693 {offsets = [24, 0], sizes = [8, 128], strides = [1, 1]} : vector<128x128xf32> to vector<8x128xf32>
    %swap3A_1707 = arith.constant 696 : index
    %swap3A_1708 = arith.constant 0 : index
    %swap3A_1709 = vector.load %arg12[%swap3A_1707, %swap3A_1708] : memref<3000x128xf32, #tpu.memory_space<vmem>>, vector<8x128xf32>
    tpu.vector_store %arg12[%swap3A_1707, %swap3A_1708], %slice3A_1706 {strides = array<i32>} : memref<3000x128xf32, #tpu.memory_space<vmem>>, vector<8x128xf32>,
    %slice3A_1710 = vector.extract_strided_slice %dot_general3A_1693 {offsets = [32, 0], sizes = [8, 128], strides = [1, 1]} : vector<128x128xf32> to vector<8x128xf32>
    %swap3A_1711 = arith.constant 896 : index
    %swap3A_1712 = arith.constant 0 : index
    %swap3A_1713 = vector.load %arg12[%swap3A_1711, %swap3A_1712] : memref<3000x128xf32, #tpu.memory_space<vmem>>, vector<8x128xf32>
    tpu.vector_store %arg12[%swap3A_1711, %swap3A_1712], %slice3A_1710 {strides = array<i32>} : memref<3000x128xf32, #tpu.memory_space<vmem>>, vector<8x128xf32>,
    %slice3A_1714 = vector.extract_strided_slice %dot_general3A_1693 {offsets = [40, 0], sizes = [8, 128], strides = [1, 1]} : vector<128x128xf32> to vector<8x128xf32>
    %swap3A_1715 = arith.constant 1096 : index
    %swap3A_1716 = arith.constant 0 : index
    %swap3A_1717 = vector.load %arg12[%swap3A_1715, %swap3A_1716] : memref<3000x128xf32, #tpu.memory_space<vmem>>, vector<8x128xf32>
    tpu.vector_store %arg12[%swap3A_1715, %swap3A_1716], %slice3A_1714 {strides = array<i32>} : memref<3000x128xf32, #tpu.memory_space<vmem>>, vector<8x128xf32>,
    %slice3A_1718 = vector.extract_strided_slice %dot_general3A_1693 {offsets = [48, 0], sizes = [8, 128], strides = [1, 1]} : vector<128x128xf32> to vector<8x128xf32>
    %swap3A_1719 = arith.constant 1296 : index
    %swap3A_1720 = arith.constant 0 : index
    %swap3A_1721 = vector.load %arg12[%swap3A_1719, %swap3A_1720] : memref<3000x128xf32, #tpu.memory_space<vmem>>, vector<8x128xf32>
    tpu.vector_store %arg12[%swap3A_1719, %swap3A_1720], %slice3A_1718 {strides = array<i32>} : memref<3000x128xf32, #tpu.memory_space<vmem>>, vector<8x128xf32>,
    %slice3A_1722 = vector.extract_strided_slice %dot_general3A_1693 {offsets = [56, 0], sizes = [8, 128], strides = [1, 1]} : vector<128x128xf32> to vector<8x128xf32>
    %swap3A_1723 = arith.constant 1496 : index
    %swap3A_1724 = arith.constant 0 : index
    %swap3A_1725 = vector.load %arg12[%swap3A_1723, %swap3A_1724] : memref<3000x128xf32, #tpu.memory_space<vmem>>, vector<8x128xf32>
    tpu.vector_store %arg12[%swap3A_1723, %swap3A_1724], %slice3A_1722 {strides = array<i32>} : memref<3000x128xf32, #tpu.memory_space<vmem>>, vector<8x128xf32>,
    %slice3A_1726 = vector.extract_strided_slice %dot_general3A_1693 {offsets = [64, 0], sizes = [8, 128], strides = [1, 1]} : vector<128x128xf32> to vector<8x128xf32>
    %swap3A_1727 = arith.constant 1696 : index
    %swap3A_1728 = arith.constant 0 : index
    %swap3A_1729 = vector.load %arg12[%swap3A_1727, %swap3A_1728] : memref<3000x128xf32, #tpu.memory_space<vmem>>, vector<8x128xf32>
    tpu.vector_store %arg12[%swap3A_1727, %swap3A_1728], %slice3A_1726 {strides = array<i32>} : memref<3000x128xf32, #tpu.memory_space<vmem>>, vector<8x128xf32>,
    %slice3A_1730 = vector.extract_strided_slice %dot_general3A_1693 {offsets = [72, 0], sizes = [8, 128], strides = [1, 1]} : vector<128x128xf32> to vector<8x128xf32>
    %swap3A_1731 = arith.constant 1896 : index
    %swap3A_1732 = arith.constant 0 : index
    %swap3A_1733 = vector.load %arg12[%swap3A_1731, %swap3A_1732] : memref<3000x128xf32, #tpu.memory_space<vmem>>, vector<8x128xf32>
    tpu.vector_store %arg12[%swap3A_1731, %swap3A_1732], %slice3A_1730 {strides = array<i32>} : memref<3000x128xf32, #tpu.memory_space<vmem>>, vector<8x128xf32>,
    %slice3A_1734 = vector.extract_strided_slice %dot_general3A_1693 {offsets = [80, 0], sizes = [8, 128], strides = [1, 1]} : vector<128x128xf32> to vector<8x128xf32>
    %swap3A_1735 = arith.constant 2096 : index
    %swap3A_1736 = arith.constant 0 : index
    %swap3A_1737 = vector.load %arg12[%swap3A_1735, %swap3A_1736] : memref<3000x128xf32, #tpu.memory_space<vmem>>, vector<8x128xf32>
    tpu.vector_store %arg12[%swap3A_1735, %swap3A_1736], %slice3A_1734 {strides = array<i32>} : memref<3000x128xf32, #tpu.memory_space<vmem>>, vector<8x128xf32>,
    %slice3A_1738 = vector.extract_strided_slice %dot_general3A_1693 {offsets = [88, 0], sizes = [8, 128], strides = [1, 1]} : vector<128x128xf32> to vector<8x128xf32>
    %swap3A_1739 = arith.constant 2296 : index
    %swap3A_1740 = arith.constant 0 : index
    %swap3A_1741 = vector.load %arg12[%swap3A_1739, %swap3A_1740] : memref<3000x128xf32, #tpu.memory_space<vmem>>, vector<8x128xf32>
    tpu.vector_store %arg12[%swap3A_1739, %swap3A_1740], %slice3A_1738 {strides = array<i32>} : memref<3000x128xf32, #tpu.memory_space<vmem>>, vector<8x128xf32>,
    %slice3A_1742 = vector.extract_strided_slice %dot_general3A_1693 {offsets = [96, 0], sizes = [8, 128], strides = [1, 1]} : vector<128x128xf32> to vector<8x128xf32>
    %swap3A_1743 = arith.constant 2496 : index
    %swap3A_1744 = arith.constant 0 : index
    %swap3A_1745 = vector.load %arg12[%swap3A_1743, %swap3A_1744] : memref<3000x128xf32, #tpu.memory_space<vmem>>, vector<8x128xf32>
    tpu.vector_store %arg12[%swap3A_1743, %swap3A_1744], %slice3A_1742 {strides = array<i32>} : memref<3000x128xf32, #tpu.memory_space<vmem>>, vector<8x128xf32>,
    %slice3A_1746 = vector.extract_strided_slice %dot_general3A_1693 {offsets = [104, 0], sizes = [8, 128], strides = [1, 1]} : vector<128x128xf32> to vector<8x128xf32>
    %swap3A_1747 = arith.constant 2696 : index
    %swap3A_1748 = arith.constant 0 : index
    %swap3A_1749 = vector.load %arg12[%swap3A_1747, %swap3A_1748] : memref<3000x128xf32, #tpu.memory_space<vmem>>, vector<8x128xf32>
    tpu.vector_store %arg12[%swap3A_1747, %swap3A_1748], %slice3A_1746 {strides = array<i32>} : memref<3000x128xf32, #tpu.memory_space<vmem>>, vector<8x128xf32>,
    %slice3A_1750 = vector.extract_strided_slice %dot_general3A_1693 {offsets = [112, 0], sizes = [8, 128], strides = [1, 1]} : vector<128x128xf32> to vector<8x128xf32>
    %swap3A_1751 = arith.constant 2896 : index
    %swap3A_1752 = arith.constant 0 : index
    %swap3A_1753 = vector.load %arg12[%swap3A_1751, %swap3A_1752] : memref<3000x128xf32, #tpu.memory_space<vmem>>, vector<8x128xf32>
    tpu.vector_store %arg12[%swap3A_1751, %swap3A_1752], %slice3A_1750 {strides = array<i32>} : memref<3000x128xf32, #tpu.memory_space<vmem>>, vector<8x128xf32>,
    %get3A_1754 = arith.constant 0 : index
    %get3A_1755 = arith.constant 13 : index
    %get3A_1756 = arith.constant 0 : index
    %get3A_1757 = vector.load %arg2[%get3A_1754, %get3A_1755, %get3A_1756] : memref<1x25x256xf32, #tpu.memory_space<vmem>>, vector<1x1x256xf32>
    %get3A_1758 = vector.shape_cast %get3A_1757 : vector<1x1x256xf32> to vector<1x256xf32>
    %get3A_1759 = arith.constant 0 : index
    %get3A_1760 = arith.constant 13 : index
    %get3A_1761 = arith.constant 0 : index
    %get3A_1762 = vector.load %arg5[%get3A_1759, %get3A_1760, %get3A_1761] : memref<1x25x256xf32, #tpu.memory_space<vmem>>, vector<1x1x256xf32>
    %get3A_1763 = vector.shape_cast %get3A_1762 : vector<1x1x256xf32> to vector<1x256xf32>
    %sub3A_1764 = arith.subf %get3A_1758, %get3A_1763 : vector<1x256xf32>
    %get3A_1765 = arith.constant 0 : index
    %get3A_1766 = arith.constant 13 : index
    %get3A_1767 = arith.constant 0 : index
    %get3A_1768 = vector.load %arg3[%get3A_1765, %get3A_1766, %get3A_1767] : memref<1x25x256xf32, #tpu.memory_space<vmem>>, vector<1x1x256xf32>
    %get3A_1769 = vector.shape_cast %get3A_1768 : vector<1x1x256xf32> to vector<1x256xf32>
    %get3A_1770 = arith.constant 0 : index
    %get3A_1771 = arith.constant 13 : index
    %get3A_1772 = arith.constant 0 : index
    %get3A_1773 = vector.load %arg6[%get3A_1770, %get3A_1771, %get3A_1772] : memref<1x25x256xf32, #tpu.memory_space<vmem>>, vector<1x1x256xf32>
    %get3A_1774 = vector.shape_cast %get3A_1773 : vector<1x1x256xf32> to vector<1x256xf32>
    %sub3A_1775 = arith.subf %get3A_1769, %get3A_1774 : vector<1x256xf32>
    %get3A_1776 = arith.constant 0 : index
    %get3A_1777 = arith.constant 13 : index
    %get3A_1778 = arith.constant 0 : index
    %get3A_1779 = vector.load %arg4[%get3A_1776, %get3A_1777, %get3A_1778] : memref<1x25x256xf32, #tpu.memory_space<vmem>>, vector<1x1x256xf32>
    %get3A_1780 = vector.shape_cast %get3A_1779 : vector<1x1x256xf32> to vector<1x256xf32>
    %get3A_1781 = arith.constant 0 : index
    %get3A_1782 = arith.constant 13 : index
    %get3A_1783 = arith.constant 0 : index
    %get3A_1784 = vector.load %arg7[%get3A_1781, %get3A_1782, %get3A_1783] : memref<1x25x256xf32, #tpu.memory_space<vmem>>, vector<1x1x256xf32>
    %get3A_1785 = vector.shape_cast %get3A_1784 : vector<1x1x256xf32> to vector<1x256xf32>
    %sub3A_1786 = arith.subf %get3A_1780, %get3A_1785 : vector<1x256xf32>
    %broadcast_in_dim3A_1787 = vector.shape_cast %sub3A_1764 : vector<1x256xf32> to vector<1x256xf32>
    %broadcast_in_dim3A_1788 = vector.broadcast %broadcast_in_dim3A_1787 : vector<1x256xf32> to vector<16x256xf32>
    %sub3A_1789 = arith.subf %broadcast_in_dim3A_1788, %broadcast_in_dim3A_2 : vector<16x256xf32>
    %broadcast_in_dim3A_1790 = vector.shape_cast %sub3A_1775 : vector<1x256xf32> to vector<1x256xf32>
    %broadcast_in_dim3A_1791 = vector.broadcast %broadcast_in_dim3A_1790 : vector<1x256xf32> to vector<16x256xf32>
    %sub3A_1792 = arith.subf %broadcast_in_dim3A_1791, %broadcast_in_dim3A_7 : vector<16x256xf32>
    %broadcast_in_dim3A_1793 = vector.shape_cast %sub3A_1786 : vector<1x256xf32> to vector<1x256xf32>
    %broadcast_in_dim3A_1794 = vector.broadcast %broadcast_in_dim3A_1793 : vector<1x256xf32> to vector<16x256xf32>
    %sub3A_1795 = arith.subf %broadcast_in_dim3A_1794, %broadcast_in_dim3A_12 : vector<16x256xf32>
    %mul3A_1796 = arith.mulf %sub3A_1789, %sub3A_1789 : vector<16x256xf32>
    %mul3A_1797 = arith.mulf %sub3A_1792, %sub3A_1792 : vector<16x256xf32>
    %add3A_1798 = arith.addf %mul3A_1796, %mul3A_1797 : vector<16x256xf32>
    %mul3A_1799 = arith.mulf %sub3A_1795, %sub3A_1795 : vector<16x256xf32>
    %add3A_1800 = arith.addf %add3A_1798, %mul3A_1799 : vector<16x256xf32>
    %add3A_1801 = arith.constant 9.99999996E-13 : f32
    %add3A_1802 = vector.broadcast %add3A_1801 : f32 to vector<16x256xf32>
    %add3A_1803 = arith.addf %add3A_1800, %add3A_1802 : vector<16x256xf32>
    %rsqrt3A_1804 = math.rsqrt %add3A_1803 : vector<16x256xf32>
    %mul3A_1805 = arith.mulf %add3A_1800, %rsqrt3A_1804 : vector<16x256xf32>
    %mul3A_1806 = arith.constant 5.000000e-01 : f32
    %mul3A_1807 = vector.broadcast %mul3A_1806 : f32 to vector<16x256xf32>
    %mul3A_1808 = arith.mulf %mul3A_1805, %mul3A_1807 : vector<16x256xf32>
    %sub3A_1809 = arith.constant 1.000000e+00 : f32
    %sub3A_1810 = vector.broadcast %sub3A_1809 : f32 to vector<16x256xf32>
    %sub3A_1811 = arith.subf %sub3A_1810, %mul3A_1808 : vector<16x256xf32>
    %max3A_1812 = arith.constant 0.000000e+00 : f32
    %max3A_1813 = vector.broadcast %max3A_1812 : f32 to vector<16x256xf32>
    %max3A_1814 = arith.maximumf %sub3A_1811, %max3A_1813 : vector<16x256xf32>
    %reshape3A_1815 = vector.shape_cast %max3A_1814 : vector<16x256xf32> to vector<16x1x256xf32>
    %broadcast_in_dim3A_1816 = vector.shape_cast %reshape3A_1815 : vector<16x1x256xf32> to vector<16x1x256xf32>
    %broadcast_in_dim3A_1817 = vector.broadcast %broadcast_in_dim3A_1816 : vector<16x1x256xf32> to vector<16x8x256xf32>
    %reshape3A_1818 = vector.shape_cast %broadcast_in_dim3A_1817 : vector<16x8x256xf32> to vector<128x256xf32>
    %mul3A_1819 = arith.mulf %reshape3A_1818, %convert_element_type3A_57 : vector<128x256xf32>
    %get3A_1820 = arith.constant 3328 : index
    %get3A_1821 = arith.constant 0 : index
    %get3A_1822 = vector.load %arg1[%get3A_1820, %get3A_1821] : memref<6400x128xf32, #tpu.memory_space<vmem>>, vector<256x128xf32>
    %dot_general3A_1823 = arith.constant dense<0.000000e+00> : vector<128x128xf32>
    %dot_general3A_1824 = tpu.matmul %mul3A_1819, %get3A_1822, %dot_general3A_1823 {dimension_numbers = #tpu.dot_dimension_numbers<[1], [0], [0], [1], [0, 0, 1, 1], [], []>, transpose_lhs_hint = false} : vector<128x256xf32>, vector<256x128xf32>, vector<128x128xf32> -> vector<128x128xf32>
    %slice3A_1825 = vector.extract_strided_slice %dot_general3A_1824 {offsets = [0, 0], sizes = [8, 128], strides = [1, 1]} : vector<128x128xf32> to vector<8x128xf32>
    %swap3A_1826 = arith.constant 104 : index
    %swap3A_1827 = arith.constant 0 : index
    %swap3A_1828 = vector.load %arg12[%swap3A_1826, %swap3A_1827] : memref<3000x128xf32, #tpu.memory_space<vmem>>, vector<8x128xf32>
    tpu.vector_store %arg12[%swap3A_1826, %swap3A_1827], %slice3A_1825 {strides = array<i32>} : memref<3000x128xf32, #tpu.memory_space<vmem>>, vector<8x128xf32>,
    %slice3A_1829 = vector.extract_strided_slice %dot_general3A_1824 {offsets = [8, 0], sizes = [8, 128], strides = [1, 1]} : vector<128x128xf32> to vector<8x128xf32>
    %swap3A_1830 = arith.constant 304 : index
    %swap3A_1831 = arith.constant 0 : index
    %swap3A_1832 = vector.load %arg12[%swap3A_1830, %swap3A_1831] : memref<3000x128xf32, #tpu.memory_space<vmem>>, vector<8x128xf32>
    tpu.vector_store %arg12[%swap3A_1830, %swap3A_1831], %slice3A_1829 {strides = array<i32>} : memref<3000x128xf32, #tpu.memory_space<vmem>>, vector<8x128xf32>,
    %slice3A_1833 = vector.extract_strided_slice %dot_general3A_1824 {offsets = [16, 0], sizes = [8, 128], strides = [1, 1]} : vector<128x128xf32> to vector<8x128xf32>
    %swap3A_1834 = arith.constant 504 : index
    %swap3A_1835 = arith.constant 0 : index
    %swap3A_1836 = vector.load %arg12[%swap3A_1834, %swap3A_1835] : memref<3000x128xf32, #tpu.memory_space<vmem>>, vector<8x128xf32>
    tpu.vector_store %arg12[%swap3A_1834, %swap3A_1835], %slice3A_1833 {strides = array<i32>} : memref<3000x128xf32, #tpu.memory_space<vmem>>, vector<8x128xf32>,
    %slice3A_1837 = vector.extract_strided_slice %dot_general3A_1824 {offsets = [24, 0], sizes = [8, 128], strides = [1, 1]} : vector<128x128xf32> to vector<8x128xf32>
    %swap3A_1838 = arith.constant 704 : index
    %swap3A_1839 = arith.constant 0 : index
    %swap3A_1840 = vector.load %arg12[%swap3A_1838, %swap3A_1839] : memref<3000x128xf32, #tpu.memory_space<vmem>>, vector<8x128xf32>
    tpu.vector_store %arg12[%swap3A_1838, %swap3A_1839], %slice3A_1837 {strides = array<i32>} : memref<3000x128xf32, #tpu.memory_space<vmem>>, vector<8x128xf32>,
    %slice3A_1841 = vector.extract_strided_slice %dot_general3A_1824 {offsets = [32, 0], sizes = [8, 128], strides = [1, 1]} : vector<128x128xf32> to vector<8x128xf32>
    %swap3A_1842 = arith.constant 904 : index
    %swap3A_1843 = arith.constant 0 : index
    %swap3A_1844 = vector.load %arg12[%swap3A_1842, %swap3A_1843] : memref<3000x128xf32, #tpu.memory_space<vmem>>, vector<8x128xf32>
    tpu.vector_store %arg12[%swap3A_1842, %swap3A_1843], %slice3A_1841 {strides = array<i32>} : memref<3000x128xf32, #tpu.memory_space<vmem>>, vector<8x128xf32>,
    %slice3A_1845 = vector.extract_strided_slice %dot_general3A_1824 {offsets = [40, 0], sizes = [8, 128], strides = [1, 1]} : vector<128x128xf32> to vector<8x128xf32>
    %swap3A_1846 = arith.constant 1104 : index
    %swap3A_1847 = arith.constant 0 : index
    %swap3A_1848 = vector.load %arg12[%swap3A_1846, %swap3A_1847] : memref<3000x128xf32, #tpu.memory_space<vmem>>, vector<8x128xf32>
    tpu.vector_store %arg12[%swap3A_1846, %swap3A_1847], %slice3A_1845 {strides = array<i32>} : memref<3000x128xf32, #tpu.memory_space<vmem>>, vector<8x128xf32>,
    %slice3A_1849 = vector.extract_strided_slice %dot_general3A_1824 {offsets = [48, 0], sizes = [8, 128], strides = [1, 1]} : vector<128x128xf32> to vector<8x128xf32>
    %swap3A_1850 = arith.constant 1304 : index
    %swap3A_1851 = arith.constant 0 : index
    %swap3A_1852 = vector.load %arg12[%swap3A_1850, %swap3A_1851] : memref<3000x128xf32, #tpu.memory_space<vmem>>, vector<8x128xf32>
    tpu.vector_store %arg12[%swap3A_1850, %swap3A_1851], %slice3A_1849 {strides = array<i32>} : memref<3000x128xf32, #tpu.memory_space<vmem>>, vector<8x128xf32>,
    %slice3A_1853 = vector.extract_strided_slice %dot_general3A_1824 {offsets = [56, 0], sizes = [8, 128], strides = [1, 1]} : vector<128x128xf32> to vector<8x128xf32>
    %swap3A_1854 = arith.constant 1504 : index
    %swap3A_1855 = arith.constant 0 : index
    %swap3A_1856 = vector.load %arg12[%swap3A_1854, %swap3A_1855] : memref<3000x128xf32, #tpu.memory_space<vmem>>, vector<8x128xf32>
    tpu.vector_store %arg12[%swap3A_1854, %swap3A_1855], %slice3A_1853 {strides = array<i32>} : memref<3000x128xf32, #tpu.memory_space<vmem>>, vector<8x128xf32>,
    %slice3A_1857 = vector.extract_strided_slice %dot_general3A_1824 {offsets = [64, 0], sizes = [8, 128], strides = [1, 1]} : vector<128x128xf32> to vector<8x128xf32>
    %swap3A_1858 = arith.constant 1704 : index
    %swap3A_1859 = arith.constant 0 : index
    %swap3A_1860 = vector.load %arg12[%swap3A_1858, %swap3A_1859] : memref<3000x128xf32, #tpu.memory_space<vmem>>, vector<8x128xf32>
    tpu.vector_store %arg12[%swap3A_1858, %swap3A_1859], %slice3A_1857 {strides = array<i32>} : memref<3000x128xf32, #tpu.memory_space<vmem>>, vector<8x128xf32>,
    %slice3A_1861 = vector.extract_strided_slice %dot_general3A_1824 {offsets = [72, 0], sizes = [8, 128], strides = [1, 1]} : vector<128x128xf32> to vector<8x128xf32>
    %swap3A_1862 = arith.constant 1904 : index
    %swap3A_1863 = arith.constant 0 : index
    %swap3A_1864 = vector.load %arg12[%swap3A_1862, %swap3A_1863] : memref<3000x128xf32, #tpu.memory_space<vmem>>, vector<8x128xf32>
    tpu.vector_store %arg12[%swap3A_1862, %swap3A_1863], %slice3A_1861 {strides = array<i32>} : memref<3000x128xf32, #tpu.memory_space<vmem>>, vector<8x128xf32>,
    %slice3A_1865 = vector.extract_strided_slice %dot_general3A_1824 {offsets = [80, 0], sizes = [8, 128], strides = [1, 1]} : vector<128x128xf32> to vector<8x128xf32>
    %swap3A_1866 = arith.constant 2104 : index
    %swap3A_1867 = arith.constant 0 : index
    %swap3A_1868 = vector.load %arg12[%swap3A_1866, %swap3A_1867] : memref<3000x128xf32, #tpu.memory_space<vmem>>, vector<8x128xf32>
    tpu.vector_store %arg12[%swap3A_1866, %swap3A_1867], %slice3A_1865 {strides = array<i32>} : memref<3000x128xf32, #tpu.memory_space<vmem>>, vector<8x128xf32>,
    %slice3A_1869 = vector.extract_strided_slice %dot_general3A_1824 {offsets = [88, 0], sizes = [8, 128], strides = [1, 1]} : vector<128x128xf32> to vector<8x128xf32>
    %swap3A_1870 = arith.constant 2304 : index
    %swap3A_1871 = arith.constant 0 : index
    %swap3A_1872 = vector.load %arg12[%swap3A_1870, %swap3A_1871] : memref<3000x128xf32, #tpu.memory_space<vmem>>, vector<8x128xf32>
    tpu.vector_store %arg12[%swap3A_1870, %swap3A_1871], %slice3A_1869 {strides = array<i32>} : memref<3000x128xf32, #tpu.memory_space<vmem>>, vector<8x128xf32>,
    %slice3A_1873 = vector.extract_strided_slice %dot_general3A_1824 {offsets = [96, 0], sizes = [8, 128], strides = [1, 1]} : vector<128x128xf32> to vector<8x128xf32>
    %swap3A_1874 = arith.constant 2504 : index
    %swap3A_1875 = arith.constant 0 : index
    %swap3A_1876 = vector.load %arg12[%swap3A_1874, %swap3A_1875] : memref<3000x128xf32, #tpu.memory_space<vmem>>, vector<8x128xf32>
    tpu.vector_store %arg12[%swap3A_1874, %swap3A_1875], %slice3A_1873 {strides = array<i32>} : memref<3000x128xf32, #tpu.memory_space<vmem>>, vector<8x128xf32>,
    %slice3A_1877 = vector.extract_strided_slice %dot_general3A_1824 {offsets = [104, 0], sizes = [8, 128], strides = [1, 1]} : vector<128x128xf32> to vector<8x128xf32>
    %swap3A_1878 = arith.constant 2704 : index
    %swap3A_1879 = arith.constant 0 : index
    %swap3A_1880 = vector.load %arg12[%swap3A_1878, %swap3A_1879] : memref<3000x128xf32, #tpu.memory_space<vmem>>, vector<8x128xf32>
    tpu.vector_store %arg12[%swap3A_1878, %swap3A_1879], %slice3A_1877 {strides = array<i32>} : memref<3000x128xf32, #tpu.memory_space<vmem>>, vector<8x128xf32>,
    %slice3A_1881 = vector.extract_strided_slice %dot_general3A_1824 {offsets = [112, 0], sizes = [8, 128], strides = [1, 1]} : vector<128x128xf32> to vector<8x128xf32>
    %swap3A_1882 = arith.constant 2904 : index
    %swap3A_1883 = arith.constant 0 : index
    %swap3A_1884 = vector.load %arg12[%swap3A_1882, %swap3A_1883] : memref<3000x128xf32, #tpu.memory_space<vmem>>, vector<8x128xf32>
    tpu.vector_store %arg12[%swap3A_1882, %swap3A_1883], %slice3A_1881 {strides = array<i32>} : memref<3000x128xf32, #tpu.memory_space<vmem>>, vector<8x128xf32>,
    %get3A_1885 = arith.constant 0 : index
    %get3A_1886 = arith.constant 14 : index
    %get3A_1887 = arith.constant 0 : index
    %get3A_1888 = vector.load %arg2[%get3A_1885, %get3A_1886, %get3A_1887] : memref<1x25x256xf32, #tpu.memory_space<vmem>>, vector<1x1x256xf32>
    %get3A_1889 = vector.shape_cast %get3A_1888 : vector<1x1x256xf32> to vector<1x256xf32>
    %get3A_1890 = arith.constant 0 : index
    %get3A_1891 = arith.constant 14 : index
    %get3A_1892 = arith.constant 0 : index
    %get3A_1893 = vector.load %arg5[%get3A_1890, %get3A_1891, %get3A_1892] : memref<1x25x256xf32, #tpu.memory_space<vmem>>, vector<1x1x256xf32>
    %get3A_1894 = vector.shape_cast %get3A_1893 : vector<1x1x256xf32> to vector<1x256xf32>
    %sub3A_1895 = arith.subf %get3A_1889, %get3A_1894 : vector<1x256xf32>
    %get3A_1896 = arith.constant 0 : index
    %get3A_1897 = arith.constant 14 : index
    %get3A_1898 = arith.constant 0 : index
    %get3A_1899 = vector.load %arg3[%get3A_1896, %get3A_1897, %get3A_1898] : memref<1x25x256xf32, #tpu.memory_space<vmem>>, vector<1x1x256xf32>
    %get3A_1900 = vector.shape_cast %get3A_1899 : vector<1x1x256xf32> to vector<1x256xf32>
    %get3A_1901 = arith.constant 0 : index
    %get3A_1902 = arith.constant 14 : index
    %get3A_1903 = arith.constant 0 : index
    %get3A_1904 = vector.load %arg6[%get3A_1901, %get3A_1902, %get3A_1903] : memref<1x25x256xf32, #tpu.memory_space<vmem>>, vector<1x1x256xf32>
    %get3A_1905 = vector.shape_cast %get3A_1904 : vector<1x1x256xf32> to vector<1x256xf32>
    %sub3A_1906 = arith.subf %get3A_1900, %get3A_1905 : vector<1x256xf32>
    %get3A_1907 = arith.constant 0 : index
    %get3A_1908 = arith.constant 14 : index
    %get3A_1909 = arith.constant 0 : index
    %get3A_1910 = vector.load %arg4[%get3A_1907, %get3A_1908, %get3A_1909] : memref<1x25x256xf32, #tpu.memory_space<vmem>>, vector<1x1x256xf32>
    %get3A_1911 = vector.shape_cast %get3A_1910 : vector<1x1x256xf32> to vector<1x256xf32>
    %get3A_1912 = arith.constant 0 : index
    %get3A_1913 = arith.constant 14 : index
    %get3A_1914 = arith.constant 0 : index
    %get3A_1915 = vector.load %arg7[%get3A_1912, %get3A_1913, %get3A_1914] : memref<1x25x256xf32, #tpu.memory_space<vmem>>, vector<1x1x256xf32>
    %get3A_1916 = vector.shape_cast %get3A_1915 : vector<1x1x256xf32> to vector<1x256xf32>
    %sub3A_1917 = arith.subf %get3A_1911, %get3A_1916 : vector<1x256xf32>
    %broadcast_in_dim3A_1918 = vector.shape_cast %sub3A_1895 : vector<1x256xf32> to vector<1x256xf32>
    %broadcast_in_dim3A_1919 = vector.broadcast %broadcast_in_dim3A_1918 : vector<1x256xf32> to vector<16x256xf32>
    %sub3A_1920 = arith.subf %broadcast_in_dim3A_1919, %broadcast_in_dim3A_2 : vector<16x256xf32>
    %broadcast_in_dim3A_1921 = vector.shape_cast %sub3A_1906 : vector<1x256xf32> to vector<1x256xf32>
    %broadcast_in_dim3A_1922 = vector.broadcast %broadcast_in_dim3A_1921 : vector<1x256xf32> to vector<16x256xf32>
    %sub3A_1923 = arith.subf %broadcast_in_dim3A_1922, %broadcast_in_dim3A_7 : vector<16x256xf32>
    %broadcast_in_dim3A_1924 = vector.shape_cast %sub3A_1917 : vector<1x256xf32> to vector<1x256xf32>
    %broadcast_in_dim3A_1925 = vector.broadcast %broadcast_in_dim3A_1924 : vector<1x256xf32> to vector<16x256xf32>
    %sub3A_1926 = arith.subf %broadcast_in_dim3A_1925, %broadcast_in_dim3A_12 : vector<16x256xf32>
    %mul3A_1927 = arith.mulf %sub3A_1920, %sub3A_1920 : vector<16x256xf32>
    %mul3A_1928 = arith.mulf %sub3A_1923, %sub3A_1923 : vector<16x256xf32>
    %add3A_1929 = arith.addf %mul3A_1927, %mul3A_1928 : vector<16x256xf32>
    %mul3A_1930 = arith.mulf %sub3A_1926, %sub3A_1926 : vector<16x256xf32>
    %add3A_1931 = arith.addf %add3A_1929, %mul3A_1930 : vector<16x256xf32>
    %add3A_1932 = arith.constant 9.99999996E-13 : f32
    %add3A_1933 = vector.broadcast %add3A_1932 : f32 to vector<16x256xf32>
    %add3A_1934 = arith.addf %add3A_1931, %add3A_1933 : vector<16x256xf32>
    %rsqrt3A_1935 = math.rsqrt %add3A_1934 : vector<16x256xf32>
    %mul3A_1936 = arith.mulf %add3A_1931, %rsqrt3A_1935 : vector<16x256xf32>
    %mul3A_1937 = arith.constant 5.000000e-01 : f32
    %mul3A_1938 = vector.broadcast %mul3A_1937 : f32 to vector<16x256xf32>
    %mul3A_1939 = arith.mulf %mul3A_1936, %mul3A_1938 : vector<16x256xf32>
    %sub3A_1940 = arith.constant 1.000000e+00 : f32
    %sub3A_1941 = vector.broadcast %sub3A_1940 : f32 to vector<16x256xf32>
    %sub3A_1942 = arith.subf %sub3A_1941, %mul3A_1939 : vector<16x256xf32>
    %max3A_1943 = arith.constant 0.000000e+00 : f32
    %max3A_1944 = vector.broadcast %max3A_1943 : f32 to vector<16x256xf32>
    %max3A_1945 = arith.maximumf %sub3A_1942, %max3A_1944 : vector<16x256xf32>
    %reshape3A_1946 = vector.shape_cast %max3A_1945 : vector<16x256xf32> to vector<16x1x256xf32>
    %broadcast_in_dim3A_1947 = vector.shape_cast %reshape3A_1946 : vector<16x1x256xf32> to vector<16x1x256xf32>
    %broadcast_in_dim3A_1948 = vector.broadcast %broadcast_in_dim3A_1947 : vector<16x1x256xf32> to vector<16x8x256xf32>
    %reshape3A_1949 = vector.shape_cast %broadcast_in_dim3A_1948 : vector<16x8x256xf32> to vector<128x256xf32>
    %mul3A_1950 = arith.mulf %reshape3A_1949, %convert_element_type3A_57 : vector<128x256xf32>
    %get3A_1951 = arith.constant 3584 : index
    %get3A_1952 = arith.constant 0 : index
    %get3A_1953 = vector.load %arg1[%get3A_1951, %get3A_1952] : memref<6400x128xf32, #tpu.memory_space<vmem>>, vector<256x128xf32>
    %dot_general3A_1954 = arith.constant dense<0.000000e+00> : vector<128x128xf32>
    %dot_general3A_1955 = tpu.matmul %mul3A_1950, %get3A_1953, %dot_general3A_1954 {dimension_numbers = #tpu.dot_dimension_numbers<[1], [0], [0], [1], [0, 0, 1, 1], [], []>, transpose_lhs_hint = false} : vector<128x256xf32>, vector<256x128xf32>, vector<128x128xf32> -> vector<128x128xf32>
    %slice3A_1956 = vector.extract_strided_slice %dot_general3A_1955 {offsets = [0, 0], sizes = [8, 128], strides = [1, 1]} : vector<128x128xf32> to vector<8x128xf32>
    %swap3A_1957 = arith.constant 112 : index
    %swap3A_1958 = arith.constant 0 : index
    %swap3A_1959 = vector.load %arg12[%swap3A_1957, %swap3A_1958] : memref<3000x128xf32, #tpu.memory_space<vmem>>, vector<8x128xf32>
    tpu.vector_store %arg12[%swap3A_1957, %swap3A_1958], %slice3A_1956 {strides = array<i32>} : memref<3000x128xf32, #tpu.memory_space<vmem>>, vector<8x128xf32>,
    %slice3A_1960 = vector.extract_strided_slice %dot_general3A_1955 {offsets = [8, 0], sizes = [8, 128], strides = [1, 1]} : vector<128x128xf32> to vector<8x128xf32>
    %swap3A_1961 = arith.constant 312 : index
    %swap3A_1962 = arith.constant 0 : index
    %swap3A_1963 = vector.load %arg12[%swap3A_1961, %swap3A_1962] : memref<3000x128xf32, #tpu.memory_space<vmem>>, vector<8x128xf32>
    tpu.vector_store %arg12[%swap3A_1961, %swap3A_1962], %slice3A_1960 {strides = array<i32>} : memref<3000x128xf32, #tpu.memory_space<vmem>>, vector<8x128xf32>,
    %slice3A_1964 = vector.extract_strided_slice %dot_general3A_1955 {offsets = [16, 0], sizes = [8, 128], strides = [1, 1]} : vector<128x128xf32> to vector<8x128xf32>
    %swap3A_1965 = arith.constant 512 : index
    %swap3A_1966 = arith.constant 0 : index
    %swap3A_1967 = vector.load %arg12[%swap3A_1965, %swap3A_1966] : memref<3000x128xf32, #tpu.memory_space<vmem>>, vector<8x128xf32>
    tpu.vector_store %arg12[%swap3A_1965, %swap3A_1966], %slice3A_1964 {strides = array<i32>} : memref<3000x128xf32, #tpu.memory_space<vmem>>, vector<8x128xf32>,
    %slice3A_1968 = vector.extract_strided_slice %dot_general3A_1955 {offsets = [24, 0], sizes = [8, 128], strides = [1, 1]} : vector<128x128xf32> to vector<8x128xf32>
    %swap3A_1969 = arith.constant 712 : index
    %swap3A_1970 = arith.constant 0 : index
    %swap3A_1971 = vector.load %arg12[%swap3A_1969, %swap3A_1970] : memref<3000x128xf32, #tpu.memory_space<vmem>>, vector<8x128xf32>
    tpu.vector_store %arg12[%swap3A_1969, %swap3A_1970], %slice3A_1968 {strides = array<i32>} : memref<3000x128xf32, #tpu.memory_space<vmem>>, vector<8x128xf32>,
    %slice3A_1972 = vector.extract_strided_slice %dot_general3A_1955 {offsets = [32, 0], sizes = [8, 128], strides = [1, 1]} : vector<128x128xf32> to vector<8x128xf32>
    %swap3A_1973 = arith.constant 912 : index
    %swap3A_1974 = arith.constant 0 : index
    %swap3A_1975 = vector.load %arg12[%swap3A_1973, %swap3A_1974] : memref<3000x128xf32, #tpu.memory_space<vmem>>, vector<8x128xf32>
    tpu.vector_store %arg12[%swap3A_1973, %swap3A_1974], %slice3A_1972 {strides = array<i32>} : memref<3000x128xf32, #tpu.memory_space<vmem>>, vector<8x128xf32>,
    %slice3A_1976 = vector.extract_strided_slice %dot_general3A_1955 {offsets = [40, 0], sizes = [8, 128], strides = [1, 1]} : vector<128x128xf32> to vector<8x128xf32>
    %swap3A_1977 = arith.constant 1112 : index
    %swap3A_1978 = arith.constant 0 : index
    %swap3A_1979 = vector.load %arg12[%swap3A_1977, %swap3A_1978] : memref<3000x128xf32, #tpu.memory_space<vmem>>, vector<8x128xf32>
    tpu.vector_store %arg12[%swap3A_1977, %swap3A_1978], %slice3A_1976 {strides = array<i32>} : memref<3000x128xf32, #tpu.memory_space<vmem>>, vector<8x128xf32>,
    %slice3A_1980 = vector.extract_strided_slice %dot_general3A_1955 {offsets = [48, 0], sizes = [8, 128], strides = [1, 1]} : vector<128x128xf32> to vector<8x128xf32>
    %swap3A_1981 = arith.constant 1312 : index
    %swap3A_1982 = arith.constant 0 : index
    %swap3A_1983 = vector.load %arg12[%swap3A_1981, %swap3A_1982] : memref<3000x128xf32, #tpu.memory_space<vmem>>, vector<8x128xf32>
    tpu.vector_store %arg12[%swap3A_1981, %swap3A_1982], %slice3A_1980 {strides = array<i32>} : memref<3000x128xf32, #tpu.memory_space<vmem>>, vector<8x128xf32>,
    %slice3A_1984 = vector.extract_strided_slice %dot_general3A_1955 {offsets = [56, 0], sizes = [8, 128], strides = [1, 1]} : vector<128x128xf32> to vector<8x128xf32>
    %swap3A_1985 = arith.constant 1512 : index
    %swap3A_1986 = arith.constant 0 : index
    %swap3A_1987 = vector.load %arg12[%swap3A_1985, %swap3A_1986] : memref<3000x128xf32, #tpu.memory_space<vmem>>, vector<8x128xf32>
    tpu.vector_store %arg12[%swap3A_1985, %swap3A_1986], %slice3A_1984 {strides = array<i32>} : memref<3000x128xf32, #tpu.memory_space<vmem>>, vector<8x128xf32>,
    %slice3A_1988 = vector.extract_strided_slice %dot_general3A_1955 {offsets = [64, 0], sizes = [8, 128], strides = [1, 1]} : vector<128x128xf32> to vector<8x128xf32>
    %swap3A_1989 = arith.constant 1712 : index
    %swap3A_1990 = arith.constant 0 : index
    %swap3A_1991 = vector.load %arg12[%swap3A_1989, %swap3A_1990] : memref<3000x128xf32, #tpu.memory_space<vmem>>, vector<8x128xf32>
    tpu.vector_store %arg12[%swap3A_1989, %swap3A_1990], %slice3A_1988 {strides = array<i32>} : memref<3000x128xf32, #tpu.memory_space<vmem>>, vector<8x128xf32>,
    %slice3A_1992 = vector.extract_strided_slice %dot_general3A_1955 {offsets = [72, 0], sizes = [8, 128], strides = [1, 1]} : vector<128x128xf32> to vector<8x128xf32>
    %swap3A_1993 = arith.constant 1912 : index
    %swap3A_1994 = arith.constant 0 : index
    %swap3A_1995 = vector.load %arg12[%swap3A_1993, %swap3A_1994] : memref<3000x128xf32, #tpu.memory_space<vmem>>, vector<8x128xf32>
    tpu.vector_store %arg12[%swap3A_1993, %swap3A_1994], %slice3A_1992 {strides = array<i32>} : memref<3000x128xf32, #tpu.memory_space<vmem>>, vector<8x128xf32>,
    %slice3A_1996 = vector.extract_strided_slice %dot_general3A_1955 {offsets = [80, 0], sizes = [8, 128], strides = [1, 1]} : vector<128x128xf32> to vector<8x128xf32>
    %swap3A_1997 = arith.constant 2112 : index
    %swap3A_1998 = arith.constant 0 : index
    %swap3A_1999 = vector.load %arg12[%swap3A_1997, %swap3A_1998] : memref<3000x128xf32, #tpu.memory_space<vmem>>, vector<8x128xf32>
    tpu.vector_store %arg12[%swap3A_1997, %swap3A_1998], %slice3A_1996 {strides = array<i32>} : memref<3000x128xf32, #tpu.memory_space<vmem>>, vector<8x128xf32>,
    %slice3A_2000 = vector.extract_strided_slice %dot_general3A_1955 {offsets = [88, 0], sizes = [8, 128], strides = [1, 1]} : vector<128x128xf32> to vector<8x128xf32>
    %swap3A_2001 = arith.constant 2312 : index
    %swap3A_2002 = arith.constant 0 : index
    %swap3A_2003 = vector.load %arg12[%swap3A_2001, %swap3A_2002] : memref<3000x128xf32, #tpu.memory_space<vmem>>, vector<8x128xf32>
    tpu.vector_store %arg12[%swap3A_2001, %swap3A_2002], %slice3A_2000 {strides = array<i32>} : memref<3000x128xf32, #tpu.memory_space<vmem>>, vector<8x128xf32>,
    %slice3A_2004 = vector.extract_strided_slice %dot_general3A_1955 {offsets = [96, 0], sizes = [8, 128], strides = [1, 1]} : vector<128x128xf32> to vector<8x128xf32>
    %swap3A_2005 = arith.constant 2512 : index
    %swap3A_2006 = arith.constant 0 : index
    %swap3A_2007 = vector.load %arg12[%swap3A_2005, %swap3A_2006] : memref<3000x128xf32, #tpu.memory_space<vmem>>, vector<8x128xf32>
    tpu.vector_store %arg12[%swap3A_2005, %swap3A_2006], %slice3A_2004 {strides = array<i32>} : memref<3000x128xf32, #tpu.memory_space<vmem>>, vector<8x128xf32>,
    %slice3A_2008 = vector.extract_strided_slice %dot_general3A_1955 {offsets = [104, 0], sizes = [8, 128], strides = [1, 1]} : vector<128x128xf32> to vector<8x128xf32>
    %swap3A_2009 = arith.constant 2712 : index
    %swap3A_2010 = arith.constant 0 : index
    %swap3A_2011 = vector.load %arg12[%swap3A_2009, %swap3A_2010] : memref<3000x128xf32, #tpu.memory_space<vmem>>, vector<8x128xf32>
    tpu.vector_store %arg12[%swap3A_2009, %swap3A_2010], %slice3A_2008 {strides = array<i32>} : memref<3000x128xf32, #tpu.memory_space<vmem>>, vector<8x128xf32>,
    %slice3A_2012 = vector.extract_strided_slice %dot_general3A_1955 {offsets = [112, 0], sizes = [8, 128], strides = [1, 1]} : vector<128x128xf32> to vector<8x128xf32>
    %swap3A_2013 = arith.constant 2912 : index
    %swap3A_2014 = arith.constant 0 : index
    %swap3A_2015 = vector.load %arg12[%swap3A_2013, %swap3A_2014] : memref<3000x128xf32, #tpu.memory_space<vmem>>, vector<8x128xf32>
    tpu.vector_store %arg12[%swap3A_2013, %swap3A_2014], %slice3A_2012 {strides = array<i32>} : memref<3000x128xf32, #tpu.memory_space<vmem>>, vector<8x128xf32>,
    %get3A_2016 = arith.constant 0 : index
    %get3A_2017 = arith.constant 15 : index
    %get3A_2018 = arith.constant 0 : index
    %get3A_2019 = vector.load %arg2[%get3A_2016, %get3A_2017, %get3A_2018] : memref<1x25x256xf32, #tpu.memory_space<vmem>>, vector<1x1x256xf32>
    %get3A_2020 = vector.shape_cast %get3A_2019 : vector<1x1x256xf32> to vector<1x256xf32>
    %get3A_2021 = arith.constant 0 : index
    %get3A_2022 = arith.constant 15 : index
    %get3A_2023 = arith.constant 0 : index
    %get3A_2024 = vector.load %arg5[%get3A_2021, %get3A_2022, %get3A_2023] : memref<1x25x256xf32, #tpu.memory_space<vmem>>, vector<1x1x256xf32>
    %get3A_2025 = vector.shape_cast %get3A_2024 : vector<1x1x256xf32> to vector<1x256xf32>
    %sub3A_2026 = arith.subf %get3A_2020, %get3A_2025 : vector<1x256xf32>
    %get3A_2027 = arith.constant 0 : index
    %get3A_2028 = arith.constant 15 : index
    %get3A_2029 = arith.constant 0 : index
    %get3A_2030 = vector.load %arg3[%get3A_2027, %get3A_2028, %get3A_2029] : memref<1x25x256xf32, #tpu.memory_space<vmem>>, vector<1x1x256xf32>
    %get3A_2031 = vector.shape_cast %get3A_2030 : vector<1x1x256xf32> to vector<1x256xf32>
    %get3A_2032 = arith.constant 0 : index
    %get3A_2033 = arith.constant 15 : index
    %get3A_2034 = arith.constant 0 : index
    %get3A_2035 = vector.load %arg6[%get3A_2032, %get3A_2033, %get3A_2034] : memref<1x25x256xf32, #tpu.memory_space<vmem>>, vector<1x1x256xf32>
    %get3A_2036 = vector.shape_cast %get3A_2035 : vector<1x1x256xf32> to vector<1x256xf32>
    %sub3A_2037 = arith.subf %get3A_2031, %get3A_2036 : vector<1x256xf32>
    %get3A_2038 = arith.constant 0 : index
    %get3A_2039 = arith.constant 15 : index
    %get3A_2040 = arith.constant 0 : index
    %get3A_2041 = vector.load %arg4[%get3A_2038, %get3A_2039, %get3A_2040] : memref<1x25x256xf32, #tpu.memory_space<vmem>>, vector<1x1x256xf32>
    %get3A_2042 = vector.shape_cast %get3A_2041 : vector<1x1x256xf32> to vector<1x256xf32>
    %get3A_2043 = arith.constant 0 : index
    %get3A_2044 = arith.constant 15 : index
    %get3A_2045 = arith.constant 0 : index
    %get3A_2046 = vector.load %arg7[%get3A_2043, %get3A_2044, %get3A_2045] : memref<1x25x256xf32, #tpu.memory_space<vmem>>, vector<1x1x256xf32>
    %get3A_2047 = vector.shape_cast %get3A_2046 : vector<1x1x256xf32> to vector<1x256xf32>
    %sub3A_2048 = arith.subf %get3A_2042, %get3A_2047 : vector<1x256xf32>
    %broadcast_in_dim3A_2049 = vector.shape_cast %sub3A_2026 : vector<1x256xf32> to vector<1x256xf32>
    %broadcast_in_dim3A_2050 = vector.broadcast %broadcast_in_dim3A_2049 : vector<1x256xf32> to vector<16x256xf32>
    %sub3A_2051 = arith.subf %broadcast_in_dim3A_2050, %broadcast_in_dim3A_2 : vector<16x256xf32>
    %broadcast_in_dim3A_2052 = vector.shape_cast %sub3A_2037 : vector<1x256xf32> to vector<1x256xf32>
    %broadcast_in_dim3A_2053 = vector.broadcast %broadcast_in_dim3A_2052 : vector<1x256xf32> to vector<16x256xf32>
    %sub3A_2054 = arith.subf %broadcast_in_dim3A_2053, %broadcast_in_dim3A_7 : vector<16x256xf32>
    %broadcast_in_dim3A_2055 = vector.shape_cast %sub3A_2048 : vector<1x256xf32> to vector<1x256xf32>
    %broadcast_in_dim3A_2056 = vector.broadcast %broadcast_in_dim3A_2055 : vector<1x256xf32> to vector<16x256xf32>
    %sub3A_2057 = arith.subf %broadcast_in_dim3A_2056, %broadcast_in_dim3A_12 : vector<16x256xf32>
    %mul3A_2058 = arith.mulf %sub3A_2051, %sub3A_2051 : vector<16x256xf32>
    %mul3A_2059 = arith.mulf %sub3A_2054, %sub3A_2054 : vector<16x256xf32>
    %add3A_2060 = arith.addf %mul3A_2058, %mul3A_2059 : vector<16x256xf32>
    %mul3A_2061 = arith.mulf %sub3A_2057, %sub3A_2057 : vector<16x256xf32>
    %add3A_2062 = arith.addf %add3A_2060, %mul3A_2061 : vector<16x256xf32>
    %add3A_2063 = arith.constant 9.99999996E-13 : f32
    %add3A_2064 = vector.broadcast %add3A_2063 : f32 to vector<16x256xf32>
    %add3A_2065 = arith.addf %add3A_2062, %add3A_2064 : vector<16x256xf32>
    %rsqrt3A_2066 = math.rsqrt %add3A_2065 : vector<16x256xf32>
    %mul3A_2067 = arith.mulf %add3A_2062, %rsqrt3A_2066 : vector<16x256xf32>
    %mul3A_2068 = arith.constant 5.000000e-01 : f32
    %mul3A_2069 = vector.broadcast %mul3A_2068 : f32 to vector<16x256xf32>
    %mul3A_2070 = arith.mulf %mul3A_2067, %mul3A_2069 : vector<16x256xf32>
    %sub3A_2071 = arith.constant 1.000000e+00 : f32
    %sub3A_2072 = vector.broadcast %sub3A_2071 : f32 to vector<16x256xf32>
    %sub3A_2073 = arith.subf %sub3A_2072, %mul3A_2070 : vector<16x256xf32>
    %max3A_2074 = arith.constant 0.000000e+00 : f32
    %max3A_2075 = vector.broadcast %max3A_2074 : f32 to vector<16x256xf32>
    %max3A_2076 = arith.maximumf %sub3A_2073, %max3A_2075 : vector<16x256xf32>
    %reshape3A_2077 = vector.shape_cast %max3A_2076 : vector<16x256xf32> to vector<16x1x256xf32>
    %broadcast_in_dim3A_2078 = vector.shape_cast %reshape3A_2077 : vector<16x1x256xf32> to vector<16x1x256xf32>
    %broadcast_in_dim3A_2079 = vector.broadcast %broadcast_in_dim3A_2078 : vector<16x1x256xf32> to vector<16x8x256xf32>
    %reshape3A_2080 = vector.shape_cast %broadcast_in_dim3A_2079 : vector<16x8x256xf32> to vector<128x256xf32>
    %mul3A_2081 = arith.mulf %reshape3A_2080, %convert_element_type3A_57 : vector<128x256xf32>
    %get3A_2082 = arith.constant 3840 : index
    %get3A_2083 = arith.constant 0 : index
    %get3A_2084 = vector.load %arg1[%get3A_2082, %get3A_2083] : memref<6400x128xf32, #tpu.memory_space<vmem>>, vector<256x128xf32>
    %dot_general3A_2085 = arith.constant dense<0.000000e+00> : vector<128x128xf32>
    %dot_general3A_2086 = tpu.matmul %mul3A_2081, %get3A_2084, %dot_general3A_2085 {dimension_numbers = #tpu.dot_dimension_numbers<[1], [0], [0], [1], [0, 0, 1, 1], [], []>, transpose_lhs_hint = false} : vector<128x256xf32>, vector<256x128xf32>, vector<128x128xf32> -> vector<128x128xf32>
    %slice3A_2087 = vector.extract_strided_slice %dot_general3A_2086 {offsets = [0, 0], sizes = [8, 128], strides = [1, 1]} : vector<128x128xf32> to vector<8x128xf32>
    %swap3A_2088 = arith.constant 120 : index
    %swap3A_2089 = arith.constant 0 : index
    %swap3A_2090 = vector.load %arg12[%swap3A_2088, %swap3A_2089] : memref<3000x128xf32, #tpu.memory_space<vmem>>, vector<8x128xf32>
    tpu.vector_store %arg12[%swap3A_2088, %swap3A_2089], %slice3A_2087 {strides = array<i32>} : memref<3000x128xf32, #tpu.memory_space<vmem>>, vector<8x128xf32>,
    %slice3A_2091 = vector.extract_strided_slice %dot_general3A_2086 {offsets = [8, 0], sizes = [8, 128], strides = [1, 1]} : vector<128x128xf32> to vector<8x128xf32>
    %swap3A_2092 = arith.constant 320 : index
    %swap3A_2093 = arith.constant 0 : index
    %swap3A_2094 = vector.load %arg12[%swap3A_2092, %swap3A_2093] : memref<3000x128xf32, #tpu.memory_space<vmem>>, vector<8x128xf32>
    tpu.vector_store %arg12[%swap3A_2092, %swap3A_2093], %slice3A_2091 {strides = array<i32>} : memref<3000x128xf32, #tpu.memory_space<vmem>>, vector<8x128xf32>,
    %slice3A_2095 = vector.extract_strided_slice %dot_general3A_2086 {offsets = [16, 0], sizes = [8, 128], strides = [1, 1]} : vector<128x128xf32> to vector<8x128xf32>
    %swap3A_2096 = arith.constant 520 : index
    %swap3A_2097 = arith.constant 0 : index
    %swap3A_2098 = vector.load %arg12[%swap3A_2096, %swap3A_2097] : memref<3000x128xf32, #tpu.memory_space<vmem>>, vector<8x128xf32>
    tpu.vector_store %arg12[%swap3A_2096, %swap3A_2097], %slice3A_2095 {strides = array<i32>} : memref<3000x128xf32, #tpu.memory_space<vmem>>, vector<8x128xf32>,
    %slice3A_2099 = vector.extract_strided_slice %dot_general3A_2086 {offsets = [24, 0], sizes = [8, 128], strides = [1, 1]} : vector<128x128xf32> to vector<8x128xf32>
    %swap3A_2100 = arith.constant 720 : index
    %swap3A_2101 = arith.constant 0 : index
    %swap3A_2102 = vector.load %arg12[%swap3A_2100, %swap3A_2101] : memref<3000x128xf32, #tpu.memory_space<vmem>>, vector<8x128xf32>
    tpu.vector_store %arg12[%swap3A_2100, %swap3A_2101], %slice3A_2099 {strides = array<i32>} : memref<3000x128xf32, #tpu.memory_space<vmem>>, vector<8x128xf32>,
    %slice3A_2103 = vector.extract_strided_slice %dot_general3A_2086 {offsets = [32, 0], sizes = [8, 128], strides = [1, 1]} : vector<128x128xf32> to vector<8x128xf32>
    %swap3A_2104 = arith.constant 920 : index
    %swap3A_2105 = arith.constant 0 : index
    %swap3A_2106 = vector.load %arg12[%swap3A_2104, %swap3A_2105] : memref<3000x128xf32, #tpu.memory_space<vmem>>, vector<8x128xf32>
    tpu.vector_store %arg12[%swap3A_2104, %swap3A_2105], %slice3A_2103 {strides = array<i32>} : memref<3000x128xf32, #tpu.memory_space<vmem>>, vector<8x128xf32>,
    %slice3A_2107 = vector.extract_strided_slice %dot_general3A_2086 {offsets = [40, 0], sizes = [8, 128], strides = [1, 1]} : vector<128x128xf32> to vector<8x128xf32>
    %swap3A_2108 = arith.constant 1120 : index
    %swap3A_2109 = arith.constant 0 : index
    %swap3A_2110 = vector.load %arg12[%swap3A_2108, %swap3A_2109] : memref<3000x128xf32, #tpu.memory_space<vmem>>, vector<8x128xf32>
    tpu.vector_store %arg12[%swap3A_2108, %swap3A_2109], %slice3A_2107 {strides = array<i32>} : memref<3000x128xf32, #tpu.memory_space<vmem>>, vector<8x128xf32>,
    %slice3A_2111 = vector.extract_strided_slice %dot_general3A_2086 {offsets = [48, 0], sizes = [8, 128], strides = [1, 1]} : vector<128x128xf32> to vector<8x128xf32>
    %swap3A_2112 = arith.constant 1320 : index
    %swap3A_2113 = arith.constant 0 : index
    %swap3A_2114 = vector.load %arg12[%swap3A_2112, %swap3A_2113] : memref<3000x128xf32, #tpu.memory_space<vmem>>, vector<8x128xf32>
    tpu.vector_store %arg12[%swap3A_2112, %swap3A_2113], %slice3A_2111 {strides = array<i32>} : memref<3000x128xf32, #tpu.memory_space<vmem>>, vector<8x128xf32>,
    %slice3A_2115 = vector.extract_strided_slice %dot_general3A_2086 {offsets = [56, 0], sizes = [8, 128], strides = [1, 1]} : vector<128x128xf32> to vector<8x128xf32>
    %swap3A_2116 = arith.constant 1520 : index
    %swap3A_2117 = arith.constant 0 : index
    %swap3A_2118 = vector.load %arg12[%swap3A_2116, %swap3A_2117] : memref<3000x128xf32, #tpu.memory_space<vmem>>, vector<8x128xf32>
    tpu.vector_store %arg12[%swap3A_2116, %swap3A_2117], %slice3A_2115 {strides = array<i32>} : memref<3000x128xf32, #tpu.memory_space<vmem>>, vector<8x128xf32>,
    %slice3A_2119 = vector.extract_strided_slice %dot_general3A_2086 {offsets = [64, 0], sizes = [8, 128], strides = [1, 1]} : vector<128x128xf32> to vector<8x128xf32>
    %swap3A_2120 = arith.constant 1720 : index
    %swap3A_2121 = arith.constant 0 : index
    %swap3A_2122 = vector.load %arg12[%swap3A_2120, %swap3A_2121] : memref<3000x128xf32, #tpu.memory_space<vmem>>, vector<8x128xf32>
    tpu.vector_store %arg12[%swap3A_2120, %swap3A_2121], %slice3A_2119 {strides = array<i32>} : memref<3000x128xf32, #tpu.memory_space<vmem>>, vector<8x128xf32>,
    %slice3A_2123 = vector.extract_strided_slice %dot_general3A_2086 {offsets = [72, 0], sizes = [8, 128], strides = [1, 1]} : vector<128x128xf32> to vector<8x128xf32>
    %swap3A_2124 = arith.constant 1920 : index
    %swap3A_2125 = arith.constant 0 : index
    %swap3A_2126 = vector.load %arg12[%swap3A_2124, %swap3A_2125] : memref<3000x128xf32, #tpu.memory_space<vmem>>, vector<8x128xf32>
    tpu.vector_store %arg12[%swap3A_2124, %swap3A_2125], %slice3A_2123 {strides = array<i32>} : memref<3000x128xf32, #tpu.memory_space<vmem>>, vector<8x128xf32>,
    %slice3A_2127 = vector.extract_strided_slice %dot_general3A_2086 {offsets = [80, 0], sizes = [8, 128], strides = [1, 1]} : vector<128x128xf32> to vector<8x128xf32>
    %swap3A_2128 = arith.constant 2120 : index
    %swap3A_2129 = arith.constant 0 : index
    %swap3A_2130 = vector.load %arg12[%swap3A_2128, %swap3A_2129] : memref<3000x128xf32, #tpu.memory_space<vmem>>, vector<8x128xf32>
    tpu.vector_store %arg12[%swap3A_2128, %swap3A_2129], %slice3A_2127 {strides = array<i32>} : memref<3000x128xf32, #tpu.memory_space<vmem>>, vector<8x128xf32>,
    %slice3A_2131 = vector.extract_strided_slice %dot_general3A_2086 {offsets = [88, 0], sizes = [8, 128], strides = [1, 1]} : vector<128x128xf32> to vector<8x128xf32>
    %swap3A_2132 = arith.constant 2320 : index
    %swap3A_2133 = arith.constant 0 : index
    %swap3A_2134 = vector.load %arg12[%swap3A_2132, %swap3A_2133] : memref<3000x128xf32, #tpu.memory_space<vmem>>, vector<8x128xf32>
    tpu.vector_store %arg12[%swap3A_2132, %swap3A_2133], %slice3A_2131 {strides = array<i32>} : memref<3000x128xf32, #tpu.memory_space<vmem>>, vector<8x128xf32>,
    %slice3A_2135 = vector.extract_strided_slice %dot_general3A_2086 {offsets = [96, 0], sizes = [8, 128], strides = [1, 1]} : vector<128x128xf32> to vector<8x128xf32>
    %swap3A_2136 = arith.constant 2520 : index
    %swap3A_2137 = arith.constant 0 : index
    %swap3A_2138 = vector.load %arg12[%swap3A_2136, %swap3A_2137] : memref<3000x128xf32, #tpu.memory_space<vmem>>, vector<8x128xf32>
    tpu.vector_store %arg12[%swap3A_2136, %swap3A_2137], %slice3A_2135 {strides = array<i32>} : memref<3000x128xf32, #tpu.memory_space<vmem>>, vector<8x128xf32>,
    %slice3A_2139 = vector.extract_strided_slice %dot_general3A_2086 {offsets = [104, 0], sizes = [8, 128], strides = [1, 1]} : vector<128x128xf32> to vector<8x128xf32>
    %swap3A_2140 = arith.constant 2720 : index
    %swap3A_2141 = arith.constant 0 : index
    %swap3A_2142 = vector.load %arg12[%swap3A_2140, %swap3A_2141] : memref<3000x128xf32, #tpu.memory_space<vmem>>, vector<8x128xf32>
    tpu.vector_store %arg12[%swap3A_2140, %swap3A_2141], %slice3A_2139 {strides = array<i32>} : memref<3000x128xf32, #tpu.memory_space<vmem>>, vector<8x128xf32>,
    %slice3A_2143 = vector.extract_strided_slice %dot_general3A_2086 {offsets = [112, 0], sizes = [8, 128], strides = [1, 1]} : vector<128x128xf32> to vector<8x128xf32>
    %swap3A_2144 = arith.constant 2920 : index
    %swap3A_2145 = arith.constant 0 : index
    %swap3A_2146 = vector.load %arg12[%swap3A_2144, %swap3A_2145] : memref<3000x128xf32, #tpu.memory_space<vmem>>, vector<8x128xf32>
    tpu.vector_store %arg12[%swap3A_2144, %swap3A_2145], %slice3A_2143 {strides = array<i32>} : memref<3000x128xf32, #tpu.memory_space<vmem>>, vector<8x128xf32>,
    %get3A_2147 = arith.constant 0 : index
    %get3A_2148 = arith.constant 16 : index
    %get3A_2149 = arith.constant 0 : index
    %get3A_2150 = vector.load %arg2[%get3A_2147, %get3A_2148, %get3A_2149] : memref<1x25x256xf32, #tpu.memory_space<vmem>>, vector<1x1x256xf32>
    %get3A_2151 = vector.shape_cast %get3A_2150 : vector<1x1x256xf32> to vector<1x256xf32>
    %get3A_2152 = arith.constant 0 : index
    %get3A_2153 = arith.constant 16 : index
    %get3A_2154 = arith.constant 0 : index
    %get3A_2155 = vector.load %arg5[%get3A_2152, %get3A_2153, %get3A_2154] : memref<1x25x256xf32, #tpu.memory_space<vmem>>, vector<1x1x256xf32>
    %get3A_2156 = vector.shape_cast %get3A_2155 : vector<1x1x256xf32> to vector<1x256xf32>
    %sub3A_2157 = arith.subf %get3A_2151, %get3A_2156 : vector<1x256xf32>
    %get3A_2158 = arith.constant 0 : index
    %get3A_2159 = arith.constant 16 : index
    %get3A_2160 = arith.constant 0 : index
    %get3A_2161 = vector.load %arg3[%get3A_2158, %get3A_2159, %get3A_2160] : memref<1x25x256xf32, #tpu.memory_space<vmem>>, vector<1x1x256xf32>
    %get3A_2162 = vector.shape_cast %get3A_2161 : vector<1x1x256xf32> to vector<1x256xf32>
    %get3A_2163 = arith.constant 0 : index
    %get3A_2164 = arith.constant 16 : index
    %get3A_2165 = arith.constant 0 : index
    %get3A_2166 = vector.load %arg6[%get3A_2163, %get3A_2164, %get3A_2165] : memref<1x25x256xf32, #tpu.memory_space<vmem>>, vector<1x1x256xf32>
    %get3A_2167 = vector.shape_cast %get3A_2166 : vector<1x1x256xf32> to vector<1x256xf32>
    %sub3A_2168 = arith.subf %get3A_2162, %get3A_2167 : vector<1x256xf32>
    %get3A_2169 = arith.constant 0 : index
    %get3A_2170 = arith.constant 16 : index
    %get3A_2171 = arith.constant 0 : index
    %get3A_2172 = vector.load %arg4[%get3A_2169, %get3A_2170, %get3A_2171] : memref<1x25x256xf32, #tpu.memory_space<vmem>>, vector<1x1x256xf32>
    %get3A_2173 = vector.shape_cast %get3A_2172 : vector<1x1x256xf32> to vector<1x256xf32>
    %get3A_2174 = arith.constant 0 : index
    %get3A_2175 = arith.constant 16 : index
    %get3A_2176 = arith.constant 0 : index
    %get3A_2177 = vector.load %arg7[%get3A_2174, %get3A_2175, %get3A_2176] : memref<1x25x256xf32, #tpu.memory_space<vmem>>, vector<1x1x256xf32>
    %get3A_2178 = vector.shape_cast %get3A_2177 : vector<1x1x256xf32> to vector<1x256xf32>
    %sub3A_2179 = arith.subf %get3A_2173, %get3A_2178 : vector<1x256xf32>
    %broadcast_in_dim3A_2180 = vector.shape_cast %sub3A_2157 : vector<1x256xf32> to vector<1x256xf32>
    %broadcast_in_dim3A_2181 = vector.broadcast %broadcast_in_dim3A_2180 : vector<1x256xf32> to vector<16x256xf32>
    %sub3A_2182 = arith.subf %broadcast_in_dim3A_2181, %broadcast_in_dim3A_2 : vector<16x256xf32>
    %broadcast_in_dim3A_2183 = vector.shape_cast %sub3A_2168 : vector<1x256xf32> to vector<1x256xf32>
    %broadcast_in_dim3A_2184 = vector.broadcast %broadcast_in_dim3A_2183 : vector<1x256xf32> to vector<16x256xf32>
    %sub3A_2185 = arith.subf %broadcast_in_dim3A_2184, %broadcast_in_dim3A_7 : vector<16x256xf32>
    %broadcast_in_dim3A_2186 = vector.shape_cast %sub3A_2179 : vector<1x256xf32> to vector<1x256xf32>
    %broadcast_in_dim3A_2187 = vector.broadcast %broadcast_in_dim3A_2186 : vector<1x256xf32> to vector<16x256xf32>
    %sub3A_2188 = arith.subf %broadcast_in_dim3A_2187, %broadcast_in_dim3A_12 : vector<16x256xf32>
    %mul3A_2189 = arith.mulf %sub3A_2182, %sub3A_2182 : vector<16x256xf32>
    %mul3A_2190 = arith.mulf %sub3A_2185, %sub3A_2185 : vector<16x256xf32>
    %add3A_2191 = arith.addf %mul3A_2189, %mul3A_2190 : vector<16x256xf32>
    %mul3A_2192 = arith.mulf %sub3A_2188, %sub3A_2188 : vector<16x256xf32>
    %add3A_2193 = arith.addf %add3A_2191, %mul3A_2192 : vector<16x256xf32>
    %add3A_2194 = arith.constant 9.99999996E-13 : f32
    %add3A_2195 = vector.broadcast %add3A_2194 : f32 to vector<16x256xf32>
    %add3A_2196 = arith.addf %add3A_2193, %add3A_2195 : vector<16x256xf32>
    %rsqrt3A_2197 = math.rsqrt %add3A_2196 : vector<16x256xf32>
    %mul3A_2198 = arith.mulf %add3A_2193, %rsqrt3A_2197 : vector<16x256xf32>
    %mul3A_2199 = arith.constant 5.000000e-01 : f32
    %mul3A_2200 = vector.broadcast %mul3A_2199 : f32 to vector<16x256xf32>
    %mul3A_2201 = arith.mulf %mul3A_2198, %mul3A_2200 : vector<16x256xf32>
    %sub3A_2202 = arith.constant 1.000000e+00 : f32
    %sub3A_2203 = vector.broadcast %sub3A_2202 : f32 to vector<16x256xf32>
    %sub3A_2204 = arith.subf %sub3A_2203, %mul3A_2201 : vector<16x256xf32>
    %max3A_2205 = arith.constant 0.000000e+00 : f32
    %max3A_2206 = vector.broadcast %max3A_2205 : f32 to vector<16x256xf32>
    %max3A_2207 = arith.maximumf %sub3A_2204, %max3A_2206 : vector<16x256xf32>
    %reshape3A_2208 = vector.shape_cast %max3A_2207 : vector<16x256xf32> to vector<16x1x256xf32>
    %broadcast_in_dim3A_2209 = vector.shape_cast %reshape3A_2208 : vector<16x1x256xf32> to vector<16x1x256xf32>
    %broadcast_in_dim3A_2210 = vector.broadcast %broadcast_in_dim3A_2209 : vector<16x1x256xf32> to vector<16x8x256xf32>
    %reshape3A_2211 = vector.shape_cast %broadcast_in_dim3A_2210 : vector<16x8x256xf32> to vector<128x256xf32>
    %mul3A_2212 = arith.mulf %reshape3A_2211, %convert_element_type3A_57 : vector<128x256xf32>
    %get3A_2213 = arith.constant 4096 : index
    %get3A_2214 = arith.constant 0 : index
    %get3A_2215 = vector.load %arg1[%get3A_2213, %get3A_2214] : memref<6400x128xf32, #tpu.memory_space<vmem>>, vector<256x128xf32>
    %dot_general3A_2216 = arith.constant dense<0.000000e+00> : vector<128x128xf32>
    %dot_general3A_2217 = tpu.matmul %mul3A_2212, %get3A_2215, %dot_general3A_2216 {dimension_numbers = #tpu.dot_dimension_numbers<[1], [0], [0], [1], [0, 0, 1, 1], [], []>, transpose_lhs_hint = false} : vector<128x256xf32>, vector<256x128xf32>, vector<128x128xf32> -> vector<128x128xf32>
    %slice3A_2218 = vector.extract_strided_slice %dot_general3A_2217 {offsets = [0, 0], sizes = [8, 128], strides = [1, 1]} : vector<128x128xf32> to vector<8x128xf32>
    %swap3A_2219 = arith.constant 128 : index
    %swap3A_2220 = arith.constant 0 : index
    %swap3A_2221 = vector.load %arg12[%swap3A_2219, %swap3A_2220] : memref<3000x128xf32, #tpu.memory_space<vmem>>, vector<8x128xf32>
    tpu.vector_store %arg12[%swap3A_2219, %swap3A_2220], %slice3A_2218 {strides = array<i32>} : memref<3000x128xf32, #tpu.memory_space<vmem>>, vector<8x128xf32>,
    %slice3A_2222 = vector.extract_strided_slice %dot_general3A_2217 {offsets = [8, 0], sizes = [8, 128], strides = [1, 1]} : vector<128x128xf32> to vector<8x128xf32>
    %swap3A_2223 = arith.constant 328 : index
    %swap3A_2224 = arith.constant 0 : index
    %swap3A_2225 = vector.load %arg12[%swap3A_2223, %swap3A_2224] : memref<3000x128xf32, #tpu.memory_space<vmem>>, vector<8x128xf32>
    tpu.vector_store %arg12[%swap3A_2223, %swap3A_2224], %slice3A_2222 {strides = array<i32>} : memref<3000x128xf32, #tpu.memory_space<vmem>>, vector<8x128xf32>,
    %slice3A_2226 = vector.extract_strided_slice %dot_general3A_2217 {offsets = [16, 0], sizes = [8, 128], strides = [1, 1]} : vector<128x128xf32> to vector<8x128xf32>
    %swap3A_2227 = arith.constant 528 : index
    %swap3A_2228 = arith.constant 0 : index
    %swap3A_2229 = vector.load %arg12[%swap3A_2227, %swap3A_2228] : memref<3000x128xf32, #tpu.memory_space<vmem>>, vector<8x128xf32>
    tpu.vector_store %arg12[%swap3A_2227, %swap3A_2228], %slice3A_2226 {strides = array<i32>} : memref<3000x128xf32, #tpu.memory_space<vmem>>, vector<8x128xf32>,
    %slice3A_2230 = vector.extract_strided_slice %dot_general3A_2217 {offsets = [24, 0], sizes = [8, 128], strides = [1, 1]} : vector<128x128xf32> to vector<8x128xf32>
    %swap3A_2231 = arith.constant 728 : index
    %swap3A_2232 = arith.constant 0 : index
    %swap3A_2233 = vector.load %arg12[%swap3A_2231, %swap3A_2232] : memref<3000x128xf32, #tpu.memory_space<vmem>>, vector<8x128xf32>
    tpu.vector_store %arg12[%swap3A_2231, %swap3A_2232], %slice3A_2230 {strides = array<i32>} : memref<3000x128xf32, #tpu.memory_space<vmem>>, vector<8x128xf32>,
    %slice3A_2234 = vector.extract_strided_slice %dot_general3A_2217 {offsets = [32, 0], sizes = [8, 128], strides = [1, 1]} : vector<128x128xf32> to vector<8x128xf32>
    %swap3A_2235 = arith.constant 928 : index
    %swap3A_2236 = arith.constant 0 : index
    %swap3A_2237 = vector.load %arg12[%swap3A_2235, %swap3A_2236] : memref<3000x128xf32, #tpu.memory_space<vmem>>, vector<8x128xf32>
    tpu.vector_store %arg12[%swap3A_2235, %swap3A_2236], %slice3A_2234 {strides = array<i32>} : memref<3000x128xf32, #tpu.memory_space<vmem>>, vector<8x128xf32>,
    %slice3A_2238 = vector.extract_strided_slice %dot_general3A_2217 {offsets = [40, 0], sizes = [8, 128], strides = [1, 1]} : vector<128x128xf32> to vector<8x128xf32>
    %swap3A_2239 = arith.constant 1128 : index
    %swap3A_2240 = arith.constant 0 : index
    %swap3A_2241 = vector.load %arg12[%swap3A_2239, %swap3A_2240] : memref<3000x128xf32, #tpu.memory_space<vmem>>, vector<8x128xf32>
    tpu.vector_store %arg12[%swap3A_2239, %swap3A_2240], %slice3A_2238 {strides = array<i32>} : memref<3000x128xf32, #tpu.memory_space<vmem>>, vector<8x128xf32>,
    %slice3A_2242 = vector.extract_strided_slice %dot_general3A_2217 {offsets = [48, 0], sizes = [8, 128], strides = [1, 1]} : vector<128x128xf32> to vector<8x128xf32>
    %swap3A_2243 = arith.constant 1328 : index
    %swap3A_2244 = arith.constant 0 : index
    %swap3A_2245 = vector.load %arg12[%swap3A_2243, %swap3A_2244] : memref<3000x128xf32, #tpu.memory_space<vmem>>, vector<8x128xf32>
    tpu.vector_store %arg12[%swap3A_2243, %swap3A_2244], %slice3A_2242 {strides = array<i32>} : memref<3000x128xf32, #tpu.memory_space<vmem>>, vector<8x128xf32>,
    %slice3A_2246 = vector.extract_strided_slice %dot_general3A_2217 {offsets = [56, 0], sizes = [8, 128], strides = [1, 1]} : vector<128x128xf32> to vector<8x128xf32>
    %swap3A_2247 = arith.constant 1528 : index
    %swap3A_2248 = arith.constant 0 : index
    %swap3A_2249 = vector.load %arg12[%swap3A_2247, %swap3A_2248] : memref<3000x128xf32, #tpu.memory_space<vmem>>, vector<8x128xf32>
    tpu.vector_store %arg12[%swap3A_2247, %swap3A_2248], %slice3A_2246 {strides = array<i32>} : memref<3000x128xf32, #tpu.memory_space<vmem>>, vector<8x128xf32>,
    %slice3A_2250 = vector.extract_strided_slice %dot_general3A_2217 {offsets = [64, 0], sizes = [8, 128], strides = [1, 1]} : vector<128x128xf32> to vector<8x128xf32>
    %swap3A_2251 = arith.constant 1728 : index
    %swap3A_2252 = arith.constant 0 : index
    %swap3A_2253 = vector.load %arg12[%swap3A_2251, %swap3A_2252] : memref<3000x128xf32, #tpu.memory_space<vmem>>, vector<8x128xf32>
    tpu.vector_store %arg12[%swap3A_2251, %swap3A_2252], %slice3A_2250 {strides = array<i32>} : memref<3000x128xf32, #tpu.memory_space<vmem>>, vector<8x128xf32>,
    %slice3A_2254 = vector.extract_strided_slice %dot_general3A_2217 {offsets = [72, 0], sizes = [8, 128], strides = [1, 1]} : vector<128x128xf32> to vector<8x128xf32>
    %swap3A_2255 = arith.constant 1928 : index
    %swap3A_2256 = arith.constant 0 : index
    %swap3A_2257 = vector.load %arg12[%swap3A_2255, %swap3A_2256] : memref<3000x128xf32, #tpu.memory_space<vmem>>, vector<8x128xf32>
    tpu.vector_store %arg12[%swap3A_2255, %swap3A_2256], %slice3A_2254 {strides = array<i32>} : memref<3000x128xf32, #tpu.memory_space<vmem>>, vector<8x128xf32>,
    %slice3A_2258 = vector.extract_strided_slice %dot_general3A_2217 {offsets = [80, 0], sizes = [8, 128], strides = [1, 1]} : vector<128x128xf32> to vector<8x128xf32>
    %swap3A_2259 = arith.constant 2128 : index
    %swap3A_2260 = arith.constant 0 : index
    %swap3A_2261 = vector.load %arg12[%swap3A_2259, %swap3A_2260] : memref<3000x128xf32, #tpu.memory_space<vmem>>, vector<8x128xf32>
    tpu.vector_store %arg12[%swap3A_2259, %swap3A_2260], %slice3A_2258 {strides = array<i32>} : memref<3000x128xf32, #tpu.memory_space<vmem>>, vector<8x128xf32>,
    %slice3A_2262 = vector.extract_strided_slice %dot_general3A_2217 {offsets = [88, 0], sizes = [8, 128], strides = [1, 1]} : vector<128x128xf32> to vector<8x128xf32>
    %swap3A_2263 = arith.constant 2328 : index
    %swap3A_2264 = arith.constant 0 : index
    %swap3A_2265 = vector.load %arg12[%swap3A_2263, %swap3A_2264] : memref<3000x128xf32, #tpu.memory_space<vmem>>, vector<8x128xf32>
    tpu.vector_store %arg12[%swap3A_2263, %swap3A_2264], %slice3A_2262 {strides = array<i32>} : memref<3000x128xf32, #tpu.memory_space<vmem>>, vector<8x128xf32>,
    %slice3A_2266 = vector.extract_strided_slice %dot_general3A_2217 {offsets = [96, 0], sizes = [8, 128], strides = [1, 1]} : vector<128x128xf32> to vector<8x128xf32>
    %swap3A_2267 = arith.constant 2528 : index
    %swap3A_2268 = arith.constant 0 : index
    %swap3A_2269 = vector.load %arg12[%swap3A_2267, %swap3A_2268] : memref<3000x128xf32, #tpu.memory_space<vmem>>, vector<8x128xf32>
    tpu.vector_store %arg12[%swap3A_2267, %swap3A_2268], %slice3A_2266 {strides = array<i32>} : memref<3000x128xf32, #tpu.memory_space<vmem>>, vector<8x128xf32>,
    %slice3A_2270 = vector.extract_strided_slice %dot_general3A_2217 {offsets = [104, 0], sizes = [8, 128], strides = [1, 1]} : vector<128x128xf32> to vector<8x128xf32>
    %swap3A_2271 = arith.constant 2728 : index
    %swap3A_2272 = arith.constant 0 : index
    %swap3A_2273 = vector.load %arg12[%swap3A_2271, %swap3A_2272] : memref<3000x128xf32, #tpu.memory_space<vmem>>, vector<8x128xf32>
    tpu.vector_store %arg12[%swap3A_2271, %swap3A_2272], %slice3A_2270 {strides = array<i32>} : memref<3000x128xf32, #tpu.memory_space<vmem>>, vector<8x128xf32>,
    %slice3A_2274 = vector.extract_strided_slice %dot_general3A_2217 {offsets = [112, 0], sizes = [8, 128], strides = [1, 1]} : vector<128x128xf32> to vector<8x128xf32>
    %swap3A_2275 = arith.constant 2928 : index
    %swap3A_2276 = arith.constant 0 : index
    %swap3A_2277 = vector.load %arg12[%swap3A_2275, %swap3A_2276] : memref<3000x128xf32, #tpu.memory_space<vmem>>, vector<8x128xf32>
    tpu.vector_store %arg12[%swap3A_2275, %swap3A_2276], %slice3A_2274 {strides = array<i32>} : memref<3000x128xf32, #tpu.memory_space<vmem>>, vector<8x128xf32>,
    %get3A_2278 = arith.constant 0 : index
    %get3A_2279 = arith.constant 17 : index
    %get3A_2280 = arith.constant 0 : index
    %get3A_2281 = vector.load %arg2[%get3A_2278, %get3A_2279, %get3A_2280] : memref<1x25x256xf32, #tpu.memory_space<vmem>>, vector<1x1x256xf32>
    %get3A_2282 = vector.shape_cast %get3A_2281 : vector<1x1x256xf32> to vector<1x256xf32>
    %get3A_2283 = arith.constant 0 : index
    %get3A_2284 = arith.constant 17 : index
    %get3A_2285 = arith.constant 0 : index
    %get3A_2286 = vector.load %arg5[%get3A_2283, %get3A_2284, %get3A_2285] : memref<1x25x256xf32, #tpu.memory_space<vmem>>, vector<1x1x256xf32>
    %get3A_2287 = vector.shape_cast %get3A_2286 : vector<1x1x256xf32> to vector<1x256xf32>
    %sub3A_2288 = arith.subf %get3A_2282, %get3A_2287 : vector<1x256xf32>
    %get3A_2289 = arith.constant 0 : index
    %get3A_2290 = arith.constant 17 : index
    %get3A_2291 = arith.constant 0 : index
    %get3A_2292 = vector.load %arg3[%get3A_2289, %get3A_2290, %get3A_2291] : memref<1x25x256xf32, #tpu.memory_space<vmem>>, vector<1x1x256xf32>
    %get3A_2293 = vector.shape_cast %get3A_2292 : vector<1x1x256xf32> to vector<1x256xf32>
    %get3A_2294 = arith.constant 0 : index
    %get3A_2295 = arith.constant 17 : index
    %get3A_2296 = arith.constant 0 : index
    %get3A_2297 = vector.load %arg6[%get3A_2294, %get3A_2295, %get3A_2296] : memref<1x25x256xf32, #tpu.memory_space<vmem>>, vector<1x1x256xf32>
    %get3A_2298 = vector.shape_cast %get3A_2297 : vector<1x1x256xf32> to vector<1x256xf32>
    %sub3A_2299 = arith.subf %get3A_2293, %get3A_2298 : vector<1x256xf32>
    %get3A_2300 = arith.constant 0 : index
    %get3A_2301 = arith.constant 17 : index
    %get3A_2302 = arith.constant 0 : index
    %get3A_2303 = vector.load %arg4[%get3A_2300, %get3A_2301, %get3A_2302] : memref<1x25x256xf32, #tpu.memory_space<vmem>>, vector<1x1x256xf32>
    %get3A_2304 = vector.shape_cast %get3A_2303 : vector<1x1x256xf32> to vector<1x256xf32>
    %get3A_2305 = arith.constant 0 : index
    %get3A_2306 = arith.constant 17 : index
    %get3A_2307 = arith.constant 0 : index
    %get3A_2308 = vector.load %arg7[%get3A_2305, %get3A_2306, %get3A_2307] : memref<1x25x256xf32, #tpu.memory_space<vmem>>, vector<1x1x256xf32>
    %get3A_2309 = vector.shape_cast %get3A_2308 : vector<1x1x256xf32> to vector<1x256xf32>
    %sub3A_2310 = arith.subf %get3A_2304, %get3A_2309 : vector<1x256xf32>
    %broadcast_in_dim3A_2311 = vector.shape_cast %sub3A_2288 : vector<1x256xf32> to vector<1x256xf32>
    %broadcast_in_dim3A_2312 = vector.broadcast %broadcast_in_dim3A_2311 : vector<1x256xf32> to vector<16x256xf32>
    %sub3A_2313 = arith.subf %broadcast_in_dim3A_2312, %broadcast_in_dim3A_2 : vector<16x256xf32>
    %broadcast_in_dim3A_2314 = vector.shape_cast %sub3A_2299 : vector<1x256xf32> to vector<1x256xf32>
    %broadcast_in_dim3A_2315 = vector.broadcast %broadcast_in_dim3A_2314 : vector<1x256xf32> to vector<16x256xf32>
    %sub3A_2316 = arith.subf %broadcast_in_dim3A_2315, %broadcast_in_dim3A_7 : vector<16x256xf32>
    %broadcast_in_dim3A_2317 = vector.shape_cast %sub3A_2310 : vector<1x256xf32> to vector<1x256xf32>
    %broadcast_in_dim3A_2318 = vector.broadcast %broadcast_in_dim3A_2317 : vector<1x256xf32> to vector<16x256xf32>
    %sub3A_2319 = arith.subf %broadcast_in_dim3A_2318, %broadcast_in_dim3A_12 : vector<16x256xf32>
    %mul3A_2320 = arith.mulf %sub3A_2313, %sub3A_2313 : vector<16x256xf32>
    %mul3A_2321 = arith.mulf %sub3A_2316, %sub3A_2316 : vector<16x256xf32>
    %add3A_2322 = arith.addf %mul3A_2320, %mul3A_2321 : vector<16x256xf32>
    %mul3A_2323 = arith.mulf %sub3A_2319, %sub3A_2319 : vector<16x256xf32>
    %add3A_2324 = arith.addf %add3A_2322, %mul3A_2323 : vector<16x256xf32>
    %add3A_2325 = arith.constant 9.99999996E-13 : f32
    %add3A_2326 = vector.broadcast %add3A_2325 : f32 to vector<16x256xf32>
    %add3A_2327 = arith.addf %add3A_2324, %add3A_2326 : vector<16x256xf32>
    %rsqrt3A_2328 = math.rsqrt %add3A_2327 : vector<16x256xf32>
    %mul3A_2329 = arith.mulf %add3A_2324, %rsqrt3A_2328 : vector<16x256xf32>
    %mul3A_2330 = arith.constant 5.000000e-01 : f32
    %mul3A_2331 = vector.broadcast %mul3A_2330 : f32 to vector<16x256xf32>
    %mul3A_2332 = arith.mulf %mul3A_2329, %mul3A_2331 : vector<16x256xf32>
    %sub3A_2333 = arith.constant 1.000000e+00 : f32
    %sub3A_2334 = vector.broadcast %sub3A_2333 : f32 to vector<16x256xf32>
    %sub3A_2335 = arith.subf %sub3A_2334, %mul3A_2332 : vector<16x256xf32>
    %max3A_2336 = arith.constant 0.000000e+00 : f32
    %max3A_2337 = vector.broadcast %max3A_2336 : f32 to vector<16x256xf32>
    %max3A_2338 = arith.maximumf %sub3A_2335, %max3A_2337 : vector<16x256xf32>
    %reshape3A_2339 = vector.shape_cast %max3A_2338 : vector<16x256xf32> to vector<16x1x256xf32>
    %broadcast_in_dim3A_2340 = vector.shape_cast %reshape3A_2339 : vector<16x1x256xf32> to vector<16x1x256xf32>
    %broadcast_in_dim3A_2341 = vector.broadcast %broadcast_in_dim3A_2340 : vector<16x1x256xf32> to vector<16x8x256xf32>
    %reshape3A_2342 = vector.shape_cast %broadcast_in_dim3A_2341 : vector<16x8x256xf32> to vector<128x256xf32>
    %mul3A_2343 = arith.mulf %reshape3A_2342, %convert_element_type3A_57 : vector<128x256xf32>
    %get3A_2344 = arith.constant 4352 : index
    %get3A_2345 = arith.constant 0 : index
    %get3A_2346 = vector.load %arg1[%get3A_2344, %get3A_2345] : memref<6400x128xf32, #tpu.memory_space<vmem>>, vector<256x128xf32>
    %dot_general3A_2347 = arith.constant dense<0.000000e+00> : vector<128x128xf32>
    %dot_general3A_2348 = tpu.matmul %mul3A_2343, %get3A_2346, %dot_general3A_2347 {dimension_numbers = #tpu.dot_dimension_numbers<[1], [0], [0], [1], [0, 0, 1, 1], [], []>, transpose_lhs_hint = false} : vector<128x256xf32>, vector<256x128xf32>, vector<128x128xf32> -> vector<128x128xf32>
    %slice3A_2349 = vector.extract_strided_slice %dot_general3A_2348 {offsets = [0, 0], sizes = [8, 128], strides = [1, 1]} : vector<128x128xf32> to vector<8x128xf32>
    %swap3A_2350 = arith.constant 136 : index
    %swap3A_2351 = arith.constant 0 : index
    %swap3A_2352 = vector.load %arg12[%swap3A_2350, %swap3A_2351] : memref<3000x128xf32, #tpu.memory_space<vmem>>, vector<8x128xf32>
    tpu.vector_store %arg12[%swap3A_2350, %swap3A_2351], %slice3A_2349 {strides = array<i32>} : memref<3000x128xf32, #tpu.memory_space<vmem>>, vector<8x128xf32>,
    %slice3A_2353 = vector.extract_strided_slice %dot_general3A_2348 {offsets = [8, 0], sizes = [8, 128], strides = [1, 1]} : vector<128x128xf32> to vector<8x128xf32>
    %swap3A_2354 = arith.constant 336 : index
    %swap3A_2355 = arith.constant 0 : index
    %swap3A_2356 = vector.load %arg12[%swap3A_2354, %swap3A_2355] : memref<3000x128xf32, #tpu.memory_space<vmem>>, vector<8x128xf32>
    tpu.vector_store %arg12[%swap3A_2354, %swap3A_2355], %slice3A_2353 {strides = array<i32>} : memref<3000x128xf32, #tpu.memory_space<vmem>>, vector<8x128xf32>,
    %slice3A_2357 = vector.extract_strided_slice %dot_general3A_2348 {offsets = [16, 0], sizes = [8, 128], strides = [1, 1]} : vector<128x128xf32> to vector<8x128xf32>
    %swap3A_2358 = arith.constant 536 : index
    %swap3A_2359 = arith.constant 0 : index
    %swap3A_2360 = vector.load %arg12[%swap3A_2358, %swap3A_2359] : memref<3000x128xf32, #tpu.memory_space<vmem>>, vector<8x128xf32>
    tpu.vector_store %arg12[%swap3A_2358, %swap3A_2359], %slice3A_2357 {strides = array<i32>} : memref<3000x128xf32, #tpu.memory_space<vmem>>, vector<8x128xf32>,
    %slice3A_2361 = vector.extract_strided_slice %dot_general3A_2348 {offsets = [24, 0], sizes = [8, 128], strides = [1, 1]} : vector<128x128xf32> to vector<8x128xf32>
    %swap3A_2362 = arith.constant 736 : index
    %swap3A_2363 = arith.constant 0 : index
    %swap3A_2364 = vector.load %arg12[%swap3A_2362, %swap3A_2363] : memref<3000x128xf32, #tpu.memory_space<vmem>>, vector<8x128xf32>
    tpu.vector_store %arg12[%swap3A_2362, %swap3A_2363], %slice3A_2361 {strides = array<i32>} : memref<3000x128xf32, #tpu.memory_space<vmem>>, vector<8x128xf32>,
    %slice3A_2365 = vector.extract_strided_slice %dot_general3A_2348 {offsets = [32, 0], sizes = [8, 128], strides = [1, 1]} : vector<128x128xf32> to vector<8x128xf32>
    %swap3A_2366 = arith.constant 936 : index
    %swap3A_2367 = arith.constant 0 : index
    %swap3A_2368 = vector.load %arg12[%swap3A_2366, %swap3A_2367] : memref<3000x128xf32, #tpu.memory_space<vmem>>, vector<8x128xf32>
    tpu.vector_store %arg12[%swap3A_2366, %swap3A_2367], %slice3A_2365 {strides = array<i32>} : memref<3000x128xf32, #tpu.memory_space<vmem>>, vector<8x128xf32>,
    %slice3A_2369 = vector.extract_strided_slice %dot_general3A_2348 {offsets = [40, 0], sizes = [8, 128], strides = [1, 1]} : vector<128x128xf32> to vector<8x128xf32>
    %swap3A_2370 = arith.constant 1136 : index
    %swap3A_2371 = arith.constant 0 : index
    %swap3A_2372 = vector.load %arg12[%swap3A_2370, %swap3A_2371] : memref<3000x128xf32, #tpu.memory_space<vmem>>, vector<8x128xf32>
    tpu.vector_store %arg12[%swap3A_2370, %swap3A_2371], %slice3A_2369 {strides = array<i32>} : memref<3000x128xf32, #tpu.memory_space<vmem>>, vector<8x128xf32>,
    %slice3A_2373 = vector.extract_strided_slice %dot_general3A_2348 {offsets = [48, 0], sizes = [8, 128], strides = [1, 1]} : vector<128x128xf32> to vector<8x128xf32>
    %swap3A_2374 = arith.constant 1336 : index
    %swap3A_2375 = arith.constant 0 : index
    %swap3A_2376 = vector.load %arg12[%swap3A_2374, %swap3A_2375] : memref<3000x128xf32, #tpu.memory_space<vmem>>, vector<8x128xf32>
    tpu.vector_store %arg12[%swap3A_2374, %swap3A_2375], %slice3A_2373 {strides = array<i32>} : memref<3000x128xf32, #tpu.memory_space<vmem>>, vector<8x128xf32>,
    %slice3A_2377 = vector.extract_strided_slice %dot_general3A_2348 {offsets = [56, 0], sizes = [8, 128], strides = [1, 1]} : vector<128x128xf32> to vector<8x128xf32>
    %swap3A_2378 = arith.constant 1536 : index
    %swap3A_2379 = arith.constant 0 : index
    %swap3A_2380 = vector.load %arg12[%swap3A_2378, %swap3A_2379] : memref<3000x128xf32, #tpu.memory_space<vmem>>, vector<8x128xf32>
    tpu.vector_store %arg12[%swap3A_2378, %swap3A_2379], %slice3A_2377 {strides = array<i32>} : memref<3000x128xf32, #tpu.memory_space<vmem>>, vector<8x128xf32>,
    %slice3A_2381 = vector.extract_strided_slice %dot_general3A_2348 {offsets = [64, 0], sizes = [8, 128], strides = [1, 1]} : vector<128x128xf32> to vector<8x128xf32>
    %swap3A_2382 = arith.constant 1736 : index
    %swap3A_2383 = arith.constant 0 : index
    %swap3A_2384 = vector.load %arg12[%swap3A_2382, %swap3A_2383] : memref<3000x128xf32, #tpu.memory_space<vmem>>, vector<8x128xf32>
    tpu.vector_store %arg12[%swap3A_2382, %swap3A_2383], %slice3A_2381 {strides = array<i32>} : memref<3000x128xf32, #tpu.memory_space<vmem>>, vector<8x128xf32>,
    %slice3A_2385 = vector.extract_strided_slice %dot_general3A_2348 {offsets = [72, 0], sizes = [8, 128], strides = [1, 1]} : vector<128x128xf32> to vector<8x128xf32>
    %swap3A_2386 = arith.constant 1936 : index
    %swap3A_2387 = arith.constant 0 : index
    %swap3A_2388 = vector.load %arg12[%swap3A_2386, %swap3A_2387] : memref<3000x128xf32, #tpu.memory_space<vmem>>, vector<8x128xf32>
    tpu.vector_store %arg12[%swap3A_2386, %swap3A_2387], %slice3A_2385 {strides = array<i32>} : memref<3000x128xf32, #tpu.memory_space<vmem>>, vector<8x128xf32>,
    %slice3A_2389 = vector.extract_strided_slice %dot_general3A_2348 {offsets = [80, 0], sizes = [8, 128], strides = [1, 1]} : vector<128x128xf32> to vector<8x128xf32>
    %swap3A_2390 = arith.constant 2136 : index
    %swap3A_2391 = arith.constant 0 : index
    %swap3A_2392 = vector.load %arg12[%swap3A_2390, %swap3A_2391] : memref<3000x128xf32, #tpu.memory_space<vmem>>, vector<8x128xf32>
    tpu.vector_store %arg12[%swap3A_2390, %swap3A_2391], %slice3A_2389 {strides = array<i32>} : memref<3000x128xf32, #tpu.memory_space<vmem>>, vector<8x128xf32>,
    %slice3A_2393 = vector.extract_strided_slice %dot_general3A_2348 {offsets = [88, 0], sizes = [8, 128], strides = [1, 1]} : vector<128x128xf32> to vector<8x128xf32>
    %swap3A_2394 = arith.constant 2336 : index
    %swap3A_2395 = arith.constant 0 : index
    %swap3A_2396 = vector.load %arg12[%swap3A_2394, %swap3A_2395] : memref<3000x128xf32, #tpu.memory_space<vmem>>, vector<8x128xf32>
    tpu.vector_store %arg12[%swap3A_2394, %swap3A_2395], %slice3A_2393 {strides = array<i32>} : memref<3000x128xf32, #tpu.memory_space<vmem>>, vector<8x128xf32>,
    %slice3A_2397 = vector.extract_strided_slice %dot_general3A_2348 {offsets = [96, 0], sizes = [8, 128], strides = [1, 1]} : vector<128x128xf32> to vector<8x128xf32>
    %swap3A_2398 = arith.constant 2536 : index
    %swap3A_2399 = arith.constant 0 : index
    %swap3A_2400 = vector.load %arg12[%swap3A_2398, %swap3A_2399] : memref<3000x128xf32, #tpu.memory_space<vmem>>, vector<8x128xf32>
    tpu.vector_store %arg12[%swap3A_2398, %swap3A_2399], %slice3A_2397 {strides = array<i32>} : memref<3000x128xf32, #tpu.memory_space<vmem>>, vector<8x128xf32>,
    %slice3A_2401 = vector.extract_strided_slice %dot_general3A_2348 {offsets = [104, 0], sizes = [8, 128], strides = [1, 1]} : vector<128x128xf32> to vector<8x128xf32>
    %swap3A_2402 = arith.constant 2736 : index
    %swap3A_2403 = arith.constant 0 : index
    %swap3A_2404 = vector.load %arg12[%swap3A_2402, %swap3A_2403] : memref<3000x128xf32, #tpu.memory_space<vmem>>, vector<8x128xf32>
    tpu.vector_store %arg12[%swap3A_2402, %swap3A_2403], %slice3A_2401 {strides = array<i32>} : memref<3000x128xf32, #tpu.memory_space<vmem>>, vector<8x128xf32>,
    %slice3A_2405 = vector.extract_strided_slice %dot_general3A_2348 {offsets = [112, 0], sizes = [8, 128], strides = [1, 1]} : vector<128x128xf32> to vector<8x128xf32>
    %swap3A_2406 = arith.constant 2936 : index
    %swap3A_2407 = arith.constant 0 : index
    %swap3A_2408 = vector.load %arg12[%swap3A_2406, %swap3A_2407] : memref<3000x128xf32, #tpu.memory_space<vmem>>, vector<8x128xf32>
    tpu.vector_store %arg12[%swap3A_2406, %swap3A_2407], %slice3A_2405 {strides = array<i32>} : memref<3000x128xf32, #tpu.memory_space<vmem>>, vector<8x128xf32>,
    %get3A_2409 = arith.constant 0 : index
    %get3A_2410 = arith.constant 18 : index
    %get3A_2411 = arith.constant 0 : index
    %get3A_2412 = vector.load %arg2[%get3A_2409, %get3A_2410, %get3A_2411] : memref<1x25x256xf32, #tpu.memory_space<vmem>>, vector<1x1x256xf32>
    %get3A_2413 = vector.shape_cast %get3A_2412 : vector<1x1x256xf32> to vector<1x256xf32>
    %get3A_2414 = arith.constant 0 : index
    %get3A_2415 = arith.constant 18 : index
    %get3A_2416 = arith.constant 0 : index
    %get3A_2417 = vector.load %arg5[%get3A_2414, %get3A_2415, %get3A_2416] : memref<1x25x256xf32, #tpu.memory_space<vmem>>, vector<1x1x256xf32>
    %get3A_2418 = vector.shape_cast %get3A_2417 : vector<1x1x256xf32> to vector<1x256xf32>
    %sub3A_2419 = arith.subf %get3A_2413, %get3A_2418 : vector<1x256xf32>
    %get3A_2420 = arith.constant 0 : index
    %get3A_2421 = arith.constant 18 : index
    %get3A_2422 = arith.constant 0 : index
    %get3A_2423 = vector.load %arg3[%get3A_2420, %get3A_2421, %get3A_2422] : memref<1x25x256xf32, #tpu.memory_space<vmem>>, vector<1x1x256xf32>
    %get3A_2424 = vector.shape_cast %get3A_2423 : vector<1x1x256xf32> to vector<1x256xf32>
    %get3A_2425 = arith.constant 0 : index
    %get3A_2426 = arith.constant 18 : index
    %get3A_2427 = arith.constant 0 : index
    %get3A_2428 = vector.load %arg6[%get3A_2425, %get3A_2426, %get3A_2427] : memref<1x25x256xf32, #tpu.memory_space<vmem>>, vector<1x1x256xf32>
    %get3A_2429 = vector.shape_cast %get3A_2428 : vector<1x1x256xf32> to vector<1x256xf32>
    %sub3A_2430 = arith.subf %get3A_2424, %get3A_2429 : vector<1x256xf32>
    %get3A_2431 = arith.constant 0 : index
    %get3A_2432 = arith.constant 18 : index
    %get3A_2433 = arith.constant 0 : index
    %get3A_2434 = vector.load %arg4[%get3A_2431, %get3A_2432, %get3A_2433] : memref<1x25x256xf32, #tpu.memory_space<vmem>>, vector<1x1x256xf32>
    %get3A_2435 = vector.shape_cast %get3A_2434 : vector<1x1x256xf32> to vector<1x256xf32>
    %get3A_2436 = arith.constant 0 : index
    %get3A_2437 = arith.constant 18 : index
    %get3A_2438 = arith.constant 0 : index
    %get3A_2439 = vector.load %arg7[%get3A_2436, %get3A_2437, %get3A_2438] : memref<1x25x256xf32, #tpu.memory_space<vmem>>, vector<1x1x256xf32>
    %get3A_2440 = vector.shape_cast %get3A_2439 : vector<1x1x256xf32> to vector<1x256xf32>
    %sub3A_2441 = arith.subf %get3A_2435, %get3A_2440 : vector<1x256xf32>
    %broadcast_in_dim3A_2442 = vector.shape_cast %sub3A_2419 : vector<1x256xf32> to vector<1x256xf32>
    %broadcast_in_dim3A_2443 = vector.broadcast %broadcast_in_dim3A_2442 : vector<1x256xf32> to vector<16x256xf32>
    %sub3A_2444 = arith.subf %broadcast_in_dim3A_2443, %broadcast_in_dim3A_2 : vector<16x256xf32>
    %broadcast_in_dim3A_2445 = vector.shape_cast %sub3A_2430 : vector<1x256xf32> to vector<1x256xf32>
    %broadcast_in_dim3A_2446 = vector.broadcast %broadcast_in_dim3A_2445 : vector<1x256xf32> to vector<16x256xf32>
    %sub3A_2447 = arith.subf %broadcast_in_dim3A_2446, %broadcast_in_dim3A_7 : vector<16x256xf32>
    %broadcast_in_dim3A_2448 = vector.shape_cast %sub3A_2441 : vector<1x256xf32> to vector<1x256xf32>
    %broadcast_in_dim3A_2449 = vector.broadcast %broadcast_in_dim3A_2448 : vector<1x256xf32> to vector<16x256xf32>
    %sub3A_2450 = arith.subf %broadcast_in_dim3A_2449, %broadcast_in_dim3A_12 : vector<16x256xf32>
    %mul3A_2451 = arith.mulf %sub3A_2444, %sub3A_2444 : vector<16x256xf32>
    %mul3A_2452 = arith.mulf %sub3A_2447, %sub3A_2447 : vector<16x256xf32>
    %add3A_2453 = arith.addf %mul3A_2451, %mul3A_2452 : vector<16x256xf32>
    %mul3A_2454 = arith.mulf %sub3A_2450, %sub3A_2450 : vector<16x256xf32>
    %add3A_2455 = arith.addf %add3A_2453, %mul3A_2454 : vector<16x256xf32>
    %add3A_2456 = arith.constant 9.99999996E-13 : f32
    %add3A_2457 = vector.broadcast %add3A_2456 : f32 to vector<16x256xf32>
    %add3A_2458 = arith.addf %add3A_2455, %add3A_2457 : vector<16x256xf32>
    %rsqrt3A_2459 = math.rsqrt %add3A_2458 : vector<16x256xf32>
    %mul3A_2460 = arith.mulf %add3A_2455, %rsqrt3A_2459 : vector<16x256xf32>
    %mul3A_2461 = arith.constant 5.000000e-01 : f32
    %mul3A_2462 = vector.broadcast %mul3A_2461 : f32 to vector<16x256xf32>
    %mul3A_2463 = arith.mulf %mul3A_2460, %mul3A_2462 : vector<16x256xf32>
    %sub3A_2464 = arith.constant 1.000000e+00 : f32
    %sub3A_2465 = vector.broadcast %sub3A_2464 : f32 to vector<16x256xf32>
    %sub3A_2466 = arith.subf %sub3A_2465, %mul3A_2463 : vector<16x256xf32>
    %max3A_2467 = arith.constant 0.000000e+00 : f32
    %max3A_2468 = vector.broadcast %max3A_2467 : f32 to vector<16x256xf32>
    %max3A_2469 = arith.maximumf %sub3A_2466, %max3A_2468 : vector<16x256xf32>
    %reshape3A_2470 = vector.shape_cast %max3A_2469 : vector<16x256xf32> to vector<16x1x256xf32>
    %broadcast_in_dim3A_2471 = vector.shape_cast %reshape3A_2470 : vector<16x1x256xf32> to vector<16x1x256xf32>
    %broadcast_in_dim3A_2472 = vector.broadcast %broadcast_in_dim3A_2471 : vector<16x1x256xf32> to vector<16x8x256xf32>
    %reshape3A_2473 = vector.shape_cast %broadcast_in_dim3A_2472 : vector<16x8x256xf32> to vector<128x256xf32>
    %mul3A_2474 = arith.mulf %reshape3A_2473, %convert_element_type3A_57 : vector<128x256xf32>
    %get3A_2475 = arith.constant 4608 : index
    %get3A_2476 = arith.constant 0 : index
    %get3A_2477 = vector.load %arg1[%get3A_2475, %get3A_2476] : memref<6400x128xf32, #tpu.memory_space<vmem>>, vector<256x128xf32>
    %dot_general3A_2478 = arith.constant dense<0.000000e+00> : vector<128x128xf32>
    %dot_general3A_2479 = tpu.matmul %mul3A_2474, %get3A_2477, %dot_general3A_2478 {dimension_numbers = #tpu.dot_dimension_numbers<[1], [0], [0], [1], [0, 0, 1, 1], [], []>, transpose_lhs_hint = false} : vector<128x256xf32>, vector<256x128xf32>, vector<128x128xf32> -> vector<128x128xf32>
    %slice3A_2480 = vector.extract_strided_slice %dot_general3A_2479 {offsets = [0, 0], sizes = [8, 128], strides = [1, 1]} : vector<128x128xf32> to vector<8x128xf32>
    %swap3A_2481 = arith.constant 144 : index
    %swap3A_2482 = arith.constant 0 : index
    %swap3A_2483 = vector.load %arg12[%swap3A_2481, %swap3A_2482] : memref<3000x128xf32, #tpu.memory_space<vmem>>, vector<8x128xf32>
    tpu.vector_store %arg12[%swap3A_2481, %swap3A_2482], %slice3A_2480 {strides = array<i32>} : memref<3000x128xf32, #tpu.memory_space<vmem>>, vector<8x128xf32>,
    %slice3A_2484 = vector.extract_strided_slice %dot_general3A_2479 {offsets = [8, 0], sizes = [8, 128], strides = [1, 1]} : vector<128x128xf32> to vector<8x128xf32>
    %swap3A_2485 = arith.constant 344 : index
    %swap3A_2486 = arith.constant 0 : index
    %swap3A_2487 = vector.load %arg12[%swap3A_2485, %swap3A_2486] : memref<3000x128xf32, #tpu.memory_space<vmem>>, vector<8x128xf32>
    tpu.vector_store %arg12[%swap3A_2485, %swap3A_2486], %slice3A_2484 {strides = array<i32>} : memref<3000x128xf32, #tpu.memory_space<vmem>>, vector<8x128xf32>,
    %slice3A_2488 = vector.extract_strided_slice %dot_general3A_2479 {offsets = [16, 0], sizes = [8, 128], strides = [1, 1]} : vector<128x128xf32> to vector<8x128xf32>
    %swap3A_2489 = arith.constant 544 : index
    %swap3A_2490 = arith.constant 0 : index
    %swap3A_2491 = vector.load %arg12[%swap3A_2489, %swap3A_2490] : memref<3000x128xf32, #tpu.memory_space<vmem>>, vector<8x128xf32>
    tpu.vector_store %arg12[%swap3A_2489, %swap3A_2490], %slice3A_2488 {strides = array<i32>} : memref<3000x128xf32, #tpu.memory_space<vmem>>, vector<8x128xf32>,
    %slice3A_2492 = vector.extract_strided_slice %dot_general3A_2479 {offsets = [24, 0], sizes = [8, 128], strides = [1, 1]} : vector<128x128xf32> to vector<8x128xf32>
    %swap3A_2493 = arith.constant 744 : index
    %swap3A_2494 = arith.constant 0 : index
    %swap3A_2495 = vector.load %arg12[%swap3A_2493, %swap3A_2494] : memref<3000x128xf32, #tpu.memory_space<vmem>>, vector<8x128xf32>
    tpu.vector_store %arg12[%swap3A_2493, %swap3A_2494], %slice3A_2492 {strides = array<i32>} : memref<3000x128xf32, #tpu.memory_space<vmem>>, vector<8x128xf32>,
    %slice3A_2496 = vector.extract_strided_slice %dot_general3A_2479 {offsets = [32, 0], sizes = [8, 128], strides = [1, 1]} : vector<128x128xf32> to vector<8x128xf32>
    %swap3A_2497 = arith.constant 944 : index
    %swap3A_2498 = arith.constant 0 : index
    %swap3A_2499 = vector.load %arg12[%swap3A_2497, %swap3A_2498] : memref<3000x128xf32, #tpu.memory_space<vmem>>, vector<8x128xf32>
    tpu.vector_store %arg12[%swap3A_2497, %swap3A_2498], %slice3A_2496 {strides = array<i32>} : memref<3000x128xf32, #tpu.memory_space<vmem>>, vector<8x128xf32>,
    %slice3A_2500 = vector.extract_strided_slice %dot_general3A_2479 {offsets = [40, 0], sizes = [8, 128], strides = [1, 1]} : vector<128x128xf32> to vector<8x128xf32>
    %swap3A_2501 = arith.constant 1144 : index
    %swap3A_2502 = arith.constant 0 : index
    %swap3A_2503 = vector.load %arg12[%swap3A_2501, %swap3A_2502] : memref<3000x128xf32, #tpu.memory_space<vmem>>, vector<8x128xf32>
    tpu.vector_store %arg12[%swap3A_2501, %swap3A_2502], %slice3A_2500 {strides = array<i32>} : memref<3000x128xf32, #tpu.memory_space<vmem>>, vector<8x128xf32>,
    %slice3A_2504 = vector.extract_strided_slice %dot_general3A_2479 {offsets = [48, 0], sizes = [8, 128], strides = [1, 1]} : vector<128x128xf32> to vector<8x128xf32>
    %swap3A_2505 = arith.constant 1344 : index
    %swap3A_2506 = arith.constant 0 : index
    %swap3A_2507 = vector.load %arg12[%swap3A_2505, %swap3A_2506] : memref<3000x128xf32, #tpu.memory_space<vmem>>, vector<8x128xf32>
    tpu.vector_store %arg12[%swap3A_2505, %swap3A_2506], %slice3A_2504 {strides = array<i32>} : memref<3000x128xf32, #tpu.memory_space<vmem>>, vector<8x128xf32>,
    %slice3A_2508 = vector.extract_strided_slice %dot_general3A_2479 {offsets = [56, 0], sizes = [8, 128], strides = [1, 1]} : vector<128x128xf32> to vector<8x128xf32>
    %swap3A_2509 = arith.constant 1544 : index
    %swap3A_2510 = arith.constant 0 : index
    %swap3A_2511 = vector.load %arg12[%swap3A_2509, %swap3A_2510] : memref<3000x128xf32, #tpu.memory_space<vmem>>, vector<8x128xf32>
    tpu.vector_store %arg12[%swap3A_2509, %swap3A_2510], %slice3A_2508 {strides = array<i32>} : memref<3000x128xf32, #tpu.memory_space<vmem>>, vector<8x128xf32>,
    %slice3A_2512 = vector.extract_strided_slice %dot_general3A_2479 {offsets = [64, 0], sizes = [8, 128], strides = [1, 1]} : vector<128x128xf32> to vector<8x128xf32>
    %swap3A_2513 = arith.constant 1744 : index
    %swap3A_2514 = arith.constant 0 : index
    %swap3A_2515 = vector.load %arg12[%swap3A_2513, %swap3A_2514] : memref<3000x128xf32, #tpu.memory_space<vmem>>, vector<8x128xf32>
    tpu.vector_store %arg12[%swap3A_2513, %swap3A_2514], %slice3A_2512 {strides = array<i32>} : memref<3000x128xf32, #tpu.memory_space<vmem>>, vector<8x128xf32>,
    %slice3A_2516 = vector.extract_strided_slice %dot_general3A_2479 {offsets = [72, 0], sizes = [8, 128], strides = [1, 1]} : vector<128x128xf32> to vector<8x128xf32>
    %swap3A_2517 = arith.constant 1944 : index
    %swap3A_2518 = arith.constant 0 : index
    %swap3A_2519 = vector.load %arg12[%swap3A_2517, %swap3A_2518] : memref<3000x128xf32, #tpu.memory_space<vmem>>, vector<8x128xf32>
    tpu.vector_store %arg12[%swap3A_2517, %swap3A_2518], %slice3A_2516 {strides = array<i32>} : memref<3000x128xf32, #tpu.memory_space<vmem>>, vector<8x128xf32>,
    %slice3A_2520 = vector.extract_strided_slice %dot_general3A_2479 {offsets = [80, 0], sizes = [8, 128], strides = [1, 1]} : vector<128x128xf32> to vector<8x128xf32>
    %swap3A_2521 = arith.constant 2144 : index
    %swap3A_2522 = arith.constant 0 : index
    %swap3A_2523 = vector.load %arg12[%swap3A_2521, %swap3A_2522] : memref<3000x128xf32, #tpu.memory_space<vmem>>, vector<8x128xf32>
    tpu.vector_store %arg12[%swap3A_2521, %swap3A_2522], %slice3A_2520 {strides = array<i32>} : memref<3000x128xf32, #tpu.memory_space<vmem>>, vector<8x128xf32>,
    %slice3A_2524 = vector.extract_strided_slice %dot_general3A_2479 {offsets = [88, 0], sizes = [8, 128], strides = [1, 1]} : vector<128x128xf32> to vector<8x128xf32>
    %swap3A_2525 = arith.constant 2344 : index
    %swap3A_2526 = arith.constant 0 : index
    %swap3A_2527 = vector.load %arg12[%swap3A_2525, %swap3A_2526] : memref<3000x128xf32, #tpu.memory_space<vmem>>, vector<8x128xf32>
    tpu.vector_store %arg12[%swap3A_2525, %swap3A_2526], %slice3A_2524 {strides = array<i32>} : memref<3000x128xf32, #tpu.memory_space<vmem>>, vector<8x128xf32>,
    %slice3A_2528 = vector.extract_strided_slice %dot_general3A_2479 {offsets = [96, 0], sizes = [8, 128], strides = [1, 1]} : vector<128x128xf32> to vector<8x128xf32>
    %swap3A_2529 = arith.constant 2544 : index
    %swap3A_2530 = arith.constant 0 : index
    %swap3A_2531 = vector.load %arg12[%swap3A_2529, %swap3A_2530] : memref<3000x128xf32, #tpu.memory_space<vmem>>, vector<8x128xf32>
    tpu.vector_store %arg12[%swap3A_2529, %swap3A_2530], %slice3A_2528 {strides = array<i32>} : memref<3000x128xf32, #tpu.memory_space<vmem>>, vector<8x128xf32>,
    %slice3A_2532 = vector.extract_strided_slice %dot_general3A_2479 {offsets = [104, 0], sizes = [8, 128], strides = [1, 1]} : vector<128x128xf32> to vector<8x128xf32>
    %swap3A_2533 = arith.constant 2744 : index
    %swap3A_2534 = arith.constant 0 : index
    %swap3A_2535 = vector.load %arg12[%swap3A_2533, %swap3A_2534] : memref<3000x128xf32, #tpu.memory_space<vmem>>, vector<8x128xf32>
    tpu.vector_store %arg12[%swap3A_2533, %swap3A_2534], %slice3A_2532 {strides = array<i32>} : memref<3000x128xf32, #tpu.memory_space<vmem>>, vector<8x128xf32>,
    %slice3A_2536 = vector.extract_strided_slice %dot_general3A_2479 {offsets = [112, 0], sizes = [8, 128], strides = [1, 1]} : vector<128x128xf32> to vector<8x128xf32>
    %swap3A_2537 = arith.constant 2944 : index
    %swap3A_2538 = arith.constant 0 : index
    %swap3A_2539 = vector.load %arg12[%swap3A_2537, %swap3A_2538] : memref<3000x128xf32, #tpu.memory_space<vmem>>, vector<8x128xf32>
    tpu.vector_store %arg12[%swap3A_2537, %swap3A_2538], %slice3A_2536 {strides = array<i32>} : memref<3000x128xf32, #tpu.memory_space<vmem>>, vector<8x128xf32>,
    %get3A_2540 = arith.constant 0 : index
    %get3A_2541 = arith.constant 19 : index
    %get3A_2542 = arith.constant 0 : index
    %get3A_2543 = vector.load %arg2[%get3A_2540, %get3A_2541, %get3A_2542] : memref<1x25x256xf32, #tpu.memory_space<vmem>>, vector<1x1x256xf32>
    %get3A_2544 = vector.shape_cast %get3A_2543 : vector<1x1x256xf32> to vector<1x256xf32>
    %get3A_2545 = arith.constant 0 : index
    %get3A_2546 = arith.constant 19 : index
    %get3A_2547 = arith.constant 0 : index
    %get3A_2548 = vector.load %arg5[%get3A_2545, %get3A_2546, %get3A_2547] : memref<1x25x256xf32, #tpu.memory_space<vmem>>, vector<1x1x256xf32>
    %get3A_2549 = vector.shape_cast %get3A_2548 : vector<1x1x256xf32> to vector<1x256xf32>
    %sub3A_2550 = arith.subf %get3A_2544, %get3A_2549 : vector<1x256xf32>
    %get3A_2551 = arith.constant 0 : index
    %get3A_2552 = arith.constant 19 : index
    %get3A_2553 = arith.constant 0 : index
    %get3A_2554 = vector.load %arg3[%get3A_2551, %get3A_2552, %get3A_2553] : memref<1x25x256xf32, #tpu.memory_space<vmem>>, vector<1x1x256xf32>
    %get3A_2555 = vector.shape_cast %get3A_2554 : vector<1x1x256xf32> to vector<1x256xf32>
    %get3A_2556 = arith.constant 0 : index
    %get3A_2557 = arith.constant 19 : index
    %get3A_2558 = arith.constant 0 : index
    %get3A_2559 = vector.load %arg6[%get3A_2556, %get3A_2557, %get3A_2558] : memref<1x25x256xf32, #tpu.memory_space<vmem>>, vector<1x1x256xf32>
    %get3A_2560 = vector.shape_cast %get3A_2559 : vector<1x1x256xf32> to vector<1x256xf32>
    %sub3A_2561 = arith.subf %get3A_2555, %get3A_2560 : vector<1x256xf32>
    %get3A_2562 = arith.constant 0 : index
    %get3A_2563 = arith.constant 19 : index
    %get3A_2564 = arith.constant 0 : index
    %get3A_2565 = vector.load %arg4[%get3A_2562, %get3A_2563, %get3A_2564] : memref<1x25x256xf32, #tpu.memory_space<vmem>>, vector<1x1x256xf32>
    %get3A_2566 = vector.shape_cast %get3A_2565 : vector<1x1x256xf32> to vector<1x256xf32>
    %get3A_2567 = arith.constant 0 : index
    %get3A_2568 = arith.constant 19 : index
    %get3A_2569 = arith.constant 0 : index
    %get3A_2570 = vector.load %arg7[%get3A_2567, %get3A_2568, %get3A_2569] : memref<1x25x256xf32, #tpu.memory_space<vmem>>, vector<1x1x256xf32>
    %get3A_2571 = vector.shape_cast %get3A_2570 : vector<1x1x256xf32> to vector<1x256xf32>
    %sub3A_2572 = arith.subf %get3A_2566, %get3A_2571 : vector<1x256xf32>
    %broadcast_in_dim3A_2573 = vector.shape_cast %sub3A_2550 : vector<1x256xf32> to vector<1x256xf32>
    %broadcast_in_dim3A_2574 = vector.broadcast %broadcast_in_dim3A_2573 : vector<1x256xf32> to vector<16x256xf32>
    %sub3A_2575 = arith.subf %broadcast_in_dim3A_2574, %broadcast_in_dim3A_2 : vector<16x256xf32>
    %broadcast_in_dim3A_2576 = vector.shape_cast %sub3A_2561 : vector<1x256xf32> to vector<1x256xf32>
    %broadcast_in_dim3A_2577 = vector.broadcast %broadcast_in_dim3A_2576 : vector<1x256xf32> to vector<16x256xf32>
    %sub3A_2578 = arith.subf %broadcast_in_dim3A_2577, %broadcast_in_dim3A_7 : vector<16x256xf32>
    %broadcast_in_dim3A_2579 = vector.shape_cast %sub3A_2572 : vector<1x256xf32> to vector<1x256xf32>
    %broadcast_in_dim3A_2580 = vector.broadcast %broadcast_in_dim3A_2579 : vector<1x256xf32> to vector<16x256xf32>
    %sub3A_2581 = arith.subf %broadcast_in_dim3A_2580, %broadcast_in_dim3A_12 : vector<16x256xf32>
    %mul3A_2582 = arith.mulf %sub3A_2575, %sub3A_2575 : vector<16x256xf32>
    %mul3A_2583 = arith.mulf %sub3A_2578, %sub3A_2578 : vector<16x256xf32>
    %add3A_2584 = arith.addf %mul3A_2582, %mul3A_2583 : vector<16x256xf32>
    %mul3A_2585 = arith.mulf %sub3A_2581, %sub3A_2581 : vector<16x256xf32>
    %add3A_2586 = arith.addf %add3A_2584, %mul3A_2585 : vector<16x256xf32>
    %add3A_2587 = arith.constant 9.99999996E-13 : f32
    %add3A_2588 = vector.broadcast %add3A_2587 : f32 to vector<16x256xf32>
    %add3A_2589 = arith.addf %add3A_2586, %add3A_2588 : vector<16x256xf32>
    %rsqrt3A_2590 = math.rsqrt %add3A_2589 : vector<16x256xf32>
    %mul3A_2591 = arith.mulf %add3A_2586, %rsqrt3A_2590 : vector<16x256xf32>
    %mul3A_2592 = arith.constant 5.000000e-01 : f32
    %mul3A_2593 = vector.broadcast %mul3A_2592 : f32 to vector<16x256xf32>
    %mul3A_2594 = arith.mulf %mul3A_2591, %mul3A_2593 : vector<16x256xf32>
    %sub3A_2595 = arith.constant 1.000000e+00 : f32
    %sub3A_2596 = vector.broadcast %sub3A_2595 : f32 to vector<16x256xf32>
    %sub3A_2597 = arith.subf %sub3A_2596, %mul3A_2594 : vector<16x256xf32>
    %max3A_2598 = arith.constant 0.000000e+00 : f32
    %max3A_2599 = vector.broadcast %max3A_2598 : f32 to vector<16x256xf32>
    %max3A_2600 = arith.maximumf %sub3A_2597, %max3A_2599 : vector<16x256xf32>
    %reshape3A_2601 = vector.shape_cast %max3A_2600 : vector<16x256xf32> to vector<16x1x256xf32>
    %broadcast_in_dim3A_2602 = vector.shape_cast %reshape3A_2601 : vector<16x1x256xf32> to vector<16x1x256xf32>
    %broadcast_in_dim3A_2603 = vector.broadcast %broadcast_in_dim3A_2602 : vector<16x1x256xf32> to vector<16x8x256xf32>
    %reshape3A_2604 = vector.shape_cast %broadcast_in_dim3A_2603 : vector<16x8x256xf32> to vector<128x256xf32>
    %mul3A_2605 = arith.mulf %reshape3A_2604, %convert_element_type3A_57 : vector<128x256xf32>
    %get3A_2606 = arith.constant 4864 : index
    %get3A_2607 = arith.constant 0 : index
    %get3A_2608 = vector.load %arg1[%get3A_2606, %get3A_2607] : memref<6400x128xf32, #tpu.memory_space<vmem>>, vector<256x128xf32>
    %dot_general3A_2609 = arith.constant dense<0.000000e+00> : vector<128x128xf32>
    %dot_general3A_2610 = tpu.matmul %mul3A_2605, %get3A_2608, %dot_general3A_2609 {dimension_numbers = #tpu.dot_dimension_numbers<[1], [0], [0], [1], [0, 0, 1, 1], [], []>, transpose_lhs_hint = false} : vector<128x256xf32>, vector<256x128xf32>, vector<128x128xf32> -> vector<128x128xf32>
    %slice3A_2611 = vector.extract_strided_slice %dot_general3A_2610 {offsets = [0, 0], sizes = [8, 128], strides = [1, 1]} : vector<128x128xf32> to vector<8x128xf32>
    %swap3A_2612 = arith.constant 152 : index
    %swap3A_2613 = arith.constant 0 : index
    %swap3A_2614 = vector.load %arg12[%swap3A_2612, %swap3A_2613] : memref<3000x128xf32, #tpu.memory_space<vmem>>, vector<8x128xf32>
    tpu.vector_store %arg12[%swap3A_2612, %swap3A_2613], %slice3A_2611 {strides = array<i32>} : memref<3000x128xf32, #tpu.memory_space<vmem>>, vector<8x128xf32>,
    %slice3A_2615 = vector.extract_strided_slice %dot_general3A_2610 {offsets = [8, 0], sizes = [8, 128], strides = [1, 1]} : vector<128x128xf32> to vector<8x128xf32>
    %swap3A_2616 = arith.constant 352 : index
    %swap3A_2617 = arith.constant 0 : index
    %swap3A_2618 = vector.load %arg12[%swap3A_2616, %swap3A_2617] : memref<3000x128xf32, #tpu.memory_space<vmem>>, vector<8x128xf32>
    tpu.vector_store %arg12[%swap3A_2616, %swap3A_2617], %slice3A_2615 {strides = array<i32>} : memref<3000x128xf32, #tpu.memory_space<vmem>>, vector<8x128xf32>,
    %slice3A_2619 = vector.extract_strided_slice %dot_general3A_2610 {offsets = [16, 0], sizes = [8, 128], strides = [1, 1]} : vector<128x128xf32> to vector<8x128xf32>
    %swap3A_2620 = arith.constant 552 : index
    %swap3A_2621 = arith.constant 0 : index
    %swap3A_2622 = vector.load %arg12[%swap3A_2620, %swap3A_2621] : memref<3000x128xf32, #tpu.memory_space<vmem>>, vector<8x128xf32>
    tpu.vector_store %arg12[%swap3A_2620, %swap3A_2621], %slice3A_2619 {strides = array<i32>} : memref<3000x128xf32, #tpu.memory_space<vmem>>, vector<8x128xf32>,
    %slice3A_2623 = vector.extract_strided_slice %dot_general3A_2610 {offsets = [24, 0], sizes = [8, 128], strides = [1, 1]} : vector<128x128xf32> to vector<8x128xf32>
    %swap3A_2624 = arith.constant 752 : index
    %swap3A_2625 = arith.constant 0 : index
    %swap3A_2626 = vector.load %arg12[%swap3A_2624, %swap3A_2625] : memref<3000x128xf32, #tpu.memory_space<vmem>>, vector<8x128xf32>
    tpu.vector_store %arg12[%swap3A_2624, %swap3A_2625], %slice3A_2623 {strides = array<i32>} : memref<3000x128xf32, #tpu.memory_space<vmem>>, vector<8x128xf32>,
    %slice3A_2627 = vector.extract_strided_slice %dot_general3A_2610 {offsets = [32, 0], sizes = [8, 128], strides = [1, 1]} : vector<128x128xf32> to vector<8x128xf32>
    %swap3A_2628 = arith.constant 952 : index
    %swap3A_2629 = arith.constant 0 : index
    %swap3A_2630 = vector.load %arg12[%swap3A_2628, %swap3A_2629] : memref<3000x128xf32, #tpu.memory_space<vmem>>, vector<8x128xf32>
    tpu.vector_store %arg12[%swap3A_2628, %swap3A_2629], %slice3A_2627 {strides = array<i32>} : memref<3000x128xf32, #tpu.memory_space<vmem>>, vector<8x128xf32>,
    %slice3A_2631 = vector.extract_strided_slice %dot_general3A_2610 {offsets = [40, 0], sizes = [8, 128], strides = [1, 1]} : vector<128x128xf32> to vector<8x128xf32>
    %swap3A_2632 = arith.constant 1152 : index
    %swap3A_2633 = arith.constant 0 : index
    %swap3A_2634 = vector.load %arg12[%swap3A_2632, %swap3A_2633] : memref<3000x128xf32, #tpu.memory_space<vmem>>, vector<8x128xf32>
    tpu.vector_store %arg12[%swap3A_2632, %swap3A_2633], %slice3A_2631 {strides = array<i32>} : memref<3000x128xf32, #tpu.memory_space<vmem>>, vector<8x128xf32>,
    %slice3A_2635 = vector.extract_strided_slice %dot_general3A_2610 {offsets = [48, 0], sizes = [8, 128], strides = [1, 1]} : vector<128x128xf32> to vector<8x128xf32>
    %swap3A_2636 = arith.constant 1352 : index
    %swap3A_2637 = arith.constant 0 : index
    %swap3A_2638 = vector.load %arg12[%swap3A_2636, %swap3A_2637] : memref<3000x128xf32, #tpu.memory_space<vmem>>, vector<8x128xf32>
    tpu.vector_store %arg12[%swap3A_2636, %swap3A_2637], %slice3A_2635 {strides = array<i32>} : memref<3000x128xf32, #tpu.memory_space<vmem>>, vector<8x128xf32>,
    %slice3A_2639 = vector.extract_strided_slice %dot_general3A_2610 {offsets = [56, 0], sizes = [8, 128], strides = [1, 1]} : vector<128x128xf32> to vector<8x128xf32>
    %swap3A_2640 = arith.constant 1552 : index
    %swap3A_2641 = arith.constant 0 : index
    %swap3A_2642 = vector.load %arg12[%swap3A_2640, %swap3A_2641] : memref<3000x128xf32, #tpu.memory_space<vmem>>, vector<8x128xf32>
    tpu.vector_store %arg12[%swap3A_2640, %swap3A_2641], %slice3A_2639 {strides = array<i32>} : memref<3000x128xf32, #tpu.memory_space<vmem>>, vector<8x128xf32>,
    %slice3A_2643 = vector.extract_strided_slice %dot_general3A_2610 {offsets = [64, 0], sizes = [8, 128], strides = [1, 1]} : vector<128x128xf32> to vector<8x128xf32>
    %swap3A_2644 = arith.constant 1752 : index
    %swap3A_2645 = arith.constant 0 : index
    %swap3A_2646 = vector.load %arg12[%swap3A_2644, %swap3A_2645] : memref<3000x128xf32, #tpu.memory_space<vmem>>, vector<8x128xf32>
    tpu.vector_store %arg12[%swap3A_2644, %swap3A_2645], %slice3A_2643 {strides = array<i32>} : memref<3000x128xf32, #tpu.memory_space<vmem>>, vector<8x128xf32>,
    %slice3A_2647 = vector.extract_strided_slice %dot_general3A_2610 {offsets = [72, 0], sizes = [8, 128], strides = [1, 1]} : vector<128x128xf32> to vector<8x128xf32>
    %swap3A_2648 = arith.constant 1952 : index
    %swap3A_2649 = arith.constant 0 : index
    %swap3A_2650 = vector.load %arg12[%swap3A_2648, %swap3A_2649] : memref<3000x128xf32, #tpu.memory_space<vmem>>, vector<8x128xf32>
    tpu.vector_store %arg12[%swap3A_2648, %swap3A_2649], %slice3A_2647 {strides = array<i32>} : memref<3000x128xf32, #tpu.memory_space<vmem>>, vector<8x128xf32>,
    %slice3A_2651 = vector.extract_strided_slice %dot_general3A_2610 {offsets = [80, 0], sizes = [8, 128], strides = [1, 1]} : vector<128x128xf32> to vector<8x128xf32>
    %swap3A_2652 = arith.constant 2152 : index
    %swap3A_2653 = arith.constant 0 : index
    %swap3A_2654 = vector.load %arg12[%swap3A_2652, %swap3A_2653] : memref<3000x128xf32, #tpu.memory_space<vmem>>, vector<8x128xf32>
    tpu.vector_store %arg12[%swap3A_2652, %swap3A_2653], %slice3A_2651 {strides = array<i32>} : memref<3000x128xf32, #tpu.memory_space<vmem>>, vector<8x128xf32>,
    %slice3A_2655 = vector.extract_strided_slice %dot_general3A_2610 {offsets = [88, 0], sizes = [8, 128], strides = [1, 1]} : vector<128x128xf32> to vector<8x128xf32>
    %swap3A_2656 = arith.constant 2352 : index
    %swap3A_2657 = arith.constant 0 : index
    %swap3A_2658 = vector.load %arg12[%swap3A_2656, %swap3A_2657] : memref<3000x128xf32, #tpu.memory_space<vmem>>, vector<8x128xf32>
    tpu.vector_store %arg12[%swap3A_2656, %swap3A_2657], %slice3A_2655 {strides = array<i32>} : memref<3000x128xf32, #tpu.memory_space<vmem>>, vector<8x128xf32>,
    %slice3A_2659 = vector.extract_strided_slice %dot_general3A_2610 {offsets = [96, 0], sizes = [8, 128], strides = [1, 1]} : vector<128x128xf32> to vector<8x128xf32>
    %swap3A_2660 = arith.constant 2552 : index
    %swap3A_2661 = arith.constant 0 : index
    %swap3A_2662 = vector.load %arg12[%swap3A_2660, %swap3A_2661] : memref<3000x128xf32, #tpu.memory_space<vmem>>, vector<8x128xf32>
    tpu.vector_store %arg12[%swap3A_2660, %swap3A_2661], %slice3A_2659 {strides = array<i32>} : memref<3000x128xf32, #tpu.memory_space<vmem>>, vector<8x128xf32>,
    %slice3A_2663 = vector.extract_strided_slice %dot_general3A_2610 {offsets = [104, 0], sizes = [8, 128], strides = [1, 1]} : vector<128x128xf32> to vector<8x128xf32>
    %swap3A_2664 = arith.constant 2752 : index
    %swap3A_2665 = arith.constant 0 : index
    %swap3A_2666 = vector.load %arg12[%swap3A_2664, %swap3A_2665] : memref<3000x128xf32, #tpu.memory_space<vmem>>, vector<8x128xf32>
    tpu.vector_store %arg12[%swap3A_2664, %swap3A_2665], %slice3A_2663 {strides = array<i32>} : memref<3000x128xf32, #tpu.memory_space<vmem>>, vector<8x128xf32>,
    %slice3A_2667 = vector.extract_strided_slice %dot_general3A_2610 {offsets = [112, 0], sizes = [8, 128], strides = [1, 1]} : vector<128x128xf32> to vector<8x128xf32>
    %swap3A_2668 = arith.constant 2952 : index
    %swap3A_2669 = arith.constant 0 : index
    %swap3A_2670 = vector.load %arg12[%swap3A_2668, %swap3A_2669] : memref<3000x128xf32, #tpu.memory_space<vmem>>, vector<8x128xf32>
    tpu.vector_store %arg12[%swap3A_2668, %swap3A_2669], %slice3A_2667 {strides = array<i32>} : memref<3000x128xf32, #tpu.memory_space<vmem>>, vector<8x128xf32>,
    %get3A_2671 = arith.constant 0 : index
    %get3A_2672 = arith.constant 20 : index
    %get3A_2673 = arith.constant 0 : index
    %get3A_2674 = vector.load %arg2[%get3A_2671, %get3A_2672, %get3A_2673] : memref<1x25x256xf32, #tpu.memory_space<vmem>>, vector<1x1x256xf32>
    %get3A_2675 = vector.shape_cast %get3A_2674 : vector<1x1x256xf32> to vector<1x256xf32>
    %get3A_2676 = arith.constant 0 : index
    %get3A_2677 = arith.constant 20 : index
    %get3A_2678 = arith.constant 0 : index
    %get3A_2679 = vector.load %arg5[%get3A_2676, %get3A_2677, %get3A_2678] : memref<1x25x256xf32, #tpu.memory_space<vmem>>, vector<1x1x256xf32>
    %get3A_2680 = vector.shape_cast %get3A_2679 : vector<1x1x256xf32> to vector<1x256xf32>
    %sub3A_2681 = arith.subf %get3A_2675, %get3A_2680 : vector<1x256xf32>
    %get3A_2682 = arith.constant 0 : index
    %get3A_2683 = arith.constant 20 : index
    %get3A_2684 = arith.constant 0 : index
    %get3A_2685 = vector.load %arg3[%get3A_2682, %get3A_2683, %get3A_2684] : memref<1x25x256xf32, #tpu.memory_space<vmem>>, vector<1x1x256xf32>
    %get3A_2686 = vector.shape_cast %get3A_2685 : vector<1x1x256xf32> to vector<1x256xf32>
    %get3A_2687 = arith.constant 0 : index
    %get3A_2688 = arith.constant 20 : index
    %get3A_2689 = arith.constant 0 : index
    %get3A_2690 = vector.load %arg6[%get3A_2687, %get3A_2688, %get3A_2689] : memref<1x25x256xf32, #tpu.memory_space<vmem>>, vector<1x1x256xf32>
    %get3A_2691 = vector.shape_cast %get3A_2690 : vector<1x1x256xf32> to vector<1x256xf32>
    %sub3A_2692 = arith.subf %get3A_2686, %get3A_2691 : vector<1x256xf32>
    %get3A_2693 = arith.constant 0 : index
    %get3A_2694 = arith.constant 20 : index
    %get3A_2695 = arith.constant 0 : index
    %get3A_2696 = vector.load %arg4[%get3A_2693, %get3A_2694, %get3A_2695] : memref<1x25x256xf32, #tpu.memory_space<vmem>>, vector<1x1x256xf32>
    %get3A_2697 = vector.shape_cast %get3A_2696 : vector<1x1x256xf32> to vector<1x256xf32>
    %get3A_2698 = arith.constant 0 : index
    %get3A_2699 = arith.constant 20 : index
    %get3A_2700 = arith.constant 0 : index
    %get3A_2701 = vector.load %arg7[%get3A_2698, %get3A_2699, %get3A_2700] : memref<1x25x256xf32, #tpu.memory_space<vmem>>, vector<1x1x256xf32>
    %get3A_2702 = vector.shape_cast %get3A_2701 : vector<1x1x256xf32> to vector<1x256xf32>
    %sub3A_2703 = arith.subf %get3A_2697, %get3A_2702 : vector<1x256xf32>
    %broadcast_in_dim3A_2704 = vector.shape_cast %sub3A_2681 : vector<1x256xf32> to vector<1x256xf32>
    %broadcast_in_dim3A_2705 = vector.broadcast %broadcast_in_dim3A_2704 : vector<1x256xf32> to vector<16x256xf32>
    %sub3A_2706 = arith.subf %broadcast_in_dim3A_2705, %broadcast_in_dim3A_2 : vector<16x256xf32>
    %broadcast_in_dim3A_2707 = vector.shape_cast %sub3A_2692 : vector<1x256xf32> to vector<1x256xf32>
    %broadcast_in_dim3A_2708 = vector.broadcast %broadcast_in_dim3A_2707 : vector<1x256xf32> to vector<16x256xf32>
    %sub3A_2709 = arith.subf %broadcast_in_dim3A_2708, %broadcast_in_dim3A_7 : vector<16x256xf32>
    %broadcast_in_dim3A_2710 = vector.shape_cast %sub3A_2703 : vector<1x256xf32> to vector<1x256xf32>
    %broadcast_in_dim3A_2711 = vector.broadcast %broadcast_in_dim3A_2710 : vector<1x256xf32> to vector<16x256xf32>
    %sub3A_2712 = arith.subf %broadcast_in_dim3A_2711, %broadcast_in_dim3A_12 : vector<16x256xf32>
    %mul3A_2713 = arith.mulf %sub3A_2706, %sub3A_2706 : vector<16x256xf32>
    %mul3A_2714 = arith.mulf %sub3A_2709, %sub3A_2709 : vector<16x256xf32>
    %add3A_2715 = arith.addf %mul3A_2713, %mul3A_2714 : vector<16x256xf32>
    %mul3A_2716 = arith.mulf %sub3A_2712, %sub3A_2712 : vector<16x256xf32>
    %add3A_2717 = arith.addf %add3A_2715, %mul3A_2716 : vector<16x256xf32>
    %add3A_2718 = arith.constant 9.99999996E-13 : f32
    %add3A_2719 = vector.broadcast %add3A_2718 : f32 to vector<16x256xf32>
    %add3A_2720 = arith.addf %add3A_2717, %add3A_2719 : vector<16x256xf32>
    %rsqrt3A_2721 = math.rsqrt %add3A_2720 : vector<16x256xf32>
    %mul3A_2722 = arith.mulf %add3A_2717, %rsqrt3A_2721 : vector<16x256xf32>
    %mul3A_2723 = arith.constant 5.000000e-01 : f32
    %mul3A_2724 = vector.broadcast %mul3A_2723 : f32 to vector<16x256xf32>
    %mul3A_2725 = arith.mulf %mul3A_2722, %mul3A_2724 : vector<16x256xf32>
    %sub3A_2726 = arith.constant 1.000000e+00 : f32
    %sub3A_2727 = vector.broadcast %sub3A_2726 : f32 to vector<16x256xf32>
    %sub3A_2728 = arith.subf %sub3A_2727, %mul3A_2725 : vector<16x256xf32>
    %max3A_2729 = arith.constant 0.000000e+00 : f32
    %max3A_2730 = vector.broadcast %max3A_2729 : f32 to vector<16x256xf32>
    %max3A_2731 = arith.maximumf %sub3A_2728, %max3A_2730 : vector<16x256xf32>
    %reshape3A_2732 = vector.shape_cast %max3A_2731 : vector<16x256xf32> to vector<16x1x256xf32>
    %broadcast_in_dim3A_2733 = vector.shape_cast %reshape3A_2732 : vector<16x1x256xf32> to vector<16x1x256xf32>
    %broadcast_in_dim3A_2734 = vector.broadcast %broadcast_in_dim3A_2733 : vector<16x1x256xf32> to vector<16x8x256xf32>
    %reshape3A_2735 = vector.shape_cast %broadcast_in_dim3A_2734 : vector<16x8x256xf32> to vector<128x256xf32>
    %mul3A_2736 = arith.mulf %reshape3A_2735, %convert_element_type3A_57 : vector<128x256xf32>
    %get3A_2737 = arith.constant 5120 : index
    %get3A_2738 = arith.constant 0 : index
    %get3A_2739 = vector.load %arg1[%get3A_2737, %get3A_2738] : memref<6400x128xf32, #tpu.memory_space<vmem>>, vector<256x128xf32>
    %dot_general3A_2740 = arith.constant dense<0.000000e+00> : vector<128x128xf32>
    %dot_general3A_2741 = tpu.matmul %mul3A_2736, %get3A_2739, %dot_general3A_2740 {dimension_numbers = #tpu.dot_dimension_numbers<[1], [0], [0], [1], [0, 0, 1, 1], [], []>, transpose_lhs_hint = false} : vector<128x256xf32>, vector<256x128xf32>, vector<128x128xf32> -> vector<128x128xf32>
    %slice3A_2742 = vector.extract_strided_slice %dot_general3A_2741 {offsets = [0, 0], sizes = [8, 128], strides = [1, 1]} : vector<128x128xf32> to vector<8x128xf32>
    %swap3A_2743 = arith.constant 160 : index
    %swap3A_2744 = arith.constant 0 : index
    %swap3A_2745 = vector.load %arg12[%swap3A_2743, %swap3A_2744] : memref<3000x128xf32, #tpu.memory_space<vmem>>, vector<8x128xf32>
    tpu.vector_store %arg12[%swap3A_2743, %swap3A_2744], %slice3A_2742 {strides = array<i32>} : memref<3000x128xf32, #tpu.memory_space<vmem>>, vector<8x128xf32>,
    %slice3A_2746 = vector.extract_strided_slice %dot_general3A_2741 {offsets = [8, 0], sizes = [8, 128], strides = [1, 1]} : vector<128x128xf32> to vector<8x128xf32>
    %swap3A_2747 = arith.constant 360 : index
    %swap3A_2748 = arith.constant 0 : index
    %swap3A_2749 = vector.load %arg12[%swap3A_2747, %swap3A_2748] : memref<3000x128xf32, #tpu.memory_space<vmem>>, vector<8x128xf32>
    tpu.vector_store %arg12[%swap3A_2747, %swap3A_2748], %slice3A_2746 {strides = array<i32>} : memref<3000x128xf32, #tpu.memory_space<vmem>>, vector<8x128xf32>,
    %slice3A_2750 = vector.extract_strided_slice %dot_general3A_2741 {offsets = [16, 0], sizes = [8, 128], strides = [1, 1]} : vector<128x128xf32> to vector<8x128xf32>
    %swap3A_2751 = arith.constant 560 : index
    %swap3A_2752 = arith.constant 0 : index
    %swap3A_2753 = vector.load %arg12[%swap3A_2751, %swap3A_2752] : memref<3000x128xf32, #tpu.memory_space<vmem>>, vector<8x128xf32>
    tpu.vector_store %arg12[%swap3A_2751, %swap3A_2752], %slice3A_2750 {strides = array<i32>} : memref<3000x128xf32, #tpu.memory_space<vmem>>, vector<8x128xf32>,
    %slice3A_2754 = vector.extract_strided_slice %dot_general3A_2741 {offsets = [24, 0], sizes = [8, 128], strides = [1, 1]} : vector<128x128xf32> to vector<8x128xf32>
    %swap3A_2755 = arith.constant 760 : index
    %swap3A_2756 = arith.constant 0 : index
    %swap3A_2757 = vector.load %arg12[%swap3A_2755, %swap3A_2756] : memref<3000x128xf32, #tpu.memory_space<vmem>>, vector<8x128xf32>
    tpu.vector_store %arg12[%swap3A_2755, %swap3A_2756], %slice3A_2754 {strides = array<i32>} : memref<3000x128xf32, #tpu.memory_space<vmem>>, vector<8x128xf32>,
    %slice3A_2758 = vector.extract_strided_slice %dot_general3A_2741 {offsets = [32, 0], sizes = [8, 128], strides = [1, 1]} : vector<128x128xf32> to vector<8x128xf32>
    %swap3A_2759 = arith.constant 960 : index
    %swap3A_2760 = arith.constant 0 : index
    %swap3A_2761 = vector.load %arg12[%swap3A_2759, %swap3A_2760] : memref<3000x128xf32, #tpu.memory_space<vmem>>, vector<8x128xf32>
    tpu.vector_store %arg12[%swap3A_2759, %swap3A_2760], %slice3A_2758 {strides = array<i32>} : memref<3000x128xf32, #tpu.memory_space<vmem>>, vector<8x128xf32>,
    %slice3A_2762 = vector.extract_strided_slice %dot_general3A_2741 {offsets = [40, 0], sizes = [8, 128], strides = [1, 1]} : vector<128x128xf32> to vector<8x128xf32>
    %swap3A_2763 = arith.constant 1160 : index
    %swap3A_2764 = arith.constant 0 : index
    %swap3A_2765 = vector.load %arg12[%swap3A_2763, %swap3A_2764] : memref<3000x128xf32, #tpu.memory_space<vmem>>, vector<8x128xf32>
    tpu.vector_store %arg12[%swap3A_2763, %swap3A_2764], %slice3A_2762 {strides = array<i32>} : memref<3000x128xf32, #tpu.memory_space<vmem>>, vector<8x128xf32>,
    %slice3A_2766 = vector.extract_strided_slice %dot_general3A_2741 {offsets = [48, 0], sizes = [8, 128], strides = [1, 1]} : vector<128x128xf32> to vector<8x128xf32>
    %swap3A_2767 = arith.constant 1360 : index
    %swap3A_2768 = arith.constant 0 : index
    %swap3A_2769 = vector.load %arg12[%swap3A_2767, %swap3A_2768] : memref<3000x128xf32, #tpu.memory_space<vmem>>, vector<8x128xf32>
    tpu.vector_store %arg12[%swap3A_2767, %swap3A_2768], %slice3A_2766 {strides = array<i32>} : memref<3000x128xf32, #tpu.memory_space<vmem>>, vector<8x128xf32>,
    %slice3A_2770 = vector.extract_strided_slice %dot_general3A_2741 {offsets = [56, 0], sizes = [8, 128], strides = [1, 1]} : vector<128x128xf32> to vector<8x128xf32>
    %swap3A_2771 = arith.constant 1560 : index
    %swap3A_2772 = arith.constant 0 : index
    %swap3A_2773 = vector.load %arg12[%swap3A_2771, %swap3A_2772] : memref<3000x128xf32, #tpu.memory_space<vmem>>, vector<8x128xf32>
    tpu.vector_store %arg12[%swap3A_2771, %swap3A_2772], %slice3A_2770 {strides = array<i32>} : memref<3000x128xf32, #tpu.memory_space<vmem>>, vector<8x128xf32>,
    %slice3A_2774 = vector.extract_strided_slice %dot_general3A_2741 {offsets = [64, 0], sizes = [8, 128], strides = [1, 1]} : vector<128x128xf32> to vector<8x128xf32>
    %swap3A_2775 = arith.constant 1760 : index
    %swap3A_2776 = arith.constant 0 : index
    %swap3A_2777 = vector.load %arg12[%swap3A_2775, %swap3A_2776] : memref<3000x128xf32, #tpu.memory_space<vmem>>, vector<8x128xf32>
    tpu.vector_store %arg12[%swap3A_2775, %swap3A_2776], %slice3A_2774 {strides = array<i32>} : memref<3000x128xf32, #tpu.memory_space<vmem>>, vector<8x128xf32>,
    %slice3A_2778 = vector.extract_strided_slice %dot_general3A_2741 {offsets = [72, 0], sizes = [8, 128], strides = [1, 1]} : vector<128x128xf32> to vector<8x128xf32>
    %swap3A_2779 = arith.constant 1960 : index
    %swap3A_2780 = arith.constant 0 : index
    %swap3A_2781 = vector.load %arg12[%swap3A_2779, %swap3A_2780] : memref<3000x128xf32, #tpu.memory_space<vmem>>, vector<8x128xf32>
    tpu.vector_store %arg12[%swap3A_2779, %swap3A_2780], %slice3A_2778 {strides = array<i32>} : memref<3000x128xf32, #tpu.memory_space<vmem>>, vector<8x128xf32>,
    %slice3A_2782 = vector.extract_strided_slice %dot_general3A_2741 {offsets = [80, 0], sizes = [8, 128], strides = [1, 1]} : vector<128x128xf32> to vector<8x128xf32>
    %swap3A_2783 = arith.constant 2160 : index
    %swap3A_2784 = arith.constant 0 : index
    %swap3A_2785 = vector.load %arg12[%swap3A_2783, %swap3A_2784] : memref<3000x128xf32, #tpu.memory_space<vmem>>, vector<8x128xf32>
    tpu.vector_store %arg12[%swap3A_2783, %swap3A_2784], %slice3A_2782 {strides = array<i32>} : memref<3000x128xf32, #tpu.memory_space<vmem>>, vector<8x128xf32>,
    %slice3A_2786 = vector.extract_strided_slice %dot_general3A_2741 {offsets = [88, 0], sizes = [8, 128], strides = [1, 1]} : vector<128x128xf32> to vector<8x128xf32>
    %swap3A_2787 = arith.constant 2360 : index
    %swap3A_2788 = arith.constant 0 : index
    %swap3A_2789 = vector.load %arg12[%swap3A_2787, %swap3A_2788] : memref<3000x128xf32, #tpu.memory_space<vmem>>, vector<8x128xf32>
    tpu.vector_store %arg12[%swap3A_2787, %swap3A_2788], %slice3A_2786 {strides = array<i32>} : memref<3000x128xf32, #tpu.memory_space<vmem>>, vector<8x128xf32>,
    %slice3A_2790 = vector.extract_strided_slice %dot_general3A_2741 {offsets = [96, 0], sizes = [8, 128], strides = [1, 1]} : vector<128x128xf32> to vector<8x128xf32>
    %swap3A_2791 = arith.constant 2560 : index
    %swap3A_2792 = arith.constant 0 : index
    %swap3A_2793 = vector.load %arg12[%swap3A_2791, %swap3A_2792] : memref<3000x128xf32, #tpu.memory_space<vmem>>, vector<8x128xf32>
    tpu.vector_store %arg12[%swap3A_2791, %swap3A_2792], %slice3A_2790 {strides = array<i32>} : memref<3000x128xf32, #tpu.memory_space<vmem>>, vector<8x128xf32>,
    %slice3A_2794 = vector.extract_strided_slice %dot_general3A_2741 {offsets = [104, 0], sizes = [8, 128], strides = [1, 1]} : vector<128x128xf32> to vector<8x128xf32>
    %swap3A_2795 = arith.constant 2760 : index
    %swap3A_2796 = arith.constant 0 : index
    %swap3A_2797 = vector.load %arg12[%swap3A_2795, %swap3A_2796] : memref<3000x128xf32, #tpu.memory_space<vmem>>, vector<8x128xf32>
    tpu.vector_store %arg12[%swap3A_2795, %swap3A_2796], %slice3A_2794 {strides = array<i32>} : memref<3000x128xf32, #tpu.memory_space<vmem>>, vector<8x128xf32>,
    %slice3A_2798 = vector.extract_strided_slice %dot_general3A_2741 {offsets = [112, 0], sizes = [8, 128], strides = [1, 1]} : vector<128x128xf32> to vector<8x128xf32>
    %swap3A_2799 = arith.constant 2960 : index
    %swap3A_2800 = arith.constant 0 : index
    %swap3A_2801 = vector.load %arg12[%swap3A_2799, %swap3A_2800] : memref<3000x128xf32, #tpu.memory_space<vmem>>, vector<8x128xf32>
    tpu.vector_store %arg12[%swap3A_2799, %swap3A_2800], %slice3A_2798 {strides = array<i32>} : memref<3000x128xf32, #tpu.memory_space<vmem>>, vector<8x128xf32>,
    %get3A_2802 = arith.constant 0 : index
    %get3A_2803 = arith.constant 21 : index
    %get3A_2804 = arith.constant 0 : index
    %get3A_2805 = vector.load %arg2[%get3A_2802, %get3A_2803, %get3A_2804] : memref<1x25x256xf32, #tpu.memory_space<vmem>>, vector<1x1x256xf32>
    %get3A_2806 = vector.shape_cast %get3A_2805 : vector<1x1x256xf32> to vector<1x256xf32>
    %get3A_2807 = arith.constant 0 : index
    %get3A_2808 = arith.constant 21 : index
    %get3A_2809 = arith.constant 0 : index
    %get3A_2810 = vector.load %arg5[%get3A_2807, %get3A_2808, %get3A_2809] : memref<1x25x256xf32, #tpu.memory_space<vmem>>, vector<1x1x256xf32>
    %get3A_2811 = vector.shape_cast %get3A_2810 : vector<1x1x256xf32> to vector<1x256xf32>
    %sub3A_2812 = arith.subf %get3A_2806, %get3A_2811 : vector<1x256xf32>
    %get3A_2813 = arith.constant 0 : index
    %get3A_2814 = arith.constant 21 : index
    %get3A_2815 = arith.constant 0 : index
    %get3A_2816 = vector.load %arg3[%get3A_2813, %get3A_2814, %get3A_2815] : memref<1x25x256xf32, #tpu.memory_space<vmem>>, vector<1x1x256xf32>
    %get3A_2817 = vector.shape_cast %get3A_2816 : vector<1x1x256xf32> to vector<1x256xf32>
    %get3A_2818 = arith.constant 0 : index
    %get3A_2819 = arith.constant 21 : index
    %get3A_2820 = arith.constant 0 : index
    %get3A_2821 = vector.load %arg6[%get3A_2818, %get3A_2819, %get3A_2820] : memref<1x25x256xf32, #tpu.memory_space<vmem>>, vector<1x1x256xf32>
    %get3A_2822 = vector.shape_cast %get3A_2821 : vector<1x1x256xf32> to vector<1x256xf32>
    %sub3A_2823 = arith.subf %get3A_2817, %get3A_2822 : vector<1x256xf32>
    %get3A_2824 = arith.constant 0 : index
    %get3A_2825 = arith.constant 21 : index
    %get3A_2826 = arith.constant 0 : index
    %get3A_2827 = vector.load %arg4[%get3A_2824, %get3A_2825, %get3A_2826] : memref<1x25x256xf32, #tpu.memory_space<vmem>>, vector<1x1x256xf32>
    %get3A_2828 = vector.shape_cast %get3A_2827 : vector<1x1x256xf32> to vector<1x256xf32>
    %get3A_2829 = arith.constant 0 : index
    %get3A_2830 = arith.constant 21 : index
    %get3A_2831 = arith.constant 0 : index
    %get3A_2832 = vector.load %arg7[%get3A_2829, %get3A_2830, %get3A_2831] : memref<1x25x256xf32, #tpu.memory_space<vmem>>, vector<1x1x256xf32>
    %get3A_2833 = vector.shape_cast %get3A_2832 : vector<1x1x256xf32> to vector<1x256xf32>
    %sub3A_2834 = arith.subf %get3A_2828, %get3A_2833 : vector<1x256xf32>
    %broadcast_in_dim3A_2835 = vector.shape_cast %sub3A_2812 : vector<1x256xf32> to vector<1x256xf32>
    %broadcast_in_dim3A_2836 = vector.broadcast %broadcast_in_dim3A_2835 : vector<1x256xf32> to vector<16x256xf32>
    %sub3A_2837 = arith.subf %broadcast_in_dim3A_2836, %broadcast_in_dim3A_2 : vector<16x256xf32>
    %broadcast_in_dim3A_2838 = vector.shape_cast %sub3A_2823 : vector<1x256xf32> to vector<1x256xf32>
    %broadcast_in_dim3A_2839 = vector.broadcast %broadcast_in_dim3A_2838 : vector<1x256xf32> to vector<16x256xf32>
    %sub3A_2840 = arith.subf %broadcast_in_dim3A_2839, %broadcast_in_dim3A_7 : vector<16x256xf32>
    %broadcast_in_dim3A_2841 = vector.shape_cast %sub3A_2834 : vector<1x256xf32> to vector<1x256xf32>
    %broadcast_in_dim3A_2842 = vector.broadcast %broadcast_in_dim3A_2841 : vector<1x256xf32> to vector<16x256xf32>
    %sub3A_2843 = arith.subf %broadcast_in_dim3A_2842, %broadcast_in_dim3A_12 : vector<16x256xf32>
    %mul3A_2844 = arith.mulf %sub3A_2837, %sub3A_2837 : vector<16x256xf32>
    %mul3A_2845 = arith.mulf %sub3A_2840, %sub3A_2840 : vector<16x256xf32>
    %add3A_2846 = arith.addf %mul3A_2844, %mul3A_2845 : vector<16x256xf32>
    %mul3A_2847 = arith.mulf %sub3A_2843, %sub3A_2843 : vector<16x256xf32>
    %add3A_2848 = arith.addf %add3A_2846, %mul3A_2847 : vector<16x256xf32>
    %add3A_2849 = arith.constant 9.99999996E-13 : f32
    %add3A_2850 = vector.broadcast %add3A_2849 : f32 to vector<16x256xf32>
    %add3A_2851 = arith.addf %add3A_2848, %add3A_2850 : vector<16x256xf32>
    %rsqrt3A_2852 = math.rsqrt %add3A_2851 : vector<16x256xf32>
    %mul3A_2853 = arith.mulf %add3A_2848, %rsqrt3A_2852 : vector<16x256xf32>
    %mul3A_2854 = arith.constant 5.000000e-01 : f32
    %mul3A_2855 = vector.broadcast %mul3A_2854 : f32 to vector<16x256xf32>
    %mul3A_2856 = arith.mulf %mul3A_2853, %mul3A_2855 : vector<16x256xf32>
    %sub3A_2857 = arith.constant 1.000000e+00 : f32
    %sub3A_2858 = vector.broadcast %sub3A_2857 : f32 to vector<16x256xf32>
    %sub3A_2859 = arith.subf %sub3A_2858, %mul3A_2856 : vector<16x256xf32>
    %max3A_2860 = arith.constant 0.000000e+00 : f32
    %max3A_2861 = vector.broadcast %max3A_2860 : f32 to vector<16x256xf32>
    %max3A_2862 = arith.maximumf %sub3A_2859, %max3A_2861 : vector<16x256xf32>
    %reshape3A_2863 = vector.shape_cast %max3A_2862 : vector<16x256xf32> to vector<16x1x256xf32>
    %broadcast_in_dim3A_2864 = vector.shape_cast %reshape3A_2863 : vector<16x1x256xf32> to vector<16x1x256xf32>
    %broadcast_in_dim3A_2865 = vector.broadcast %broadcast_in_dim3A_2864 : vector<16x1x256xf32> to vector<16x8x256xf32>
    %reshape3A_2866 = vector.shape_cast %broadcast_in_dim3A_2865 : vector<16x8x256xf32> to vector<128x256xf32>
    %mul3A_2867 = arith.mulf %reshape3A_2866, %convert_element_type3A_57 : vector<128x256xf32>
    %get3A_2868 = arith.constant 5376 : index
    %get3A_2869 = arith.constant 0 : index
    %get3A_2870 = vector.load %arg1[%get3A_2868, %get3A_2869] : memref<6400x128xf32, #tpu.memory_space<vmem>>, vector<256x128xf32>
    %dot_general3A_2871 = arith.constant dense<0.000000e+00> : vector<128x128xf32>
    %dot_general3A_2872 = tpu.matmul %mul3A_2867, %get3A_2870, %dot_general3A_2871 {dimension_numbers = #tpu.dot_dimension_numbers<[1], [0], [0], [1], [0, 0, 1, 1], [], []>, transpose_lhs_hint = false} : vector<128x256xf32>, vector<256x128xf32>, vector<128x128xf32> -> vector<128x128xf32>
    %slice3A_2873 = vector.extract_strided_slice %dot_general3A_2872 {offsets = [0, 0], sizes = [8, 128], strides = [1, 1]} : vector<128x128xf32> to vector<8x128xf32>
    %swap3A_2874 = arith.constant 168 : index
    %swap3A_2875 = arith.constant 0 : index
    %swap3A_2876 = vector.load %arg12[%swap3A_2874, %swap3A_2875] : memref<3000x128xf32, #tpu.memory_space<vmem>>, vector<8x128xf32>
    tpu.vector_store %arg12[%swap3A_2874, %swap3A_2875], %slice3A_2873 {strides = array<i32>} : memref<3000x128xf32, #tpu.memory_space<vmem>>, vector<8x128xf32>,
    %slice3A_2877 = vector.extract_strided_slice %dot_general3A_2872 {offsets = [8, 0], sizes = [8, 128], strides = [1, 1]} : vector<128x128xf32> to vector<8x128xf32>
    %swap3A_2878 = arith.constant 368 : index
    %swap3A_2879 = arith.constant 0 : index
    %swap3A_2880 = vector.load %arg12[%swap3A_2878, %swap3A_2879] : memref<3000x128xf32, #tpu.memory_space<vmem>>, vector<8x128xf32>
    tpu.vector_store %arg12[%swap3A_2878, %swap3A_2879], %slice3A_2877 {strides = array<i32>} : memref<3000x128xf32, #tpu.memory_space<vmem>>, vector<8x128xf32>,
    %slice3A_2881 = vector.extract_strided_slice %dot_general3A_2872 {offsets = [16, 0], sizes = [8, 128], strides = [1, 1]} : vector<128x128xf32> to vector<8x128xf32>
    %swap3A_2882 = arith.constant 568 : index
    %swap3A_2883 = arith.constant 0 : index
    %swap3A_2884 = vector.load %arg12[%swap3A_2882, %swap3A_2883] : memref<3000x128xf32, #tpu.memory_space<vmem>>, vector<8x128xf32>
    tpu.vector_store %arg12[%swap3A_2882, %swap3A_2883], %slice3A_2881 {strides = array<i32>} : memref<3000x128xf32, #tpu.memory_space<vmem>>, vector<8x128xf32>,
    %slice3A_2885 = vector.extract_strided_slice %dot_general3A_2872 {offsets = [24, 0], sizes = [8, 128], strides = [1, 1]} : vector<128x128xf32> to vector<8x128xf32>
    %swap3A_2886 = arith.constant 768 : index
    %swap3A_2887 = arith.constant 0 : index
    %swap3A_2888 = vector.load %arg12[%swap3A_2886, %swap3A_2887] : memref<3000x128xf32, #tpu.memory_space<vmem>>, vector<8x128xf32>
    tpu.vector_store %arg12[%swap3A_2886, %swap3A_2887], %slice3A_2885 {strides = array<i32>} : memref<3000x128xf32, #tpu.memory_space<vmem>>, vector<8x128xf32>,
    %slice3A_2889 = vector.extract_strided_slice %dot_general3A_2872 {offsets = [32, 0], sizes = [8, 128], strides = [1, 1]} : vector<128x128xf32> to vector<8x128xf32>
    %swap3A_2890 = arith.constant 968 : index
    %swap3A_2891 = arith.constant 0 : index
    %swap3A_2892 = vector.load %arg12[%swap3A_2890, %swap3A_2891] : memref<3000x128xf32, #tpu.memory_space<vmem>>, vector<8x128xf32>
    tpu.vector_store %arg12[%swap3A_2890, %swap3A_2891], %slice3A_2889 {strides = array<i32>} : memref<3000x128xf32, #tpu.memory_space<vmem>>, vector<8x128xf32>,
    %slice3A_2893 = vector.extract_strided_slice %dot_general3A_2872 {offsets = [40, 0], sizes = [8, 128], strides = [1, 1]} : vector<128x128xf32> to vector<8x128xf32>
    %swap3A_2894 = arith.constant 1168 : index
    %swap3A_2895 = arith.constant 0 : index
    %swap3A_2896 = vector.load %arg12[%swap3A_2894, %swap3A_2895] : memref<3000x128xf32, #tpu.memory_space<vmem>>, vector<8x128xf32>
    tpu.vector_store %arg12[%swap3A_2894, %swap3A_2895], %slice3A_2893 {strides = array<i32>} : memref<3000x128xf32, #tpu.memory_space<vmem>>, vector<8x128xf32>,
    %slice3A_2897 = vector.extract_strided_slice %dot_general3A_2872 {offsets = [48, 0], sizes = [8, 128], strides = [1, 1]} : vector<128x128xf32> to vector<8x128xf32>
    %swap3A_2898 = arith.constant 1368 : index
    %swap3A_2899 = arith.constant 0 : index
    %swap3A_2900 = vector.load %arg12[%swap3A_2898, %swap3A_2899] : memref<3000x128xf32, #tpu.memory_space<vmem>>, vector<8x128xf32>
    tpu.vector_store %arg12[%swap3A_2898, %swap3A_2899], %slice3A_2897 {strides = array<i32>} : memref<3000x128xf32, #tpu.memory_space<vmem>>, vector<8x128xf32>,
    %slice3A_2901 = vector.extract_strided_slice %dot_general3A_2872 {offsets = [56, 0], sizes = [8, 128], strides = [1, 1]} : vector<128x128xf32> to vector<8x128xf32>
    %swap3A_2902 = arith.constant 1568 : index
    %swap3A_2903 = arith.constant 0 : index
    %swap3A_2904 = vector.load %arg12[%swap3A_2902, %swap3A_2903] : memref<3000x128xf32, #tpu.memory_space<vmem>>, vector<8x128xf32>
    tpu.vector_store %arg12[%swap3A_2902, %swap3A_2903], %slice3A_2901 {strides = array<i32>} : memref<3000x128xf32, #tpu.memory_space<vmem>>, vector<8x128xf32>,
    %slice3A_2905 = vector.extract_strided_slice %dot_general3A_2872 {offsets = [64, 0], sizes = [8, 128], strides = [1, 1]} : vector<128x128xf32> to vector<8x128xf32>
    %swap3A_2906 = arith.constant 1768 : index
    %swap3A_2907 = arith.constant 0 : index
    %swap3A_2908 = vector.load %arg12[%swap3A_2906, %swap3A_2907] : memref<3000x128xf32, #tpu.memory_space<vmem>>, vector<8x128xf32>
    tpu.vector_store %arg12[%swap3A_2906, %swap3A_2907], %slice3A_2905 {strides = array<i32>} : memref<3000x128xf32, #tpu.memory_space<vmem>>, vector<8x128xf32>,
    %slice3A_2909 = vector.extract_strided_slice %dot_general3A_2872 {offsets = [72, 0], sizes = [8, 128], strides = [1, 1]} : vector<128x128xf32> to vector<8x128xf32>
    %swap3A_2910 = arith.constant 1968 : index
    %swap3A_2911 = arith.constant 0 : index
    %swap3A_2912 = vector.load %arg12[%swap3A_2910, %swap3A_2911] : memref<3000x128xf32, #tpu.memory_space<vmem>>, vector<8x128xf32>
    tpu.vector_store %arg12[%swap3A_2910, %swap3A_2911], %slice3A_2909 {strides = array<i32>} : memref<3000x128xf32, #tpu.memory_space<vmem>>, vector<8x128xf32>,
    %slice3A_2913 = vector.extract_strided_slice %dot_general3A_2872 {offsets = [80, 0], sizes = [8, 128], strides = [1, 1]} : vector<128x128xf32> to vector<8x128xf32>
    %swap3A_2914 = arith.constant 2168 : index
    %swap3A_2915 = arith.constant 0 : index
    %swap3A_2916 = vector.load %arg12[%swap3A_2914, %swap3A_2915] : memref<3000x128xf32, #tpu.memory_space<vmem>>, vector<8x128xf32>
    tpu.vector_store %arg12[%swap3A_2914, %swap3A_2915], %slice3A_2913 {strides = array<i32>} : memref<3000x128xf32, #tpu.memory_space<vmem>>, vector<8x128xf32>,
    %slice3A_2917 = vector.extract_strided_slice %dot_general3A_2872 {offsets = [88, 0], sizes = [8, 128], strides = [1, 1]} : vector<128x128xf32> to vector<8x128xf32>
    %swap3A_2918 = arith.constant 2368 : index
    %swap3A_2919 = arith.constant 0 : index
    %swap3A_2920 = vector.load %arg12[%swap3A_2918, %swap3A_2919] : memref<3000x128xf32, #tpu.memory_space<vmem>>, vector<8x128xf32>
    tpu.vector_store %arg12[%swap3A_2918, %swap3A_2919], %slice3A_2917 {strides = array<i32>} : memref<3000x128xf32, #tpu.memory_space<vmem>>, vector<8x128xf32>,
    %slice3A_2921 = vector.extract_strided_slice %dot_general3A_2872 {offsets = [96, 0], sizes = [8, 128], strides = [1, 1]} : vector<128x128xf32> to vector<8x128xf32>
    %swap3A_2922 = arith.constant 2568 : index
    %swap3A_2923 = arith.constant 0 : index
    %swap3A_2924 = vector.load %arg12[%swap3A_2922, %swap3A_2923] : memref<3000x128xf32, #tpu.memory_space<vmem>>, vector<8x128xf32>
    tpu.vector_store %arg12[%swap3A_2922, %swap3A_2923], %slice3A_2921 {strides = array<i32>} : memref<3000x128xf32, #tpu.memory_space<vmem>>, vector<8x128xf32>,
    %slice3A_2925 = vector.extract_strided_slice %dot_general3A_2872 {offsets = [104, 0], sizes = [8, 128], strides = [1, 1]} : vector<128x128xf32> to vector<8x128xf32>
    %swap3A_2926 = arith.constant 2768 : index
    %swap3A_2927 = arith.constant 0 : index
    %swap3A_2928 = vector.load %arg12[%swap3A_2926, %swap3A_2927] : memref<3000x128xf32, #tpu.memory_space<vmem>>, vector<8x128xf32>
    tpu.vector_store %arg12[%swap3A_2926, %swap3A_2927], %slice3A_2925 {strides = array<i32>} : memref<3000x128xf32, #tpu.memory_space<vmem>>, vector<8x128xf32>,
    %slice3A_2929 = vector.extract_strided_slice %dot_general3A_2872 {offsets = [112, 0], sizes = [8, 128], strides = [1, 1]} : vector<128x128xf32> to vector<8x128xf32>
    %swap3A_2930 = arith.constant 2968 : index
    %swap3A_2931 = arith.constant 0 : index
    %swap3A_2932 = vector.load %arg12[%swap3A_2930, %swap3A_2931] : memref<3000x128xf32, #tpu.memory_space<vmem>>, vector<8x128xf32>
    tpu.vector_store %arg12[%swap3A_2930, %swap3A_2931], %slice3A_2929 {strides = array<i32>} : memref<3000x128xf32, #tpu.memory_space<vmem>>, vector<8x128xf32>,
    %get3A_2933 = arith.constant 0 : index
    %get3A_2934 = arith.constant 22 : index
    %get3A_2935 = arith.constant 0 : index
    %get3A_2936 = vector.load %arg2[%get3A_2933, %get3A_2934, %get3A_2935] : memref<1x25x256xf32, #tpu.memory_space<vmem>>, vector<1x1x256xf32>
    %get3A_2937 = vector.shape_cast %get3A_2936 : vector<1x1x256xf32> to vector<1x256xf32>
    %get3A_2938 = arith.constant 0 : index
    %get3A_2939 = arith.constant 22 : index
    %get3A_2940 = arith.constant 0 : index
    %get3A_2941 = vector.load %arg5[%get3A_2938, %get3A_2939, %get3A_2940] : memref<1x25x256xf32, #tpu.memory_space<vmem>>, vector<1x1x256xf32>
    %get3A_2942 = vector.shape_cast %get3A_2941 : vector<1x1x256xf32> to vector<1x256xf32>
    %sub3A_2943 = arith.subf %get3A_2937, %get3A_2942 : vector<1x256xf32>
    %get3A_2944 = arith.constant 0 : index
    %get3A_2945 = arith.constant 22 : index
    %get3A_2946 = arith.constant 0 : index
    %get3A_2947 = vector.load %arg3[%get3A_2944, %get3A_2945, %get3A_2946] : memref<1x25x256xf32, #tpu.memory_space<vmem>>, vector<1x1x256xf32>
    %get3A_2948 = vector.shape_cast %get3A_2947 : vector<1x1x256xf32> to vector<1x256xf32>
    %get3A_2949 = arith.constant 0 : index
    %get3A_2950 = arith.constant 22 : index
    %get3A_2951 = arith.constant 0 : index
    %get3A_2952 = vector.load %arg6[%get3A_2949, %get3A_2950, %get3A_2951] : memref<1x25x256xf32, #tpu.memory_space<vmem>>, vector<1x1x256xf32>
    %get3A_2953 = vector.shape_cast %get3A_2952 : vector<1x1x256xf32> to vector<1x256xf32>
    %sub3A_2954 = arith.subf %get3A_2948, %get3A_2953 : vector<1x256xf32>
    %get3A_2955 = arith.constant 0 : index
    %get3A_2956 = arith.constant 22 : index
    %get3A_2957 = arith.constant 0 : index
    %get3A_2958 = vector.load %arg4[%get3A_2955, %get3A_2956, %get3A_2957] : memref<1x25x256xf32, #tpu.memory_space<vmem>>, vector<1x1x256xf32>
    %get3A_2959 = vector.shape_cast %get3A_2958 : vector<1x1x256xf32> to vector<1x256xf32>
    %get3A_2960 = arith.constant 0 : index
    %get3A_2961 = arith.constant 22 : index
    %get3A_2962 = arith.constant 0 : index
    %get3A_2963 = vector.load %arg7[%get3A_2960, %get3A_2961, %get3A_2962] : memref<1x25x256xf32, #tpu.memory_space<vmem>>, vector<1x1x256xf32>
    %get3A_2964 = vector.shape_cast %get3A_2963 : vector<1x1x256xf32> to vector<1x256xf32>
    %sub3A_2965 = arith.subf %get3A_2959, %get3A_2964 : vector<1x256xf32>
    %broadcast_in_dim3A_2966 = vector.shape_cast %sub3A_2943 : vector<1x256xf32> to vector<1x256xf32>
    %broadcast_in_dim3A_2967 = vector.broadcast %broadcast_in_dim3A_2966 : vector<1x256xf32> to vector<16x256xf32>
    %sub3A_2968 = arith.subf %broadcast_in_dim3A_2967, %broadcast_in_dim3A_2 : vector<16x256xf32>
    %broadcast_in_dim3A_2969 = vector.shape_cast %sub3A_2954 : vector<1x256xf32> to vector<1x256xf32>
    %broadcast_in_dim3A_2970 = vector.broadcast %broadcast_in_dim3A_2969 : vector<1x256xf32> to vector<16x256xf32>
    %sub3A_2971 = arith.subf %broadcast_in_dim3A_2970, %broadcast_in_dim3A_7 : vector<16x256xf32>
    %broadcast_in_dim3A_2972 = vector.shape_cast %sub3A_2965 : vector<1x256xf32> to vector<1x256xf32>
    %broadcast_in_dim3A_2973 = vector.broadcast %broadcast_in_dim3A_2972 : vector<1x256xf32> to vector<16x256xf32>
    %sub3A_2974 = arith.subf %broadcast_in_dim3A_2973, %broadcast_in_dim3A_12 : vector<16x256xf32>
    %mul3A_2975 = arith.mulf %sub3A_2968, %sub3A_2968 : vector<16x256xf32>
    %mul3A_2976 = arith.mulf %sub3A_2971, %sub3A_2971 : vector<16x256xf32>
    %add3A_2977 = arith.addf %mul3A_2975, %mul3A_2976 : vector<16x256xf32>
    %mul3A_2978 = arith.mulf %sub3A_2974, %sub3A_2974 : vector<16x256xf32>
    %add3A_2979 = arith.addf %add3A_2977, %mul3A_2978 : vector<16x256xf32>
    %add3A_2980 = arith.constant 9.99999996E-13 : f32
    %add3A_2981 = vector.broadcast %add3A_2980 : f32 to vector<16x256xf32>
    %add3A_2982 = arith.addf %add3A_2979, %add3A_2981 : vector<16x256xf32>
    %rsqrt3A_2983 = math.rsqrt %add3A_2982 : vector<16x256xf32>
    %mul3A_2984 = arith.mulf %add3A_2979, %rsqrt3A_2983 : vector<16x256xf32>
    %mul3A_2985 = arith.constant 5.000000e-01 : f32
    %mul3A_2986 = vector.broadcast %mul3A_2985 : f32 to vector<16x256xf32>
    %mul3A_2987 = arith.mulf %mul3A_2984, %mul3A_2986 : vector<16x256xf32>
    %sub3A_2988 = arith.constant 1.000000e+00 : f32
    %sub3A_2989 = vector.broadcast %sub3A_2988 : f32 to vector<16x256xf32>
    %sub3A_2990 = arith.subf %sub3A_2989, %mul3A_2987 : vector<16x256xf32>
    %max3A_2991 = arith.constant 0.000000e+00 : f32
    %max3A_2992 = vector.broadcast %max3A_2991 : f32 to vector<16x256xf32>
    %max3A_2993 = arith.maximumf %sub3A_2990, %max3A_2992 : vector<16x256xf32>
    %reshape3A_2994 = vector.shape_cast %max3A_2993 : vector<16x256xf32> to vector<16x1x256xf32>
    %broadcast_in_dim3A_2995 = vector.shape_cast %reshape3A_2994 : vector<16x1x256xf32> to vector<16x1x256xf32>
    %broadcast_in_dim3A_2996 = vector.broadcast %broadcast_in_dim3A_2995 : vector<16x1x256xf32> to vector<16x8x256xf32>
    %reshape3A_2997 = vector.shape_cast %broadcast_in_dim3A_2996 : vector<16x8x256xf32> to vector<128x256xf32>
    %mul3A_2998 = arith.mulf %reshape3A_2997, %convert_element_type3A_57 : vector<128x256xf32>
    %get3A_2999 = arith.constant 5632 : index
    %get3A_3000 = arith.constant 0 : index
    %get3A_3001 = vector.load %arg1[%get3A_2999, %get3A_3000] : memref<6400x128xf32, #tpu.memory_space<vmem>>, vector<256x128xf32>
    %dot_general3A_3002 = arith.constant dense<0.000000e+00> : vector<128x128xf32>
    %dot_general3A_3003 = tpu.matmul %mul3A_2998, %get3A_3001, %dot_general3A_3002 {dimension_numbers = #tpu.dot_dimension_numbers<[1], [0], [0], [1], [0, 0, 1, 1], [], []>, transpose_lhs_hint = false} : vector<128x256xf32>, vector<256x128xf32>, vector<128x128xf32> -> vector<128x128xf32>
    %slice3A_3004 = vector.extract_strided_slice %dot_general3A_3003 {offsets = [0, 0], sizes = [8, 128], strides = [1, 1]} : vector<128x128xf32> to vector<8x128xf32>
    %swap3A_3005 = arith.constant 176 : index
    %swap3A_3006 = arith.constant 0 : index
    %swap3A_3007 = vector.load %arg12[%swap3A_3005, %swap3A_3006] : memref<3000x128xf32, #tpu.memory_space<vmem>>, vector<8x128xf32>
    tpu.vector_store %arg12[%swap3A_3005, %swap3A_3006], %slice3A_3004 {strides = array<i32>} : memref<3000x128xf32, #tpu.memory_space<vmem>>, vector<8x128xf32>,
    %slice3A_3008 = vector.extract_strided_slice %dot_general3A_3003 {offsets = [8, 0], sizes = [8, 128], strides = [1, 1]} : vector<128x128xf32> to vector<8x128xf32>
    %swap3A_3009 = arith.constant 376 : index
    %swap3A_3010 = arith.constant 0 : index
    %swap3A_3011 = vector.load %arg12[%swap3A_3009, %swap3A_3010] : memref<3000x128xf32, #tpu.memory_space<vmem>>, vector<8x128xf32>
    tpu.vector_store %arg12[%swap3A_3009, %swap3A_3010], %slice3A_3008 {strides = array<i32>} : memref<3000x128xf32, #tpu.memory_space<vmem>>, vector<8x128xf32>,
    %slice3A_3012 = vector.extract_strided_slice %dot_general3A_3003 {offsets = [16, 0], sizes = [8, 128], strides = [1, 1]} : vector<128x128xf32> to vector<8x128xf32>
    %swap3A_3013 = arith.constant 576 : index
    %swap3A_3014 = arith.constant 0 : index
    %swap3A_3015 = vector.load %arg12[%swap3A_3013, %swap3A_3014] : memref<3000x128xf32, #tpu.memory_space<vmem>>, vector<8x128xf32>
    tpu.vector_store %arg12[%swap3A_3013, %swap3A_3014], %slice3A_3012 {strides = array<i32>} : memref<3000x128xf32, #tpu.memory_space<vmem>>, vector<8x128xf32>,
    %slice3A_3016 = vector.extract_strided_slice %dot_general3A_3003 {offsets = [24, 0], sizes = [8, 128], strides = [1, 1]} : vector<128x128xf32> to vector<8x128xf32>
    %swap3A_3017 = arith.constant 776 : index
    %swap3A_3018 = arith.constant 0 : index
    %swap3A_3019 = vector.load %arg12[%swap3A_3017, %swap3A_3018] : memref<3000x128xf32, #tpu.memory_space<vmem>>, vector<8x128xf32>
    tpu.vector_store %arg12[%swap3A_3017, %swap3A_3018], %slice3A_3016 {strides = array<i32>} : memref<3000x128xf32, #tpu.memory_space<vmem>>, vector<8x128xf32>,
    %slice3A_3020 = vector.extract_strided_slice %dot_general3A_3003 {offsets = [32, 0], sizes = [8, 128], strides = [1, 1]} : vector<128x128xf32> to vector<8x128xf32>
    %swap3A_3021 = arith.constant 976 : index
    %swap3A_3022 = arith.constant 0 : index
    %swap3A_3023 = vector.load %arg12[%swap3A_3021, %swap3A_3022] : memref<3000x128xf32, #tpu.memory_space<vmem>>, vector<8x128xf32>
    tpu.vector_store %arg12[%swap3A_3021, %swap3A_3022], %slice3A_3020 {strides = array<i32>} : memref<3000x128xf32, #tpu.memory_space<vmem>>, vector<8x128xf32>,
    %slice3A_3024 = vector.extract_strided_slice %dot_general3A_3003 {offsets = [40, 0], sizes = [8, 128], strides = [1, 1]} : vector<128x128xf32> to vector<8x128xf32>
    %swap3A_3025 = arith.constant 1176 : index
    %swap3A_3026 = arith.constant 0 : index
    %swap3A_3027 = vector.load %arg12[%swap3A_3025, %swap3A_3026] : memref<3000x128xf32, #tpu.memory_space<vmem>>, vector<8x128xf32>
    tpu.vector_store %arg12[%swap3A_3025, %swap3A_3026], %slice3A_3024 {strides = array<i32>} : memref<3000x128xf32, #tpu.memory_space<vmem>>, vector<8x128xf32>,
    %slice3A_3028 = vector.extract_strided_slice %dot_general3A_3003 {offsets = [48, 0], sizes = [8, 128], strides = [1, 1]} : vector<128x128xf32> to vector<8x128xf32>
    %swap3A_3029 = arith.constant 1376 : index
    %swap3A_3030 = arith.constant 0 : index
    %swap3A_3031 = vector.load %arg12[%swap3A_3029, %swap3A_3030] : memref<3000x128xf32, #tpu.memory_space<vmem>>, vector<8x128xf32>
    tpu.vector_store %arg12[%swap3A_3029, %swap3A_3030], %slice3A_3028 {strides = array<i32>} : memref<3000x128xf32, #tpu.memory_space<vmem>>, vector<8x128xf32>,
    %slice3A_3032 = vector.extract_strided_slice %dot_general3A_3003 {offsets = [56, 0], sizes = [8, 128], strides = [1, 1]} : vector<128x128xf32> to vector<8x128xf32>
    %swap3A_3033 = arith.constant 1576 : index
    %swap3A_3034 = arith.constant 0 : index
    %swap3A_3035 = vector.load %arg12[%swap3A_3033, %swap3A_3034] : memref<3000x128xf32, #tpu.memory_space<vmem>>, vector<8x128xf32>
    tpu.vector_store %arg12[%swap3A_3033, %swap3A_3034], %slice3A_3032 {strides = array<i32>} : memref<3000x128xf32, #tpu.memory_space<vmem>>, vector<8x128xf32>,
    %slice3A_3036 = vector.extract_strided_slice %dot_general3A_3003 {offsets = [64, 0], sizes = [8, 128], strides = [1, 1]} : vector<128x128xf32> to vector<8x128xf32>
    %swap3A_3037 = arith.constant 1776 : index
    %swap3A_3038 = arith.constant 0 : index
    %swap3A_3039 = vector.load %arg12[%swap3A_3037, %swap3A_3038] : memref<3000x128xf32, #tpu.memory_space<vmem>>, vector<8x128xf32>
    tpu.vector_store %arg12[%swap3A_3037, %swap3A_3038], %slice3A_3036 {strides = array<i32>} : memref<3000x128xf32, #tpu.memory_space<vmem>>, vector<8x128xf32>,
    %slice3A_3040 = vector.extract_strided_slice %dot_general3A_3003 {offsets = [72, 0], sizes = [8, 128], strides = [1, 1]} : vector<128x128xf32> to vector<8x128xf32>
    %swap3A_3041 = arith.constant 1976 : index
    %swap3A_3042 = arith.constant 0 : index
    %swap3A_3043 = vector.load %arg12[%swap3A_3041, %swap3A_3042] : memref<3000x128xf32, #tpu.memory_space<vmem>>, vector<8x128xf32>
    tpu.vector_store %arg12[%swap3A_3041, %swap3A_3042], %slice3A_3040 {strides = array<i32>} : memref<3000x128xf32, #tpu.memory_space<vmem>>, vector<8x128xf32>,
    %slice3A_3044 = vector.extract_strided_slice %dot_general3A_3003 {offsets = [80, 0], sizes = [8, 128], strides = [1, 1]} : vector<128x128xf32> to vector<8x128xf32>
    %swap3A_3045 = arith.constant 2176 : index
    %swap3A_3046 = arith.constant 0 : index
    %swap3A_3047 = vector.load %arg12[%swap3A_3045, %swap3A_3046] : memref<3000x128xf32, #tpu.memory_space<vmem>>, vector<8x128xf32>
    tpu.vector_store %arg12[%swap3A_3045, %swap3A_3046], %slice3A_3044 {strides = array<i32>} : memref<3000x128xf32, #tpu.memory_space<vmem>>, vector<8x128xf32>,
    %slice3A_3048 = vector.extract_strided_slice %dot_general3A_3003 {offsets = [88, 0], sizes = [8, 128], strides = [1, 1]} : vector<128x128xf32> to vector<8x128xf32>
    %swap3A_3049 = arith.constant 2376 : index
    %swap3A_3050 = arith.constant 0 : index
    %swap3A_3051 = vector.load %arg12[%swap3A_3049, %swap3A_3050] : memref<3000x128xf32, #tpu.memory_space<vmem>>, vector<8x128xf32>
    tpu.vector_store %arg12[%swap3A_3049, %swap3A_3050], %slice3A_3048 {strides = array<i32>} : memref<3000x128xf32, #tpu.memory_space<vmem>>, vector<8x128xf32>,
    %slice3A_3052 = vector.extract_strided_slice %dot_general3A_3003 {offsets = [96, 0], sizes = [8, 128], strides = [1, 1]} : vector<128x128xf32> to vector<8x128xf32>
    %swap3A_3053 = arith.constant 2576 : index
    %swap3A_3054 = arith.constant 0 : index
    %swap3A_3055 = vector.load %arg12[%swap3A_3053, %swap3A_3054] : memref<3000x128xf32, #tpu.memory_space<vmem>>, vector<8x128xf32>
    tpu.vector_store %arg12[%swap3A_3053, %swap3A_3054], %slice3A_3052 {strides = array<i32>} : memref<3000x128xf32, #tpu.memory_space<vmem>>, vector<8x128xf32>,
    %slice3A_3056 = vector.extract_strided_slice %dot_general3A_3003 {offsets = [104, 0], sizes = [8, 128], strides = [1, 1]} : vector<128x128xf32> to vector<8x128xf32>
    %swap3A_3057 = arith.constant 2776 : index
    %swap3A_3058 = arith.constant 0 : index
    %swap3A_3059 = vector.load %arg12[%swap3A_3057, %swap3A_3058] : memref<3000x128xf32, #tpu.memory_space<vmem>>, vector<8x128xf32>
    tpu.vector_store %arg12[%swap3A_3057, %swap3A_3058], %slice3A_3056 {strides = array<i32>} : memref<3000x128xf32, #tpu.memory_space<vmem>>, vector<8x128xf32>,
    %slice3A_3060 = vector.extract_strided_slice %dot_general3A_3003 {offsets = [112, 0], sizes = [8, 128], strides = [1, 1]} : vector<128x128xf32> to vector<8x128xf32>
    %swap3A_3061 = arith.constant 2976 : index
    %swap3A_3062 = arith.constant 0 : index
    %swap3A_3063 = vector.load %arg12[%swap3A_3061, %swap3A_3062] : memref<3000x128xf32, #tpu.memory_space<vmem>>, vector<8x128xf32>
    tpu.vector_store %arg12[%swap3A_3061, %swap3A_3062], %slice3A_3060 {strides = array<i32>} : memref<3000x128xf32, #tpu.memory_space<vmem>>, vector<8x128xf32>,
    %get3A_3064 = arith.constant 0 : index
    %get3A_3065 = arith.constant 23 : index
    %get3A_3066 = arith.constant 0 : index
    %get3A_3067 = vector.load %arg2[%get3A_3064, %get3A_3065, %get3A_3066] : memref<1x25x256xf32, #tpu.memory_space<vmem>>, vector<1x1x256xf32>
    %get3A_3068 = vector.shape_cast %get3A_3067 : vector<1x1x256xf32> to vector<1x256xf32>
    %get3A_3069 = arith.constant 0 : index
    %get3A_3070 = arith.constant 23 : index
    %get3A_3071 = arith.constant 0 : index
    %get3A_3072 = vector.load %arg5[%get3A_3069, %get3A_3070, %get3A_3071] : memref<1x25x256xf32, #tpu.memory_space<vmem>>, vector<1x1x256xf32>
    %get3A_3073 = vector.shape_cast %get3A_3072 : vector<1x1x256xf32> to vector<1x256xf32>
    %sub3A_3074 = arith.subf %get3A_3068, %get3A_3073 : vector<1x256xf32>
    %get3A_3075 = arith.constant 0 : index
    %get3A_3076 = arith.constant 23 : index
    %get3A_3077 = arith.constant 0 : index
    %get3A_3078 = vector.load %arg3[%get3A_3075, %get3A_3076, %get3A_3077] : memref<1x25x256xf32, #tpu.memory_space<vmem>>, vector<1x1x256xf32>
    %get3A_3079 = vector.shape_cast %get3A_3078 : vector<1x1x256xf32> to vector<1x256xf32>
    %get3A_3080 = arith.constant 0 : index
    %get3A_3081 = arith.constant 23 : index
    %get3A_3082 = arith.constant 0 : index
    %get3A_3083 = vector.load %arg6[%get3A_3080, %get3A_3081, %get3A_3082] : memref<1x25x256xf32, #tpu.memory_space<vmem>>, vector<1x1x256xf32>
    %get3A_3084 = vector.shape_cast %get3A_3083 : vector<1x1x256xf32> to vector<1x256xf32>
    %sub3A_3085 = arith.subf %get3A_3079, %get3A_3084 : vector<1x256xf32>
    %get3A_3086 = arith.constant 0 : index
    %get3A_3087 = arith.constant 23 : index
    %get3A_3088 = arith.constant 0 : index
    %get3A_3089 = vector.load %arg4[%get3A_3086, %get3A_3087, %get3A_3088] : memref<1x25x256xf32, #tpu.memory_space<vmem>>, vector<1x1x256xf32>
    %get3A_3090 = vector.shape_cast %get3A_3089 : vector<1x1x256xf32> to vector<1x256xf32>
    %get3A_3091 = arith.constant 0 : index
    %get3A_3092 = arith.constant 23 : index
    %get3A_3093 = arith.constant 0 : index
    %get3A_3094 = vector.load %arg7[%get3A_3091, %get3A_3092, %get3A_3093] : memref<1x25x256xf32, #tpu.memory_space<vmem>>, vector<1x1x256xf32>
    %get3A_3095 = vector.shape_cast %get3A_3094 : vector<1x1x256xf32> to vector<1x256xf32>
    %sub3A_3096 = arith.subf %get3A_3090, %get3A_3095 : vector<1x256xf32>
    %broadcast_in_dim3A_3097 = vector.shape_cast %sub3A_3074 : vector<1x256xf32> to vector<1x256xf32>
    %broadcast_in_dim3A_3098 = vector.broadcast %broadcast_in_dim3A_3097 : vector<1x256xf32> to vector<16x256xf32>
    %sub3A_3099 = arith.subf %broadcast_in_dim3A_3098, %broadcast_in_dim3A_2 : vector<16x256xf32>
    %broadcast_in_dim3A_3100 = vector.shape_cast %sub3A_3085 : vector<1x256xf32> to vector<1x256xf32>
    %broadcast_in_dim3A_3101 = vector.broadcast %broadcast_in_dim3A_3100 : vector<1x256xf32> to vector<16x256xf32>
    %sub3A_3102 = arith.subf %broadcast_in_dim3A_3101, %broadcast_in_dim3A_7 : vector<16x256xf32>
    %broadcast_in_dim3A_3103 = vector.shape_cast %sub3A_3096 : vector<1x256xf32> to vector<1x256xf32>
    %broadcast_in_dim3A_3104 = vector.broadcast %broadcast_in_dim3A_3103 : vector<1x256xf32> to vector<16x256xf32>
    %sub3A_3105 = arith.subf %broadcast_in_dim3A_3104, %broadcast_in_dim3A_12 : vector<16x256xf32>
    %mul3A_3106 = arith.mulf %sub3A_3099, %sub3A_3099 : vector<16x256xf32>
    %mul3A_3107 = arith.mulf %sub3A_3102, %sub3A_3102 : vector<16x256xf32>
    %add3A_3108 = arith.addf %mul3A_3106, %mul3A_3107 : vector<16x256xf32>
    %mul3A_3109 = arith.mulf %sub3A_3105, %sub3A_3105 : vector<16x256xf32>
    %add3A_3110 = arith.addf %add3A_3108, %mul3A_3109 : vector<16x256xf32>
    %add3A_3111 = arith.constant 9.99999996E-13 : f32
    %add3A_3112 = vector.broadcast %add3A_3111 : f32 to vector<16x256xf32>
    %add3A_3113 = arith.addf %add3A_3110, %add3A_3112 : vector<16x256xf32>
    %rsqrt3A_3114 = math.rsqrt %add3A_3113 : vector<16x256xf32>
    %mul3A_3115 = arith.mulf %add3A_3110, %rsqrt3A_3114 : vector<16x256xf32>
    %mul3A_3116 = arith.constant 5.000000e-01 : f32
    %mul3A_3117 = vector.broadcast %mul3A_3116 : f32 to vector<16x256xf32>
    %mul3A_3118 = arith.mulf %mul3A_3115, %mul3A_3117 : vector<16x256xf32>
    %sub3A_3119 = arith.constant 1.000000e+00 : f32
    %sub3A_3120 = vector.broadcast %sub3A_3119 : f32 to vector<16x256xf32>
    %sub3A_3121 = arith.subf %sub3A_3120, %mul3A_3118 : vector<16x256xf32>
    %max3A_3122 = arith.constant 0.000000e+00 : f32
    %max3A_3123 = vector.broadcast %max3A_3122 : f32 to vector<16x256xf32>
    %max3A_3124 = arith.maximumf %sub3A_3121, %max3A_3123 : vector<16x256xf32>
    %reshape3A_3125 = vector.shape_cast %max3A_3124 : vector<16x256xf32> to vector<16x1x256xf32>
    %broadcast_in_dim3A_3126 = vector.shape_cast %reshape3A_3125 : vector<16x1x256xf32> to vector<16x1x256xf32>
    %broadcast_in_dim3A_3127 = vector.broadcast %broadcast_in_dim3A_3126 : vector<16x1x256xf32> to vector<16x8x256xf32>
    %reshape3A_3128 = vector.shape_cast %broadcast_in_dim3A_3127 : vector<16x8x256xf32> to vector<128x256xf32>
    %mul3A_3129 = arith.mulf %reshape3A_3128, %convert_element_type3A_57 : vector<128x256xf32>
    %get3A_3130 = arith.constant 5888 : index
    %get3A_3131 = arith.constant 0 : index
    %get3A_3132 = vector.load %arg1[%get3A_3130, %get3A_3131] : memref<6400x128xf32, #tpu.memory_space<vmem>>, vector<256x128xf32>
    %dot_general3A_3133 = arith.constant dense<0.000000e+00> : vector<128x128xf32>
    %dot_general3A_3134 = tpu.matmul %mul3A_3129, %get3A_3132, %dot_general3A_3133 {dimension_numbers = #tpu.dot_dimension_numbers<[1], [0], [0], [1], [0, 0, 1, 1], [], []>, transpose_lhs_hint = false} : vector<128x256xf32>, vector<256x128xf32>, vector<128x128xf32> -> vector<128x128xf32>
    %slice3A_3135 = vector.extract_strided_slice %dot_general3A_3134 {offsets = [0, 0], sizes = [8, 128], strides = [1, 1]} : vector<128x128xf32> to vector<8x128xf32>
    %swap3A_3136 = arith.constant 184 : index
    %swap3A_3137 = arith.constant 0 : index
    %swap3A_3138 = vector.load %arg12[%swap3A_3136, %swap3A_3137] : memref<3000x128xf32, #tpu.memory_space<vmem>>, vector<8x128xf32>
    tpu.vector_store %arg12[%swap3A_3136, %swap3A_3137], %slice3A_3135 {strides = array<i32>} : memref<3000x128xf32, #tpu.memory_space<vmem>>, vector<8x128xf32>,
    %slice3A_3139 = vector.extract_strided_slice %dot_general3A_3134 {offsets = [8, 0], sizes = [8, 128], strides = [1, 1]} : vector<128x128xf32> to vector<8x128xf32>
    %swap3A_3140 = arith.constant 384 : index
    %swap3A_3141 = arith.constant 0 : index
    %swap3A_3142 = vector.load %arg12[%swap3A_3140, %swap3A_3141] : memref<3000x128xf32, #tpu.memory_space<vmem>>, vector<8x128xf32>
    tpu.vector_store %arg12[%swap3A_3140, %swap3A_3141], %slice3A_3139 {strides = array<i32>} : memref<3000x128xf32, #tpu.memory_space<vmem>>, vector<8x128xf32>,
    %slice3A_3143 = vector.extract_strided_slice %dot_general3A_3134 {offsets = [16, 0], sizes = [8, 128], strides = [1, 1]} : vector<128x128xf32> to vector<8x128xf32>
    %swap3A_3144 = arith.constant 584 : index
    %swap3A_3145 = arith.constant 0 : index
    %swap3A_3146 = vector.load %arg12[%swap3A_3144, %swap3A_3145] : memref<3000x128xf32, #tpu.memory_space<vmem>>, vector<8x128xf32>
    tpu.vector_store %arg12[%swap3A_3144, %swap3A_3145], %slice3A_3143 {strides = array<i32>} : memref<3000x128xf32, #tpu.memory_space<vmem>>, vector<8x128xf32>,
    %slice3A_3147 = vector.extract_strided_slice %dot_general3A_3134 {offsets = [24, 0], sizes = [8, 128], strides = [1, 1]} : vector<128x128xf32> to vector<8x128xf32>
    %swap3A_3148 = arith.constant 784 : index
    %swap3A_3149 = arith.constant 0 : index
    %swap3A_3150 = vector.load %arg12[%swap3A_3148, %swap3A_3149] : memref<3000x128xf32, #tpu.memory_space<vmem>>, vector<8x128xf32>
    tpu.vector_store %arg12[%swap3A_3148, %swap3A_3149], %slice3A_3147 {strides = array<i32>} : memref<3000x128xf32, #tpu.memory_space<vmem>>, vector<8x128xf32>,
    %slice3A_3151 = vector.extract_strided_slice %dot_general3A_3134 {offsets = [32, 0], sizes = [8, 128], strides = [1, 1]} : vector<128x128xf32> to vector<8x128xf32>
    %swap3A_3152 = arith.constant 984 : index
    %swap3A_3153 = arith.constant 0 : index
    %swap3A_3154 = vector.load %arg12[%swap3A_3152, %swap3A_3153] : memref<3000x128xf32, #tpu.memory_space<vmem>>, vector<8x128xf32>
    tpu.vector_store %arg12[%swap3A_3152, %swap3A_3153], %slice3A_3151 {strides = array<i32>} : memref<3000x128xf32, #tpu.memory_space<vmem>>, vector<8x128xf32>,
    %slice3A_3155 = vector.extract_strided_slice %dot_general3A_3134 {offsets = [40, 0], sizes = [8, 128], strides = [1, 1]} : vector<128x128xf32> to vector<8x128xf32>
    %swap3A_3156 = arith.constant 1184 : index
    %swap3A_3157 = arith.constant 0 : index
    %swap3A_3158 = vector.load %arg12[%swap3A_3156, %swap3A_3157] : memref<3000x128xf32, #tpu.memory_space<vmem>>, vector<8x128xf32>
    tpu.vector_store %arg12[%swap3A_3156, %swap3A_3157], %slice3A_3155 {strides = array<i32>} : memref<3000x128xf32, #tpu.memory_space<vmem>>, vector<8x128xf32>,
    %slice3A_3159 = vector.extract_strided_slice %dot_general3A_3134 {offsets = [48, 0], sizes = [8, 128], strides = [1, 1]} : vector<128x128xf32> to vector<8x128xf32>
    %swap3A_3160 = arith.constant 1384 : index
    %swap3A_3161 = arith.constant 0 : index
    %swap3A_3162 = vector.load %arg12[%swap3A_3160, %swap3A_3161] : memref<3000x128xf32, #tpu.memory_space<vmem>>, vector<8x128xf32>
    tpu.vector_store %arg12[%swap3A_3160, %swap3A_3161], %slice3A_3159 {strides = array<i32>} : memref<3000x128xf32, #tpu.memory_space<vmem>>, vector<8x128xf32>,
    %slice3A_3163 = vector.extract_strided_slice %dot_general3A_3134 {offsets = [56, 0], sizes = [8, 128], strides = [1, 1]} : vector<128x128xf32> to vector<8x128xf32>
    %swap3A_3164 = arith.constant 1584 : index
    %swap3A_3165 = arith.constant 0 : index
    %swap3A_3166 = vector.load %arg12[%swap3A_3164, %swap3A_3165] : memref<3000x128xf32, #tpu.memory_space<vmem>>, vector<8x128xf32>
    tpu.vector_store %arg12[%swap3A_3164, %swap3A_3165], %slice3A_3163 {strides = array<i32>} : memref<3000x128xf32, #tpu.memory_space<vmem>>, vector<8x128xf32>,
    %slice3A_3167 = vector.extract_strided_slice %dot_general3A_3134 {offsets = [64, 0], sizes = [8, 128], strides = [1, 1]} : vector<128x128xf32> to vector<8x128xf32>
    %swap3A_3168 = arith.constant 1784 : index
    %swap3A_3169 = arith.constant 0 : index
    %swap3A_3170 = vector.load %arg12[%swap3A_3168, %swap3A_3169] : memref<3000x128xf32, #tpu.memory_space<vmem>>, vector<8x128xf32>
    tpu.vector_store %arg12[%swap3A_3168, %swap3A_3169], %slice3A_3167 {strides = array<i32>} : memref<3000x128xf32, #tpu.memory_space<vmem>>, vector<8x128xf32>,
    %slice3A_3171 = vector.extract_strided_slice %dot_general3A_3134 {offsets = [72, 0], sizes = [8, 128], strides = [1, 1]} : vector<128x128xf32> to vector<8x128xf32>
    %swap3A_3172 = arith.constant 1984 : index
    %swap3A_3173 = arith.constant 0 : index
    %swap3A_3174 = vector.load %arg12[%swap3A_3172, %swap3A_3173] : memref<3000x128xf32, #tpu.memory_space<vmem>>, vector<8x128xf32>
    tpu.vector_store %arg12[%swap3A_3172, %swap3A_3173], %slice3A_3171 {strides = array<i32>} : memref<3000x128xf32, #tpu.memory_space<vmem>>, vector<8x128xf32>,
    %slice3A_3175 = vector.extract_strided_slice %dot_general3A_3134 {offsets = [80, 0], sizes = [8, 128], strides = [1, 1]} : vector<128x128xf32> to vector<8x128xf32>
    %swap3A_3176 = arith.constant 2184 : index
    %swap3A_3177 = arith.constant 0 : index
    %swap3A_3178 = vector.load %arg12[%swap3A_3176, %swap3A_3177] : memref<3000x128xf32, #tpu.memory_space<vmem>>, vector<8x128xf32>
    tpu.vector_store %arg12[%swap3A_3176, %swap3A_3177], %slice3A_3175 {strides = array<i32>} : memref<3000x128xf32, #tpu.memory_space<vmem>>, vector<8x128xf32>,
    %slice3A_3179 = vector.extract_strided_slice %dot_general3A_3134 {offsets = [88, 0], sizes = [8, 128], strides = [1, 1]} : vector<128x128xf32> to vector<8x128xf32>
    %swap3A_3180 = arith.constant 2384 : index
    %swap3A_3181 = arith.constant 0 : index
    %swap3A_3182 = vector.load %arg12[%swap3A_3180, %swap3A_3181] : memref<3000x128xf32, #tpu.memory_space<vmem>>, vector<8x128xf32>
    tpu.vector_store %arg12[%swap3A_3180, %swap3A_3181], %slice3A_3179 {strides = array<i32>} : memref<3000x128xf32, #tpu.memory_space<vmem>>, vector<8x128xf32>,
    %slice3A_3183 = vector.extract_strided_slice %dot_general3A_3134 {offsets = [96, 0], sizes = [8, 128], strides = [1, 1]} : vector<128x128xf32> to vector<8x128xf32>
    %swap3A_3184 = arith.constant 2584 : index
    %swap3A_3185 = arith.constant 0 : index
    %swap3A_3186 = vector.load %arg12[%swap3A_3184, %swap3A_3185] : memref<3000x128xf32, #tpu.memory_space<vmem>>, vector<8x128xf32>
    tpu.vector_store %arg12[%swap3A_3184, %swap3A_3185], %slice3A_3183 {strides = array<i32>} : memref<3000x128xf32, #tpu.memory_space<vmem>>, vector<8x128xf32>,
    %slice3A_3187 = vector.extract_strided_slice %dot_general3A_3134 {offsets = [104, 0], sizes = [8, 128], strides = [1, 1]} : vector<128x128xf32> to vector<8x128xf32>
    %swap3A_3188 = arith.constant 2784 : index
    %swap3A_3189 = arith.constant 0 : index
    %swap3A_3190 = vector.load %arg12[%swap3A_3188, %swap3A_3189] : memref<3000x128xf32, #tpu.memory_space<vmem>>, vector<8x128xf32>
    tpu.vector_store %arg12[%swap3A_3188, %swap3A_3189], %slice3A_3187 {strides = array<i32>} : memref<3000x128xf32, #tpu.memory_space<vmem>>, vector<8x128xf32>,
    %slice3A_3191 = vector.extract_strided_slice %dot_general3A_3134 {offsets = [112, 0], sizes = [8, 128], strides = [1, 1]} : vector<128x128xf32> to vector<8x128xf32>
    %swap3A_3192 = arith.constant 2984 : index
    %swap3A_3193 = arith.constant 0 : index
    %swap3A_3194 = vector.load %arg12[%swap3A_3192, %swap3A_3193] : memref<3000x128xf32, #tpu.memory_space<vmem>>, vector<8x128xf32>
    tpu.vector_store %arg12[%swap3A_3192, %swap3A_3193], %slice3A_3191 {strides = array<i32>} : memref<3000x128xf32, #tpu.memory_space<vmem>>, vector<8x128xf32>,
    %get3A_3195 = arith.constant 0 : index
    %get3A_3196 = arith.constant 24 : index
    %get3A_3197 = arith.constant 0 : index
    %get3A_3198 = vector.load %arg2[%get3A_3195, %get3A_3196, %get3A_3197] : memref<1x25x256xf32, #tpu.memory_space<vmem>>, vector<1x1x256xf32>
    %get3A_3199 = vector.shape_cast %get3A_3198 : vector<1x1x256xf32> to vector<1x256xf32>
    %get3A_3200 = arith.constant 0 : index
    %get3A_3201 = arith.constant 24 : index
    %get3A_3202 = arith.constant 0 : index
    %get3A_3203 = vector.load %arg5[%get3A_3200, %get3A_3201, %get3A_3202] : memref<1x25x256xf32, #tpu.memory_space<vmem>>, vector<1x1x256xf32>
    %get3A_3204 = vector.shape_cast %get3A_3203 : vector<1x1x256xf32> to vector<1x256xf32>
    %sub3A_3205 = arith.subf %get3A_3199, %get3A_3204 : vector<1x256xf32>
    %get3A_3206 = arith.constant 0 : index
    %get3A_3207 = arith.constant 24 : index
    %get3A_3208 = arith.constant 0 : index
    %get3A_3209 = vector.load %arg3[%get3A_3206, %get3A_3207, %get3A_3208] : memref<1x25x256xf32, #tpu.memory_space<vmem>>, vector<1x1x256xf32>
    %get3A_3210 = vector.shape_cast %get3A_3209 : vector<1x1x256xf32> to vector<1x256xf32>
    %get3A_3211 = arith.constant 0 : index
    %get3A_3212 = arith.constant 24 : index
    %get3A_3213 = arith.constant 0 : index
    %get3A_3214 = vector.load %arg6[%get3A_3211, %get3A_3212, %get3A_3213] : memref<1x25x256xf32, #tpu.memory_space<vmem>>, vector<1x1x256xf32>
    %get3A_3215 = vector.shape_cast %get3A_3214 : vector<1x1x256xf32> to vector<1x256xf32>
    %sub3A_3216 = arith.subf %get3A_3210, %get3A_3215 : vector<1x256xf32>
    %get3A_3217 = arith.constant 0 : index
    %get3A_3218 = arith.constant 24 : index
    %get3A_3219 = arith.constant 0 : index
    %get3A_3220 = vector.load %arg4[%get3A_3217, %get3A_3218, %get3A_3219] : memref<1x25x256xf32, #tpu.memory_space<vmem>>, vector<1x1x256xf32>
    %get3A_3221 = vector.shape_cast %get3A_3220 : vector<1x1x256xf32> to vector<1x256xf32>
    %get3A_3222 = arith.constant 0 : index
    %get3A_3223 = arith.constant 24 : index
    %get3A_3224 = arith.constant 0 : index
    %get3A_3225 = vector.load %arg7[%get3A_3222, %get3A_3223, %get3A_3224] : memref<1x25x256xf32, #tpu.memory_space<vmem>>, vector<1x1x256xf32>
    %get3A_3226 = vector.shape_cast %get3A_3225 : vector<1x1x256xf32> to vector<1x256xf32>
    %sub3A_3227 = arith.subf %get3A_3221, %get3A_3226 : vector<1x256xf32>
    %broadcast_in_dim3A_3228 = vector.shape_cast %sub3A_3205 : vector<1x256xf32> to vector<1x256xf32>
    %broadcast_in_dim3A_3229 = vector.broadcast %broadcast_in_dim3A_3228 : vector<1x256xf32> to vector<16x256xf32>
    %sub3A_3230 = arith.subf %broadcast_in_dim3A_3229, %broadcast_in_dim3A_2 : vector<16x256xf32>
    %broadcast_in_dim3A_3231 = vector.shape_cast %sub3A_3216 : vector<1x256xf32> to vector<1x256xf32>
    %broadcast_in_dim3A_3232 = vector.broadcast %broadcast_in_dim3A_3231 : vector<1x256xf32> to vector<16x256xf32>
    %sub3A_3233 = arith.subf %broadcast_in_dim3A_3232, %broadcast_in_dim3A_7 : vector<16x256xf32>
    %broadcast_in_dim3A_3234 = vector.shape_cast %sub3A_3227 : vector<1x256xf32> to vector<1x256xf32>
    %broadcast_in_dim3A_3235 = vector.broadcast %broadcast_in_dim3A_3234 : vector<1x256xf32> to vector<16x256xf32>
    %sub3A_3236 = arith.subf %broadcast_in_dim3A_3235, %broadcast_in_dim3A_12 : vector<16x256xf32>
    %mul3A_3237 = arith.mulf %sub3A_3230, %sub3A_3230 : vector<16x256xf32>
    %mul3A_3238 = arith.mulf %sub3A_3233, %sub3A_3233 : vector<16x256xf32>
    %add3A_3239 = arith.addf %mul3A_3237, %mul3A_3238 : vector<16x256xf32>
    %mul3A_3240 = arith.mulf %sub3A_3236, %sub3A_3236 : vector<16x256xf32>
    %add3A_3241 = arith.addf %add3A_3239, %mul3A_3240 : vector<16x256xf32>
    %add3A_3242 = arith.constant 9.99999996E-13 : f32
    %add3A_3243 = vector.broadcast %add3A_3242 : f32 to vector<16x256xf32>
    %add3A_3244 = arith.addf %add3A_3241, %add3A_3243 : vector<16x256xf32>
    %rsqrt3A_3245 = math.rsqrt %add3A_3244 : vector<16x256xf32>
    %mul3A_3246 = arith.mulf %add3A_3241, %rsqrt3A_3245 : vector<16x256xf32>
    %mul3A_3247 = arith.constant 5.000000e-01 : f32
    %mul3A_3248 = vector.broadcast %mul3A_3247 : f32 to vector<16x256xf32>
    %mul3A_3249 = arith.mulf %mul3A_3246, %mul3A_3248 : vector<16x256xf32>
    %sub3A_3250 = arith.constant 1.000000e+00 : f32
    %sub3A_3251 = vector.broadcast %sub3A_3250 : f32 to vector<16x256xf32>
    %sub3A_3252 = arith.subf %sub3A_3251, %mul3A_3249 : vector<16x256xf32>
    %max3A_3253 = arith.constant 0.000000e+00 : f32
    %max3A_3254 = vector.broadcast %max3A_3253 : f32 to vector<16x256xf32>
    %max3A_3255 = arith.maximumf %sub3A_3252, %max3A_3254 : vector<16x256xf32>
    %reshape3A_3256 = vector.shape_cast %max3A_3255 : vector<16x256xf32> to vector<16x1x256xf32>
    %broadcast_in_dim3A_3257 = vector.shape_cast %reshape3A_3256 : vector<16x1x256xf32> to vector<16x1x256xf32>
    %broadcast_in_dim3A_3258 = vector.broadcast %broadcast_in_dim3A_3257 : vector<16x1x256xf32> to vector<16x8x256xf32>
    %reshape3A_3259 = vector.shape_cast %broadcast_in_dim3A_3258 : vector<16x8x256xf32> to vector<128x256xf32>
    %mul3A_3260 = arith.mulf %reshape3A_3259, %convert_element_type3A_57 : vector<128x256xf32>
    %get3A_3261 = arith.constant 6144 : index
    %get3A_3262 = arith.constant 0 : index
    %get3A_3263 = vector.load %arg1[%get3A_3261, %get3A_3262] : memref<6400x128xf32, #tpu.memory_space<vmem>>, vector<256x128xf32>
    %dot_general3A_3264 = arith.constant dense<0.000000e+00> : vector<128x128xf32>
    %dot_general3A_3265 = tpu.matmul %mul3A_3260, %get3A_3263, %dot_general3A_3264 {dimension_numbers = #tpu.dot_dimension_numbers<[1], [0], [0], [1], [0, 0, 1, 1], [], []>, transpose_lhs_hint = false} : vector<128x256xf32>, vector<256x128xf32>, vector<128x128xf32> -> vector<128x128xf32>
    %slice3A_3266 = vector.extract_strided_slice %dot_general3A_3265 {offsets = [0, 0], sizes = [8, 128], strides = [1, 1]} : vector<128x128xf32> to vector<8x128xf32>
    %swap3A_3267 = arith.constant 192 : index
    %swap3A_3268 = arith.constant 0 : index
    %swap3A_3269 = vector.load %arg12[%swap3A_3267, %swap3A_3268] : memref<3000x128xf32, #tpu.memory_space<vmem>>, vector<8x128xf32>
    tpu.vector_store %arg12[%swap3A_3267, %swap3A_3268], %slice3A_3266 {strides = array<i32>} : memref<3000x128xf32, #tpu.memory_space<vmem>>, vector<8x128xf32>,
    %slice3A_3270 = vector.extract_strided_slice %dot_general3A_3265 {offsets = [8, 0], sizes = [8, 128], strides = [1, 1]} : vector<128x128xf32> to vector<8x128xf32>
    %swap3A_3271 = arith.constant 392 : index
    %swap3A_3272 = arith.constant 0 : index
    %swap3A_3273 = vector.load %arg12[%swap3A_3271, %swap3A_3272] : memref<3000x128xf32, #tpu.memory_space<vmem>>, vector<8x128xf32>
    tpu.vector_store %arg12[%swap3A_3271, %swap3A_3272], %slice3A_3270 {strides = array<i32>} : memref<3000x128xf32, #tpu.memory_space<vmem>>, vector<8x128xf32>,
    %slice3A_3274 = vector.extract_strided_slice %dot_general3A_3265 {offsets = [16, 0], sizes = [8, 128], strides = [1, 1]} : vector<128x128xf32> to vector<8x128xf32>
    %swap3A_3275 = arith.constant 592 : index
    %swap3A_3276 = arith.constant 0 : index
    %swap3A_3277 = vector.load %arg12[%swap3A_3275, %swap3A_3276] : memref<3000x128xf32, #tpu.memory_space<vmem>>, vector<8x128xf32>
    tpu.vector_store %arg12[%swap3A_3275, %swap3A_3276], %slice3A_3274 {strides = array<i32>} : memref<3000x128xf32, #tpu.memory_space<vmem>>, vector<8x128xf32>,
    %slice3A_3278 = vector.extract_strided_slice %dot_general3A_3265 {offsets = [24, 0], sizes = [8, 128], strides = [1, 1]} : vector<128x128xf32> to vector<8x128xf32>
    %swap3A_3279 = arith.constant 792 : index
    %swap3A_3280 = arith.constant 0 : index
    %swap3A_3281 = vector.load %arg12[%swap3A_3279, %swap3A_3280] : memref<3000x128xf32, #tpu.memory_space<vmem>>, vector<8x128xf32>
    tpu.vector_store %arg12[%swap3A_3279, %swap3A_3280], %slice3A_3278 {strides = array<i32>} : memref<3000x128xf32, #tpu.memory_space<vmem>>, vector<8x128xf32>,
    %slice3A_3282 = vector.extract_strided_slice %dot_general3A_3265 {offsets = [32, 0], sizes = [8, 128], strides = [1, 1]} : vector<128x128xf32> to vector<8x128xf32>
    %swap3A_3283 = arith.constant 992 : index
    %swap3A_3284 = arith.constant 0 : index
    %swap3A_3285 = vector.load %arg12[%swap3A_3283, %swap3A_3284] : memref<3000x128xf32, #tpu.memory_space<vmem>>, vector<8x128xf32>
    tpu.vector_store %arg12[%swap3A_3283, %swap3A_3284], %slice3A_3282 {strides = array<i32>} : memref<3000x128xf32, #tpu.memory_space<vmem>>, vector<8x128xf32>,
    %slice3A_3286 = vector.extract_strided_slice %dot_general3A_3265 {offsets = [40, 0], sizes = [8, 128], strides = [1, 1]} : vector<128x128xf32> to vector<8x128xf32>
    %swap3A_3287 = arith.constant 1192 : index
    %swap3A_3288 = arith.constant 0 : index
    %swap3A_3289 = vector.load %arg12[%swap3A_3287, %swap3A_3288] : memref<3000x128xf32, #tpu.memory_space<vmem>>, vector<8x128xf32>
    tpu.vector_store %arg12[%swap3A_3287, %swap3A_3288], %slice3A_3286 {strides = array<i32>} : memref<3000x128xf32, #tpu.memory_space<vmem>>, vector<8x128xf32>,
    %slice3A_3290 = vector.extract_strided_slice %dot_general3A_3265 {offsets = [48, 0], sizes = [8, 128], strides = [1, 1]} : vector<128x128xf32> to vector<8x128xf32>
    %swap3A_3291 = arith.constant 1392 : index
    %swap3A_3292 = arith.constant 0 : index
    %swap3A_3293 = vector.load %arg12[%swap3A_3291, %swap3A_3292] : memref<3000x128xf32, #tpu.memory_space<vmem>>, vector<8x128xf32>
    tpu.vector_store %arg12[%swap3A_3291, %swap3A_3292], %slice3A_3290 {strides = array<i32>} : memref<3000x128xf32, #tpu.memory_space<vmem>>, vector<8x128xf32>,
    %slice3A_3294 = vector.extract_strided_slice %dot_general3A_3265 {offsets = [56, 0], sizes = [8, 128], strides = [1, 1]} : vector<128x128xf32> to vector<8x128xf32>
    %swap3A_3295 = arith.constant 1592 : index
    %swap3A_3296 = arith.constant 0 : index
    %swap3A_3297 = vector.load %arg12[%swap3A_3295, %swap3A_3296] : memref<3000x128xf32, #tpu.memory_space<vmem>>, vector<8x128xf32>
    tpu.vector_store %arg12[%swap3A_3295, %swap3A_3296], %slice3A_3294 {strides = array<i32>} : memref<3000x128xf32, #tpu.memory_space<vmem>>, vector<8x128xf32>,
    %slice3A_3298 = vector.extract_strided_slice %dot_general3A_3265 {offsets = [64, 0], sizes = [8, 128], strides = [1, 1]} : vector<128x128xf32> to vector<8x128xf32>
    %swap3A_3299 = arith.constant 1792 : index
    %swap3A_3300 = arith.constant 0 : index
    %swap3A_3301 = vector.load %arg12[%swap3A_3299, %swap3A_3300] : memref<3000x128xf32, #tpu.memory_space<vmem>>, vector<8x128xf32>
    tpu.vector_store %arg12[%swap3A_3299, %swap3A_3300], %slice3A_3298 {strides = array<i32>} : memref<3000x128xf32, #tpu.memory_space<vmem>>, vector<8x128xf32>,
    %slice3A_3302 = vector.extract_strided_slice %dot_general3A_3265 {offsets = [72, 0], sizes = [8, 128], strides = [1, 1]} : vector<128x128xf32> to vector<8x128xf32>
    %swap3A_3303 = arith.constant 1992 : index
    %swap3A_3304 = arith.constant 0 : index
    %swap3A_3305 = vector.load %arg12[%swap3A_3303, %swap3A_3304] : memref<3000x128xf32, #tpu.memory_space<vmem>>, vector<8x128xf32>
    tpu.vector_store %arg12[%swap3A_3303, %swap3A_3304], %slice3A_3302 {strides = array<i32>} : memref<3000x128xf32, #tpu.memory_space<vmem>>, vector<8x128xf32>,
    %slice3A_3306 = vector.extract_strided_slice %dot_general3A_3265 {offsets = [80, 0], sizes = [8, 128], strides = [1, 1]} : vector<128x128xf32> to vector<8x128xf32>
    %swap3A_3307 = arith.constant 2192 : index
    %swap3A_3308 = arith.constant 0 : index
    %swap3A_3309 = vector.load %arg12[%swap3A_3307, %swap3A_3308] : memref<3000x128xf32, #tpu.memory_space<vmem>>, vector<8x128xf32>
    tpu.vector_store %arg12[%swap3A_3307, %swap3A_3308], %slice3A_3306 {strides = array<i32>} : memref<3000x128xf32, #tpu.memory_space<vmem>>, vector<8x128xf32>,
    %slice3A_3310 = vector.extract_strided_slice %dot_general3A_3265 {offsets = [88, 0], sizes = [8, 128], strides = [1, 1]} : vector<128x128xf32> to vector<8x128xf32>
    %swap3A_3311 = arith.constant 2392 : index
    %swap3A_3312 = arith.constant 0 : index
    %swap3A_3313 = vector.load %arg12[%swap3A_3311, %swap3A_3312] : memref<3000x128xf32, #tpu.memory_space<vmem>>, vector<8x128xf32>
    tpu.vector_store %arg12[%swap3A_3311, %swap3A_3312], %slice3A_3310 {strides = array<i32>} : memref<3000x128xf32, #tpu.memory_space<vmem>>, vector<8x128xf32>,
    %slice3A_3314 = vector.extract_strided_slice %dot_general3A_3265 {offsets = [96, 0], sizes = [8, 128], strides = [1, 1]} : vector<128x128xf32> to vector<8x128xf32>
    %swap3A_3315 = arith.constant 2592 : index
    %swap3A_3316 = arith.constant 0 : index
    %swap3A_3317 = vector.load %arg12[%swap3A_3315, %swap3A_3316] : memref<3000x128xf32, #tpu.memory_space<vmem>>, vector<8x128xf32>
    tpu.vector_store %arg12[%swap3A_3315, %swap3A_3316], %slice3A_3314 {strides = array<i32>} : memref<3000x128xf32, #tpu.memory_space<vmem>>, vector<8x128xf32>,
    %slice3A_3318 = vector.extract_strided_slice %dot_general3A_3265 {offsets = [104, 0], sizes = [8, 128], strides = [1, 1]} : vector<128x128xf32> to vector<8x128xf32>
    %swap3A_3319 = arith.constant 2792 : index
    %swap3A_3320 = arith.constant 0 : index
    %swap3A_3321 = vector.load %arg12[%swap3A_3319, %swap3A_3320] : memref<3000x128xf32, #tpu.memory_space<vmem>>, vector<8x128xf32>
    tpu.vector_store %arg12[%swap3A_3319, %swap3A_3320], %slice3A_3318 {strides = array<i32>} : memref<3000x128xf32, #tpu.memory_space<vmem>>, vector<8x128xf32>,
    %slice3A_3322 = vector.extract_strided_slice %dot_general3A_3265 {offsets = [112, 0], sizes = [8, 128], strides = [1, 1]} : vector<128x128xf32> to vector<8x128xf32>
    %swap3A_3323 = arith.constant 2992 : index
    %swap3A_3324 = arith.constant 0 : index
    %swap3A_3325 = vector.load %arg12[%swap3A_3323, %swap3A_3324] : memref<3000x128xf32, #tpu.memory_space<vmem>>, vector<8x128xf32>
    tpu.vector_store %arg12[%swap3A_3323, %swap3A_3324], %slice3A_3322 {strides = array<i32>} : memref<3000x128xf32, #tpu.memory_space<vmem>>, vector<8x128xf32>,
    %broadcast_in_dim3A_3326 = arith.constant 0.000000e+00 : f32
    %broadcast_in_dim3A_3327 = vector.broadcast %broadcast_in_dim3A_3326 : f32 to vector<200x128xf32>
    %get3A_3328 = arith.constant 0 : index
    %get3A_3329 = arith.constant 0 : index
    %get3A_3330 = vector.load %arg12[%get3A_3328, %get3A_3329] : memref<3000x128xf32, #tpu.memory_space<vmem>>, vector<200x128xf32>
    %get3A_3331 = arith.constant 0 : index
    %get3A_3332 = arith.constant 0 : index
    %get3A_3333 = arith.constant 0 : index
    %get3A_3334 = vector.load %arg9[%get3A_3331, %get3A_3332, %get3A_3333] : memref<15x128x128xf32, #tpu.memory_space<vmem>>, vector<1x128x128xf32>
    %get3A_3335 = vector.shape_cast %get3A_3334 : vector<1x128x128xf32> to vector<128x128xf32>
    %dot_general3A_3336 = arith.constant dense<0.000000e+00> : vector<200x128xf32>
    %dot_general3A_3337 = tpu.matmul %get3A_3330, %get3A_3335, %dot_general3A_3336 {dimension_numbers = #tpu.dot_dimension_numbers<[1], [0], [0], [1], [0, 0, 1, 1], [], []>, transpose_lhs_hint = false} : vector<200x128xf32>, vector<128x128xf32>, vector<200x128xf32> -> vector<200x128xf32>
    %add3A_3338 = arith.addf %broadcast_in_dim3A_3327, %dot_general3A_3337 : vector<200x128xf32>
    %get3A_3339 = arith.constant 200 : index
    %get3A_3340 = arith.constant 0 : index
    %get3A_3341 = vector.load %arg12[%get3A_3339, %get3A_3340] : memref<3000x128xf32, #tpu.memory_space<vmem>>, vector<200x128xf32>
    %get3A_3342 = arith.constant 1 : index
    %get3A_3343 = arith.constant 0 : index
    %get3A_3344 = arith.constant 0 : index
    %get3A_3345 = vector.load %arg9[%get3A_3342, %get3A_3343, %get3A_3344] : memref<15x128x128xf32, #tpu.memory_space<vmem>>, vector<1x128x128xf32>
    %get3A_3346 = vector.shape_cast %get3A_3345 : vector<1x128x128xf32> to vector<128x128xf32>
    %dot_general3A_3347 = arith.constant dense<0.000000e+00> : vector<200x128xf32>
    %dot_general3A_3348 = tpu.matmul %get3A_3341, %get3A_3346, %dot_general3A_3347 {dimension_numbers = #tpu.dot_dimension_numbers<[1], [0], [0], [1], [0, 0, 1, 1], [], []>, transpose_lhs_hint = false} : vector<200x128xf32>, vector<128x128xf32>, vector<200x128xf32> -> vector<200x128xf32>
    %add3A_3349 = arith.addf %add3A_3338, %dot_general3A_3348 : vector<200x128xf32>
    %get3A_3350 = arith.constant 400 : index
    %get3A_3351 = arith.constant 0 : index
    %get3A_3352 = vector.load %arg12[%get3A_3350, %get3A_3351] : memref<3000x128xf32, #tpu.memory_space<vmem>>, vector<200x128xf32>
    %get3A_3353 = arith.constant 2 : index
    %get3A_3354 = arith.constant 0 : index
    %get3A_3355 = arith.constant 0 : index
    %get3A_3356 = vector.load %arg9[%get3A_3353, %get3A_3354, %get3A_3355] : memref<15x128x128xf32, #tpu.memory_space<vmem>>, vector<1x128x128xf32>
    %get3A_3357 = vector.shape_cast %get3A_3356 : vector<1x128x128xf32> to vector<128x128xf32>
    %dot_general3A_3358 = arith.constant dense<0.000000e+00> : vector<200x128xf32>
    %dot_general3A_3359 = tpu.matmul %get3A_3352, %get3A_3357, %dot_general3A_3358 {dimension_numbers = #tpu.dot_dimension_numbers<[1], [0], [0], [1], [0, 0, 1, 1], [], []>, transpose_lhs_hint = false} : vector<200x128xf32>, vector<128x128xf32>, vector<200x128xf32> -> vector<200x128xf32>
    %add3A_3360 = arith.addf %add3A_3349, %dot_general3A_3359 : vector<200x128xf32>
    %get3A_3361 = arith.constant 600 : index
    %get3A_3362 = arith.constant 0 : index
    %get3A_3363 = vector.load %arg12[%get3A_3361, %get3A_3362] : memref<3000x128xf32, #tpu.memory_space<vmem>>, vector<200x128xf32>
    %get3A_3364 = arith.constant 3 : index
    %get3A_3365 = arith.constant 0 : index
    %get3A_3366 = arith.constant 0 : index
    %get3A_3367 = vector.load %arg9[%get3A_3364, %get3A_3365, %get3A_3366] : memref<15x128x128xf32, #tpu.memory_space<vmem>>, vector<1x128x128xf32>
    %get3A_3368 = vector.shape_cast %get3A_3367 : vector<1x128x128xf32> to vector<128x128xf32>
    %dot_general3A_3369 = arith.constant dense<0.000000e+00> : vector<200x128xf32>
    %dot_general3A_3370 = tpu.matmul %get3A_3363, %get3A_3368, %dot_general3A_3369 {dimension_numbers = #tpu.dot_dimension_numbers<[1], [0], [0], [1], [0, 0, 1, 1], [], []>, transpose_lhs_hint = false} : vector<200x128xf32>, vector<128x128xf32>, vector<200x128xf32> -> vector<200x128xf32>
    %add3A_3371 = arith.addf %add3A_3360, %dot_general3A_3370 : vector<200x128xf32>
    %get3A_3372 = arith.constant 800 : index
    %get3A_3373 = arith.constant 0 : index
    %get3A_3374 = vector.load %arg12[%get3A_3372, %get3A_3373] : memref<3000x128xf32, #tpu.memory_space<vmem>>, vector<200x128xf32>
    %get3A_3375 = arith.constant 4 : index
    %get3A_3376 = arith.constant 0 : index
    %get3A_3377 = arith.constant 0 : index
    %get3A_3378 = vector.load %arg9[%get3A_3375, %get3A_3376, %get3A_3377] : memref<15x128x128xf32, #tpu.memory_space<vmem>>, vector<1x128x128xf32>
    %get3A_3379 = vector.shape_cast %get3A_3378 : vector<1x128x128xf32> to vector<128x128xf32>
    %dot_general3A_3380 = arith.constant dense<0.000000e+00> : vector<200x128xf32>
    %dot_general3A_3381 = tpu.matmul %get3A_3374, %get3A_3379, %dot_general3A_3380 {dimension_numbers = #tpu.dot_dimension_numbers<[1], [0], [0], [1], [0, 0, 1, 1], [], []>, transpose_lhs_hint = false} : vector<200x128xf32>, vector<128x128xf32>, vector<200x128xf32> -> vector<200x128xf32>
    %add3A_3382 = arith.addf %add3A_3371, %dot_general3A_3381 : vector<200x128xf32>
    %get3A_3383 = arith.constant 1000 : index
    %get3A_3384 = arith.constant 0 : index
    %get3A_3385 = vector.load %arg12[%get3A_3383, %get3A_3384] : memref<3000x128xf32, #tpu.memory_space<vmem>>, vector<200x128xf32>
    %get3A_3386 = arith.constant 5 : index
    %get3A_3387 = arith.constant 0 : index
    %get3A_3388 = arith.constant 0 : index
    %get3A_3389 = vector.load %arg9[%get3A_3386, %get3A_3387, %get3A_3388] : memref<15x128x128xf32, #tpu.memory_space<vmem>>, vector<1x128x128xf32>
    %get3A_3390 = vector.shape_cast %get3A_3389 : vector<1x128x128xf32> to vector<128x128xf32>
    %dot_general3A_3391 = arith.constant dense<0.000000e+00> : vector<200x128xf32>
    %dot_general3A_3392 = tpu.matmul %get3A_3385, %get3A_3390, %dot_general3A_3391 {dimension_numbers = #tpu.dot_dimension_numbers<[1], [0], [0], [1], [0, 0, 1, 1], [], []>, transpose_lhs_hint = false} : vector<200x128xf32>, vector<128x128xf32>, vector<200x128xf32> -> vector<200x128xf32>
    %add3A_3393 = arith.addf %add3A_3382, %dot_general3A_3392 : vector<200x128xf32>
    %get3A_3394 = arith.constant 1200 : index
    %get3A_3395 = arith.constant 0 : index
    %get3A_3396 = vector.load %arg12[%get3A_3394, %get3A_3395] : memref<3000x128xf32, #tpu.memory_space<vmem>>, vector<200x128xf32>
    %get3A_3397 = arith.constant 6 : index
    %get3A_3398 = arith.constant 0 : index
    %get3A_3399 = arith.constant 0 : index
    %get3A_3400 = vector.load %arg9[%get3A_3397, %get3A_3398, %get3A_3399] : memref<15x128x128xf32, #tpu.memory_space<vmem>>, vector<1x128x128xf32>
    %get3A_3401 = vector.shape_cast %get3A_3400 : vector<1x128x128xf32> to vector<128x128xf32>
    %dot_general3A_3402 = arith.constant dense<0.000000e+00> : vector<200x128xf32>
    %dot_general3A_3403 = tpu.matmul %get3A_3396, %get3A_3401, %dot_general3A_3402 {dimension_numbers = #tpu.dot_dimension_numbers<[1], [0], [0], [1], [0, 0, 1, 1], [], []>, transpose_lhs_hint = false} : vector<200x128xf32>, vector<128x128xf32>, vector<200x128xf32> -> vector<200x128xf32>
    %add3A_3404 = arith.addf %add3A_3393, %dot_general3A_3403 : vector<200x128xf32>
    %get3A_3405 = arith.constant 1400 : index
    %get3A_3406 = arith.constant 0 : index
    %get3A_3407 = vector.load %arg12[%get3A_3405, %get3A_3406] : memref<3000x128xf32, #tpu.memory_space<vmem>>, vector<200x128xf32>
    %get3A_3408 = arith.constant 7 : index
    %get3A_3409 = arith.constant 0 : index
    %get3A_3410 = arith.constant 0 : index
    %get3A_3411 = vector.load %arg9[%get3A_3408, %get3A_3409, %get3A_3410] : memref<15x128x128xf32, #tpu.memory_space<vmem>>, vector<1x128x128xf32>
    %get3A_3412 = vector.shape_cast %get3A_3411 : vector<1x128x128xf32> to vector<128x128xf32>
    %dot_general3A_3413 = arith.constant dense<0.000000e+00> : vector<200x128xf32>
    %dot_general3A_3414 = tpu.matmul %get3A_3407, %get3A_3412, %dot_general3A_3413 {dimension_numbers = #tpu.dot_dimension_numbers<[1], [0], [0], [1], [0, 0, 1, 1], [], []>, transpose_lhs_hint = false} : vector<200x128xf32>, vector<128x128xf32>, vector<200x128xf32> -> vector<200x128xf32>
    %add3A_3415 = arith.addf %add3A_3404, %dot_general3A_3414 : vector<200x128xf32>
    %get3A_3416 = arith.constant 1600 : index
    %get3A_3417 = arith.constant 0 : index
    %get3A_3418 = vector.load %arg12[%get3A_3416, %get3A_3417] : memref<3000x128xf32, #tpu.memory_space<vmem>>, vector<200x128xf32>
    %get3A_3419 = arith.constant 8 : index
    %get3A_3420 = arith.constant 0 : index
    %get3A_3421 = arith.constant 0 : index
    %get3A_3422 = vector.load %arg9[%get3A_3419, %get3A_3420, %get3A_3421] : memref<15x128x128xf32, #tpu.memory_space<vmem>>, vector<1x128x128xf32>
    %get3A_3423 = vector.shape_cast %get3A_3422 : vector<1x128x128xf32> to vector<128x128xf32>
    %dot_general3A_3424 = arith.constant dense<0.000000e+00> : vector<200x128xf32>
    %dot_general3A_3425 = tpu.matmul %get3A_3418, %get3A_3423, %dot_general3A_3424 {dimension_numbers = #tpu.dot_dimension_numbers<[1], [0], [0], [1], [0, 0, 1, 1], [], []>, transpose_lhs_hint = false} : vector<200x128xf32>, vector<128x128xf32>, vector<200x128xf32> -> vector<200x128xf32>
    %add3A_3426 = arith.addf %add3A_3415, %dot_general3A_3425 : vector<200x128xf32>
    %get3A_3427 = arith.constant 1800 : index
    %get3A_3428 = arith.constant 0 : index
    %get3A_3429 = vector.load %arg12[%get3A_3427, %get3A_3428] : memref<3000x128xf32, #tpu.memory_space<vmem>>, vector<200x128xf32>
    %get3A_3430 = arith.constant 9 : index
    %get3A_3431 = arith.constant 0 : index
    %get3A_3432 = arith.constant 0 : index
    %get3A_3433 = vector.load %arg9[%get3A_3430, %get3A_3431, %get3A_3432] : memref<15x128x128xf32, #tpu.memory_space<vmem>>, vector<1x128x128xf32>
    %get3A_3434 = vector.shape_cast %get3A_3433 : vector<1x128x128xf32> to vector<128x128xf32>
    %dot_general3A_3435 = arith.constant dense<0.000000e+00> : vector<200x128xf32>
    %dot_general3A_3436 = tpu.matmul %get3A_3429, %get3A_3434, %dot_general3A_3435 {dimension_numbers = #tpu.dot_dimension_numbers<[1], [0], [0], [1], [0, 0, 1, 1], [], []>, transpose_lhs_hint = false} : vector<200x128xf32>, vector<128x128xf32>, vector<200x128xf32> -> vector<200x128xf32>
    %add3A_3437 = arith.addf %add3A_3426, %dot_general3A_3436 : vector<200x128xf32>
    %get3A_3438 = arith.constant 2000 : index
    %get3A_3439 = arith.constant 0 : index
    %get3A_3440 = vector.load %arg12[%get3A_3438, %get3A_3439] : memref<3000x128xf32, #tpu.memory_space<vmem>>, vector<200x128xf32>
    %get3A_3441 = arith.constant 10 : index
    %get3A_3442 = arith.constant 0 : index
    %get3A_3443 = arith.constant 0 : index
    %get3A_3444 = vector.load %arg9[%get3A_3441, %get3A_3442, %get3A_3443] : memref<15x128x128xf32, #tpu.memory_space<vmem>>, vector<1x128x128xf32>
    %get3A_3445 = vector.shape_cast %get3A_3444 : vector<1x128x128xf32> to vector<128x128xf32>
    %dot_general3A_3446 = arith.constant dense<0.000000e+00> : vector<200x128xf32>
    %dot_general3A_3447 = tpu.matmul %get3A_3440, %get3A_3445, %dot_general3A_3446 {dimension_numbers = #tpu.dot_dimension_numbers<[1], [0], [0], [1], [0, 0, 1, 1], [], []>, transpose_lhs_hint = false} : vector<200x128xf32>, vector<128x128xf32>, vector<200x128xf32> -> vector<200x128xf32>
    %add3A_3448 = arith.addf %add3A_3437, %dot_general3A_3447 : vector<200x128xf32>
    %get3A_3449 = arith.constant 2200 : index
    %get3A_3450 = arith.constant 0 : index
    %get3A_3451 = vector.load %arg12[%get3A_3449, %get3A_3450] : memref<3000x128xf32, #tpu.memory_space<vmem>>, vector<200x128xf32>
    %get3A_3452 = arith.constant 11 : index
    %get3A_3453 = arith.constant 0 : index
    %get3A_3454 = arith.constant 0 : index
    %get3A_3455 = vector.load %arg9[%get3A_3452, %get3A_3453, %get3A_3454] : memref<15x128x128xf32, #tpu.memory_space<vmem>>, vector<1x128x128xf32>
    %get3A_3456 = vector.shape_cast %get3A_3455 : vector<1x128x128xf32> to vector<128x128xf32>
    %dot_general3A_3457 = arith.constant dense<0.000000e+00> : vector<200x128xf32>
    %dot_general3A_3458 = tpu.matmul %get3A_3451, %get3A_3456, %dot_general3A_3457 {dimension_numbers = #tpu.dot_dimension_numbers<[1], [0], [0], [1], [0, 0, 1, 1], [], []>, transpose_lhs_hint = false} : vector<200x128xf32>, vector<128x128xf32>, vector<200x128xf32> -> vector<200x128xf32>
    %add3A_3459 = arith.addf %add3A_3448, %dot_general3A_3458 : vector<200x128xf32>
    %get3A_3460 = arith.constant 2400 : index
    %get3A_3461 = arith.constant 0 : index
    %get3A_3462 = vector.load %arg12[%get3A_3460, %get3A_3461] : memref<3000x128xf32, #tpu.memory_space<vmem>>, vector<200x128xf32>
    %get3A_3463 = arith.constant 12 : index
    %get3A_3464 = arith.constant 0 : index
    %get3A_3465 = arith.constant 0 : index
    %get3A_3466 = vector.load %arg9[%get3A_3463, %get3A_3464, %get3A_3465] : memref<15x128x128xf32, #tpu.memory_space<vmem>>, vector<1x128x128xf32>
    %get3A_3467 = vector.shape_cast %get3A_3466 : vector<1x128x128xf32> to vector<128x128xf32>
    %dot_general3A_3468 = arith.constant dense<0.000000e+00> : vector<200x128xf32>
    %dot_general3A_3469 = tpu.matmul %get3A_3462, %get3A_3467, %dot_general3A_3468 {dimension_numbers = #tpu.dot_dimension_numbers<[1], [0], [0], [1], [0, 0, 1, 1], [], []>, transpose_lhs_hint = false} : vector<200x128xf32>, vector<128x128xf32>, vector<200x128xf32> -> vector<200x128xf32>
    %add3A_3470 = arith.addf %add3A_3459, %dot_general3A_3469 : vector<200x128xf32>
    %get3A_3471 = arith.constant 2600 : index
    %get3A_3472 = arith.constant 0 : index
    %get3A_3473 = vector.load %arg12[%get3A_3471, %get3A_3472] : memref<3000x128xf32, #tpu.memory_space<vmem>>, vector<200x128xf32>
    %get3A_3474 = arith.constant 13 : index
    %get3A_3475 = arith.constant 0 : index
    %get3A_3476 = arith.constant 0 : index
    %get3A_3477 = vector.load %arg9[%get3A_3474, %get3A_3475, %get3A_3476] : memref<15x128x128xf32, #tpu.memory_space<vmem>>, vector<1x128x128xf32>
    %get3A_3478 = vector.shape_cast %get3A_3477 : vector<1x128x128xf32> to vector<128x128xf32>
    %dot_general3A_3479 = arith.constant dense<0.000000e+00> : vector<200x128xf32>
    %dot_general3A_3480 = tpu.matmul %get3A_3473, %get3A_3478, %dot_general3A_3479 {dimension_numbers = #tpu.dot_dimension_numbers<[1], [0], [0], [1], [0, 0, 1, 1], [], []>, transpose_lhs_hint = false} : vector<200x128xf32>, vector<128x128xf32>, vector<200x128xf32> -> vector<200x128xf32>
    %add3A_3481 = arith.addf %add3A_3470, %dot_general3A_3480 : vector<200x128xf32>
    %get3A_3482 = arith.constant 2800 : index
    %get3A_3483 = arith.constant 0 : index
    %get3A_3484 = vector.load %arg12[%get3A_3482, %get3A_3483] : memref<3000x128xf32, #tpu.memory_space<vmem>>, vector<200x128xf32>
    %get3A_3485 = arith.constant 14 : index
    %get3A_3486 = arith.constant 0 : index
    %get3A_3487 = arith.constant 0 : index
    %get3A_3488 = vector.load %arg9[%get3A_3485, %get3A_3486, %get3A_3487] : memref<15x128x128xf32, #tpu.memory_space<vmem>>, vector<1x128x128xf32>
    %get3A_3489 = vector.shape_cast %get3A_3488 : vector<1x128x128xf32> to vector<128x128xf32>
    %dot_general3A_3490 = arith.constant dense<0.000000e+00> : vector<200x128xf32>
    %dot_general3A_3491 = tpu.matmul %get3A_3484, %get3A_3489, %dot_general3A_3490 {dimension_numbers = #tpu.dot_dimension_numbers<[1], [0], [0], [1], [0, 0, 1, 1], [], []>, transpose_lhs_hint = false} : vector<200x128xf32>, vector<128x128xf32>, vector<200x128xf32> -> vector<200x128xf32>
    %add3A_3492 = arith.addf %add3A_3481, %dot_general3A_3491 : vector<200x128xf32>
    %swap3A_3493 = arith.constant 0 : index
    %swap3A_3494 = arith.constant 0 : index
    %swap3A_3495 = vector.load %arg10[%swap3A_3493, %swap3A_3494] : memref<200x128xf32, #tpu.memory_space<vmem>>, vector<200x128xf32>
    tpu.vector_store %arg10[%swap3A_3493, %swap3A_3494], %add3A_3492 {strides = array<i32>} : memref<200x128xf32, #tpu.memory_space<vmem>>, vector<200x128xf32>,
    %eq3A_3496 = arith.constant 0 : i32
    %eq3A_3497 = arith.cmpi eq, %arg0, %eq3A_3496 : i32
    %convert_element_type3A_3498 = arith.extui %eq3A_3497 : i1 to i32
    %cond3A = arith.constant 0 : i32
    %cond3A_3499 = arith.cmpi ne, %convert_element_type3A_3498, %cond3A : i32
    scf.if %cond3A_3499 {
      %broadcast_in_dim3A_3520 = arith.constant 0.000000e+00 : f32
      %broadcast_in_dim3A_3521 = vector.broadcast %broadcast_in_dim3A_3520 : f32 to vector<8x128xf32>
      %swap3A_3522 = arith.constant 0 : index
      %swap3A_3523 = arith.constant 0 : index
      %swap3A_3524 = vector.load %arg11[%swap3A_3522, %swap3A_3523] : memref<8x128xf32, #tpu.memory_space<vmem>>, vector<8x128xf32>
      tpu.vector_store %arg11[%swap3A_3522, %swap3A_3523], %broadcast_in_dim3A_3521 {strides = array<i32>} : memref<8x128xf32, #tpu.memory_space<vmem>>, vector<8x128xf32>,
    } else {
    }
    %get3A_3500 = arith.constant 0 : index
    %get3A_3501 = arith.constant 0 : index
    %get3A_3502 = vector.load %arg11[%get3A_3500, %get3A_3501] : memref<8x128xf32, #tpu.memory_space<vmem>>, vector<1x128xf32>
    %reduce_sum3A = arith.constant dense<0.000000e+00> : vector<128xf32>
    %reduce_sum3A_3503 = vector.multi_reduction <add>, %add3A_3492, %reduce_sum3A [0] : vector<200x128xf32> to vector<128xf32>
    %broadcast_in_dim3A_3504 = vector.shape_cast %reduce_sum3A_3503 : vector<128xf32> to vector<1x128xf32>
    %add3A_3505 = arith.addf %get3A_3502, %broadcast_in_dim3A_3504 : vector<1x128xf32>
    %swap3A_3506 = arith.constant 0 : index
    %swap3A_3507 = arith.constant 0 : index
    %swap3A_3508 = vector.load %arg11[%swap3A_3506, %swap3A_3507] : memref<8x128xf32, #tpu.memory_space<vmem>>, vector<1x128xf32>
    tpu.vector_store %arg11[%swap3A_3506, %swap3A_3507], %add3A_3505 {strides = array<i32>} : memref<8x128xf32, #tpu.memory_space<vmem>>, vector<1x128xf32>,
    %get3A_3509 = arith.constant 1 : index
    %get3A_3510 = arith.constant 0 : index
    %get3A_3511 = vector.load %arg11[%get3A_3509, %get3A_3510] : memref<8x128xf32, #tpu.memory_space<vmem>>, vector<1x128xf32>
    %mul3A_3512 = arith.mulf %add3A_3492, %add3A_3492 : vector<200x128xf32>
    %reduce_sum3A_3513 = arith.constant dense<0.000000e+00> : vector<128xf32>
    %reduce_sum3A_3514 = vector.multi_reduction <add>, %mul3A_3512, %reduce_sum3A_3513 [0] : vector<200x128xf32> to vector<128xf32>
    %broadcast_in_dim3A_3515 = vector.shape_cast %reduce_sum3A_3514 : vector<128xf32> to vector<1x128xf32>
    %add3A_3516 = arith.addf %get3A_3511, %broadcast_in_dim3A_3515 : vector<1x128xf32>
    %swap3A_3517 = arith.constant 1 : index
    %swap3A_3518 = arith.constant 0 : index
    %swap3A_3519 = vector.load %arg11[%swap3A_3517, %swap3A_3518] : memref<8x128xf32, #tpu.memory_space<vmem>>, vector<1x128xf32>
    tpu.vector_store %arg11[%swap3A_3517, %swap3A_3518], %add3A_3516 {strides = array<i32>} : memref<8x128xf32, #tpu.memory_space<vmem>>, vector<1x128xf32>,
    return
  }
  func.func @transform_0(%arg0: i32) -> (i32, i32) {
    %c0_i32 = arith.constant 0 : i32
    %c0_i32_0 = arith.constant 0 : i32
    return %arg0, %c0_i32 : i32, i32
  }
  func.func @transform_1(%arg0: i32) -> (i32, i32, i32) {
    %c0_i32 = arith.constant 0 : i32
    %c0_i32_0 = arith.constant 0 : i32
    %c0_i32_1 = arith.constant 0 : i32
    return %arg0, %c0_i32, %c0_i32_0 : i32, i32, i32
  }
  func.func @transform_2(%arg0: i32) -> (i32, i32, i32) {
    %c0_i32 = arith.constant 0 : i32
    %c0_i32_0 = arith.constant 0 : i32
    %c0_i32_1 = arith.constant 0 : i32
    return %arg0, %c0_i32, %c0_i32_0 : i32, i32, i32
  }
  func.func @transform_3(%arg0: i32) -> (i32, i32, i32) {
    %c0_i32 = arith.constant 0 : i32
    %c0_i32_0 = arith.constant 0 : i32
    %c0_i32_1 = arith.constant 0 : i32
    return %arg0, %c0_i32, %c0_i32_0 : i32, i32, i32
  }
  func.func @transform_4(%arg0: i32) -> (i32, i32, i32) {
    %c0_i32 = arith.constant 0 : i32
    %c0_i32_0 = arith.constant 0 : i32
    %c0_i32_1 = arith.constant 0 : i32
    return %arg0, %c0_i32, %c0_i32_0 : i32, i32, i32
  }
  func.func @transform_5(%arg0: i32) -> (i32, i32, i32) {
    %c0_i32 = arith.constant 0 : i32
    %c0_i32_0 = arith.constant 0 : i32
    %c0_i32_1 = arith.constant 0 : i32
    return %arg0, %c0_i32, %c0_i32_0 : i32, i32, i32
  }
  func.func @transform_6(%arg0: i32) -> (i32, i32, i32) {
    %c0_i32 = arith.constant 0 : i32
    %c0_i32_0 = arith.constant 0 : i32
    %c0_i32_1 = arith.constant 0 : i32
    return %arg0, %c0_i32, %c0_i32_0 : i32, i32, i32
  }
  func.func @transform_7(%arg0: i32) -> (i32, i32) {
    %c0_i32 = arith.constant 0 : i32
    %c0_i32_0 = arith.constant 0 : i32
    %c0_i32_1 = arith.constant 0 : i32
    return %c0_i32, %c0_i32_0 : i32, i32
  }
  func.func @transform_8(%arg0: i32) -> (i32, i32, i32) {
    %c0_i32 = arith.constant 0 : i32
    %c0_i32_0 = arith.constant 0 : i32
    %c0_i32_1 = arith.constant 0 : i32
    %c0_i32_2 = arith.constant 0 : i32
    return %c0_i32, %c0_i32_0, %c0_i32_1 : i32, i32, i32
  }
  func.func @transform_9(%arg0: i32) -> (i32, i32) {
    %c0_i32 = arith.constant 0 : i32
    %c0_i32_0 = arith.constant 0 : i32
    return %arg0, %c0_i32 : i32, i32
  }
  func.func @transform_10(%arg0: i32) -> (i32, i32) {
    %c0_i32 = arith.constant 0 : i32
    %c0_i32_0 = arith.constant 0 : i32
    %c0_i32_1 = arith.constant 0 : i32
    return %c0_i32, %c0_i32_0 : i32, i32
  }
}

module attributes {stable_mosaic.version = 14 : i64} {
  func.func @_tc_norm_body(%arg0: i32, %arg1: memref<2000x128xf32, #tpu.memory_space<vmem>>, %arg2: memref<8x128xf32, #tpu.memory_space<vmem>>, %arg3: memref<1x128xf32, #tpu.memory_space<vmem>>, %arg4: memref<1x128xf32, #tpu.memory_space<vmem>>, %arg5: memref<2000x128xf32, #tpu.memory_space<vmem>>) attributes {dimension_semantics = [#tpu.dimension_semantics<arbitrary>], iteration_bounds = array<i64: 5>, scalar_prefetch = 0 : i64, scratch_operands = 0 : i64, tpu.core_type = #tpu.core_type<tc>, window_params = [{transform_indices = @transform_0, window_bounds = array<i64: 2000, 128>}, {pipeline_mode = #tpu.pipeline_mode<synchronous>, transform_indices = @transform_1, window_bounds = array<i64: 8, 128>}, {pipeline_mode = #tpu.pipeline_mode<synchronous>, transform_indices = @transform_2, window_bounds = array<i64: 1, 128>}, {pipeline_mode = #tpu.pipeline_mode<synchronous>, transform_indices = @transform_3, window_bounds = array<i64: 1, 128>}, {transform_indices = @transform_4, window_bounds = array<i64: 2000, 128>}]} {
    %iota3A = tpu.iota {dimensions = array<i32: 0>} : vector<128x128xi32>
    %jit3A = arith.constant 4 : i32
    %div3A = vector.broadcast %jit3A : i32 to vector<128x128xi32>
    %div3A_0 = arith.divsi %iota3A, %div3A : vector<128x128xi32>
    %sign3A = arith.constant 0 : i32
    %sign3A_1 = vector.broadcast %sign3A : i32 to vector<128x128xi32>
    %sign3A_2 = arith.cmpi sgt, %iota3A, %sign3A_1 : vector<128x128xi32>
    %sign3A_3 = arith.extui %sign3A_2 : vector<128x128xi1> to vector<128x128xi32>
    %sign3A_4 = arith.constant 0 : i32
    %sign3A_5 = vector.broadcast %sign3A_4 : i32 to vector<128x128xi32>
    %sign3A_6 = arith.cmpi slt, %iota3A, %sign3A_5 : vector<128x128xi32>
    %sign3A_7 = arith.extui %sign3A_6 : vector<128x128xi1> to vector<128x128xi32>
    %sign3A_8 = arith.subi %sign3A_3, %sign3A_7 : vector<128x128xi32>
    %sign3A_9 = arith.constant 0 : i32
    %sign3A_10 = arith.cmpi sgt, %jit3A, %sign3A_9 : i32
    %sign3A_11 = arith.extui %sign3A_10 : i1 to i32
    %sign3A_12 = arith.constant 0 : i32
    %sign3A_13 = arith.cmpi slt, %jit3A, %sign3A_12 : i32
    %sign3A_14 = arith.extui %sign3A_13 : i1 to i32
    %sign3A_15 = arith.subi %sign3A_11, %sign3A_14 : i32
    %ne3A = vector.broadcast %sign3A_15 : i32 to vector<128x128xi32>
    %ne3A_16 = arith.cmpi ne, %sign3A_8, %ne3A : vector<128x128xi32>
    %rem3A = vector.broadcast %jit3A : i32 to vector<128x128xi32>
    %rem3A_17 = arith.remsi %iota3A, %rem3A : vector<128x128xi32>
    %ne3A_18 = arith.constant 0 : i32
    %ne3A_19 = vector.broadcast %ne3A_18 : i32 to vector<128x128xi32>
    %ne3A_20 = arith.cmpi ne, %rem3A_17, %ne3A_19 : vector<128x128xi32>
    %and3A = arith.andi %ne3A_16, %ne3A_20 : vector<128x128xi1>
    %sub3A = arith.constant 1 : i32
    %sub3A_21 = vector.broadcast %sub3A : i32 to vector<128x128xi32>
    %sub3A_22 = arith.subi %div3A_0, %sub3A_21 : vector<128x128xi32>
    %select_n3A = arith.select %and3A, %sub3A_22, %div3A_0 : vector<128x128xi1>, vector<128x128xi32>
    %iota3A_23 = tpu.iota {dimensions = array<i32: 1>} : vector<128x128xi32>
    %jit3A_24 = arith.constant 4 : i32
    %div3A_25 = vector.broadcast %jit3A_24 : i32 to vector<128x128xi32>
    %div3A_26 = arith.divsi %iota3A_23, %div3A_25 : vector<128x128xi32>
    %sign3A_27 = arith.constant 0 : i32
    %sign3A_28 = vector.broadcast %sign3A_27 : i32 to vector<128x128xi32>
    %sign3A_29 = arith.cmpi sgt, %iota3A_23, %sign3A_28 : vector<128x128xi32>
    %sign3A_30 = arith.extui %sign3A_29 : vector<128x128xi1> to vector<128x128xi32>
    %sign3A_31 = arith.constant 0 : i32
    %sign3A_32 = vector.broadcast %sign3A_31 : i32 to vector<128x128xi32>
    %sign3A_33 = arith.cmpi slt, %iota3A_23, %sign3A_32 : vector<128x128xi32>
    %sign3A_34 = arith.extui %sign3A_33 : vector<128x128xi1> to vector<128x128xi32>
    %sign3A_35 = arith.subi %sign3A_30, %sign3A_34 : vector<128x128xi32>
    %sign3A_36 = arith.constant 0 : i32
    %sign3A_37 = arith.cmpi sgt, %jit3A_24, %sign3A_36 : i32
    %sign3A_38 = arith.extui %sign3A_37 : i1 to i32
    %sign3A_39 = arith.constant 0 : i32
    %sign3A_40 = arith.cmpi slt, %jit3A_24, %sign3A_39 : i32
    %sign3A_41 = arith.extui %sign3A_40 : i1 to i32
    %sign3A_42 = arith.subi %sign3A_38, %sign3A_41 : i32
    %ne3A_43 = vector.broadcast %sign3A_42 : i32 to vector<128x128xi32>
    %ne3A_44 = arith.cmpi ne, %sign3A_35, %ne3A_43 : vector<128x128xi32>
    %rem3A_45 = vector.broadcast %jit3A_24 : i32 to vector<128x128xi32>
    %rem3A_46 = arith.remsi %iota3A_23, %rem3A_45 : vector<128x128xi32>
    %ne3A_47 = arith.constant 0 : i32
    %ne3A_48 = vector.broadcast %ne3A_47 : i32 to vector<128x128xi32>
    %ne3A_49 = arith.cmpi ne, %rem3A_46, %ne3A_48 : vector<128x128xi32>
    %and3A_50 = arith.andi %ne3A_44, %ne3A_49 : vector<128x128xi1>
    %sub3A_51 = arith.constant 1 : i32
    %sub3A_52 = vector.broadcast %sub3A_51 : i32 to vector<128x128xi32>
    %sub3A_53 = arith.subi %div3A_26, %sub3A_52 : vector<128x128xi32>
    %select_n3A_54 = arith.select %and3A_50, %sub3A_53, %div3A_26 : vector<128x128xi1>, vector<128x128xi32>
    %eq3A = arith.cmpi eq, %select_n3A, %select_n3A_54 : vector<128x128xi32>
    %convert_element_type3A = arith.extui %eq3A : vector<128x128xi1> to vector<128x128xi32>
    %convert_element_type3A_55 = arith.sitofp %convert_element_type3A : vector<128x128xi32> to vector<128x128xf32>
    %get3A = arith.constant 0 : index
    %get3A_56 = arith.constant 0 : index
    %get3A_57 = vector.load %arg2[%get3A, %get3A_56] : memref<8x128xf32, #tpu.memory_space<vmem>>, vector<1x128xf32>
    %add3A = arith.constant 0.000000e+00 : f32
    %add3A_58 = vector.broadcast %add3A : f32 to vector<1x128xf32>
    %add3A_59 = arith.addf %add3A_58, %get3A_57 : vector<1x128xf32>
    %get3A_60 = arith.constant 1 : index
    %get3A_61 = arith.constant 0 : index
    %get3A_62 = vector.load %arg2[%get3A_60, %get3A_61] : memref<8x128xf32, #tpu.memory_space<vmem>>, vector<1x128xf32>
    %add3A_63 = arith.constant 0.000000e+00 : f32
    %add3A_64 = vector.broadcast %add3A_63 : f32 to vector<1x128xf32>
    %add3A_65 = arith.addf %add3A_64, %get3A_62 : vector<1x128xf32>
    %dot_general3A = arith.constant dense<0.000000e+00> : vector<1x128xf32>
    %dot_general3A_66 = tpu.matmul %add3A_59, %convert_element_type3A_55, %dot_general3A {dimension_numbers = #tpu.dot_dimension_numbers<[1], [0], [0], [1], [0, 0, 1, 1], [], []>, transpose_lhs_hint = false} : vector<1x128xf32>, vector<128x128xf32>, vector<1x128xf32> -> vector<1x128xf32>
    %mul3A = arith.constant 2.500000e-05 : f32
    %mul3A_67 = vector.broadcast %mul3A : f32 to vector<1x128xf32>
    %mul3A_68 = arith.mulf %dot_general3A_66, %mul3A_67 : vector<1x128xf32>
    %dot_general3A_69 = arith.constant dense<0.000000e+00> : vector<1x128xf32>
    %dot_general3A_70 = tpu.matmul %add3A_65, %convert_element_type3A_55, %dot_general3A_69 {dimension_numbers = #tpu.dot_dimension_numbers<[1], [0], [0], [1], [0, 0, 1, 1], [], []>, transpose_lhs_hint = false} : vector<1x128xf32>, vector<128x128xf32>, vector<1x128xf32> -> vector<1x128xf32>
    %mul3A_71 = arith.constant 2.500000e-05 : f32
    %mul3A_72 = vector.broadcast %mul3A_71 : f32 to vector<1x128xf32>
    %mul3A_73 = arith.mulf %dot_general3A_70, %mul3A_72 : vector<1x128xf32>
    %mul3A_74 = arith.mulf %mul3A_68, %mul3A_68 : vector<1x128xf32>
    %sub3A_75 = arith.subf %mul3A_73, %mul3A_74 : vector<1x128xf32>
    %get3A_76 = arith.constant 0 : index
    %get3A_77 = arith.constant 0 : index
    %get3A_78 = vector.load %arg3[%get3A_76, %get3A_77] : memref<1x128xf32, #tpu.memory_space<vmem>>, vector<1x128xf32>
    %add3A_79 = arith.constant 9.99999974E-6 : f32
    %add3A_80 = vector.broadcast %add3A_79 : f32 to vector<1x128xf32>
    %add3A_81 = arith.addf %sub3A_75, %add3A_80 : vector<1x128xf32>
    %rsqrt3A = math.rsqrt %add3A_81 : vector<1x128xf32>
    %mul3A_82 = arith.mulf %get3A_78, %rsqrt3A : vector<1x128xf32>
    %get3A_83 = arith.constant 0 : index
    %get3A_84 = arith.constant 0 : index
    %get3A_85 = vector.load %arg4[%get3A_83, %get3A_84] : memref<1x128xf32, #tpu.memory_space<vmem>>, vector<1x128xf32>
    %mul3A_86 = arith.mulf %mul3A_68, %mul3A_82 : vector<1x128xf32>
    %sub3A_87 = arith.subf %get3A_85, %mul3A_86 : vector<1x128xf32>
    %get3A_88 = arith.constant 0 : index
    %get3A_89 = arith.constant 0 : index
    %get3A_90 = vector.load %arg1[%get3A_88, %get3A_89] : memref<2000x128xf32, #tpu.memory_space<vmem>>, vector<2000x128xf32>
    %mul3A_91 = vector.broadcast %mul3A_82 : vector<1x128xf32> to vector<2000x128xf32>
    %mul3A_92 = arith.mulf %get3A_90, %mul3A_91 : vector<2000x128xf32>
    %add3A_93 = vector.broadcast %sub3A_87 : vector<1x128xf32> to vector<2000x128xf32>
    %add3A_94 = arith.addf %mul3A_92, %add3A_93 : vector<2000x128xf32>
    %ge3A = arith.constant 0.000000e+00 : f32
    %ge3A_95 = vector.broadcast %ge3A : f32 to vector<2000x128xf32>
    %ge3A_96 = arith.cmpf oge, %add3A_94, %ge3A_95 : vector<2000x128xf32>
    %mul3A_97 = arith.constant 0.00999999977 : f32
    %mul3A_98 = vector.broadcast %mul3A_97 : f32 to vector<2000x128xf32>
    %mul3A_99 = arith.mulf %mul3A_98, %add3A_94 : vector<2000x128xf32>
    %select_n3A_100 = arith.select %ge3A_96, %add3A_94, %mul3A_99 : vector<2000x128xi1>, vector<2000x128xf32>
    %swap3A = arith.constant 0 : index
    %swap3A_101 = arith.constant 0 : index
    %swap3A_102 = vector.load %arg5[%swap3A, %swap3A_101] : memref<2000x128xf32, #tpu.memory_space<vmem>>, vector<2000x128xf32>
    tpu.vector_store %arg5[%swap3A, %swap3A_101], %select_n3A_100 {strides = array<i32>} : memref<2000x128xf32, #tpu.memory_space<vmem>>, vector<2000x128xf32>,
    return
  }
  func.func @transform_0(%arg0: i32) -> (i32, i32) {
    %c0_i32 = arith.constant 0 : i32
    %c0_i32_0 = arith.constant 0 : i32
    return %arg0, %c0_i32 : i32, i32
  }
  func.func @transform_1(%arg0: i32) -> (i32, i32) {
    %c0_i32 = arith.constant 0 : i32
    %c0_i32_0 = arith.constant 0 : i32
    %c0_i32_1 = arith.constant 0 : i32
    return %c0_i32, %c0_i32_0 : i32, i32
  }
  func.func @transform_2(%arg0: i32) -> (i32, i32) {
    %c0_i32 = arith.constant 0 : i32
    %c0_i32_0 = arith.constant 0 : i32
    %c0_i32_1 = arith.constant 0 : i32
    return %c0_i32, %c0_i32_0 : i32, i32
  }
  func.func @transform_3(%arg0: i32) -> (i32, i32) {
    %c0_i32 = arith.constant 0 : i32
    %c0_i32_0 = arith.constant 0 : i32
    %c0_i32_1 = arith.constant 0 : i32
    return %c0_i32, %c0_i32_0 : i32, i32
  }
  func.func @transform_4(%arg0: i32) -> (i32, i32) {
    %c0_i32 = arith.constant 0 : i32
    %c0_i32_0 = arith.constant 0 : i32
    return %arg0, %c0_i32 : i32, i32
  }
}

</mosaic_0001>

<sc_bundles>
// kernel: kernel.5.cloned.1.call-start
scs
__scs_entry_jumppad:
0x0: {  	(pc) =	sbr.rel $0x88, $3  }
0x1: {  	(tag) =	ssettag $0x0;
	lr =	simm.s32 $0x1  }
0x2: {  	[smem:$0x3F99] =	sst lr;
	_ =	strace $0xD0000000  }
0x3: {  	_ = 	snop  }
0x4: {  	_ = 	snop  }
0x5: {  	_ = 	snop  }
0x6: {  	_ = 	snop  }
0x7: {  	_ = 	snop  }
__scs_overlays_trampoline_lowered:
0x8: {  	[smem:$0x3FA8] =	sst s0  }
0x9: {  	[smem:$0x3FA9] =	sst s1  }
0xa: {  	[smem:$0x3FAA] =	sst s2  }
0xb: {  	[smem:$0x3FAB] =	sst s3  }
0xc: {  	[smem:$0x3FAC] =	sst s4  }
0xd: {  	[smem:$0x3FAD] =	sst s5  }
0xe: {  	[smem:$0x3FAE] =	sst s6  }
0xf: {  	[smem:$0x3FAF] =	sst s7  }
0x10: {  	[smem:$0x3FB0] =	sst s8  }
0x11: {  	[smem:$0x3FB1] =	sst s9;
	s0 =	simm.s32 @!p0 $0x0  }
0x12: {  	s1 =	sld [smem:$0x3F97];
	s0 =	simm.s32 @p0 $0x1  }
0x13: {  	[smem:$0x3FB2] =	sst s0;
	s0 =	simm.s32 @!p1 $0x0  }
0x14: {  	s2 =	sld [smem:$0x3F96];
	s0 =	simm.s32 @p1 $0x1  }
0x15: {  	[smem:$0x3FB3] =	sst s0;
	s0 =	simm.s32 @!p2 $0x0  }
0x16: {  	s3 =	sld [smem:$0x3FDB];
	s0 =	simm.s32 @p2 $0x1  }
0x17: {  	s4 =	simm.s32 $0x1BF5;
	[smem:$0x3FB5] =	sst s0  }
0x18: {  	s0 =	sld [smem:$0x3F98];
	_ =	swait.ge [sflag:s4], $0x0  }
0x19: {  	s7 =	sld [smem:$0x3F99]  }
0x1a: {  	s8 =	sadd.s32 $0xFFFFE003, lr  }
0x1b: {  	s9 =	sadd.s32 $0xFFFFFEF7, lr;
	s5 =	simm.s32 $0xFFFFFFFF;
	p2 =	slt.u32 s8, $0xFFFFF086  }
0x1c: {  	p1 =	slt.u32 s9, $0xF7A;
	s5 =	simm.s32 @!p2 $0x0  }
0x1d: {  	s5 =	simm.s32 @p1 $0x1;
	p0 =	seq.s32 s7, s2  }
0x1e: {  	s7 =	smul.u32 @!p0 $0xF7A, s2;
	p2 =	seq.s32 @!p0 s5, $0x0  }
0x1f: {  	s9 =	smul.u32 $0xF7A, s1;
	s8 =	simm.s32 @!p0 $0x1BF5;
	p2 =	por !p2, p0  }
0x20: {  	[sflag:s8] =	ssyncset.s32 @!p0 $0xFFFFF086;
	s6 =	sadd.s32 @!p0 s3, s7;
	s7 =	simm.s32 @!p0 $0x108  }
0x21: {  	s3 =	sadd.s32 s3, s9;
	s6 =	sadd.s32 @!p0 $0x88, s6;
	s7 =	simm.s32 @p2 $0x1082  }
0x22: {  	[simem:s7], [sflag:s8] =	dma.local @!p0 [hbm:s6], $0xF7A  }
0x23: {  	s9 =	sor.u32 $0xD0000000, s2;
	s6 =	simm.s32 $0x108;
	_ =	swait.ge @!p0 [sflag:s8], $0x0  }
0x24: {  	s3 =	sadd.s32 $0x88, s3;
	s6 =	simm.s32 @!p1 $0x1082;
	[sflag:s4] =	ssyncset.s32 $0xFFFFF086  }
0x25: {  	[simem:s6], [sflag:s4] =	dma.local [hbm:s3], $0xF7A  }
0x26: {  	[smem:$0x3F99] =	sst s1;
	(tag) =	ssettag s2;
	_ =	strace s9  }
0x27: {  	s1 =	sld [smem:$0x3FA9]  }
0x28: {  	s2 =	sld [smem:$0x3FAA]  }
0x29: {  	s4 =	sld [smem:$0x3FAC]  }
0x2a: {  	p0 =	seq.s32 s5, $0x0;
	s5 =	sld [smem:$0x3FAD]  }
0x2b: {  	s6 =	sld [smem:$0x3FAE]  }
0x2c: {  	s7 =	sld [smem:$0x3FAF]  }
0x2d: {  	s3 =	simm.s32 $0x108;
	s8 =	sld [smem:$0x3FB0]  }
0x2e: {  	s3 =	simm.s32 @!p0 $0x1082;
	s9 =	sld [smem:$0x3FB1]  }
0x2f: {  	lr =	sadd.s32 s0, s3;
	s0 =	sld [smem:$0x3FA8]  }
0x30: {  	s3 =	sld [smem:$0x3FAB]  }
0x31: {  	[smem:$0x3FB4] =	sst s10  }
0x32: {  	s10 =	sld [smem:$0x3FB2];
	_ =	sdelay $0x3  }
0x33: {  	p0 =	seq.s32 s10, $0x1;
	s10 =	sld [smem:$0x3FB4];
	_ =	sdelay $0x3  }
0x34: {  	[smem:$0x3FB4] =	sst s10  }
0x35: {  	s10 =	sld [smem:$0x3FB3];
	_ =	sdelay $0x3  }
0x36: {  	p1 =	seq.s32 s10, $0x1;
	s10 =	sld [smem:$0x3FB4];
	_ =	sdelay $0x3  }
0x37: {  	[smem:$0x3FB4] =	sst s10  }
0x38: {  	s10 =	sld [smem:$0x3FB5]  }
0x39: {  	_ = 	snop;
	(pc) =	sbr.ind lr, $3  }
0x3a: {  	_ = 	snop  }
0x3b: {  	_ = 	snop  }
0x3c: {  	p2 =	seq.s32 s10, $0x1;
	s10 =	sld [smem:$0x3FB4]  }
0x3d: {  	_ =	shalt  }
0x3e: {  	_ =	shalt  }
0x3f: {  	_ =	shalt  }
0x40: {  	_ =	shalt  }
0x41: {  	_ =	shalt  }
0x42: {  	_ =	shalt  }
0x43: {  	_ =	shalt  }
0x44: {  	_ =	shalt  }
0x45: {  	_ =	shalt  }
0x46: {  	_ =	shalt  }
0x47: {  	_ =	shalt  }
0x48: {  	_ =	shalt  }
0x49: {  	_ =	shalt  }
0x4a: {  	_ =	shalt  }
0x4b: {  	_ =	shalt  }
0x4c: {  	_ =	shalt  }
0x4d: {  	_ =	shalt  }
0x4e: {  	_ =	shalt  }
0x4f: {  	_ =	shalt  }
0x50: {  	_ =	shalt  }
0x51: {  	_ =	shalt  }
0x52: {  	_ =	shalt  }
0x53: {  	_ =	shalt  }
0x54: {  	_ =	shalt  }
0x55: {  	_ =	shalt  }
0x56: {  	_ =	shalt  }
0x57: {  	_ =	shalt  }
0x58: {  	_ =	shalt  }
0x59: {  	_ =	shalt  }
0x5a: {  	_ =	shalt  }
0x5b: {  	_ =	shalt  }
0x5c: {  	_ =	shalt  }
0x5d: {  	_ =	shalt  }
0x5e: {  	_ =	shalt  }
0x5f: {  	_ =	shalt  }
0x60: {  	_ =	shalt  }
0x61: {  	_ =	shalt  }
0x62: {  	_ =	shalt  }
0x63: {  	_ =	shalt  }
0x64: {  	_ =	shalt  }
0x65: {  	_ =	shalt  }
0x66: {  	_ =	shalt  }
0x67: {  	_ =	shalt  }
0x68: {  	_ =	shalt  }
0x69: {  	_ =	shalt  }
0x6a: {  	_ =	shalt  }
0x6b: {  	_ =	shalt  }
0x6c: {  	_ =	shalt  }
0x6d: {  	_ =	shalt  }
0x6e: {  	_ =	shalt  }
0x6f: {  	_ =	shalt  }
0x70: {  	_ =	shalt  }
0x71: {  	_ =	shalt  }
0x72: {  	_ =	shalt  }
0x73: {  	_ =	shalt  }
0x74: {  	_ =	shalt  }
0x75: {  	_ =	shalt  }
0x76: {  	_ =	shalt  }
0x77: {  	_ =	shalt  }
0x78: {  	_ =	shalt  }
0x79: {  	_ =	shalt  }
0x7a: {  	_ =	shalt  }
0x7b: {  	_ =	shalt  }
0x7c: {  	_ =	shalt  }
0x7d: {  	_ =	shalt  }
0x7e: {  	_ =	shalt  }
0x7f: {  	_ =	shalt  }
0x80: {  	_ =	shalt  }
0x81: {  	_ =	shalt  }
0x82: {  	_ =	shalt  }
0x83: {  	_ =	shalt  }
0x84: {  	_ =	shalt  }
0x85: {  	_ =	shalt  }
0x86: {  	_ =	shalt  }
0x87: {  	_ =	shalt  }
.Lfunc_end0:
.L_simem_size_0:
called_computation_lowered:
.L_overlay_start_0:
0x88: {  	s2 =	sld [smem:$0x3FD9]  }
0x89: {  	s3 =	sld [smem:$0x3FFE];
	_ =	sdelay $0x1  }
0x8a: {  	s1 =	srdreg.scid  }
0x8b: {  	s0 =	sand.u32 $0x1, s1  }
0x8c: {  	s17 =	sshll.u32 s0, $0xA;
	s2 =	sadd.s32 s3, s2  }
0x8d: {  	s2 =	sadd.s32 s2, s17  }
0x8e: {  	[smem:$0x3FC0] =	sst s2  }
0x8f: {  	_ = 	snop  }
0x90: {  	s2 =	sld [smem:$0x3FC7]  }
0x91: {  	s18 =	sld [smem:$0x3FD0];
	(tm) =	ssettm $0x1  }
0x92: {  	s4 =	sld [smem:$0x3FFB];
	_ =	sdelay $0x3  }
0x93: {  	_ =	strace s4  }
0x94: {  	s4 =	sld [smem:$0x3FFC];
	_ =	sdelay $0x3  }
0x95: {  	_ =	strace s4  }
0x96: {  	s4 =	sld [smem:$0x3FFD];
	_ =	sdelay $0x3  }
0x97: {  	_ =	strace s4  }
0x98: {  	_ =	strace $0x8FFFFFFF  }
0x99: {  	s19 =	sld [smem:$0x3FDB];
	_ =	sdelay $0x1  }
0x9a: {  	s5 =	simm.s32 $_scs_section_size  }
0x9b: {  	s6 =	simm.s32 $_size__tile_overlayer_lowered;
	s7 =	simm.s32 $_tile_overlayer_lowered  }
0x9c: {  	s22 =	simm.s32 $0x1BFF;
	s21 =	sshll.u32 s7, $0x1;
	s4 =	sadd.s32 s5, s19  }
0x9d: {  	s8 =	simm.s32 $0x0;
	s20 =	sshll.u32 s6, $0x1;
	s6 =	sadd.s32 s21, s4  }
0x9e: {  	[timem:s8], [sflag:s22] =	dma.local [hbm:s6], s20  }
0x9f: {  	_ =	swait.ge [sflag:s22], s20  }
0xa0: {  	s5 =	ssub.s32 $0x0, s20;
	[sflag:s22] =	ssyncset.done $0x0  }
0xa1: {  	[sflag:s22] =	ssyncadd.s32 s5;
	_ =	sdelay $0x1  }
0xa2: {  	s23 =	simm.s32 $0x1B8B  }
0xa3: {  	_ =	swait.ge [sflag:s23], $0x1  }
0xa4: {  	[sflag:s23] =	ssyncset.done $0x0  }
0xa5: {  	s25 =	simm.s32 $0x1B8E;
	s24 =	sld [smem:$0x3FFE];
	[sflag:s23] =	ssyncadd.s32 $0xFFFFFFFF  }
0xa6: {  	s26 =	simm.s32 $execute0_lowered;
	[smem:$0x3FD2] =	sst s25  }
0xa7: {  	s6 =	sshll.u32 s26, $0x1;
	_ =	strace $0x80000046;
	[dreg:$0x1] =	wrdreg $0xFFFFFFFF  }
0xa8: {  	s28 =	simm.s32 $_size_execute0_lowered;
	s4 =	sadd.s32 s4, s6;
	[dreg:$0x0] =	wrdreg $0x0  }
0xa9: {  	s6 =	sshll.u32 s28, $0x1;
	[dreg:$0x2] =	wrdreg s4  }
0xaa: {  	[dreg:$0x3] =	wrdreg s6  }
0xab: {  	[dreg:$0x4] =	wrdreg $0xC0  }
0xac: {  	_ =	task [dreg:s8], $0x5FFFF  }
0xad: {  	[dreg:$0x1] =	wrdreg $0xFFFFFFFF  }
0xae: {  	[dreg:$0x0] =	wrdreg $0x60  }
0xaf: {  	[dreg:$0x2] =	wrdreg s2  }
0xb0: {  	[dreg:$0x3] =	wrdreg s24  }
0xb1: {  	[dreg:$0x4] =	wrdreg s18  }
0xb2: {  	[dreg:$0x5] =	wrdreg $0x9  }
0xb3: {  	_ =	task.clear_ibuf [dreg:s8], $0x6FFFF;
	_ =	strace $0x90000046  }
0xb4: {  	s29 =	simm.s32 $0x9;
	_ =	strace $0x80000048  }
0xb5: {  	_ =	swait.ge [sflag:s29], $0x1  }
0xb6: {  	[sflag:s29] =	ssyncadd.s32 $0xFFFFFFFF  }
0xb7: {  	_ =	strace $0x90000048  }
0xb8: {  	_ =	sfence  }
0xb9: {  	s30 =	sld [smem:$0x0];
	_ =	sdelay $0x2  }
0xba: {  	s31 =	sshll.u32 s1, $0xD;
	s1 =	sshrl.u32 s1, $0x2  }
0xbb: {  	s3 =	sand.u32 $0x4000, s31;
	s1 =	sadd.s32 s1, s30  }
0xbc: {  	s0 =	sor.u32 s3, s0;
	s1 =	sshll.u32 s1, $0x11  }
0xbd: {  	s0 =	sor.u32 s1, s0  }
0xbe: {  	s0 =	sadd.s32 $0x8F2B, s0  }
0xbf: {  	[sflag:s0] =	ssyncadd.remote.s32 $0x1  }
0xc0: {  	_ =	sfence.sel $0xFFFF  }
0xc1: {  	[dreg:$0x0] =	wrdreg $0xFFFFFFFF;
	(pc) =	sbr.abs _section_cstart, $3  }
0xc2: {  	[dreg:$0x1] =	wrdreg $0xFFFFFFFF  }
0xc3: {  	_ =	task.clear_ibuf [dreg:s8], $0x2FFFF;
	_ =	strace $0x9FFFFFFF  }
0xc4: {  	(tm) =	ssettm $0x7FFFFFFF  }
0xc5: {  	_ =	shalt  }
tec
execute0_lowered:
.L_overlay_start_1:
0x0: {  	(tag) =	ssettag $0x1  }
0x1: {  	s1 =	rddreg [dreg:$0x0]  }
0x2: {  	s18 =	rddreg [dreg:$0x1]  }
0x3: {  	s0 =	rddreg [dreg:$0x2];
	s4 =	simm.s32 $0x0;
	s2 =	srdreg.scid  }
0x4: {  	s17 =	stileid.u32;
	s29 =	simm.s32 $0x8180;
	[smem:$0x7FF] =	sst s4  }
0x5: {  	s3 =	sand.u32 $0x1, s2;
	s10 =	sshll.u32 s17, $0x1;
	s8 =	sadd.s32 $0x1EC00, s18  }
0x6: {  	s5 =	sadd.s32 $0x1200, s18;
	s6 =	sadd.s32 $0xB000, s18;
	s7 =	sadd.s32 $0x14E00, s18  }
0x7: {  	s20 =	smul.u32 $0x4E20, s17;
	_ =	strace $0x80000047;
	s2 =	sor.u32 s3, s10  }
0x8: {  	s9 =	ssub.s32 $0x2, s3;
	[smem:$0x7F4] =	sst s5;
	s10 =	smul.u32 $0x2710, s2  }
0x9: {  	[smem:$0x7F5] =	sst s6;
	s11 =	sshrl.u32 s9, $0x1;
	s12 =	smul.u32 $0x27100, s2  }
0xa: {  	s15 =	smul.u32 $0x2710, s3;
	[smem:$0x7F6] =	sst s7;
	s2 =	ssub.s32 s9, s11  }
0xb: {  	s11 =	sadd.s32 $0x80, s10;
	s13 =	sshrl.u32 s10, $0x3;
	s12 =	sadd.s32 s8, s12  }
0xc: {  	s14 =	sshrl.u32 s11, $0x3;
	s19 =	sadd.s32 s0, s13;
	[dreg:$0xf] =	wrdreg s12  }
0xd: {  	s9 =	sshll.u32 s11, $0x4;
	s11 =	sadd.s32 s15, s20;
	s20 =	sadd.s32 s5, s13  }
0xe: {  	s12 =	sadd.s32 $0x2680, s10;
	s16 =	sadd.s32 s0, s14;
	[dreg:$0x13] =	wrdreg s20  }
0xf: {  	s9 =	sadd.s32 s8, s9;
	s21 =	sshll.u32 s12, $0x4;
	[dreg:$0xd] =	wrdreg s19  }
0x10: {  	s15 =	sadd.s32 $0x300, s11;
	s26 =	sadd.s32 $0x100, s11;
	[dreg:$0xe] =	wrdreg s16  }
0x11: {  	[dreg:$0x10] =	wrdreg s9;
	s9 =	sadd.s32 s8, s21;
	s22 =	sshrl.u32 s15, $0x3  }
0x12: {  	s16 =	sshrl.u32 s26, $0x3;
	s26 =	sadd.s32 s5, s14;
	[dreg:$0x11] =	wrdreg s9  }
0x13: {  	s9 =	sadd.s32 $0x2700, s10;
	s10 =	sadd.s32 s22, s0;
	[dreg:$0x16] =	wrdreg s26  }
0x14: {  	s31 =	simm.s32 $0x7;
	s28 =	sadd.s32 s16, s7;
	[dreg:$0x4] =	wrdreg s10  }
0x15: {  	s24 =	sadd.s32 $0x280, s11;
	s21 =	sadd.s32 s16, s5;
	[dreg:$0x6] =	wrdreg s28  }
0x16: {  	s25 =	sshrl.u32 s24, $0x3;
	s26 =	sadd.s32 $0x20, s19;
	[dreg:$0x8] =	wrdreg s21  }
0x17: {  	s30 =	simm.s32 $0x8;
	s10 =	sadd.s32 s25, s0;
	[smem:$0x7FC] =	sst s26  }
0x18: {  	s23 =	sshll.u32 s9, $0x4;
	s21 =	smax.u32 s2, $0x1;
	[dreg:$0x5] =	wrdreg s10  }
0x19: {  	s17 =	smul.u32 $0x4E200, s17;
	s15 =	sadd.s32 s8, s23;
	[smem:$0x7F7] =	sst s21  }
0x1a: {  	s3 =	smul.u32 $0x27100, s3;
	s23 =	sadd.s32 s6, s13;
	[dreg:$0x12] =	wrdreg s15  }
0x1b: {  	s9 =	sshrl.u32 s9, $0x3;
	s13 =	sadd.s32 s7, s13;
	[dreg:$0x14] =	wrdreg s23  }
0x1c: {  	s12 =	sshrl.u32 s12, $0x3;
	s20 =	sadd.s32 s7, s9;
	[dreg:$0x15] =	wrdreg s13  }
0x1d: {  	s8 =	sadd.s32 s17, s8;
	s15 =	sadd.s32 s16, s6;
	[dreg:$0x1f] =	wrdreg s20  }
0x1e: {  	s17 =	sadd.s32 $0x200, s11;
	s13 =	sadd.s32 s7, s14;
	[dreg:$0x7] =	wrdreg s15  }
0x1f: {  	s3 =	sadd.s32 s3, s8;
	s8 =	sadd.s32 s7, s12;
	[dreg:$0x18] =	wrdreg s13  }
0x20: {  	s21 =	simm.s32 $0xC280;
	s16 =	sadd.s32 s5, s9;
	[dreg:$0x1b] =	wrdreg s8  }
0x21: {  	s10 =	sshrl.u32 s17, $0x3;
	s17 =	sadd.s32 s6, s9;
	[dreg:$0x1d] =	wrdreg s16  }
0x22: {  	s23 =	sadd.s32 $0x180, s11;
	s11 =	simm.s32 $0xED80;
	[dreg:$0x1e] =	wrdreg s17  }
0x23: {  	s20 =	simm.s32 $0xC500;
	s22 =	sadd.s32 s10, s7;
	[smem:$0x7F9] =	sst s23  }
0x24: {  	s24 =	sadd.s32 s10, s6;
	s25 =	sadd.s32 s10, s5;
	[dreg:$0x9] =	wrdreg s22  }
0x25: {  	s28 =	sadd.s32 s10, s0;
	s10 =	sadd.s32 s6, s14;
	[dreg:$0xa] =	wrdreg s24  }
0x26: {  	s14 =	sadd.s32 s5, s12;
	s15 =	sadd.s32 s6, s12;
	[dreg:$0xb] =	wrdreg s25  }
0x27: {  	s0 =	sadd.s32 s0, s9;
	s9 =	simm.s32 $0xC600;
	[dreg:$0xc] =	wrdreg s28  }
0x28: {  	s12 =	simm.s32 $0x11500;
	s13 =	simm.s32 $0x1;
	[dreg:$0x17] =	wrdreg s10  }
0x29: {  	s16 =	simm.s32 $0x2;
	s5 =	simm.s32 $0x4180;
	[dreg:$0x19] =	wrdreg s14  }
0x2a: {  	s6 =	simm.s32 $0x100;
	s7 =	simm.s32 $0x0;
	[dreg:$0x1a] =	wrdreg s15  }
0x2b: {  	s17 =	simm.s32 $0x4180;
	s23 =	simm.s32 $0x100;
	[dreg:$0x1c] =	wrdreg s0  }
0x2c: {  	s22 =	sadd.s32 $0x1000, s3;
	s24 =	sadd.s32 $0xC00, s18;
	s25 =	sadd.s32 $0x600, s18  }
0x2d: {  	s28 =	sadd.s32 $0x30, s19;
	s3 =	simm.s32 $0xA;
	[smem:$0x7F8] =	sst s22  }
0x2e: {  	s14 =	simm.s32 $0x80;
	s18 =	simm.s32 $0x4;
	[smem:$0x7FA] =	sst s24  }
0x2f: {  	s19 =	simm.s32 $0xC380;
	s0 =	simm.s32 $0x6;
	[smem:$0x7FB] =	sst s25  }
0x30: {  	s10 =	simm.s32 $0x9;
	s15 =	simm.s32 $0xC580;
	[smem:$0x7FD] =	sst s28  }
0x31: {  	s22 =	simm.s32 $0x3;
	s24 =	simm.s32 $0x5;
	s25 =	simm.s32 $0xC200  }
.LBB2_1:
0x32: {  	s2 =	sld [smem:$0x7FA];
	_ =	sdelay $0x1  }
0x33: {  	[smem:$0x7F3] =	sst s7  }
0x34: {  	[tilespmem:s9], [sflag:$0xA] =	stream.linear.gather [hbm4b:s2+s4], $0x2780, $0x38;
	[tilespmem:$0x13C80] =	vst v63  }
0x35: {  	_ =	swait.ge [sflag:s3], $0x2780  }
0x36: {  	s8 =	sld [smem:$0x7FB]  }
0x37: {  	[sflag:s3] =	ssyncset.done $0x0  }
0x38: {  	[sflag:s3] =	ssyncadd.s32 $0xFFFFD880  }
0x39: {  	[tilespmem:s11], [sflag:$0xA] =	stream.linear.gather [hbm4b:s8+s4], $0x2780, $0x38;
	[tilespmem:$0x13C80] =	vst v63  }
0x3a: {  	_ =	swait.ge [sflag:s3], $0x2780  }
0x3b: {  	[sflag:s3] =	ssyncset.done $0x0  }
0x3c: {  	[sflag:s3] =	ssyncadd.s32 $0xFFFFD880  }
0x3d: {  	s26 =	rddreg [dreg:$0x1]  }
0x3e: {  	[tilespmem:s12], [sflag:$0xA] =	stream.linear.gather [hbm4b:s26+s4], $0x2780, $0x38;
	[tilespmem:$0x13C80] =	vst v63  }
0x3f: {  	_ =	swait.ge [sflag:s3], $0x2780  }
0x40: {  	[sflag:s3] =	ssyncset.done $0x0  }
0x41: {  	s7 =	rddreg [dreg:$0xd];
	[sflag:s3] =	ssyncadd.s32 $0xFFFFD880  }
0x42: {  	[tilespmem:s4], [sflag:$0x1] =	stream.linear.gather [hbm4b:s7+s4], $0x80, $0x38;
	[tilespmem:$0x13C80] =	vst v63  }
0x43: {  	_ =	swait.ge [sflag:s13], $0x80  }
0x44: {  	[sflag:s13] =	ssyncset.done $0x0  }
0x45: {  	s3 =	simm.s32 $0x180;
	[sflag:s13] =	ssyncadd.s32 $0xFFFFFF80  }
0x46: {  	[tilespmem:s3], [sflag:$0x4] =	stream.indirect.gather [hbm4b:s1+s14], $0x80, s4, s14, $0xb8;
	[tilespmem:$0x13C80] =	vst v63  }
0x47: {  	v0 =	vld [tilespmem:$0x0];
	_ =	sdelay $0x7  }
0x48: {  	v1 =	vld.idx.msk [tilespmem:v0+s9+$0x0], $0xffff;
	_ =	sdelay $0x4  }
0x49: {  	[tilespmem:$0xC180] =	vst v1  }
0x4a: {  	v1 =	vld.idx.msk [tilespmem:v0+s11+$0x0], $0xffff;
	_ =	sdelay $0x3  }
0x4b: {  	v2 =	vld [tilespmem:$0x10]  }
0x4c: {  	[tilespmem:$0xC300] =	vst v1  }
0x4d: {  	v0 =	vld.idx.msk [tilespmem:v0+s12+$0x0], $0xffff;
	_ =	sdelay $0x4  }
0x4e: {  	[tilespmem:$0xC480] =	vst v0  }
0x4f: {  	v0 =	vld.idx.msk [tilespmem:v2+s9+$0x0], $0xffff;
	_ =	sdelay $0x4  }
0x50: {  	[tilespmem:$0xC190] =	vst v0  }
0x51: {  	v0 =	vld.idx.msk [tilespmem:v2+s11+$0x0], $0xffff;
	_ =	sdelay $0x3  }
0x52: {  	v40 =	vld [tilespmem:$0x20]  }
0x53: {  	[tilespmem:$0xC310] =	vst v0  }
0x54: {  	v0 =	vld.idx.msk [tilespmem:v2+s12+$0x0], $0xffff;
	_ =	sdelay $0x4  }
0x55: {  	[tilespmem:$0xC490] =	vst v0  }
0x56: {  	v0 =	vld.idx.msk [tilespmem:v40+s9+$0x0], $0xffff;
	_ =	sdelay $0x4  }
0x57: {  	[tilespmem:$0xC1A0] =	vst v0  }
0x58: {  	v0 =	vld.idx.msk [tilespmem:v40+s11+$0x0], $0xffff;
	_ =	sdelay $0x3  }
0x59: {  	v41 =	vld [tilespmem:$0x30]  }
0x5a: {  	[tilespmem:$0xC320] =	vst v0  }
0x5b: {  	v0 =	vld.idx.msk [tilespmem:v40+s12+$0x0], $0xffff;
	_ =	sdelay $0x4  }
0x5c: {  	[tilespmem:$0xC4A0] =	vst v0  }
0x5d: {  	v0 =	vld.idx.msk [tilespmem:v41+s9+$0x0], $0xffff;
	_ =	sdelay $0x4  }
0x5e: {  	[tilespmem:$0xC1B0] =	vst v0  }
0x5f: {  	v0 =	vld.idx.msk [tilespmem:v41+s11+$0x0], $0xffff;
	_ =	sdelay $0x3  }
0x60: {  	v42 =	vld [tilespmem:$0x40]  }
0x61: {  	[tilespmem:$0xC330] =	vst v0  }
0x62: {  	v0 =	vld.idx.msk [tilespmem:v41+s12+$0x0], $0xffff;
	_ =	sdelay $0x4  }
0x63: {  	[tilespmem:$0xC4B0] =	vst v0  }
0x64: {  	v0 =	vld.idx.msk [tilespmem:v42+s9+$0x0], $0xffff;
	_ =	sdelay $0x4  }
0x65: {  	[tilespmem:$0xC1C0] =	vst v0  }
0x66: {  	v0 =	vld.idx.msk [tilespmem:v42+s11+$0x0], $0xffff;
	_ =	sdelay $0x3  }
0x67: {  	v43 =	vld [tilespmem:$0x50]  }
0x68: {  	[tilespmem:$0xC340] =	vst v0  }
0x69: {  	v0 =	vld.idx.msk [tilespmem:v42+s12+$0x0], $0xffff;
	_ =	sdelay $0x4  }
0x6a: {  	[tilespmem:$0xC4C0] =	vst v0  }
0x6b: {  	v0 =	vld.idx.msk [tilespmem:v43+s9+$0x0], $0xffff;
	_ =	sdelay $0x4  }
0x6c: {  	[tilespmem:$0xC1D0] =	vst v0  }
0x6d: {  	v0 =	vld.idx.msk [tilespmem:v43+s11+$0x0], $0xffff;
	_ =	sdelay $0x3  }
0x6e: {  	v44 =	vld [tilespmem:$0x60]  }
0x6f: {  	[tilespmem:$0xC350] =	vst v0  }
0x70: {  	v0 =	vld.idx.msk [tilespmem:v43+s12+$0x0], $0xffff;
	_ =	sdelay $0x4  }
0x71: {  	[tilespmem:$0xC4D0] =	vst v0  }
0x72: {  	v0 =	vld.idx.msk [tilespmem:v44+s9+$0x0], $0xffff;
	_ =	sdelay $0x4  }
0x73: {  	[tilespmem:$0xC1E0] =	vst v0  }
0x74: {  	v0 =	vld.idx.msk [tilespmem:v44+s11+$0x0], $0xffff;
	_ =	sdelay $0x3  }
0x75: {  	v45 =	vld [tilespmem:$0x70]  }
0x76: {  	[tilespmem:$0xC360] =	vst v0  }
0x77: {  	v0 =	vld.idx.msk [tilespmem:v44+s12+$0x0], $0xffff;
	_ =	sdelay $0x4  }
0x78: {  	[tilespmem:$0xC4E0] =	vst v0  }
0x79: {  	v0 =	vld.idx.msk [tilespmem:v45+s9+$0x0], $0xffff;
	_ =	sdelay $0x4  }
0x7a: {  	[tilespmem:$0xC1F0] =	vst v0  }
0x7b: {  	v0 =	vld.idx.msk [tilespmem:v45+s11+$0x0], $0xffff;
	_ =	sdelay $0x4  }
0x7c: {  	[tilespmem:$0xC370] =	vst v0  }
0x7d: {  	v0 =	vld.idx.msk [tilespmem:v45+s12+$0x0], $0xffff;
	_ =	sdelay $0x4  }
0x7e: {  	s8 =	rddreg [dreg:$0xe];
	[tilespmem:$0xC4F0] =	vst v0  }
0x7f: {  	[tilespmem:s14], [sflag:$0x2] =	stream.linear.gather [hbm4b:s8+s4], $0x80, $0x38;
	[tilespmem:$0x13C80] =	vst v63  }
0x80: {  	_ =	swait.ge [sflag:s16], $0x80  }
0x81: {  	[sflag:s16] =	ssyncset.done $0x0  }
0x82: {  	[sflag:s16] =	ssyncadd.s32 $0xFFFFFF80  }
0x83: {  	[tilespmem:s5], [sflag:$0x5] =	stream.indirect.gather [hbm4b:s1+s14], $0x80, s14, s14, $0xb8;
	[tilespmem:$0x13C80] =	vst v63  }
0x84: {  	v46 =	vld [tilespmem:$0x80];
	_ =	sdelay $0x7  }
0x85: {  	v47 =	vld.idx.msk [tilespmem:v46+s9+$0x0], $0xffff;
	_ =	sdelay $0x4  }
0x86: {  	[tilespmem:$0xC200] =	vst v47  }
0x87: {  	v1 =	vld.idx.msk [tilespmem:v46+s11+$0x0], $0xffff;
	_ =	sdelay $0x3  }
0x88: {  	v48 =	vld [tilespmem:$0x90]  }
0x89: {  	[tilespmem:$0xC380] =	vst v1  }
0x8a: {  	v0 =	vld.idx.msk [tilespmem:v46+s12+$0x0], $0xffff;
	_ =	sdelay $0x4  }
0x8b: {  	[tilespmem:$0xC500] =	vst v0  }
0x8c: {  	v0 =	vld.idx.msk [tilespmem:v48+s9+$0x0], $0xffff;
	_ =	sdelay $0x4  }
0x8d: {  	[tilespmem:$0xC210] =	vst v0  }
0x8e: {  	v0 =	vld.idx.msk [tilespmem:v48+s11+$0x0], $0xffff;
	_ =	sdelay $0x3  }
0x8f: {  	v49 =	vld [tilespmem:$0xA0]  }
0x90: {  	[tilespmem:$0xC390] =	vst v0  }
0x91: {  	v0 =	vld.idx.msk [tilespmem:v48+s12+$0x0], $0xffff;
	_ =	sdelay $0x4  }
0x92: {  	[tilespmem:$0xC510] =	vst v0  }
0x93: {  	v0 =	vld.idx.msk [tilespmem:v49+s9+$0x0], $0xffff;
	_ =	sdelay $0x4  }
0x94: {  	[tilespmem:$0xC220] =	vst v0  }
0x95: {  	v0 =	vld.idx.msk [tilespmem:v49+s11+$0x0], $0xffff;
	_ =	sdelay $0x3  }
0x96: {  	v50 =	vld [tilespmem:$0xB0]  }
0x97: {  	[tilespmem:$0xC3A0] =	vst v0  }
0x98: {  	v0 =	vld.idx.msk [tilespmem:v49+s12+$0x0], $0xffff;
	_ =	sdelay $0x4  }
0x99: {  	[tilespmem:$0xC520] =	vst v0  }
0x9a: {  	v0 =	vld.idx.msk [tilespmem:v50+s9+$0x0], $0xffff;
	_ =	sdelay $0x4  }
0x9b: {  	[tilespmem:$0xC230] =	vst v0  }
0x9c: {  	v0 =	vld.idx.msk [tilespmem:v50+s11+$0x0], $0xffff;
	_ =	sdelay $0x3  }
0x9d: {  	v51 =	vld [tilespmem:$0xC0]  }
0x9e: {  	[tilespmem:$0xC3B0] =	vst v0  }
0x9f: {  	v0 =	vld.idx.msk [tilespmem:v50+s12+$0x0], $0xffff;
	_ =	sdelay $0x4  }
0xa0: {  	[tilespmem:$0xC530] =	vst v0  }
0xa1: {  	v0 =	vld.idx.msk [tilespmem:v51+s9+$0x0], $0xffff;
	_ =	sdelay $0x4  }
0xa2: {  	[tilespmem:$0xC240] =	vst v0  }
0xa3: {  	v0 =	vld.idx.msk [tilespmem:v51+s11+$0x0], $0xffff;
	_ =	sdelay $0x3  }
0xa4: {  	v52 =	vld [tilespmem:$0xD0]  }
0xa5: {  	[tilespmem:$0xC3C0] =	vst v0  }
0xa6: {  	v0 =	vld.idx.msk [tilespmem:v51+s12+$0x0], $0xffff;
	_ =	sdelay $0x4  }
0xa7: {  	[tilespmem:$0xC540] =	vst v0  }
0xa8: {  	v0 =	vld.idx.msk [tilespmem:v52+s9+$0x0], $0xffff;
	_ =	sdelay $0x4  }
0xa9: {  	[tilespmem:$0xC250] =	vst v0  }
0xaa: {  	v0 =	vld.idx.msk [tilespmem:v52+s11+$0x0], $0xffff;
	_ =	sdelay $0x3  }
0xab: {  	v53 =	vld [tilespmem:$0xE0]  }
0xac: {  	[tilespmem:$0xC3D0] =	vst v0  }
0xad: {  	v0 =	vld.idx.msk [tilespmem:v52+s12+$0x0], $0xffff;
	_ =	sdelay $0x4  }
0xae: {  	[tilespmem:$0xC550] =	vst v0  }
0xaf: {  	v0 =	vld.idx.msk [tilespmem:v53+s9+$0x0], $0xffff;
	_ =	sdelay $0x4  }
0xb0: {  	[tilespmem:$0xC260] =	vst v0  }
0xb1: {  	v0 =	vld.idx.msk [tilespmem:v53+s11+$0x0], $0xffff;
	_ =	sdelay $0x3  }
0xb2: {  	v54 =	vld [tilespmem:$0xF0]  }
0xb3: {  	[tilespmem:$0xC3E0] =	vst v0  }
0xb4: {  	v0 =	vld.idx.msk [tilespmem:v53+s12+$0x0], $0xffff;
	_ =	sdelay $0x4  }
0xb5: {  	[tilespmem:$0xC560] =	vst v0  }
0xb6: {  	v0 =	vld.idx.msk [tilespmem:v54+s9+$0x0], $0xffff;
	_ =	sdelay $0x4  }
0xb7: {  	[tilespmem:$0xC270] =	vst v0  }
0xb8: {  	v0 =	vld.idx.msk [tilespmem:v54+s11+$0x0], $0xffff;
	_ =	sdelay $0x4  }
0xb9: {  	[tilespmem:$0xC3F0] =	vst v0  }
0xba: {  	v0 =	vld.idx.msk [tilespmem:v54+s12+$0x0], $0xffff;
	_ =	sdelay $0x2  }
0xbb: {  	s26 =	sld [smem:$0x7FC];
	_ =	sdelay $0x1  }
0xbc: {  	[tilespmem:$0xC570] =	vst v0  }
0xbd: {  	[tilespmem:s6], [sflag:$0x3] =	stream.linear.gather [hbm4b:s26+s4], $0x80, $0x38;
	[tilespmem:$0x13C80] =	vst v63  }
0xbe: {  	_ =	swait.ge [sflag:s18], $0x4000  }
0xbf: {  	[sflag:s18] =	ssyncset.done $0x0  }
0xc0: {  	s7 =	rddreg [dreg:$0xf];
	[sflag:s18] =	ssyncadd.s32 $0xFFFFC000  }
0xc1: {  	[hbm4b:s7+s4] =	stream.linear.scatter [tilespmem:s3], [sflag:$0x7], $0x4000, $0x38;
	[tilespmem:$0x13C80] =	vst v63  }
0xc2: {  	s26 =	simm.s32 $0xC180;
	s8 =	rddreg [dreg:$0x13]  }
0xc3: {  	[hbm4b:s8+s4] =	stream.linear.scatter [tilespmem:s26], [sflag:$0x7], $0x80, $0x38;
	[tilespmem:$0x13C80] =	vst v63  }
0xc4: {  	s3 =	rddreg [dreg:$0x14];
	s7 =	simm.s32 $0xC300  }
0xc5: {  	[hbm4b:s3+s4] =	stream.linear.scatter [tilespmem:s7], [sflag:$0x7], $0x80, $0x38;
	[tilespmem:$0x13C80] =	vst v63  }
0xc6: {  	s8 =	rddreg [dreg:$0x15];
	s26 =	simm.s32 $0xC480  }
0xc7: {  	[hbm4b:s8+s4] =	stream.linear.scatter [tilespmem:s26], [sflag:$0x7], $0x80, $0x38;
	[tilespmem:$0x13C80] =	vst v63  }
0xc8: {  	_ =	swait.ge [sflag:s22], $0x80  }
0xc9: {  	[sflag:s22] =	ssyncset.done $0x0  }
0xca: {  	[sflag:s22] =	ssyncadd.s32 $0xFFFFFF80  }
0xcb: {  	[tilespmem:s29], [sflag:$0x6] =	stream.indirect.gather [hbm4b:s1+s14], $0x80, s6, s14, $0xb8;
	[tilespmem:$0x13C80] =	vst v63  }
0xcc: {  	v55 =	vld [tilespmem:$0x100];
	_ =	sdelay $0x7  }
0xcd: {  	v56 =	vld.idx.msk [tilespmem:v55+s9+$0x0], $0xffff;
	_ =	sdelay $0x4  }
0xce: {  	[tilespmem:$0xC280] =	vst v56  }
0xcf: {  	v1 =	vld.idx.msk [tilespmem:v55+s11+$0x0], $0xffff;
	_ =	sdelay $0x3  }
0xd0: {  	v57 =	vld [tilespmem:$0x110]  }
0xd1: {  	[tilespmem:$0xC400] =	vst v1  }
0xd2: {  	v0 =	vld.idx.msk [tilespmem:v55+s12+$0x0], $0xffff;
	_ =	sdelay $0x4  }
0xd3: {  	[tilespmem:$0xC580] =	vst v0  }
0xd4: {  	v0 =	vld.idx.msk [tilespmem:v57+s9+$0x0], $0xffff;
	_ =	sdelay $0x4  }
0xd5: {  	[tilespmem:$0xC290] =	vst v0  }
0xd6: {  	v0 =	vld.idx.msk [tilespmem:v57+s11+$0x0], $0xffff;
	_ =	sdelay $0x3  }
0xd7: {  	v58 =	vld [tilespmem:$0x120]  }
0xd8: {  	[tilespmem:$0xC410] =	vst v0  }
0xd9: {  	v0 =	vld.idx.msk [tilespmem:v57+s12+$0x0], $0xffff;
	_ =	sdelay $0x4  }
0xda: {  	[tilespmem:$0xC590] =	vst v0  }
0xdb: {  	v0 =	vld.idx.msk [tilespmem:v58+s9+$0x0], $0xffff;
	_ =	sdelay $0x4  }
0xdc: {  	[tilespmem:$0xC2A0] =	vst v0  }
0xdd: {  	v0 =	vld.idx.msk [tilespmem:v58+s11+$0x0], $0xffff;
	_ =	sdelay $0x3  }
0xde: {  	v59 =	vld [tilespmem:$0x130]  }
0xdf: {  	[tilespmem:$0xC420] =	vst v0  }
0xe0: {  	v0 =	vld.idx.msk [tilespmem:v58+s12+$0x0], $0xffff;
	_ =	sdelay $0x4  }
0xe1: {  	[tilespmem:$0xC5A0] =	vst v0  }
0xe2: {  	v0 =	vld.idx.msk [tilespmem:v59+s9+$0x0], $0xffff;
	_ =	sdelay $0x4  }
0xe3: {  	[tilespmem:$0xC2B0] =	vst v0  }
0xe4: {  	v0 =	vld.idx.msk [tilespmem:v59+s11+$0x0], $0xffff;
	_ =	sdelay $0x3  }
0xe5: {  	v60 =	vld [tilespmem:$0x140]  }
0xe6: {  	[tilespmem:$0xC430] =	vst v0  }
0xe7: {  	v0 =	vld.idx.msk [tilespmem:v59+s12+$0x0], $0xffff;
	_ =	sdelay $0x4  }
0xe8: {  	[tilespmem:$0xC5B0] =	vst v0  }
0xe9: {  	v0 =	vld.idx.msk [tilespmem:v60+s9+$0x0], $0xffff;
	_ =	sdelay $0x4  }
0xea: {  	[tilespmem:$0xC2C0] =	vst v0  }
0xeb: {  	v0 =	vld.idx.msk [tilespmem:v60+s11+$0x0], $0xffff;
	_ =	sdelay $0x3  }
0xec: {  	v61 =	vld [tilespmem:$0x150]  }
0xed: {  	[tilespmem:$0xC440] =	vst v0  }
0xee: {  	v0 =	vld.idx.msk [tilespmem:v60+s12+$0x0], $0xffff;
	_ =	sdelay $0x4  }
0xef: {  	[tilespmem:$0xC5C0] =	vst v0  }
0xf0: {  	v0 =	vld.idx.msk [tilespmem:v61+s9+$0x0], $0xffff;
	_ =	sdelay $0x4  }
0xf1: {  	[tilespmem:$0xC2D0] =	vst v0  }
0xf2: {  	v0 =	vld.idx.msk [tilespmem:v61+s11+$0x0], $0xffff;
	_ =	sdelay $0x3  }
0xf3: {  	v62 =	vld [tilespmem:$0x160]  }
0xf4: {  	[tilespmem:$0xC450] =	vst v0  }
0xf5: {  	v0 =	vld.idx.msk [tilespmem:v61+s12+$0x0], $0xffff;
	_ =	sdelay $0x4  }
0xf6: {  	[tilespmem:$0xC5D0] =	vst v0  }
0xf7: {  	v0 =	vld.idx.msk [tilespmem:v62+s9+$0x0], $0xffff;
	_ =	sdelay $0x4  }
0xf8: {  	[tilespmem:$0xC2E0] =	vst v0  }
0xf9: {  	v0 =	vld.idx.msk [tilespmem:v62+s11+$0x0], $0xffff;
	_ =	sdelay $0x3  }
0xfa: {  	v63 =	vld [tilespmem:$0x170]  }
0xfb: {  	[tilespmem:$0xC460] =	vst v0  }
0xfc: {  	v0 =	vld.idx.msk [tilespmem:v62+s12+$0x0], $0xffff;
	_ =	sdelay $0x4  }
0xfd: {  	[tilespmem:$0xC5E0] =	vst v0  }
0xfe: {  	v0 =	vld.idx.msk [tilespmem:v63+s9+$0x0], $0xffff;
	_ =	sdelay $0x4  }
0xff: {  	[tilespmem:$0xC2F0] =	vst v0  }
0x100: {  	v0 =	vld.idx.msk [tilespmem:v63+s11+$0x0], $0xffff;
	_ =	sdelay $0x4  }
0x101: {  	[tilespmem:$0xC470] =	vst v0  }
0x102: {  	v0 =	vld.idx.msk [tilespmem:v63+s12+$0x0], $0xffff;
	_ =	sdelay $0x2  }
0x103: {  	s6 =	sld [smem:$0x7FD];
	_ =	sdelay $0x1  }
0x104: {  	[tilespmem:$0xC5F0] =	vst v0  }
0x105: {  	[tilespmem:s4], [sflag:$0x1] =	stream.linear.gather [hbm4b:s6+s4], $0x80, $0x38;
	[tilespmem:$0x13C80] =	vst v63  }
0x106: {  	_ =	swait.ge [sflag:s24], $0x4000  }
0x107: {  	s7 =	rddreg [dreg:$0x10]  }
0x108: {  	s8 =	rddreg [dreg:$0x16]  }
0x109: {  	s26 =	rddreg [dreg:$0x17]  }
0x10a: {  	[sflag:s24] =	ssyncset.done $0x0;
	s29 =	rddreg [dreg:$0x18]  }
0x10b: {  	s6 =	sld [smem:$0x7F4];
	[sflag:s24] =	ssyncadd.s32 $0xFFFFC000  }
0x10c: {  	[hbm4b:s7+s4] =	stream.linear.scatter [tilespmem:s5], [sflag:$0x8], $0x4000, $0x38;
	[tilespmem:$0x13C80] =	vst v63  }
0x10d: {  	s7 =	sld [smem:$0x7F5]  }
0x10e: {  	[hbm4b:s8+s4] =	stream.linear.scatter [tilespmem:s25], [sflag:$0x8], $0x80, $0x38;
	[tilespmem:$0x13C80] =	vst v63  }
0x10f: {  	s25 =	sld [smem:$0x7F9]  }
0x110: {  	s8 =	sld [smem:$0x7F6]  }
0x111: {  	[hbm4b:s26+s4] =	stream.linear.scatter [tilespmem:s19], [sflag:$0x8], $0x80, $0x38;
	[tilespmem:$0x13C80] =	vst v63  }
0x112: {  	s28 =	simm.s32 $0x0;
	s5 =	simm.s32 $0xC400;
	s26 =	sld [smem:$0x7F8]  }
0x113: {  	[hbm4b:s29+s4] =	stream.linear.scatter [tilespmem:s20], [sflag:$0x8], $0x80, $0x38;
	[tilespmem:$0x13C80] =	vst v63  }
.LBB2_2:
0x114: {  	_ =	swait.ge [sflag:s31], $0x4000  }
0x115: {  	[sflag:s31] =	ssyncset.done $0x0  }
0x116: {  	[sflag:s31] =	ssyncadd.s32 $0xFFFFC000  }
0x117: {  	_ =	swait.ge [sflag:s31], $0x80  }
0x118: {  	[sflag:s31] =	ssyncset.done $0x0  }
0x119: {  	[sflag:s31] =	ssyncadd.s32 $0xFFFFFF80  }
0x11a: {  	_ =	swait.ge [sflag:s31], $0x80  }
0x11b: {  	[sflag:s31] =	ssyncset.done $0x0  }
0x11c: {  	[sflag:s31] =	ssyncadd.s32 $0xFFFFFF80  }
0x11d: {  	_ =	swait.ge [sflag:s31], $0x80  }
0x11e: {  	[sflag:s31] =	ssyncset.done $0x0  }
0x11f: {  	[sflag:s31] =	ssyncadd.s32 $0xFFFFFF80  }
0x120: {  	_ =	swait.ge [sflag:s13], $0x80  }
0x121: {  	[sflag:s13] =	ssyncset.done $0x0  }
0x122: {  	s20 =	simm.s32 $0x180;
	[sflag:s13] =	ssyncadd.s32 $0xFFFFFF80  }
0x123: {  	[tilespmem:s20], [sflag:$0x4] =	stream.indirect.gather [hbm4b:s1+s14], $0x80, s4, s14, $0xb8;
	[tilespmem:$0x13C80] =	vst v63  }
0x124: {  	v0 =	vld [tilespmem:$0x0];
	_ =	sdelay $0x7  }
0x125: {  	v1 =	vld.idx.msk [tilespmem:v0+s9+$0x0], $0xffff;
	_ =	sdelay $0x4  }
0x126: {  	[tilespmem:$0xC180] =	vst v1  }
0x127: {  	v1 =	vld.idx.msk [tilespmem:v0+s11+$0x0], $0xffff;
	_ =	sdelay $0x3  }
0x128: {  	v2 =	vld [tilespmem:$0x10]  }
0x129: {  	[tilespmem:$0xC300] =	vst v1  }
0x12a: {  	v0 =	vld.idx.msk [tilespmem:v0+s12+$0x0], $0xffff;
	_ =	sdelay $0x4  }
0x12b: {  	[tilespmem:$0xC480] =	vst v0  }
0x12c: {  	v0 =	vld.idx.msk [tilespmem:v2+s9+$0x0], $0xffff;
	_ =	sdelay $0x4  }
0x12d: {  	[tilespmem:$0xC190] =	vst v0  }
0x12e: {  	v0 =	vld.idx.msk [tilespmem:v2+s11+$0x0], $0xffff;
	_ =	sdelay $0x3  }
0x12f: {  	v40 =	vld [tilespmem:$0x20]  }
0x130: {  	[tilespmem:$0xC310] =	vst v0  }
0x131: {  	v0 =	vld.idx.msk [tilespmem:v2+s12+$0x0], $0xffff;
	_ =	sdelay $0x4  }
0x132: {  	[tilespmem:$0xC490] =	vst v0  }
0x133: {  	v0 =	vld.idx.msk [tilespmem:v40+s9+$0x0], $0xffff;
	_ =	sdelay $0x4  }
0x134: {  	[tilespmem:$0xC1A0] =	vst v0  }
0x135: {  	v0 =	vld.idx.msk [tilespmem:v40+s11+$0x0], $0xffff;
	_ =	sdelay $0x3  }
0x136: {  	v41 =	vld [tilespmem:$0x30]  }
0x137: {  	[tilespmem:$0xC320] =	vst v0  }
0x138: {  	v0 =	vld.idx.msk [tilespmem:v40+s12+$0x0], $0xffff;
	_ =	sdelay $0x4  }
0x139: {  	[tilespmem:$0xC4A0] =	vst v0  }
0x13a: {  	v0 =	vld.idx.msk [tilespmem:v41+s9+$0x0], $0xffff;
	_ =	sdelay $0x4  }
0x13b: {  	[tilespmem:$0xC1B0] =	vst v0  }
0x13c: {  	v0 =	vld.idx.msk [tilespmem:v41+s11+$0x0], $0xffff;
	_ =	sdelay $0x3  }
0x13d: {  	v42 =	vld [tilespmem:$0x40]  }
0x13e: {  	[tilespmem:$0xC330] =	vst v0  }
0x13f: {  	v0 =	vld.idx.msk [tilespmem:v41+s12+$0x0], $0xffff;
	_ =	sdelay $0x4  }
0x140: {  	[tilespmem:$0xC4B0] =	vst v0  }
0x141: {  	v0 =	vld.idx.msk [tilespmem:v42+s9+$0x0], $0xffff;
	_ =	sdelay $0x4  }
0x142: {  	[tilespmem:$0xC1C0] =	vst v0  }
0x143: {  	v0 =	vld.idx.msk [tilespmem:v42+s11+$0x0], $0xffff;
	_ =	sdelay $0x3  }
0x144: {  	v43 =	vld [tilespmem:$0x50]  }
0x145: {  	[tilespmem:$0xC340] =	vst v0  }
0x146: {  	v0 =	vld.idx.msk [tilespmem:v42+s12+$0x0], $0xffff;
	_ =	sdelay $0x4  }
0x147: {  	[tilespmem:$0xC4C0] =	vst v0  }
0x148: {  	v0 =	vld.idx.msk [tilespmem:v43+s9+$0x0], $0xffff;
	_ =	sdelay $0x4  }
0x149: {  	[tilespmem:$0xC1D0] =	vst v0  }
0x14a: {  	v0 =	vld.idx.msk [tilespmem:v43+s11+$0x0], $0xffff;
	_ =	sdelay $0x3  }
0x14b: {  	v44 =	vld [tilespmem:$0x60]  }
0x14c: {  	[tilespmem:$0xC350] =	vst v0  }
0x14d: {  	v0 =	vld.idx.msk [tilespmem:v43+s12+$0x0], $0xffff;
	_ =	sdelay $0x4  }
0x14e: {  	[tilespmem:$0xC4D0] =	vst v0  }
0x14f: {  	v0 =	vld.idx.msk [tilespmem:v44+s9+$0x0], $0xffff;
	_ =	sdelay $0x4  }
0x150: {  	[tilespmem:$0xC1E0] =	vst v0  }
0x151: {  	v0 =	vld.idx.msk [tilespmem:v44+s11+$0x0], $0xffff;
	_ =	sdelay $0x3  }
0x152: {  	v45 =	vld [tilespmem:$0x70]  }
0x153: {  	[tilespmem:$0xC360] =	vst v0  }
0x154: {  	v0 =	vld.idx.msk [tilespmem:v44+s12+$0x0], $0xffff;
	_ =	sdelay $0x4  }
0x155: {  	[tilespmem:$0xC4E0] =	vst v0  }
0x156: {  	v0 =	vld.idx.msk [tilespmem:v45+s9+$0x0], $0xffff;
	_ =	sdelay $0x4  }
0x157: {  	[tilespmem:$0xC1F0] =	vst v0  }
0x158: {  	v0 =	vld.idx.msk [tilespmem:v45+s11+$0x0], $0xffff;
	_ =	sdelay $0x4  }
0x159: {  	[tilespmem:$0xC370] =	vst v0  }
0x15a: {  	v0 =	vld.idx.msk [tilespmem:v45+s12+$0x0], $0xffff;
	_ =	sdelay $0x3  }
0x15b: {  	s3 =	rddreg [dreg:$0xc]  }
0x15c: {  	s3 =	sadd.s32 s28, s3;
	[tilespmem:$0xC4F0] =	vst v0  }
0x15d: {  	[tilespmem:s14], [sflag:$0x2] =	stream.linear.gather [hbm4b:s3+s4], $0x80, $0x38;
	[tilespmem:$0x13C80] =	vst v63  }
0x15e: {  	_ =	swait.ge [sflag:s0], $0x4000  }
0x15f: {  	[sflag:s0] =	ssyncset.done $0x0  }
0x160: {  	s19 =	simm.s32 $0x8180;
	s2 =	rddreg [dreg:$0x8];
	[sflag:s0] =	ssyncadd.s32 $0xFFFFC000  }
0x161: {  	[hbm4b:s26+s4] =	stream.linear.scatter [tilespmem:s19], [sflag:$0x9], $0x4000, $0x38;
	[tilespmem:$0x13C80] =	vst v63  }
0x162: {  	s3 =	sadd.s32 s28, s2;
	s2 =	rddreg [dreg:$0x7]  }
0x163: {  	[hbm4b:s3+s4] =	stream.linear.scatter [tilespmem:s21], [sflag:$0x9], $0x80, $0x38;
	[tilespmem:$0x13C80] =	vst v63  }
0x164: {  	s2 =	sadd.s32 s28, s2;
	s3 =	rddreg [dreg:$0x6]  }
0x165: {  	[hbm4b:s2+s4] =	stream.linear.scatter [tilespmem:s5], [sflag:$0x9], $0x80, $0x38;
	[tilespmem:$0x13C80] =	vst v63  }
0x166: {  	s3 =	sadd.s32 s28, s3  }
0x167: {  	[hbm4b:s3+s4] =	stream.linear.scatter [tilespmem:s15], [sflag:$0x9], $0x80, $0x38;
	[tilespmem:$0x13C80] =	vst v63  }
0x168: {  	_ =	swait.ge [sflag:s30], $0x4000  }
0x169: {  	[sflag:s30] =	ssyncset.done $0x0  }
0x16a: {  	[sflag:s30] =	ssyncadd.s32 $0xFFFFC000  }
0x16b: {  	_ =	swait.ge [sflag:s30], $0x80  }
0x16c: {  	[sflag:s30] =	ssyncset.done $0x0  }
0x16d: {  	[sflag:s30] =	ssyncadd.s32 $0xFFFFFF80  }
0x16e: {  	_ =	swait.ge [sflag:s30], $0x80  }
0x16f: {  	[sflag:s30] =	ssyncset.done $0x0  }
0x170: {  	[sflag:s30] =	ssyncadd.s32 $0xFFFFFF80  }
0x171: {  	_ =	swait.ge [sflag:s30], $0x80  }
0x172: {  	[sflag:s30] =	ssyncset.done $0x0  }
0x173: {  	[sflag:s30] =	ssyncadd.s32 $0xFFFFFF80  }
0x174: {  	_ =	swait.ge [sflag:s16], $0x80  }
0x175: {  	[sflag:s16] =	ssyncset.done $0x0  }
0x176: {  	[sflag:s16] =	ssyncadd.s32 $0xFFFFFF80  }
0x177: {  	[tilespmem:s17], [sflag:$0x5] =	stream.indirect.gather [hbm4b:s1+s14], $0x80, s14, s14, $0xb8;
	[tilespmem:$0x13C80] =	vst v63  }
0x178: {  	v46 =	vld [tilespmem:$0x80];
	_ =	sdelay $0x7  }
0x179: {  	v47 =	vld.idx.msk [tilespmem:v46+s9+$0x0], $0xffff;
	_ =	sdelay $0x4  }
0x17a: {  	[tilespmem:$0xC200] =	vst v47  }
0x17b: {  	v1 =	vld.idx.msk [tilespmem:v46+s11+$0x0], $0xffff;
	_ =	sdelay $0x3  }
0x17c: {  	v48 =	vld [tilespmem:$0x90]  }
0x17d: {  	[tilespmem:$0xC380] =	vst v1  }
0x17e: {  	v0 =	vld.idx.msk [tilespmem:v46+s12+$0x0], $0xffff;
	_ =	sdelay $0x4  }
0x17f: {  	[tilespmem:$0xC500] =	vst v0  }
0x180: {  	v0 =	vld.idx.msk [tilespmem:v48+s9+$0x0], $0xffff;
	_ =	sdelay $0x4  }
0x181: {  	[tilespmem:$0xC210] =	vst v0  }
0x182: {  	v0 =	vld.idx.msk [tilespmem:v48+s11+$0x0], $0xffff;
	_ =	sdelay $0x3  }
0x183: {  	v49 =	vld [tilespmem:$0xA0]  }
0x184: {  	[tilespmem:$0xC390] =	vst v0  }
0x185: {  	v0 =	vld.idx.msk [tilespmem:v48+s12+$0x0], $0xffff;
	_ =	sdelay $0x4  }
0x186: {  	[tilespmem:$0xC510] =	vst v0  }
0x187: {  	v0 =	vld.idx.msk [tilespmem:v49+s9+$0x0], $0xffff;
	_ =	sdelay $0x4  }
0x188: {  	[tilespmem:$0xC220] =	vst v0  }
0x189: {  	v0 =	vld.idx.msk [tilespmem:v49+s11+$0x0], $0xffff;
	_ =	sdelay $0x3  }
0x18a: {  	v50 =	vld [tilespmem:$0xB0]  }
0x18b: {  	[tilespmem:$0xC3A0] =	vst v0  }
0x18c: {  	v0 =	vld.idx.msk [tilespmem:v49+s12+$0x0], $0xffff;
	_ =	sdelay $0x4  }
0x18d: {  	[tilespmem:$0xC520] =	vst v0  }
0x18e: {  	v0 =	vld.idx.msk [tilespmem:v50+s9+$0x0], $0xffff;
	_ =	sdelay $0x4  }
0x18f: {  	[tilespmem:$0xC230] =	vst v0  }
0x190: {  	v0 =	vld.idx.msk [tilespmem:v50+s11+$0x0], $0xffff;
	_ =	sdelay $0x3  }
0x191: {  	v51 =	vld [tilespmem:$0xC0]  }
0x192: {  	[tilespmem:$0xC3B0] =	vst v0  }
0x193: {  	v0 =	vld.idx.msk [tilespmem:v50+s12+$0x0], $0xffff;
	_ =	sdelay $0x4  }
0x194: {  	[tilespmem:$0xC530] =	vst v0  }
0x195: {  	v0 =	vld.idx.msk [tilespmem:v51+s9+$0x0], $0xffff;
	_ =	sdelay $0x4  }
0x196: {  	[tilespmem:$0xC240] =	vst v0  }
0x197: {  	v0 =	vld.idx.msk [tilespmem:v51+s11+$0x0], $0xffff;
	_ =	sdelay $0x3  }
0x198: {  	v52 =	vld [tilespmem:$0xD0]  }
0x199: {  	[tilespmem:$0xC3C0] =	vst v0  }
0x19a: {  	v0 =	vld.idx.msk [tilespmem:v51+s12+$0x0], $0xffff;
	_ =	sdelay $0x4  }
0x19b: {  	[tilespmem:$0xC540] =	vst v0  }
0x19c: {  	v0 =	vld.idx.msk [tilespmem:v52+s9+$0x0], $0xffff;
	_ =	sdelay $0x4  }
0x19d: {  	[tilespmem:$0xC250] =	vst v0  }
0x19e: {  	v0 =	vld.idx.msk [tilespmem:v52+s11+$0x0], $0xffff;
	_ =	sdelay $0x3  }
0x19f: {  	v53 =	vld [tilespmem:$0xE0]  }
0x1a0: {  	[tilespmem:$0xC3D0] =	vst v0  }
0x1a1: {  	v0 =	vld.idx.msk [tilespmem:v52+s12+$0x0], $0xffff;
	_ =	sdelay $0x4  }
0x1a2: {  	[tilespmem:$0xC550] =	vst v0  }
0x1a3: {  	v0 =	vld.idx.msk [tilespmem:v53+s9+$0x0], $0xffff;
	_ =	sdelay $0x4  }
0x1a4: {  	[tilespmem:$0xC260] =	vst v0  }
0x1a5: {  	v0 =	vld.idx.msk [tilespmem:v53+s11+$0x0], $0xffff;
	_ =	sdelay $0x3  }
0x1a6: {  	v54 =	vld [tilespmem:$0xF0]  }
0x1a7: {  	[tilespmem:$0xC3E0] =	vst v0  }
0x1a8: {  	v0 =	vld.idx.msk [tilespmem:v53+s12+$0x0], $0xffff;
	_ =	sdelay $0x4  }
0x1a9: {  	[tilespmem:$0xC560] =	vst v0  }
0x1aa: {  	v0 =	vld.idx.msk [tilespmem:v54+s9+$0x0], $0xffff;
	_ =	sdelay $0x4  }
0x1ab: {  	[tilespmem:$0xC270] =	vst v0  }
0x1ac: {  	v0 =	vld.idx.msk [tilespmem:v54+s11+$0x0], $0xffff;
	_ =	sdelay $0x4  }
0x1ad: {  	[tilespmem:$0xC3F0] =	vst v0  }
0x1ae: {  	v0 =	vld.idx.msk [tilespmem:v54+s12+$0x0], $0xffff;
	_ =	sdelay $0x3  }
0x1af: {  	s3 =	rddreg [dreg:$0x5]  }
0x1b0: {  	s2 =	sadd.s32 s28, s3;
	[tilespmem:$0xC570] =	vst v0  }
0x1b1: {  	[tilespmem:s23], [sflag:$0x3] =	stream.linear.gather [hbm4b:s2+s4], $0x80, $0x38;
	[tilespmem:$0x13C80] =	vst v63  }
0x1b2: {  	_ =	swait.ge [sflag:s18], $0x4000  }
0x1b3: {  	[sflag:s18] =	ssyncset.done $0x0  }
0x1b4: {  	s3 =	sadd.s32 $0x800, s26;
	s2 =	sshrl.u32 s25, $0x3;
	[sflag:s18] =	ssyncadd.s32 $0xFFFFC000  }
0x1b5: {  	[hbm4b:s3+s4] =	stream.linear.scatter [tilespmem:s20], [sflag:$0x7], $0x4000, $0x38;
	[tilespmem:$0x13C80] =	vst v63  }
0x1b6: {  	s3 =	sadd.s32 s6, s2;
	s20 =	simm.s32 $0xC180  }
0x1b7: {  	[hbm4b:s3+s4] =	stream.linear.scatter [tilespmem:s20], [sflag:$0x7], $0x80, $0x38;
	[tilespmem:$0x13C80] =	vst v63  }
0x1b8: {  	s3 =	sadd.s32 s7, s2;
	s20 =	simm.s32 $0xC300  }
0x1b9: {  	[hbm4b:s3+s4] =	stream.linear.scatter [tilespmem:s20], [sflag:$0x7], $0x80, $0x38;
	[tilespmem:$0x13C80] =	vst v63  }
0x1ba: {  	s2 =	sadd.s32 s8, s2;
	s3 =	simm.s32 $0xC480  }
0x1bb: {  	[hbm4b:s2+s4] =	stream.linear.scatter [tilespmem:s3], [sflag:$0x7], $0x80, $0x38;
	[tilespmem:$0x13C80] =	vst v63  }
0x1bc: {  	_ =	swait.ge [sflag:s10], $0x4000  }
0x1bd: {  	[sflag:s10] =	ssyncset.done $0x0  }
0x1be: {  	[sflag:s10] =	ssyncadd.s32 $0xFFFFC000  }
0x1bf: {  	_ =	swait.ge [sflag:s10], $0x80  }
0x1c0: {  	[sflag:s10] =	ssyncset.done $0x0  }
0x1c1: {  	[sflag:s10] =	ssyncadd.s32 $0xFFFFFF80  }
0x1c2: {  	_ =	swait.ge [sflag:s10], $0x80  }
0x1c3: {  	[sflag:s10] =	ssyncset.done $0x0  }
0x1c4: {  	[sflag:s10] =	ssyncadd.s32 $0xFFFFFF80  }
0x1c5: {  	_ =	swait.ge [sflag:s10], $0x80  }
0x1c6: {  	[sflag:s10] =	ssyncset.done $0x0  }
0x1c7: {  	[sflag:s10] =	ssyncadd.s32 $0xFFFFFF80  }
0x1c8: {  	_ =	swait.ge [sflag:s22], $0x80  }
0x1c9: {  	[sflag:s22] =	ssyncset.done $0x0  }
0x1ca: {  	[sflag:s22] =	ssyncadd.s32 $0xFFFFFF80  }
0x1cb: {  	[tilespmem:s19], [sflag:$0x6] =	stream.indirect.gather [hbm4b:s1+s14], $0x80, s23, s14, $0xb8;
	[tilespmem:$0x13C80] =	vst v63  }
0x1cc: {  	v55 =	vld [tilespmem:$0x100];
	_ =	sdelay $0x7  }
0x1cd: {  	v56 =	vld.idx.msk [tilespmem:v55+s9+$0x0], $0xffff;
	_ =	sdelay $0x4  }
0x1ce: {  	[tilespmem:$0xC280] =	vst v56  }
0x1cf: {  	v1 =	vld.idx.msk [tilespmem:v55+s11+$0x0], $0xffff;
	_ =	sdelay $0x3  }
0x1d0: {  	v57 =	vld [tilespmem:$0x110]  }
0x1d1: {  	[tilespmem:$0xC400] =	vst v1  }
0x1d2: {  	v0 =	vld.idx.msk [tilespmem:v55+s12+$0x0], $0xffff;
	_ =	sdelay $0x4  }
0x1d3: {  	[tilespmem:$0xC580] =	vst v0  }
0x1d4: {  	v0 =	vld.idx.msk [tilespmem:v57+s9+$0x0], $0xffff;
	_ =	sdelay $0x4  }
0x1d5: {  	[tilespmem:$0xC290] =	vst v0  }
0x1d6: {  	v0 =	vld.idx.msk [tilespmem:v57+s11+$0x0], $0xffff;
	_ =	sdelay $0x3  }
0x1d7: {  	v58 =	vld [tilespmem:$0x120]  }
0x1d8: {  	[tilespmem:$0xC410] =	vst v0  }
0x1d9: {  	v0 =	vld.idx.msk [tilespmem:v57+s12+$0x0], $0xffff;
	_ =	sdelay $0x4  }
0x1da: {  	[tilespmem:$0xC590] =	vst v0  }
0x1db: {  	v0 =	vld.idx.msk [tilespmem:v58+s9+$0x0], $0xffff;
	_ =	sdelay $0x4  }
0x1dc: {  	[tilespmem:$0xC2A0] =	vst v0  }
0x1dd: {  	v0 =	vld.idx.msk [tilespmem:v58+s11+$0x0], $0xffff;
	_ =	sdelay $0x3  }
0x1de: {  	v59 =	vld [tilespmem:$0x130]  }
0x1df: {  	[tilespmem:$0xC420] =	vst v0  }
0x1e0: {  	v0 =	vld.idx.msk [tilespmem:v58+s12+$0x0], $0xffff;
	_ =	sdelay $0x4  }
0x1e1: {  	[tilespmem:$0xC5A0] =	vst v0  }
0x1e2: {  	v0 =	vld.idx.msk [tilespmem:v59+s9+$0x0], $0xffff;
	_ =	sdelay $0x4  }
0x1e3: {  	[tilespmem:$0xC2B0] =	vst v0  }
0x1e4: {  	v0 =	vld.idx.msk [tilespmem:v59+s11+$0x0], $0xffff;
	_ =	sdelay $0x3  }
0x1e5: {  	v60 =	vld [tilespmem:$0x140]  }
0x1e6: {  	[tilespmem:$0xC430] =	vst v0  }
0x1e7: {  	v0 =	vld.idx.msk [tilespmem:v59+s12+$0x0], $0xffff;
	_ =	sdelay $0x4  }
0x1e8: {  	[tilespmem:$0xC5B0] =	vst v0  }
0x1e9: {  	v0 =	vld.idx.msk [tilespmem:v60+s9+$0x0], $0xffff;
	_ =	sdelay $0x4  }
0x1ea: {  	[tilespmem:$0xC2C0] =	vst v0  }
0x1eb: {  	v0 =	vld.idx.msk [tilespmem:v60+s11+$0x0], $0xffff;
	_ =	sdelay $0x3  }
0x1ec: {  	v61 =	vld [tilespmem:$0x150]  }
0x1ed: {  	[tilespmem:$0xC440] =	vst v0  }
0x1ee: {  	v0 =	vld.idx.msk [tilespmem:v60+s12+$0x0], $0xffff;
	_ =	sdelay $0x4  }
0x1ef: {  	[tilespmem:$0xC5C0] =	vst v0  }
0x1f0: {  	v0 =	vld.idx.msk [tilespmem:v61+s9+$0x0], $0xffff;
	_ =	sdelay $0x4  }
0x1f1: {  	[tilespmem:$0xC2D0] =	vst v0  }
0x1f2: {  	v0 =	vld.idx.msk [tilespmem:v61+s11+$0x0], $0xffff;
	_ =	sdelay $0x3  }
0x1f3: {  	v62 =	vld [tilespmem:$0x160]  }
0x1f4: {  	[tilespmem:$0xC450] =	vst v0  }
0x1f5: {  	v0 =	vld.idx.msk [tilespmem:v61+s12+$0x0], $0xffff;
	_ =	sdelay $0x4  }
0x1f6: {  	[tilespmem:$0xC5D0] =	vst v0  }
0x1f7: {  	v0 =	vld.idx.msk [tilespmem:v62+s9+$0x0], $0xffff;
	_ =	sdelay $0x4  }
0x1f8: {  	[tilespmem:$0xC2E0] =	vst v0  }
0x1f9: {  	v0 =	vld.idx.msk [tilespmem:v62+s11+$0x0], $0xffff;
	_ =	sdelay $0x3  }
0x1fa: {  	v63 =	vld [tilespmem:$0x170]  }
0x1fb: {  	[tilespmem:$0xC460] =	vst v0  }
0x1fc: {  	v0 =	vld.idx.msk [tilespmem:v62+s12+$0x0], $0xffff;
	_ =	sdelay $0x4  }
0x1fd: {  	[tilespmem:$0xC5E0] =	vst v0  }
0x1fe: {  	v0 =	vld.idx.msk [tilespmem:v63+s9+$0x0], $0xffff;
	_ =	sdelay $0x4  }
0x1ff: {  	[tilespmem:$0xC2F0] =	vst v0  }
0x200: {  	v0 =	vld.idx.msk [tilespmem:v63+s11+$0x0], $0xffff;
	_ =	sdelay $0x4  }
0x201: {  	[tilespmem:$0xC470] =	vst v0  }
0x202: {  	v0 =	vld.idx.msk [tilespmem:v63+s12+$0x0], $0xffff;
	_ =	sdelay $0x3  }
0x203: {  	p0 =	seq.s32 s28, $0x480;
	s2 =	rddreg [dreg:$0x4]  }
0x204: {  	s3 =	simm.s32 @!p0 $0x0;
	s2 =	sadd.s32 @!p0 s28, s2;
	[tilespmem:$0xC5F0] =	vst v0  }
0x205: {  	[tilespmem:s3], [sflag:$0x1] =	stream.linear.gather @!p0 [hbm4b:s2+s3], $0x80, $0x38;
	[tilespmem:$0x13C80] =	vst v63  }
0x206: {  	_ =	swait.ge [sflag:s24], $0x4000  }
0x207: {  	[sflag:s24] =	ssyncset.done $0x0  }
0x208: {  	s19 =	sadd.s32 $0x1000, s26;
	s2 =	rddreg [dreg:$0xb];
	[sflag:s24] =	ssyncadd.s32 $0xFFFFC000  }
0x209: {  	[hbm4b:s19+s4] =	stream.linear.scatter [tilespmem:s17], [sflag:$0x8], $0x4000, $0x38;
	[tilespmem:$0x13C80] =	vst v63  }
0x20a: {  	s3 =	rddreg [dreg:$0xa];
	s2 =	sadd.s32 s28, s2;
	s19 =	simm.s32 $0xC200  }
0x20b: {  	[hbm4b:s2+s4] =	stream.linear.scatter [tilespmem:s19], [sflag:$0x8], $0x80, $0x38;
	[tilespmem:$0x13C80] =	vst v63  }
0x20c: {  	s2 =	rddreg [dreg:$0x9]  }
0x20d: {  	s3 =	sadd.s32 s28, s3;
	s2 =	sadd.s32 s28, s2;
	s28 =	sadd.s32 $0x30, s28  }
0x20e: {  	p0 =	sne.s32 s28, $0x4B0  }
.Ltmp0:
0x20f: {  	_ = 	snop;
	(pc) =	sbr.rel @p0 .LBB2_2-.Ltmp0, $4  }
0x210: {  	s29 =	simm.s32 $0x8180;
	s19 =	simm.s32 $0xC380  }
0x211: {  	[hbm4b:s3+s4] =	stream.linear.scatter [tilespmem:s19], [sflag:$0x8], $0x80, $0x38;
	[tilespmem:$0x13C80] =	vst v63  }
0x212: {  	s25 =	sadd.s32 $0x180, s25;
	s20 =	simm.s32 $0xC500;
	s26 =	sadd.s32 $0x1800, s26  }
0x213: {  	[hbm4b:s2+s4] =	stream.linear.scatter [tilespmem:s20], [sflag:$0x8], $0x80, $0x38;
	[tilespmem:$0x13C80] =	vst v63  }
0x214: {  	_ =	swait.ge [sflag:s0], $0x4000  }
0x215: {  	[sflag:s0] =	ssyncset.done $0x0  }
0x216: {  	s2 =	rddreg [dreg:$0x11];
	[sflag:s0] =	ssyncadd.s32 $0xFFFFC000  }
0x217: {  	[hbm4b:s2+s4] =	stream.linear.scatter [tilespmem:s29], [sflag:$0x9], $0x4000, $0x38;
	[tilespmem:$0x13C80] =	vst v63  }
0x218: {  	s6 =	rddreg [dreg:$0x19]  }
0x219: {  	[hbm4b:s6+s4] =	stream.linear.scatter [tilespmem:s21], [sflag:$0x9], $0x80, $0x38;
	[tilespmem:$0x13C80] =	vst v63  }
0x21a: {  	s7 =	rddreg [dreg:$0x1a]  }
0x21b: {  	[hbm4b:s7+s4] =	stream.linear.scatter [tilespmem:s5], [sflag:$0x9], $0x80, $0x38;
	[tilespmem:$0x13C80] =	vst v63  }
0x21c: {  	s8 =	rddreg [dreg:$0x1b]  }
0x21d: {  	[hbm4b:s8+s4] =	stream.linear.scatter [tilespmem:s15], [sflag:$0x9], $0x80, $0x38;
	[tilespmem:$0x13C80] =	vst v63  }
0x21e: {  	_ =	swait.ge [sflag:s31], $0x4000  }
0x21f: {  	[sflag:s31] =	ssyncset.done $0x0  }
0x220: {  	[sflag:s31] =	ssyncadd.s32 $0xFFFFC000  }
0x221: {  	_ =	swait.ge [sflag:s31], $0x80  }
0x222: {  	[sflag:s31] =	ssyncset.done $0x0  }
0x223: {  	[sflag:s31] =	ssyncadd.s32 $0xFFFFFF80  }
0x224: {  	_ =	swait.ge [sflag:s31], $0x80  }
0x225: {  	[sflag:s31] =	ssyncset.done $0x0  }
0x226: {  	[sflag:s31] =	ssyncadd.s32 $0xFFFFFF80  }
0x227: {  	_ =	swait.ge [sflag:s31], $0x80  }
0x228: {  	[sflag:s31] =	ssyncset.done $0x0  }
0x229: {  	[sflag:s31] =	ssyncadd.s32 $0xFFFFFF80  }
0x22a: {  	_ =	swait.ge [sflag:s30], $0x4000  }
0x22b: {  	[sflag:s30] =	ssyncset.done $0x0  }
0x22c: {  	[sflag:s30] =	ssyncadd.s32 $0xFFFFC000  }
0x22d: {  	_ =	swait.ge [sflag:s30], $0x80  }
0x22e: {  	[sflag:s30] =	ssyncset.done $0x0  }
0x22f: {  	[sflag:s30] =	ssyncadd.s32 $0xFFFFFF80  }
0x230: {  	_ =	swait.ge [sflag:s30], $0x80  }
0x231: {  	[sflag:s30] =	ssyncset.done $0x0  }
0x232: {  	[sflag:s30] =	ssyncadd.s32 $0xFFFFFF80  }
0x233: {  	_ =	swait.ge [sflag:s30], $0x80  }
0x234: {  	[sflag:s30] =	ssyncset.done $0x0  }
0x235: {  	[sflag:s30] =	ssyncadd.s32 $0xFFFFFF80  }
0x236: {  	_ =	swait.ge [sflag:s10], $0x4000  }
0x237: {  	[sflag:s10] =	ssyncset.done $0x0  }
0x238: {  	[sflag:s10] =	ssyncadd.s32 $0xFFFFC000  }
0x239: {  	_ =	swait.ge [sflag:s10], $0x80  }
0x23a: {  	[sflag:s10] =	ssyncset.done $0x0  }
0x23b: {  	[sflag:s10] =	ssyncadd.s32 $0xFFFFFF80  }
0x23c: {  	_ =	swait.ge [sflag:s10], $0x80  }
0x23d: {  	[sflag:s10] =	ssyncset.done $0x0  }
0x23e: {  	[sflag:s10] =	ssyncadd.s32 $0xFFFFFF80  }
0x23f: {  	_ =	swait.ge [sflag:s10], $0x80  }
0x240: {  	[sflag:s10] =	ssyncset.done $0x0  }
0x241: {  	s3 =	simm.s32 $0xA;
	s19 =	rddreg [dreg:$0x1c];
	[sflag:s10] =	ssyncadd.s32 $0xFFFFFF80  }
0x242: {  	[tilespmem:s4], [sflag:$0xA] =	stream.linear.gather [hbm4b:s19+s4], $0x10, $0x38;
	[tilespmem:$0x13C80] =	vst v63  }
0x243: {  	_ =	swait.ge [sflag:s3], $0x10  }
0x244: {  	[sflag:s3] =	ssyncset.done $0x0  }
0x245: {  	s25 =	simm.s32 $0x180;
	s26 =	simm.s32 $0x10;
	[sflag:s3] =	ssyncadd.s32 $0xFFFFFFF0  }
0x246: {  	[tilespmem:s25], [sflag:$0x4] =	stream.indirect.gather [hbm4b:s1+s26], $0x80, s4, s26, $0xb8;
	[tilespmem:$0x13C80] =	vst v63  }
0x247: {  	_ =	swait.ge [sflag:s18], $0x800  }
0x248: {  	[sflag:s18] =	ssyncset.done $0x0  }
0x249: {  	[sflag:s18] =	ssyncadd.s32 $0xFFFFF800  }
0x24a: {  	v0 =	vld [tilespmem:$0x0];
	_ =	sdelay $0x7  }
0x24b: {  	v1 =	vld.idx.msk [tilespmem:v0+s9+$0x0], $0xffff;
	_ =	sdelay $0x4  }
0x24c: {  	[tilespmem:$0xC180] =	vst v1  }
0x24d: {  	v1 =	vld.idx.msk [tilespmem:v0+s11+$0x0], $0xffff;
	_ =	sdelay $0x4  }
0x24e: {  	[tilespmem:$0xC300] =	vst v1  }
0x24f: {  	v0 =	vld.idx.msk [tilespmem:v0+s12+$0x0], $0xffff;
	_ =	sdelay $0x4  }
0x250: {  	s28 =	rddreg [dreg:$0x12];
	[tilespmem:$0xC480] =	vst v0  }
0x251: {  	[hbm4b:s28+s4] =	stream.linear.scatter [tilespmem:s25], [sflag:$0xA], $0x800, $0x38;
	[tilespmem:$0x13C80] =	vst v63  }
0x252: {  	_ =	swait.ge [sflag:s3], $0x800  }
0x253: {  	[sflag:s3] =	ssyncset.done $0x0  }
0x254: {  	s19 =	simm.s32 $0xC180;
	s6 =	rddreg [dreg:$0x1d];
	[sflag:s3] =	ssyncadd.s32 $0xFFFFF800  }
0x255: {  	[hbm4b:s6+s4] =	stream.linear.scatter [tilespmem:s19], [sflag:$0xA], $0x10, $0x38;
	[tilespmem:$0x13C80] =	vst v63  }
0x256: {  	_ =	swait.ge [sflag:s3], $0x10  }
0x257: {  	[sflag:s3] =	ssyncset.done $0x0  }
0x258: {  	s8 =	simm.s32 $0xC300;
	s7 =	rddreg [dreg:$0x1e];
	[sflag:s3] =	ssyncadd.s32 $0xFFFFFFF0  }
0x259: {  	[hbm4b:s7+s4] =	stream.linear.scatter [tilespmem:s8], [sflag:$0xA], $0x10, $0x38;
	[tilespmem:$0x13C80] =	vst v63  }
0x25a: {  	_ =	swait.ge [sflag:s3], $0x10  }
0x25b: {  	[sflag:s3] =	ssyncset.done $0x0  }
0x25c: {  	s26 =	simm.s32 $0xC480;
	s25 =	rddreg [dreg:$0x1f];
	[sflag:s3] =	ssyncadd.s32 $0xFFFFFFF0  }
0x25d: {  	[hbm4b:s25+s4] =	stream.linear.scatter [tilespmem:s26], [sflag:$0xA], $0x10, $0x38;
	[tilespmem:$0x13C80] =	vst v63  }
0x25e: {  	_ =	swait.ge [sflag:s3], $0x10  }
0x25f: {  	s7 =	sld [smem:$0x7F3]  }
0x260: {  	s28 =	sld [smem:$0x7F7];
	_ =	sdelay $0x1  }
0x261: {  	s7 =	sadd.s32 $0x1, s7  }
0x262: {  	p0 =	sne.s32 s7, s28  }
.Ltmp1:
0x263: {  	_ = 	snop;
	(pc) =	sbr.rel @p0 .LBB2_1-.Ltmp1, $3  }
0x264: {  	_ =	sdelay $0x1  }
0x265: {  	s5 =	simm.s32 $0x4180;
	s19 =	simm.s32 $0xC380;
	[sflag:s3] =	ssyncset.done $0x0  }
0x266: {  	s6 =	simm.s32 $0x100;
	s25 =	simm.s32 $0xC200;
	[sflag:s3] =	ssyncadd.s32 $0xFFFFFFF0  }
0x267: {  	_ =	sfence.sel $0x180000  }
0x268: {  	[bflag:$0x0] =	sbarrier.arrive $0xFFFF  }
0x269: {  	_ =	strace $0x90000047  }
0x26a: {  	s0 =	stileid.u32;
	[bflag:$0x2] =	sbarrier.arrive $0xFFFF  }
0x26b: {  	p0 =	sne.s32 s0, $0x0;
	s0 =	rddreg [dreg:$0x3]  }
0x26c: {  	s0 =	sadd.s32 @!p0 $0x100000, s0  }
0x26d: {  	[sflag:s0] =	ssyncadd.tile.s32 @!p0 $0x1;
	_ =	shalt  }
.Lfunc_end2:
_tile_overlayer_lowered:
.L_overlay_start_2:
0x26e: {  	(tag) =	ssettag $0x2  }
0x26f: {  	s0 =	rddreg [dreg:$0x0];
	s2 =	stileid.u32  }
0x270: {  	s1 =	rddreg [dreg:$0x1];
	p0 =	sne.s32 s2, $0x0  }
0x271: {  	s3 =	rddreg [dreg:$0x2];
	[bflag:$0x3] =	sbarrier.arrive $0xFFFF;
	s2 =	simm.s32 @!p0 $0x1C0A  }
0x272: {  	[timem:s3], [sflag:s2] =	dma.local @!p0 [hbm:s0], s1  }
0x273: {  	s0 =	simm.s32 @!p0 $0xA  }
0x274: {  	_ =	swait.ge @!p0 [sflag:s0], s1  }
0x275: {  	s1 =	ssub.s32 @!p0 $0x0, s1;
	[sflag:s0] =	ssyncset.done @!p0 $0x0  }
0x276: {  	[sflag:s0] =	ssyncadd.s32 @!p0 s1  }
0x277: {  	[bflag:$0x3] =	sbarrier.arrive $0xFFFF  }
0x278: {  	_ =	shalt  }

</sc_bundles>
